<compile_context>
chip_gen: v7x
topology: tpu7x:2x2x1
jax: 0.10.2.dev20260603
libtpu: 0.0.44.dev20260713+nightly
codegen_flags: <defaults>
</compile_context>

<pallas_src>
import functools
import math

import jax
import jax.numpy as jnp
import numpy as np
from jax import lax
from jax.experimental import pallas as pl
from jax.experimental.pallas import tpu as pltpu
from jax.experimental.pallas import tpu_sc as plsc

VOCAB = 100000
D_MODEL = 1024
MAX_LEN = 2048
BATCH = 4
SEQ_LEN = 2048

NUM_CORES = 2
NUM_SUBCORES = 16
NUM_WORKERS = NUM_CORES * NUM_SUBCORES
POS_PER_WORKER = SEQ_LEN // NUM_WORKERS
CHUNK = 16
HALF = CHUNK // 2
GROUPS = POS_PER_WORKER // CHUNK
STEPS = GROUPS * BATCH
NBUF = 5
LOOKAHEAD = 3
LANES = 16
SLICES_PER_ROW = D_MODEL // LANES
SLICES_PER_HALF = HALF * SLICES_PER_ROW
SCALE = math.sqrt(D_MODEL)


def _make_pe(max_len, d_model):
    pe = np.zeros((max_len, d_model), dtype=np.float32)
    position = np.arange(0, max_len, dtype=np.float32)[:, None]
    div_term = np.exp(
        np.arange(0, d_model, 2, dtype=np.float32) * -(math.log(10000.0) / d_model)
    )
    pe[:, 0::2] = np.sin(position * div_term)
    pe[:, 1::2] = np.cos(position * div_term)
    return pe


_PE = _make_pe(MAX_LEN, D_MODEL)


def _emb_kernel(table, idx_hbm, pe_hbm, out, *refs):
    rows = refs[0:NBUF]
    pe_a, pe_b, idx_v = refs[NBUF : NBUF + 3]
    sems = refs[NBUF + 3 :]
    gsems = sems[0:NBUF]
    ssems = sems[NBUF : 2 * NBUF]
    psem_a, psem_b = sems[2 * NBUF : 2 * NBUF + 2]

    wid = lax.axis_index("s") * NUM_CORES + lax.axis_index("c")
    s0 = wid * POS_PER_WORKER

    pes = [(pe_a, psem_a), (pe_b, psem_b)]

    def issue_pe(pg):
        buf, sem = pes[pg % 2]
        return pltpu.async_copy(pe_hbm.at[pl.ds(s0 + pg * CHUNK, CHUNK)], buf, sem)

    def issue_gather(i):
        pg, b = i >> 2, i & 3
        ioff = b * POS_PER_WORKER + pg * CHUNK
        return pltpu.async_copy(
            table.at[idx_v.at[pl.ds(ioff, CHUNK)]], rows[i % NBUF], gsems[i % NBUF]
        )

    def compute_half(i, h):
        pe_buf = pes[(i >> 2) % 2][0]
        buf = rows[i % NBUF]
        rbase = h * HALF

        @plsc.parallel_loop(0, SLICES_PER_HALF, unroll=4)
        def _(s):
            r = rbase + lax.shift_right_logical(s, 6)
            col = pl.multiple_of(lax.bitwise_and(s, 63) * LANES, LANES)
            sl = pl.ds(col, LANES)
            buf[r, sl] = buf[r, sl] * SCALE + pe_buf[r, sl]

    def issue_store_half(i, h):
        pg, b = i >> 2, i & 3
        ooff = b * SEQ_LEN + s0 + pg * CHUNK + h * HALF
        return pltpu.async_copy(
            rows[i % NBUF].at[pl.ds(h * HALF, HALF)],
            out.at[pl.ds(ooff, HALF)],
            ssems[i % NBUF],
        )

    def wait_gather(i):
        pltpu.make_async_copy(
            out.at[pl.ds(0, CHUNK)], rows[i % NBUF], gsems[i % NBUF]
        ).wait()

    def wait_store(i):
        for _ in range(2):
            pltpu.make_async_copy(
                rows[i % NBUF].at[pl.ds(0, HALF)],
                out.at[pl.ds(0, HALF)],
                ssems[i % NBUF],
            ).wait()

    issue_pe(0)
    for b in range(BATCH):
        pltpu.sync_copy(
            idx_hbm.at[pl.ds(b * SEQ_LEN + s0, POS_PER_WORKER)],
            idx_v.at[pl.ds(b * POS_PER_WORKER, POS_PER_WORKER)],
        )
    for i in range(LOOKAHEAD):
        issue_gather(i)

    for i in range(STEPS):
        pg, b = i >> 2, i & 3
        if b == 0 and pg + 1 < GROUPS:
            issue_pe(pg + 1)
        if i + LOOKAHEAD < STEPS:
            if i + LOOKAHEAD >= NBUF:
                wait_store(i + LOOKAHEAD - NBUF)
            issue_gather(i + LOOKAHEAD)
        wait_gather(i)
        if b == 0:
            buf, sem = pes[pg % 2]
            pltpu.make_async_copy(pe_hbm.at[pl.ds(0, CHUNK)], buf, sem).wait()
        compute_half(i, 0)
        issue_store_half(i, 0)
        compute_half(i, 1)
        issue_store_half(i, 1)

    for i in range(STEPS - NBUF, STEPS):
        wait_store(i)


@jax.jit
def _run(x_flat, emb_table, pe):
    mesh = plsc.VectorSubcoreMesh(core_axis_name="c", subcore_axis_name="s")
    k = functools.partial(
        pl.kernel,
        mesh=mesh,
        out_type=jax.ShapeDtypeStruct((BATCH * SEQ_LEN, D_MODEL), jnp.float32),
        scratch_types=(
            [pltpu.VMEM((CHUNK, D_MODEL), jnp.float32) for _ in range(NBUF)]
            + [
                pltpu.VMEM((CHUNK, D_MODEL), jnp.float32),
                pltpu.VMEM((CHUNK, D_MODEL), jnp.float32),
                pltpu.VMEM((BATCH * POS_PER_WORKER,), jnp.int32),
            ]
            + [pltpu.SemaphoreType.DMA for _ in range(2 * NBUF + 2)]
        ),
    )(_emb_kernel)
    return k(emb_table, x_flat, pe)


def kernel(x, emb_table):
    x_flat = x.reshape(BATCH * SEQ_LEN).astype(jnp.int32)
    out = _run(x_flat, emb_table, jnp.asarray(_PE))
    return out.reshape(BATCH, SEQ_LEN, D_MODEL)

# --- scband reference (transcript-rebuilt; emitter-appended) ---
"""Pipeline reference for scband-transformer-embedding-85770496901451 (READ-ONLY COPY).

The authoritative reference and input builder live on the scoring server;
editing this copy changes nothing except your own understanding.
"""

import jax, jax.numpy as jnp
import numpy as np
import math

VOCAB = 100000
D_MODEL = 1024
MAX_LEN = 2048
BATCH = 4
SEQ_LEN = 2048

def _make_pe(max_len, d_model):
    pe = np.zeros((max_len, d_model), dtype=np.float32)
    position = np.arange(0, max_len, dtype=np.float32)[:, None]
    div_term = np.exp(np.arange(0, d_model, 2, dtype=np.float32) * -(math.log(10000.0) / d_model))
    pe[:, 0::2] = np.sin(position * div_term)
    pe[:, 1::2] = np.cos(position * div_term)
    return jnp.asarray(pe)[None, :, :]  # [1, max_len, d_model]

def setup_inputs(seed: int = 0) -> dict:
    key = jax.random.key(seed)
    x = jax.random.randint(key, (BATCH, SEQ_LEN), 0, VOCAB, dtype=jnp.int64)
    # learned embedding table, init normal(0, d_model**-0.5) as in the torch module
    emb_table = jax.random.normal(jax.random.fold_in(key, 1), (VOCAB, D_MODEL), dtype=jnp.float32) * (D_MODEL ** -0.5)
    return {"x": x, "emb_table": emb_table}

def reference(x, emb_table):
    # TokenEmbedding: gather + scale by sqrt(d_model)
    scale = math.sqrt(D_MODEL)
    token_emb = jnp.take(emb_table, x, axis=0) * scale  # [B, S, D]
    # PositionalEncoding: add fixed sinusoidal buffer (dropout = identity in eval)
    pe = _make_pe(MAX_LEN, D_MODEL)
    out = token_emb + pe[:, :token_emb.shape[1]]
    return out

if __name__ == "__main__":
    import jax
    _d = setup_inputs()
    print(jax.jit(kernel)(*tuple(_d.values())))

</pallas_src>

<mosaic_0001>
#map = affine_map<(d0, d1) -> (0, 0)>
#map1 = affine_map<(d0, d1) -> (0)>
module attributes {stable_mosaic.version = 14 : i64} {
  func.func @_emb_kernel(%arg0: i32, %arg1: i32, %arg2: memref<100000x1024xf32, #tpu.memory_space<hbm>>, %arg3: memref<8192xi32, #tpu.memory_space<hbm>>, %arg4: memref<2048x1024xf32, #tpu.memory_space<hbm>>, %arg5: memref<8192x1024xf32, #tpu.memory_space<hbm>>, %arg6: memref<16x1024xf32, #tpu.memory_space<vmem>>, %arg7: memref<16x1024xf32, #tpu.memory_space<vmem>>, %arg8: memref<16x1024xf32, #tpu.memory_space<vmem>>, %arg9: memref<16x1024xf32, #tpu.memory_space<vmem>>, %arg10: memref<16x1024xf32, #tpu.memory_space<vmem>>, %arg11: memref<16x1024xf32, #tpu.memory_space<vmem>>, %arg12: memref<16x1024xf32, #tpu.memory_space<vmem>>, %arg13: memref<256xi32, #tpu.memory_space<vmem>>, %arg14: memref<!tpu.dma_semaphore, #tpu.memory_space<semaphore_mem>>, %arg15: memref<!tpu.dma_semaphore, #tpu.memory_space<semaphore_mem>>, %arg16: memref<!tpu.dma_semaphore, #tpu.memory_space<semaphore_mem>>, %arg17: memref<!tpu.dma_semaphore, #tpu.memory_space<semaphore_mem>>, %arg18: memref<!tpu.dma_semaphore, #tpu.memory_space<semaphore_mem>>, %arg19: memref<!tpu.dma_semaphore, #tpu.memory_space<semaphore_mem>>, %arg20: memref<!tpu.dma_semaphore, #tpu.memory_space<semaphore_mem>>, %arg21: memref<!tpu.dma_semaphore, #tpu.memory_space<semaphore_mem>>, %arg22: memref<!tpu.dma_semaphore, #tpu.memory_space<semaphore_mem>>, %arg23: memref<!tpu.dma_semaphore, #tpu.memory_space<semaphore_mem>>, %arg24: memref<!tpu.dma_semaphore, #tpu.memory_space<semaphore_mem>>, %arg25: memref<!tpu.dma_semaphore, #tpu.memory_space<semaphore_mem>>) attributes {dimension_semantics = [#tpu.dimension_semantics<core_parallel>, #tpu.dimension_semantics<subcore_parallel>], iteration_bounds = array<i64: 2, 16>, scalar_prefetch = 0 : i64, scratch_operands = 20 : i64, tpu.core_type = #tpu.core_type<sc_vector_subcore>, window_params = [{transform_indices = #map}, {transform_indices = #map1}, {transform_indices = #map}, {transform_indices = #map}]} {
    %mul3A = arith.constant 2 : i32
    %mul3A_0 = arith.muli %arg1, %mul3A : i32
    %add3A = arith.addi %mul3A_0, %arg0 : i32
    %mul3A_1 = arith.constant 64 : i32
    %mul3A_2 = arith.muli %add3A, %mul3A_1 : i32
    %add3A_3 = arith.constant 0 : i32
    %add3A_4 = arith.addi %mul3A_2, %add3A_3 : i32
    %dma_start3A = arith.constant 0 : i32
    %dma_start3A_5 = tpu.memref_slice %arg4[%add3A_4, %dma_start3A] : memref<2048x1024xf32, #tpu.memory_space<hbm>> -> memref<16x1024xf32, #tpu.memory_space<hbm>>
    %dma_start3A_6 = arith.constant 0 : i32
    %dma_start3A_7 = tpu.memref_slice %arg4[%add3A_4, %dma_start3A_6] : memref<2048x1024xf32, #tpu.memory_space<hbm>> -> memref<16x1024xf32, #tpu.memory_space<hbm>>
    tpu.enqueue_dma source(%dma_start3A_7 : memref<16x1024xf32, #tpu.memory_space<hbm>>) target(%arg11 : memref<16x1024xf32, #tpu.memory_space<vmem>>) target_semaphore(%arg24 : memref<!tpu.dma_semaphore, #tpu.memory_space<semaphore_mem>>)
    %add3A_8 = arith.constant 0 : i32
    %add3A_9 = arith.addi %add3A_8, %mul3A_2 : i32
    "tpu.region"() ({
      %run_scoped3A = tpu.sem_alloc : memref<!tpu.dma_semaphore, #tpu.memory_space<semaphore_mem>>
      %dma_start3A_1224 = arith.constant 0 : i32
      %dma_start3A_1225 = tpu.memref_slice %arg13[%dma_start3A_1224] : memref<256xi32, #tpu.memory_space<vmem>> -> memref<64xi32, #tpu.memory_space<vmem>>
      %dma_start3A_1226 = tpu.memref_slice %arg3[%add3A_9] : memref<8192xi32, #tpu.memory_space<hbm>> -> memref<64xi32, #tpu.memory_space<hbm>>
      %dma_start3A_1227 = arith.constant 0 : i32
      %dma_start3A_1228 = tpu.memref_slice %arg13[%dma_start3A_1227] : memref<256xi32, #tpu.memory_space<vmem>> -> memref<64xi32, #tpu.memory_space<vmem>>
      %dma_start3A_1229 = tpu.memref_slice %arg3[%add3A_9] : memref<8192xi32, #tpu.memory_space<hbm>> -> memref<64xi32, #tpu.memory_space<hbm>>
      tpu.enqueue_dma source(%dma_start3A_1229 : memref<64xi32, #tpu.memory_space<hbm>>) target(%dma_start3A_1228 : memref<64xi32, #tpu.memory_space<vmem>>) target_semaphore(%run_scoped3A : memref<!tpu.dma_semaphore, #tpu.memory_space<semaphore_mem>>)
      %dma_wait3A_1230 = arith.constant 0 : i32
      %dma_wait3A_1231 = tpu.memref_slice %arg13[%dma_wait3A_1230] : memref<256xi32, #tpu.memory_space<vmem>> -> memref<64xi32, #tpu.memory_space<vmem>>
      %dma_wait3A_1232 = tpu.memref_slice %arg3[%add3A_9] : memref<8192xi32, #tpu.memory_space<hbm>> -> memref<64xi32, #tpu.memory_space<hbm>>
      %dma_wait3A_1233 = arith.constant 0 : i32
      %dma_wait3A_1234 = tpu.memref_slice %arg13[%dma_wait3A_1233] : memref<256xi32, #tpu.memory_space<vmem>> -> memref<64xi32, #tpu.memory_space<vmem>>
      %dma_wait3A_1235 = tpu.memref_slice %arg3[%add3A_9] : memref<8192xi32, #tpu.memory_space<hbm>> -> memref<64xi32, #tpu.memory_space<hbm>>
      tpu.wait_dma2 semaphore(%run_scoped3A : memref<!tpu.dma_semaphore, #tpu.memory_space<semaphore_mem>>) src(%dma_wait3A_1235 : memref<64xi32, #tpu.memory_space<hbm>>) dst(%dma_wait3A_1234 : memref<64xi32, #tpu.memory_space<vmem>>)
      tpu.yield
    }) : () -> ()
    %add3A_10 = arith.constant 2048 : i32
    %add3A_11 = arith.addi %add3A_10, %mul3A_2 : i32
    "tpu.region"() ({
      %run_scoped3A = tpu.sem_alloc : memref<!tpu.dma_semaphore, #tpu.memory_space<semaphore_mem>>
      %dma_start3A_1224 = arith.constant 64 : i32
      %dma_start3A_1225 = tpu.memref_slice %arg13[%dma_start3A_1224] : memref<256xi32, #tpu.memory_space<vmem>> -> memref<64xi32, #tpu.memory_space<vmem>>
      %dma_start3A_1226 = tpu.memref_slice %arg3[%add3A_11] : memref<8192xi32, #tpu.memory_space<hbm>> -> memref<64xi32, #tpu.memory_space<hbm>>
      %dma_start3A_1227 = arith.constant 64 : i32
      %dma_start3A_1228 = tpu.memref_slice %arg13[%dma_start3A_1227] : memref<256xi32, #tpu.memory_space<vmem>> -> memref<64xi32, #tpu.memory_space<vmem>>
      %dma_start3A_1229 = tpu.memref_slice %arg3[%add3A_11] : memref<8192xi32, #tpu.memory_space<hbm>> -> memref<64xi32, #tpu.memory_space<hbm>>
      tpu.enqueue_dma source(%dma_start3A_1229 : memref<64xi32, #tpu.memory_space<hbm>>) target(%dma_start3A_1228 : memref<64xi32, #tpu.memory_space<vmem>>) target_semaphore(%run_scoped3A : memref<!tpu.dma_semaphore, #tpu.memory_space<semaphore_mem>>)
      %dma_wait3A_1230 = arith.constant 64 : i32
      %dma_wait3A_1231 = tpu.memref_slice %arg13[%dma_wait3A_1230] : memref<256xi32, #tpu.memory_space<vmem>> -> memref<64xi32, #tpu.memory_space<vmem>>
      %dma_wait3A_1232 = tpu.memref_slice %arg3[%add3A_11] : memref<8192xi32, #tpu.memory_space<hbm>> -> memref<64xi32, #tpu.memory_space<hbm>>
      %dma_wait3A_1233 = arith.constant 64 : i32
      %dma_wait3A_1234 = tpu.memref_slice %arg13[%dma_wait3A_1233] : memref<256xi32, #tpu.memory_space<vmem>> -> memref<64xi32, #tpu.memory_space<vmem>>
      %dma_wait3A_1235 = tpu.memref_slice %arg3[%add3A_11] : memref<8192xi32, #tpu.memory_space<hbm>> -> memref<64xi32, #tpu.memory_space<hbm>>
      tpu.wait_dma2 semaphore(%run_scoped3A : memref<!tpu.dma_semaphore, #tpu.memory_space<semaphore_mem>>) src(%dma_wait3A_1235 : memref<64xi32, #tpu.memory_space<hbm>>) dst(%dma_wait3A_1234 : memref<64xi32, #tpu.memory_space<vmem>>)
      tpu.yield
    }) : () -> ()
    %add3A_12 = arith.constant 4096 : i32
    %add3A_13 = arith.addi %add3A_12, %mul3A_2 : i32
    "tpu.region"() ({
      %run_scoped3A = tpu.sem_alloc : memref<!tpu.dma_semaphore, #tpu.memory_space<semaphore_mem>>
      %dma_start3A_1224 = arith.constant 128 : i32
      %dma_start3A_1225 = tpu.memref_slice %arg13[%dma_start3A_1224] : memref<256xi32, #tpu.memory_space<vmem>> -> memref<64xi32, #tpu.memory_space<vmem>>
      %dma_start3A_1226 = tpu.memref_slice %arg3[%add3A_13] : memref<8192xi32, #tpu.memory_space<hbm>> -> memref<64xi32, #tpu.memory_space<hbm>>
      %dma_start3A_1227 = arith.constant 128 : i32
      %dma_start3A_1228 = tpu.memref_slice %arg13[%dma_start3A_1227] : memref<256xi32, #tpu.memory_space<vmem>> -> memref<64xi32, #tpu.memory_space<vmem>>
      %dma_start3A_1229 = tpu.memref_slice %arg3[%add3A_13] : memref<8192xi32, #tpu.memory_space<hbm>> -> memref<64xi32, #tpu.memory_space<hbm>>
      tpu.enqueue_dma source(%dma_start3A_1229 : memref<64xi32, #tpu.memory_space<hbm>>) target(%dma_start3A_1228 : memref<64xi32, #tpu.memory_space<vmem>>) target_semaphore(%run_scoped3A : memref<!tpu.dma_semaphore, #tpu.memory_space<semaphore_mem>>)
      %dma_wait3A_1230 = arith.constant 128 : i32
      %dma_wait3A_1231 = tpu.memref_slice %arg13[%dma_wait3A_1230] : memref<256xi32, #tpu.memory_space<vmem>> -> memref<64xi32, #tpu.memory_space<vmem>>
      %dma_wait3A_1232 = tpu.memref_slice %arg3[%add3A_13] : memref<8192xi32, #tpu.memory_space<hbm>> -> memref<64xi32, #tpu.memory_space<hbm>>
      %dma_wait3A_1233 = arith.constant 128 : i32
      %dma_wait3A_1234 = tpu.memref_slice %arg13[%dma_wait3A_1233] : memref<256xi32, #tpu.memory_space<vmem>> -> memref<64xi32, #tpu.memory_space<vmem>>
      %dma_wait3A_1235 = tpu.memref_slice %arg3[%add3A_13] : memref<8192xi32, #tpu.memory_space<hbm>> -> memref<64xi32, #tpu.memory_space<hbm>>
      tpu.wait_dma2 semaphore(%run_scoped3A : memref<!tpu.dma_semaphore, #tpu.memory_space<semaphore_mem>>) src(%dma_wait3A_1235 : memref<64xi32, #tpu.memory_space<hbm>>) dst(%dma_wait3A_1234 : memref<64xi32, #tpu.memory_space<vmem>>)
      tpu.yield
    }) : () -> ()
    %add3A_14 = arith.constant 6144 : i32
    %add3A_15 = arith.addi %add3A_14, %mul3A_2 : i32
    "tpu.region"() ({
      %run_scoped3A = tpu.sem_alloc : memref<!tpu.dma_semaphore, #tpu.memory_space<semaphore_mem>>
      %dma_start3A_1224 = arith.constant 192 : i32
      %dma_start3A_1225 = tpu.memref_slice %arg13[%dma_start3A_1224] : memref<256xi32, #tpu.memory_space<vmem>> -> memref<64xi32, #tpu.memory_space<vmem>>
      %dma_start3A_1226 = tpu.memref_slice %arg3[%add3A_15] : memref<8192xi32, #tpu.memory_space<hbm>> -> memref<64xi32, #tpu.memory_space<hbm>>
      %dma_start3A_1227 = arith.constant 192 : i32
      %dma_start3A_1228 = tpu.memref_slice %arg13[%dma_start3A_1227] : memref<256xi32, #tpu.memory_space<vmem>> -> memref<64xi32, #tpu.memory_space<vmem>>
      %dma_start3A_1229 = tpu.memref_slice %arg3[%add3A_15] : memref<8192xi32, #tpu.memory_space<hbm>> -> memref<64xi32, #tpu.memory_space<hbm>>
      tpu.enqueue_dma source(%dma_start3A_1229 : memref<64xi32, #tpu.memory_space<hbm>>) target(%dma_start3A_1228 : memref<64xi32, #tpu.memory_space<vmem>>) target_semaphore(%run_scoped3A : memref<!tpu.dma_semaphore, #tpu.memory_space<semaphore_mem>>)
      %dma_wait3A_1230 = arith.constant 192 : i32
      %dma_wait3A_1231 = tpu.memref_slice %arg13[%dma_wait3A_1230] : memref<256xi32, #tpu.memory_space<vmem>> -> memref<64xi32, #tpu.memory_space<vmem>>
      %dma_wait3A_1232 = tpu.memref_slice %arg3[%add3A_15] : memref<8192xi32, #tpu.memory_space<hbm>> -> memref<64xi32, #tpu.memory_space<hbm>>
      %dma_wait3A_1233 = arith.constant 192 : i32
      %dma_wait3A_1234 = tpu.memref_slice %arg13[%dma_wait3A_1233] : memref<256xi32, #tpu.memory_space<vmem>> -> memref<64xi32, #tpu.memory_space<vmem>>
      %dma_wait3A_1235 = tpu.memref_slice %arg3[%add3A_15] : memref<8192xi32, #tpu.memory_space<hbm>> -> memref<64xi32, #tpu.memory_space<hbm>>
      tpu.wait_dma2 semaphore(%run_scoped3A : memref<!tpu.dma_semaphore, #tpu.memory_space<semaphore_mem>>) src(%dma_wait3A_1235 : memref<64xi32, #tpu.memory_space<hbm>>) dst(%dma_wait3A_1234 : memref<64xi32, #tpu.memory_space<vmem>>)
      tpu.yield
    }) : () -> ()
    %dma_start3A_16 = arith.constant 0 : i32
    %dma_start3A_17 = tpu.memref_slice %arg13[%dma_start3A_16] : memref<256xi32, #tpu.memory_space<vmem>> -> memref<16xi32, #tpu.memory_space<vmem>>
    %dma_start3A_18 = arith.constant 0 : i32
    %dma_start3A_19 = arith.constant 0 : i32
    %dma_start3A_20 = tpu.memref_slice %arg2[%dma_start3A_18, %dma_start3A_19] : memref<100000x1024xf32, #tpu.memory_space<hbm>> -> memref<100000x1024xf32, #tpu.memory_space<hbm>>
    tpu.enqueue_indirect_dma source(%dma_start3A_20 : memref<100000x1024xf32, #tpu.memory_space<hbm>>) target(%arg6 : memref<16x1024xf32, #tpu.memory_space<vmem>>) offsets(%dma_start3A_17 : memref<16xi32, #tpu.memory_space<vmem>>) semaphore(%arg14 : memref<!tpu.dma_semaphore, #tpu.memory_space<semaphore_mem>>)
    %dma_start3A_21 = arith.constant 64 : i32
    %dma_start3A_22 = tpu.memref_slice %arg13[%dma_start3A_21] : memref<256xi32, #tpu.memory_space<vmem>> -> memref<16xi32, #tpu.memory_space<vmem>>
    %dma_start3A_23 = arith.constant 0 : i32
    %dma_start3A_24 = arith.constant 0 : i32
    %dma_start3A_25 = tpu.memref_slice %arg2[%dma_start3A_23, %dma_start3A_24] : memref<100000x1024xf32, #tpu.memory_space<hbm>> -> memref<100000x1024xf32, #tpu.memory_space<hbm>>
    tpu.enqueue_indirect_dma source(%dma_start3A_25 : memref<100000x1024xf32, #tpu.memory_space<hbm>>) target(%arg7 : memref<16x1024xf32, #tpu.memory_space<vmem>>) offsets(%dma_start3A_22 : memref<16xi32, #tpu.memory_space<vmem>>) semaphore(%arg15 : memref<!tpu.dma_semaphore, #tpu.memory_space<semaphore_mem>>)
    %dma_start3A_26 = arith.constant 128 : i32
    %dma_start3A_27 = tpu.memref_slice %arg13[%dma_start3A_26] : memref<256xi32, #tpu.memory_space<vmem>> -> memref<16xi32, #tpu.memory_space<vmem>>
    %dma_start3A_28 = arith.constant 0 : i32
    %dma_start3A_29 = arith.constant 0 : i32
    %dma_start3A_30 = tpu.memref_slice %arg2[%dma_start3A_28, %dma_start3A_29] : memref<100000x1024xf32, #tpu.memory_space<hbm>> -> memref<100000x1024xf32, #tpu.memory_space<hbm>>
    tpu.enqueue_indirect_dma source(%dma_start3A_30 : memref<100000x1024xf32, #tpu.memory_space<hbm>>) target(%arg8 : memref<16x1024xf32, #tpu.memory_space<vmem>>) offsets(%dma_start3A_27 : memref<16xi32, #tpu.memory_space<vmem>>) semaphore(%arg16 : memref<!tpu.dma_semaphore, #tpu.memory_space<semaphore_mem>>)
    %add3A_31 = arith.constant 16 : i32
    %add3A_32 = arith.addi %mul3A_2, %add3A_31 : i32
    %dma_start3A_33 = arith.constant 0 : i32
    %dma_start3A_34 = tpu.memref_slice %arg4[%add3A_32, %dma_start3A_33] : memref<2048x1024xf32, #tpu.memory_space<hbm>> -> memref<16x1024xf32, #tpu.memory_space<hbm>>
    %dma_start3A_35 = arith.constant 0 : i32
    %dma_start3A_36 = tpu.memref_slice %arg4[%add3A_32, %dma_start3A_35] : memref<2048x1024xf32, #tpu.memory_space<hbm>> -> memref<16x1024xf32, #tpu.memory_space<hbm>>
    tpu.enqueue_dma source(%dma_start3A_36 : memref<16x1024xf32, #tpu.memory_space<hbm>>) target(%arg12 : memref<16x1024xf32, #tpu.memory_space<vmem>>) target_semaphore(%arg25 : memref<!tpu.dma_semaphore, #tpu.memory_space<semaphore_mem>>)
    %dma_start3A_37 = arith.constant 192 : i32
    %dma_start3A_38 = tpu.memref_slice %arg13[%dma_start3A_37] : memref<256xi32, #tpu.memory_space<vmem>> -> memref<16xi32, #tpu.memory_space<vmem>>
    %dma_start3A_39 = arith.constant 0 : i32
    %dma_start3A_40 = arith.constant 0 : i32
    %dma_start3A_41 = tpu.memref_slice %arg2[%dma_start3A_39, %dma_start3A_40] : memref<100000x1024xf32, #tpu.memory_space<hbm>> -> memref<100000x1024xf32, #tpu.memory_space<hbm>>
    tpu.enqueue_indirect_dma source(%dma_start3A_41 : memref<100000x1024xf32, #tpu.memory_space<hbm>>) target(%arg9 : memref<16x1024xf32, #tpu.memory_space<vmem>>) offsets(%dma_start3A_38 : memref<16xi32, #tpu.memory_space<vmem>>) semaphore(%arg17 : memref<!tpu.dma_semaphore, #tpu.memory_space<semaphore_mem>>)
    %dma_wait3A = arith.constant 0 : i32
    %dma_wait3A_42 = arith.constant 0 : i32
    %dma_wait3A_43 = tpu.memref_slice %arg5[%dma_wait3A, %dma_wait3A_42] : memref<8192x1024xf32, #tpu.memory_space<hbm>> -> memref<16x1024xf32, #tpu.memory_space<hbm>>
    %dma_wait3A_44 = arith.constant 0 : i32
    %dma_wait3A_45 = arith.constant 0 : i32
    %dma_wait3A_46 = tpu.memref_slice %arg5[%dma_wait3A_44, %dma_wait3A_45] : memref<8192x1024xf32, #tpu.memory_space<hbm>> -> memref<16x1024xf32, #tpu.memory_space<hbm>>
    tpu.wait_dma2 semaphore(%arg14 : memref<!tpu.dma_semaphore, #tpu.memory_space<semaphore_mem>>) src(%dma_wait3A_46 : memref<16x1024xf32, #tpu.memory_space<hbm>>) dst(%arg6 : memref<16x1024xf32, #tpu.memory_space<vmem>>)
    %dma_wait3A_47 = arith.constant 0 : i32
    %dma_wait3A_48 = arith.constant 0 : i32
    %dma_wait3A_49 = tpu.memref_slice %arg4[%dma_wait3A_47, %dma_wait3A_48] : memref<2048x1024xf32, #tpu.memory_space<hbm>> -> memref<16x1024xf32, #tpu.memory_space<hbm>>
    %dma_wait3A_50 = arith.constant 0 : i32
    %dma_wait3A_51 = arith.constant 0 : i32
    %dma_wait3A_52 = tpu.memref_slice %arg4[%dma_wait3A_50, %dma_wait3A_51] : memref<2048x1024xf32, #tpu.memory_space<hbm>> -> memref<16x1024xf32, #tpu.memory_space<hbm>>
    tpu.wait_dma2 semaphore(%arg24 : memref<!tpu.dma_semaphore, #tpu.memory_space<semaphore_mem>>) src(%dma_wait3A_52 : memref<16x1024xf32, #tpu.memory_space<hbm>>) dst(%arg11 : memref<16x1024xf32, #tpu.memory_space<vmem>>)
    %parallel_loop3A = arith.constant 0 : i32
    %parallel_loop3A_53 = arith.constant 512 : i32
    %parallel_loop3A_54 = arith.constant 1 : i32
    scf.for %parallel_loop3A_1224 = %parallel_loop3A to %parallel_loop3A_53 step %parallel_loop3A_54  : i32 {
      %parallel_loop3A_1225 = arith.constant 6 : i32
      %parallel_loop3A_1226 = arith.shrui %parallel_loop3A_1224, %parallel_loop3A_1225 : i32
      %parallel_loop3A_1227 = arith.constant 0 : i32
      %parallel_loop3A_1228 = arith.addi %parallel_loop3A_1227, %parallel_loop3A_1226 : i32
      %parallel_loop3A_1229 = arith.constant 63 : i32
      %parallel_loop3A_1230 = arith.andi %parallel_loop3A_1224, %parallel_loop3A_1229 : i32
      %parallel_loop3A_1231 = arith.constant 16 : i32
      %parallel_loop3A_1232 = arith.muli %parallel_loop3A_1230, %parallel_loop3A_1231 : i32
      %parallel_loop3A_1233 = tpu.assume_multiple %parallel_loop3A_1232, 16 : i32
      %parallel_loop3A_1234 = arith.index_cast %parallel_loop3A_1228 : i32 to index
      %parallel_loop3A_1235 = arith.index_cast %parallel_loop3A_1233 : i32 to index
      %parallel_loop3A_1236 = tpu.vector_load %arg6[%parallel_loop3A_1234, %parallel_loop3A_1235] {strides = array<i32>} : memref<16x1024xf32, #tpu.memory_space<vmem>>, vector<1x16xf32>,
      %parallel_loop3A_1237 = vector.shape_cast %parallel_loop3A_1236 : vector<1x16xf32> to vector<16xf32>
      %parallel_loop3A_1238 = arith.constant 3.200000e+01 : f32
      %parallel_loop3A_1239 = vector.broadcast %parallel_loop3A_1238 : f32 to vector<16xf32>
      %parallel_loop3A_1240 = arith.mulf %parallel_loop3A_1237, %parallel_loop3A_1239 : vector<16xf32>
      %parallel_loop3A_1241 = arith.index_cast %parallel_loop3A_1228 : i32 to index
      %parallel_loop3A_1242 = arith.index_cast %parallel_loop3A_1233 : i32 to index
      %parallel_loop3A_1243 = tpu.vector_load %arg11[%parallel_loop3A_1241, %parallel_loop3A_1242] {strides = array<i32>} : memref<16x1024xf32, #tpu.memory_space<vmem>>, vector<1x16xf32>,
      %parallel_loop3A_1244 = vector.shape_cast %parallel_loop3A_1243 : vector<1x16xf32> to vector<16xf32>
      %parallel_loop3A_1245 = arith.addf %parallel_loop3A_1240, %parallel_loop3A_1244 : vector<16xf32>
      %parallel_loop3A_1246 = arith.index_cast %parallel_loop3A_1228 : i32 to index
      %parallel_loop3A_1247 = arith.index_cast %parallel_loop3A_1233 : i32 to index
      %parallel_loop3A_1248 = tpu.vector_load %arg6[%parallel_loop3A_1246, %parallel_loop3A_1247] {strides = array<i32>} : memref<16x1024xf32, #tpu.memory_space<vmem>>, vector<1x16xf32>,
      %parallel_loop3A_1249 = vector.shape_cast %parallel_loop3A_1248 : vector<1x16xf32> to vector<16xf32>
      %parallel_loop3A_1250 = vector.shape_cast %parallel_loop3A_1245 : vector<16xf32> to vector<1x16xf32>
      tpu.vector_store %arg6[%parallel_loop3A_1246, %parallel_loop3A_1247], %parallel_loop3A_1250 {strides = array<i32>} : memref<16x1024xf32, #tpu.memory_space<vmem>>, vector<1x16xf32>,
    } {sc.loop_unroll_factor = 4 : i64, sc.parallel_access}
    %add3A_55 = arith.constant 0 : i32
    %add3A_56 = arith.addi %add3A_55, %mul3A_2 : i32
    %add3A_57 = arith.constant 0 : i32
    %add3A_58 = arith.addi %add3A_56, %add3A_57 : i32
    %add3A_59 = arith.constant 0 : i32
    %add3A_60 = arith.addi %add3A_58, %add3A_59 : i32
    %dma_start3A_61 = arith.constant 0 : i32
    %dma_start3A_62 = arith.constant 0 : i32
    %dma_start3A_63 = tpu.memref_slice %arg6[%dma_start3A_61, %dma_start3A_62] : memref<16x1024xf32, #tpu.memory_space<vmem>> -> memref<8x1024xf32, #tpu.memory_space<vmem>>
    %dma_start3A_64 = arith.constant 0 : i32
    %dma_start3A_65 = tpu.memref_slice %arg5[%add3A_60, %dma_start3A_64] : memref<8192x1024xf32, #tpu.memory_space<hbm>> -> memref<8x1024xf32, #tpu.memory_space<hbm>>
    %dma_start3A_66 = arith.constant 0 : i32
    %dma_start3A_67 = tpu.memref_slice %arg5[%add3A_60, %dma_start3A_66] : memref<8192x1024xf32, #tpu.memory_space<hbm>> -> memref<8x1024xf32, #tpu.memory_space<hbm>>
    %dma_start3A_68 = arith.constant 0 : i32
    %dma_start3A_69 = arith.constant 0 : i32
    %dma_start3A_70 = tpu.memref_slice %arg6[%dma_start3A_68, %dma_start3A_69] : memref<16x1024xf32, #tpu.memory_space<vmem>> -> memref<8x1024xf32, #tpu.memory_space<vmem>>
    tpu.enqueue_dma source(%dma_start3A_70 : memref<8x1024xf32, #tpu.memory_space<vmem>>) target(%dma_start3A_67 : memref<8x1024xf32, #tpu.memory_space<hbm>>) target_semaphore(%arg19 : memref<!tpu.dma_semaphore, #tpu.memory_space<semaphore_mem>>)
    %parallel_loop3A_71 = arith.constant 0 : i32
    %parallel_loop3A_72 = arith.constant 512 : i32
    %parallel_loop3A_73 = arith.constant 1 : i32
    scf.for %parallel_loop3A_1224 = %parallel_loop3A_71 to %parallel_loop3A_72 step %parallel_loop3A_73  : i32 {
      %parallel_loop3A_1225 = arith.constant 6 : i32
      %parallel_loop3A_1226 = arith.shrui %parallel_loop3A_1224, %parallel_loop3A_1225 : i32
      %parallel_loop3A_1227 = arith.constant 8 : i32
      %parallel_loop3A_1228 = arith.addi %parallel_loop3A_1227, %parallel_loop3A_1226 : i32
      %parallel_loop3A_1229 = arith.constant 63 : i32
      %parallel_loop3A_1230 = arith.andi %parallel_loop3A_1224, %parallel_loop3A_1229 : i32
      %parallel_loop3A_1231 = arith.constant 16 : i32
      %parallel_loop3A_1232 = arith.muli %parallel_loop3A_1230, %parallel_loop3A_1231 : i32
      %parallel_loop3A_1233 = tpu.assume_multiple %parallel_loop3A_1232, 16 : i32
      %parallel_loop3A_1234 = arith.index_cast %parallel_loop3A_1228 : i32 to index
      %parallel_loop3A_1235 = arith.index_cast %parallel_loop3A_1233 : i32 to index
      %parallel_loop3A_1236 = tpu.vector_load %arg6[%parallel_loop3A_1234, %parallel_loop3A_1235] {strides = array<i32>} : memref<16x1024xf32, #tpu.memory_space<vmem>>, vector<1x16xf32>,
      %parallel_loop3A_1237 = vector.shape_cast %parallel_loop3A_1236 : vector<1x16xf32> to vector<16xf32>
      %parallel_loop3A_1238 = arith.constant 3.200000e+01 : f32
      %parallel_loop3A_1239 = vector.broadcast %parallel_loop3A_1238 : f32 to vector<16xf32>
      %parallel_loop3A_1240 = arith.mulf %parallel_loop3A_1237, %parallel_loop3A_1239 : vector<16xf32>
      %parallel_loop3A_1241 = arith.index_cast %parallel_loop3A_1228 : i32 to index
      %parallel_loop3A_1242 = arith.index_cast %parallel_loop3A_1233 : i32 to index
      %parallel_loop3A_1243 = tpu.vector_load %arg11[%parallel_loop3A_1241, %parallel_loop3A_1242] {strides = array<i32>} : memref<16x1024xf32, #tpu.memory_space<vmem>>, vector<1x16xf32>,
      %parallel_loop3A_1244 = vector.shape_cast %parallel_loop3A_1243 : vector<1x16xf32> to vector<16xf32>
      %parallel_loop3A_1245 = arith.addf %parallel_loop3A_1240, %parallel_loop3A_1244 : vector<16xf32>
      %parallel_loop3A_1246 = arith.index_cast %parallel_loop3A_1228 : i32 to index
      %parallel_loop3A_1247 = arith.index_cast %parallel_loop3A_1233 : i32 to index
      %parallel_loop3A_1248 = tpu.vector_load %arg6[%parallel_loop3A_1246, %parallel_loop3A_1247] {strides = array<i32>} : memref<16x1024xf32, #tpu.memory_space<vmem>>, vector<1x16xf32>,
      %parallel_loop3A_1249 = vector.shape_cast %parallel_loop3A_1248 : vector<1x16xf32> to vector<16xf32>
      %parallel_loop3A_1250 = vector.shape_cast %parallel_loop3A_1245 : vector<16xf32> to vector<1x16xf32>
      tpu.vector_store %arg6[%parallel_loop3A_1246, %parallel_loop3A_1247], %parallel_loop3A_1250 {strides = array<i32>} : memref<16x1024xf32, #tpu.memory_space<vmem>>, vector<1x16xf32>,
    } {sc.loop_unroll_factor = 4 : i64, sc.parallel_access}
    %add3A_74 = arith.constant 0 : i32
    %add3A_75 = arith.addi %add3A_74, %mul3A_2 : i32
    %add3A_76 = arith.constant 0 : i32
    %add3A_77 = arith.addi %add3A_75, %add3A_76 : i32
    %add3A_78 = arith.constant 8 : i32
    %add3A_79 = arith.addi %add3A_77, %add3A_78 : i32
    %dma_start3A_80 = arith.constant 8 : i32
    %dma_start3A_81 = arith.constant 0 : i32
    %dma_start3A_82 = tpu.memref_slice %arg6[%dma_start3A_80, %dma_start3A_81] : memref<16x1024xf32, #tpu.memory_space<vmem>> -> memref<8x1024xf32, #tpu.memory_space<vmem>>
    %dma_start3A_83 = arith.constant 0 : i32
    %dma_start3A_84 = tpu.memref_slice %arg5[%add3A_79, %dma_start3A_83] : memref<8192x1024xf32, #tpu.memory_space<hbm>> -> memref<8x1024xf32, #tpu.memory_space<hbm>>
    %dma_start3A_85 = arith.constant 0 : i32
    %dma_start3A_86 = tpu.memref_slice %arg5[%add3A_79, %dma_start3A_85] : memref<8192x1024xf32, #tpu.memory_space<hbm>> -> memref<8x1024xf32, #tpu.memory_space<hbm>>
    %dma_start3A_87 = arith.constant 8 : i32
    %dma_start3A_88 = arith.constant 0 : i32
    %dma_start3A_89 = tpu.memref_slice %arg6[%dma_start3A_87, %dma_start3A_88] : memref<16x1024xf32, #tpu.memory_space<vmem>> -> memref<8x1024xf32, #tpu.memory_space<vmem>>
    tpu.enqueue_dma source(%dma_start3A_89 : memref<8x1024xf32, #tpu.memory_space<vmem>>) target(%dma_start3A_86 : memref<8x1024xf32, #tpu.memory_space<hbm>>) target_semaphore(%arg19 : memref<!tpu.dma_semaphore, #tpu.memory_space<semaphore_mem>>)
    %dma_start3A_90 = arith.constant 16 : i32
    %dma_start3A_91 = tpu.memref_slice %arg13[%dma_start3A_90] : memref<256xi32, #tpu.memory_space<vmem>> -> memref<16xi32, #tpu.memory_space<vmem>>
    %dma_start3A_92 = arith.constant 0 : i32
    %dma_start3A_93 = arith.constant 0 : i32
    %dma_start3A_94 = tpu.memref_slice %arg2[%dma_start3A_92, %dma_start3A_93] : memref<100000x1024xf32, #tpu.memory_space<hbm>> -> memref<100000x1024xf32, #tpu.memory_space<hbm>>
    tpu.enqueue_indirect_dma source(%dma_start3A_94 : memref<100000x1024xf32, #tpu.memory_space<hbm>>) target(%arg10 : memref<16x1024xf32, #tpu.memory_space<vmem>>) offsets(%dma_start3A_91 : memref<16xi32, #tpu.memory_space<vmem>>) semaphore(%arg18 : memref<!tpu.dma_semaphore, #tpu.memory_space<semaphore_mem>>)
    %dma_wait3A_95 = arith.constant 0 : i32
    %dma_wait3A_96 = arith.constant 0 : i32
    %dma_wait3A_97 = tpu.memref_slice %arg5[%dma_wait3A_95, %dma_wait3A_96] : memref<8192x1024xf32, #tpu.memory_space<hbm>> -> memref<16x1024xf32, #tpu.memory_space<hbm>>
    %dma_wait3A_98 = arith.constant 0 : i32
    %dma_wait3A_99 = arith.constant 0 : i32
    %dma_wait3A_100 = tpu.memref_slice %arg5[%dma_wait3A_98, %dma_wait3A_99] : memref<8192x1024xf32, #tpu.memory_space<hbm>> -> memref<16x1024xf32, #tpu.memory_space<hbm>>
    tpu.wait_dma2 semaphore(%arg15 : memref<!tpu.dma_semaphore, #tpu.memory_space<semaphore_mem>>) src(%dma_wait3A_100 : memref<16x1024xf32, #tpu.memory_space<hbm>>) dst(%arg7 : memref<16x1024xf32, #tpu.memory_space<vmem>>)
    %parallel_loop3A_101 = arith.constant 0 : i32
    %parallel_loop3A_102 = arith.constant 512 : i32
    %parallel_loop3A_103 = arith.constant 1 : i32
    scf.for %parallel_loop3A_1224 = %parallel_loop3A_101 to %parallel_loop3A_102 step %parallel_loop3A_103  : i32 {
      %parallel_loop3A_1225 = arith.constant 6 : i32
      %parallel_loop3A_1226 = arith.shrui %parallel_loop3A_1224, %parallel_loop3A_1225 : i32
      %parallel_loop3A_1227 = arith.constant 0 : i32
      %parallel_loop3A_1228 = arith.addi %parallel_loop3A_1227, %parallel_loop3A_1226 : i32
      %parallel_loop3A_1229 = arith.constant 63 : i32
      %parallel_loop3A_1230 = arith.andi %parallel_loop3A_1224, %parallel_loop3A_1229 : i32
      %parallel_loop3A_1231 = arith.constant 16 : i32
      %parallel_loop3A_1232 = arith.muli %parallel_loop3A_1230, %parallel_loop3A_1231 : i32
      %parallel_loop3A_1233 = tpu.assume_multiple %parallel_loop3A_1232, 16 : i32
      %parallel_loop3A_1234 = arith.index_cast %parallel_loop3A_1228 : i32 to index
      %parallel_loop3A_1235 = arith.index_cast %parallel_loop3A_1233 : i32 to index
      %parallel_loop3A_1236 = tpu.vector_load %arg7[%parallel_loop3A_1234, %parallel_loop3A_1235] {strides = array<i32>} : memref<16x1024xf32, #tpu.memory_space<vmem>>, vector<1x16xf32>,
      %parallel_loop3A_1237 = vector.shape_cast %parallel_loop3A_1236 : vector<1x16xf32> to vector<16xf32>
      %parallel_loop3A_1238 = arith.constant 3.200000e+01 : f32
      %parallel_loop3A_1239 = vector.broadcast %parallel_loop3A_1238 : f32 to vector<16xf32>
      %parallel_loop3A_1240 = arith.mulf %parallel_loop3A_1237, %parallel_loop3A_1239 : vector<16xf32>
      %parallel_loop3A_1241 = arith.index_cast %parallel_loop3A_1228 : i32 to index
      %parallel_loop3A_1242 = arith.index_cast %parallel_loop3A_1233 : i32 to index
      %parallel_loop3A_1243 = tpu.vector_load %arg11[%parallel_loop3A_1241, %parallel_loop3A_1242] {strides = array<i32>} : memref<16x1024xf32, #tpu.memory_space<vmem>>, vector<1x16xf32>,
      %parallel_loop3A_1244 = vector.shape_cast %parallel_loop3A_1243 : vector<1x16xf32> to vector<16xf32>
      %parallel_loop3A_1245 = arith.addf %parallel_loop3A_1240, %parallel_loop3A_1244 : vector<16xf32>
      %parallel_loop3A_1246 = arith.index_cast %parallel_loop3A_1228 : i32 to index
      %parallel_loop3A_1247 = arith.index_cast %parallel_loop3A_1233 : i32 to index
      %parallel_loop3A_1248 = tpu.vector_load %arg7[%parallel_loop3A_1246, %parallel_loop3A_1247] {strides = array<i32>} : memref<16x1024xf32, #tpu.memory_space<vmem>>, vector<1x16xf32>,
      %parallel_loop3A_1249 = vector.shape_cast %parallel_loop3A_1248 : vector<1x16xf32> to vector<16xf32>
      %parallel_loop3A_1250 = vector.shape_cast %parallel_loop3A_1245 : vector<16xf32> to vector<1x16xf32>
      tpu.vector_store %arg7[%parallel_loop3A_1246, %parallel_loop3A_1247], %parallel_loop3A_1250 {strides = array<i32>} : memref<16x1024xf32, #tpu.memory_space<vmem>>, vector<1x16xf32>,
    } {sc.loop_unroll_factor = 4 : i64, sc.parallel_access}
    %add3A_104 = arith.constant 2048 : i32
    %add3A_105 = arith.addi %add3A_104, %mul3A_2 : i32
    %add3A_106 = arith.constant 0 : i32
    %add3A_107 = arith.addi %add3A_105, %add3A_106 : i32
    %add3A_108 = arith.constant 0 : i32
    %add3A_109 = arith.addi %add3A_107, %add3A_108 : i32
    %dma_start3A_110 = arith.constant 0 : i32
    %dma_start3A_111 = arith.constant 0 : i32
    %dma_start3A_112 = tpu.memref_slice %arg7[%dma_start3A_110, %dma_start3A_111] : memref<16x1024xf32, #tpu.memory_space<vmem>> -> memref<8x1024xf32, #tpu.memory_space<vmem>>
    %dma_start3A_113 = arith.constant 0 : i32
    %dma_start3A_114 = tpu.memref_slice %arg5[%add3A_109, %dma_start3A_113] : memref<8192x1024xf32, #tpu.memory_space<hbm>> -> memref<8x1024xf32, #tpu.memory_space<hbm>>
    %dma_start3A_115 = arith.constant 0 : i32
    %dma_start3A_116 = tpu.memref_slice %arg5[%add3A_109, %dma_start3A_115] : memref<8192x1024xf32, #tpu.memory_space<hbm>> -> memref<8x1024xf32, #tpu.memory_space<hbm>>
    %dma_start3A_117 = arith.constant 0 : i32
    %dma_start3A_118 = arith.constant 0 : i32
    %dma_start3A_119 = tpu.memref_slice %arg7[%dma_start3A_117, %dma_start3A_118] : memref<16x1024xf32, #tpu.memory_space<vmem>> -> memref<8x1024xf32, #tpu.memory_space<vmem>>
    tpu.enqueue_dma source(%dma_start3A_119 : memref<8x1024xf32, #tpu.memory_space<vmem>>) target(%dma_start3A_116 : memref<8x1024xf32, #tpu.memory_space<hbm>>) target_semaphore(%arg20 : memref<!tpu.dma_semaphore, #tpu.memory_space<semaphore_mem>>)
    %parallel_loop3A_120 = arith.constant 0 : i32
    %parallel_loop3A_121 = arith.constant 512 : i32
    %parallel_loop3A_122 = arith.constant 1 : i32
    scf.for %parallel_loop3A_1224 = %parallel_loop3A_120 to %parallel_loop3A_121 step %parallel_loop3A_122  : i32 {
      %parallel_loop3A_1225 = arith.constant 6 : i32
      %parallel_loop3A_1226 = arith.shrui %parallel_loop3A_1224, %parallel_loop3A_1225 : i32
      %parallel_loop3A_1227 = arith.constant 8 : i32
      %parallel_loop3A_1228 = arith.addi %parallel_loop3A_1227, %parallel_loop3A_1226 : i32
      %parallel_loop3A_1229 = arith.constant 63 : i32
      %parallel_loop3A_1230 = arith.andi %parallel_loop3A_1224, %parallel_loop3A_1229 : i32
      %parallel_loop3A_1231 = arith.constant 16 : i32
      %parallel_loop3A_1232 = arith.muli %parallel_loop3A_1230, %parallel_loop3A_1231 : i32
      %parallel_loop3A_1233 = tpu.assume_multiple %parallel_loop3A_1232, 16 : i32
      %parallel_loop3A_1234 = arith.index_cast %parallel_loop3A_1228 : i32 to index
      %parallel_loop3A_1235 = arith.index_cast %parallel_loop3A_1233 : i32 to index
      %parallel_loop3A_1236 = tpu.vector_load %arg7[%parallel_loop3A_1234, %parallel_loop3A_1235] {strides = array<i32>} : memref<16x1024xf32, #tpu.memory_space<vmem>>, vector<1x16xf32>,
      %parallel_loop3A_1237 = vector.shape_cast %parallel_loop3A_1236 : vector<1x16xf32> to vector<16xf32>
      %parallel_loop3A_1238 = arith.constant 3.200000e+01 : f32
      %parallel_loop3A_1239 = vector.broadcast %parallel_loop3A_1238 : f32 to vector<16xf32>
      %parallel_loop3A_1240 = arith.mulf %parallel_loop3A_1237, %parallel_loop3A_1239 : vector<16xf32>
      %parallel_loop3A_1241 = arith.index_cast %parallel_loop3A_1228 : i32 to index
      %parallel_loop3A_1242 = arith.index_cast %parallel_loop3A_1233 : i32 to index
      %parallel_loop3A_1243 = tpu.vector_load %arg11[%parallel_loop3A_1241, %parallel_loop3A_1242] {strides = array<i32>} : memref<16x1024xf32, #tpu.memory_space<vmem>>, vector<1x16xf32>,
      %parallel_loop3A_1244 = vector.shape_cast %parallel_loop3A_1243 : vector<1x16xf32> to vector<16xf32>
      %parallel_loop3A_1245 = arith.addf %parallel_loop3A_1240, %parallel_loop3A_1244 : vector<16xf32>
      %parallel_loop3A_1246 = arith.index_cast %parallel_loop3A_1228 : i32 to index
      %parallel_loop3A_1247 = arith.index_cast %parallel_loop3A_1233 : i32 to index
      %parallel_loop3A_1248 = tpu.vector_load %arg7[%parallel_loop3A_1246, %parallel_loop3A_1247] {strides = array<i32>} : memref<16x1024xf32, #tpu.memory_space<vmem>>, vector<1x16xf32>,
      %parallel_loop3A_1249 = vector.shape_cast %parallel_loop3A_1248 : vector<1x16xf32> to vector<16xf32>
      %parallel_loop3A_1250 = vector.shape_cast %parallel_loop3A_1245 : vector<16xf32> to vector<1x16xf32>
      tpu.vector_store %arg7[%parallel_loop3A_1246, %parallel_loop3A_1247], %parallel_loop3A_1250 {strides = array<i32>} : memref<16x1024xf32, #tpu.memory_space<vmem>>, vector<1x16xf32>,
    } {sc.loop_unroll_factor = 4 : i64, sc.parallel_access}
    %add3A_123 = arith.constant 2048 : i32
    %add3A_124 = arith.addi %add3A_123, %mul3A_2 : i32
    %add3A_125 = arith.constant 0 : i32
    %add3A_126 = arith.addi %add3A_124, %add3A_125 : i32
    %add3A_127 = arith.constant 8 : i32
    %add3A_128 = arith.addi %add3A_126, %add3A_127 : i32
    %dma_start3A_129 = arith.constant 8 : i32
    %dma_start3A_130 = arith.constant 0 : i32
    %dma_start3A_131 = tpu.memref_slice %arg7[%dma_start3A_129, %dma_start3A_130] : memref<16x1024xf32, #tpu.memory_space<vmem>> -> memref<8x1024xf32, #tpu.memory_space<vmem>>
    %dma_start3A_132 = arith.constant 0 : i32
    %dma_start3A_133 = tpu.memref_slice %arg5[%add3A_128, %dma_start3A_132] : memref<8192x1024xf32, #tpu.memory_space<hbm>> -> memref<8x1024xf32, #tpu.memory_space<hbm>>
    %dma_start3A_134 = arith.constant 0 : i32
    %dma_start3A_135 = tpu.memref_slice %arg5[%add3A_128, %dma_start3A_134] : memref<8192x1024xf32, #tpu.memory_space<hbm>> -> memref<8x1024xf32, #tpu.memory_space<hbm>>
    %dma_start3A_136 = arith.constant 8 : i32
    %dma_start3A_137 = arith.constant 0 : i32
    %dma_start3A_138 = tpu.memref_slice %arg7[%dma_start3A_136, %dma_start3A_137] : memref<16x1024xf32, #tpu.memory_space<vmem>> -> memref<8x1024xf32, #tpu.memory_space<vmem>>
    tpu.enqueue_dma source(%dma_start3A_138 : memref<8x1024xf32, #tpu.memory_space<vmem>>) target(%dma_start3A_135 : memref<8x1024xf32, #tpu.memory_space<hbm>>) target_semaphore(%arg20 : memref<!tpu.dma_semaphore, #tpu.memory_space<semaphore_mem>>)
    %dma_wait3A_139 = arith.constant 0 : i32
    %dma_wait3A_140 = arith.constant 0 : i32
    %dma_wait3A_141 = tpu.memref_slice %arg6[%dma_wait3A_139, %dma_wait3A_140] : memref<16x1024xf32, #tpu.memory_space<vmem>> -> memref<8x1024xf32, #tpu.memory_space<vmem>>
    %dma_wait3A_142 = arith.constant 0 : i32
    %dma_wait3A_143 = arith.constant 0 : i32
    %dma_wait3A_144 = tpu.memref_slice %arg5[%dma_wait3A_142, %dma_wait3A_143] : memref<8192x1024xf32, #tpu.memory_space<hbm>> -> memref<8x1024xf32, #tpu.memory_space<hbm>>
    %dma_wait3A_145 = arith.constant 0 : i32
    %dma_wait3A_146 = arith.constant 0 : i32
    %dma_wait3A_147 = tpu.memref_slice %arg5[%dma_wait3A_145, %dma_wait3A_146] : memref<8192x1024xf32, #tpu.memory_space<hbm>> -> memref<8x1024xf32, #tpu.memory_space<hbm>>
    %dma_wait3A_148 = arith.constant 0 : i32
    %dma_wait3A_149 = arith.constant 0 : i32
    %dma_wait3A_150 = tpu.memref_slice %arg6[%dma_wait3A_148, %dma_wait3A_149] : memref<16x1024xf32, #tpu.memory_space<vmem>> -> memref<8x1024xf32, #tpu.memory_space<vmem>>
    tpu.wait_dma2 semaphore(%arg19 : memref<!tpu.dma_semaphore, #tpu.memory_space<semaphore_mem>>) src(%dma_wait3A_150 : memref<8x1024xf32, #tpu.memory_space<vmem>>) dst(%dma_wait3A_147 : memref<8x1024xf32, #tpu.memory_space<hbm>>)
    %dma_wait3A_151 = arith.constant 0 : i32
    %dma_wait3A_152 = arith.constant 0 : i32
    %dma_wait3A_153 = tpu.memref_slice %arg6[%dma_wait3A_151, %dma_wait3A_152] : memref<16x1024xf32, #tpu.memory_space<vmem>> -> memref<8x1024xf32, #tpu.memory_space<vmem>>
    %dma_wait3A_154 = arith.constant 0 : i32
    %dma_wait3A_155 = arith.constant 0 : i32
    %dma_wait3A_156 = tpu.memref_slice %arg5[%dma_wait3A_154, %dma_wait3A_155] : memref<8192x1024xf32, #tpu.memory_space<hbm>> -> memref<8x1024xf32, #tpu.memory_space<hbm>>
    %dma_wait3A_157 = arith.constant 0 : i32
    %dma_wait3A_158 = arith.constant 0 : i32
    %dma_wait3A_159 = tpu.memref_slice %arg5[%dma_wait3A_157, %dma_wait3A_158] : memref<8192x1024xf32, #tpu.memory_space<hbm>> -> memref<8x1024xf32, #tpu.memory_space<hbm>>
    %dma_wait3A_160 = arith.constant 0 : i32
    %dma_wait3A_161 = arith.constant 0 : i32
    %dma_wait3A_162 = tpu.memref_slice %arg6[%dma_wait3A_160, %dma_wait3A_161] : memref<16x1024xf32, #tpu.memory_space<vmem>> -> memref<8x1024xf32, #tpu.memory_space<vmem>>
    tpu.wait_dma2 semaphore(%arg19 : memref<!tpu.dma_semaphore, #tpu.memory_space<semaphore_mem>>) src(%dma_wait3A_162 : memref<8x1024xf32, #tpu.memory_space<vmem>>) dst(%dma_wait3A_159 : memref<8x1024xf32, #tpu.memory_space<hbm>>)
    %dma_start3A_163 = arith.constant 80 : i32
    %dma_start3A_164 = tpu.memref_slice %arg13[%dma_start3A_163] : memref<256xi32, #tpu.memory_space<vmem>> -> memref<16xi32, #tpu.memory_space<vmem>>
    %dma_start3A_165 = arith.constant 0 : i32
    %dma_start3A_166 = arith.constant 0 : i32
    %dma_start3A_167 = tpu.memref_slice %arg2[%dma_start3A_165, %dma_start3A_166] : memref<100000x1024xf32, #tpu.memory_space<hbm>> -> memref<100000x1024xf32, #tpu.memory_space<hbm>>
    tpu.enqueue_indirect_dma source(%dma_start3A_167 : memref<100000x1024xf32, #tpu.memory_space<hbm>>) target(%arg6 : memref<16x1024xf32, #tpu.memory_space<vmem>>) offsets(%dma_start3A_164 : memref<16xi32, #tpu.memory_space<vmem>>) semaphore(%arg14 : memref<!tpu.dma_semaphore, #tpu.memory_space<semaphore_mem>>)
    %dma_wait3A_168 = arith.constant 0 : i32
    %dma_wait3A_169 = arith.constant 0 : i32
    %dma_wait3A_170 = tpu.memref_slice %arg5[%dma_wait3A_168, %dma_wait3A_169] : memref<8192x1024xf32, #tpu.memory_space<hbm>> -> memref<16x1024xf32, #tpu.memory_space<hbm>>
    %dma_wait3A_171 = arith.constant 0 : i32
    %dma_wait3A_172 = arith.constant 0 : i32
    %dma_wait3A_173 = tpu.memref_slice %arg5[%dma_wait3A_171, %dma_wait3A_172] : memref<8192x1024xf32, #tpu.memory_space<hbm>> -> memref<16x1024xf32, #tpu.memory_space<hbm>>
    tpu.wait_dma2 semaphore(%arg16 : memref<!tpu.dma_semaphore, #tpu.memory_space<semaphore_mem>>) src(%dma_wait3A_173 : memref<16x1024xf32, #tpu.memory_space<hbm>>) dst(%arg8 : memref<16x1024xf32, #tpu.memory_space<vmem>>)
    %parallel_loop3A_174 = arith.constant 0 : i32
    %parallel_loop3A_175 = arith.constant 512 : i32
    %parallel_loop3A_176 = arith.constant 1 : i32
    scf.for %parallel_loop3A_1224 = %parallel_loop3A_174 to %parallel_loop3A_175 step %parallel_loop3A_176  : i32 {
      %parallel_loop3A_1225 = arith.constant 6 : i32
      %parallel_loop3A_1226 = arith.shrui %parallel_loop3A_1224, %parallel_loop3A_1225 : i32
      %parallel_loop3A_1227 = arith.constant 0 : i32
      %parallel_loop3A_1228 = arith.addi %parallel_loop3A_1227, %parallel_loop3A_1226 : i32
      %parallel_loop3A_1229 = arith.constant 63 : i32
      %parallel_loop3A_1230 = arith.andi %parallel_loop3A_1224, %parallel_loop3A_1229 : i32
      %parallel_loop3A_1231 = arith.constant 16 : i32
      %parallel_loop3A_1232 = arith.muli %parallel_loop3A_1230, %parallel_loop3A_1231 : i32
      %parallel_loop3A_1233 = tpu.assume_multiple %parallel_loop3A_1232, 16 : i32
      %parallel_loop3A_1234 = arith.index_cast %parallel_loop3A_1228 : i32 to index
      %parallel_loop3A_1235 = arith.index_cast %parallel_loop3A_1233 : i32 to index
      %parallel_loop3A_1236 = tpu.vector_load %arg8[%parallel_loop3A_1234, %parallel_loop3A_1235] {strides = array<i32>} : memref<16x1024xf32, #tpu.memory_space<vmem>>, vector<1x16xf32>,
      %parallel_loop3A_1237 = vector.shape_cast %parallel_loop3A_1236 : vector<1x16xf32> to vector<16xf32>
      %parallel_loop3A_1238 = arith.constant 3.200000e+01 : f32
      %parallel_loop3A_1239 = vector.broadcast %parallel_loop3A_1238 : f32 to vector<16xf32>
      %parallel_loop3A_1240 = arith.mulf %parallel_loop3A_1237, %parallel_loop3A_1239 : vector<16xf32>
      %parallel_loop3A_1241 = arith.index_cast %parallel_loop3A_1228 : i32 to index
      %parallel_loop3A_1242 = arith.index_cast %parallel_loop3A_1233 : i32 to index
      %parallel_loop3A_1243 = tpu.vector_load %arg11[%parallel_loop3A_1241, %parallel_loop3A_1242] {strides = array<i32>} : memref<16x1024xf32, #tpu.memory_space<vmem>>, vector<1x16xf32>,
      %parallel_loop3A_1244 = vector.shape_cast %parallel_loop3A_1243 : vector<1x16xf32> to vector<16xf32>
      %parallel_loop3A_1245 = arith.addf %parallel_loop3A_1240, %parallel_loop3A_1244 : vector<16xf32>
      %parallel_loop3A_1246 = arith.index_cast %parallel_loop3A_1228 : i32 to index
      %parallel_loop3A_1247 = arith.index_cast %parallel_loop3A_1233 : i32 to index
      %parallel_loop3A_1248 = tpu.vector_load %arg8[%parallel_loop3A_1246, %parallel_loop3A_1247] {strides = array<i32>} : memref<16x1024xf32, #tpu.memory_space<vmem>>, vector<1x16xf32>,
      %parallel_loop3A_1249 = vector.shape_cast %parallel_loop3A_1248 : vector<1x16xf32> to vector<16xf32>
      %parallel_loop3A_1250 = vector.shape_cast %parallel_loop3A_1245 : vector<16xf32> to vector<1x16xf32>
      tpu.vector_store %arg8[%parallel_loop3A_1246, %parallel_loop3A_1247], %parallel_loop3A_1250 {strides = array<i32>} : memref<16x1024xf32, #tpu.memory_space<vmem>>, vector<1x16xf32>,
    } {sc.loop_unroll_factor = 4 : i64, sc.parallel_access}
    %add3A_177 = arith.constant 4096 : i32
    %add3A_178 = arith.addi %add3A_177, %mul3A_2 : i32
    %add3A_179 = arith.constant 0 : i32
    %add3A_180 = arith.addi %add3A_178, %add3A_179 : i32
    %add3A_181 = arith.constant 0 : i32
    %add3A_182 = arith.addi %add3A_180, %add3A_181 : i32
    %dma_start3A_183 = arith.constant 0 : i32
    %dma_start3A_184 = arith.constant 0 : i32
    %dma_start3A_185 = tpu.memref_slice %arg8[%dma_start3A_183, %dma_start3A_184] : memref<16x1024xf32, #tpu.memory_space<vmem>> -> memref<8x1024xf32, #tpu.memory_space<vmem>>
    %dma_start3A_186 = arith.constant 0 : i32
    %dma_start3A_187 = tpu.memref_slice %arg5[%add3A_182, %dma_start3A_186] : memref<8192x1024xf32, #tpu.memory_space<hbm>> -> memref<8x1024xf32, #tpu.memory_space<hbm>>
    %dma_start3A_188 = arith.constant 0 : i32
    %dma_start3A_189 = tpu.memref_slice %arg5[%add3A_182, %dma_start3A_188] : memref<8192x1024xf32, #tpu.memory_space<hbm>> -> memref<8x1024xf32, #tpu.memory_space<hbm>>
    %dma_start3A_190 = arith.constant 0 : i32
    %dma_start3A_191 = arith.constant 0 : i32
    %dma_start3A_192 = tpu.memref_slice %arg8[%dma_start3A_190, %dma_start3A_191] : memref<16x1024xf32, #tpu.memory_space<vmem>> -> memref<8x1024xf32, #tpu.memory_space<vmem>>
    tpu.enqueue_dma source(%dma_start3A_192 : memref<8x1024xf32, #tpu.memory_space<vmem>>) target(%dma_start3A_189 : memref<8x1024xf32, #tpu.memory_space<hbm>>) target_semaphore(%arg21 : memref<!tpu.dma_semaphore, #tpu.memory_space<semaphore_mem>>)
    %parallel_loop3A_193 = arith.constant 0 : i32
    %parallel_loop3A_194 = arith.constant 512 : i32
    %parallel_loop3A_195 = arith.constant 1 : i32
    scf.for %parallel_loop3A_1224 = %parallel_loop3A_193 to %parallel_loop3A_194 step %parallel_loop3A_195  : i32 {
      %parallel_loop3A_1225 = arith.constant 6 : i32
      %parallel_loop3A_1226 = arith.shrui %parallel_loop3A_1224, %parallel_loop3A_1225 : i32
      %parallel_loop3A_1227 = arith.constant 8 : i32
      %parallel_loop3A_1228 = arith.addi %parallel_loop3A_1227, %parallel_loop3A_1226 : i32
      %parallel_loop3A_1229 = arith.constant 63 : i32
      %parallel_loop3A_1230 = arith.andi %parallel_loop3A_1224, %parallel_loop3A_1229 : i32
      %parallel_loop3A_1231 = arith.constant 16 : i32
      %parallel_loop3A_1232 = arith.muli %parallel_loop3A_1230, %parallel_loop3A_1231 : i32
      %parallel_loop3A_1233 = tpu.assume_multiple %parallel_loop3A_1232, 16 : i32
      %parallel_loop3A_1234 = arith.index_cast %parallel_loop3A_1228 : i32 to index
      %parallel_loop3A_1235 = arith.index_cast %parallel_loop3A_1233 : i32 to index
      %parallel_loop3A_1236 = tpu.vector_load %arg8[%parallel_loop3A_1234, %parallel_loop3A_1235] {strides = array<i32>} : memref<16x1024xf32, #tpu.memory_space<vmem>>, vector<1x16xf32>,
      %parallel_loop3A_1237 = vector.shape_cast %parallel_loop3A_1236 : vector<1x16xf32> to vector<16xf32>
      %parallel_loop3A_1238 = arith.constant 3.200000e+01 : f32
      %parallel_loop3A_1239 = vector.broadcast %parallel_loop3A_1238 : f32 to vector<16xf32>
      %parallel_loop3A_1240 = arith.mulf %parallel_loop3A_1237, %parallel_loop3A_1239 : vector<16xf32>
      %parallel_loop3A_1241 = arith.index_cast %parallel_loop3A_1228 : i32 to index
      %parallel_loop3A_1242 = arith.index_cast %parallel_loop3A_1233 : i32 to index
      %parallel_loop3A_1243 = tpu.vector_load %arg11[%parallel_loop3A_1241, %parallel_loop3A_1242] {strides = array<i32>} : memref<16x1024xf32, #tpu.memory_space<vmem>>, vector<1x16xf32>,
      %parallel_loop3A_1244 = vector.shape_cast %parallel_loop3A_1243 : vector<1x16xf32> to vector<16xf32>
      %parallel_loop3A_1245 = arith.addf %parallel_loop3A_1240, %parallel_loop3A_1244 : vector<16xf32>
      %parallel_loop3A_1246 = arith.index_cast %parallel_loop3A_1228 : i32 to index
      %parallel_loop3A_1247 = arith.index_cast %parallel_loop3A_1233 : i32 to index
      %parallel_loop3A_1248 = tpu.vector_load %arg8[%parallel_loop3A_1246, %parallel_loop3A_1247] {strides = array<i32>} : memref<16x1024xf32, #tpu.memory_space<vmem>>, vector<1x16xf32>,
      %parallel_loop3A_1249 = vector.shape_cast %parallel_loop3A_1248 : vector<1x16xf32> to vector<16xf32>
      %parallel_loop3A_1250 = vector.shape_cast %parallel_loop3A_1245 : vector<16xf32> to vector<1x16xf32>
      tpu.vector_store %arg8[%parallel_loop3A_1246, %parallel_loop3A_1247], %parallel_loop3A_1250 {strides = array<i32>} : memref<16x1024xf32, #tpu.memory_space<vmem>>, vector<1x16xf32>,
    } {sc.loop_unroll_factor = 4 : i64, sc.parallel_access}
    %add3A_196 = arith.constant 4096 : i32
    %add3A_197 = arith.addi %add3A_196, %mul3A_2 : i32
    %add3A_198 = arith.constant 0 : i32
    %add3A_199 = arith.addi %add3A_197, %add3A_198 : i32
    %add3A_200 = arith.constant 8 : i32
    %add3A_201 = arith.addi %add3A_199, %add3A_200 : i32
    %dma_start3A_202 = arith.constant 8 : i32
    %dma_start3A_203 = arith.constant 0 : i32
    %dma_start3A_204 = tpu.memref_slice %arg8[%dma_start3A_202, %dma_start3A_203] : memref<16x1024xf32, #tpu.memory_space<vmem>> -> memref<8x1024xf32, #tpu.memory_space<vmem>>
    %dma_start3A_205 = arith.constant 0 : i32
    %dma_start3A_206 = tpu.memref_slice %arg5[%add3A_201, %dma_start3A_205] : memref<8192x1024xf32, #tpu.memory_space<hbm>> -> memref<8x1024xf32, #tpu.memory_space<hbm>>
    %dma_start3A_207 = arith.constant 0 : i32
    %dma_start3A_208 = tpu.memref_slice %arg5[%add3A_201, %dma_start3A_207] : memref<8192x1024xf32, #tpu.memory_space<hbm>> -> memref<8x1024xf32, #tpu.memory_space<hbm>>
    %dma_start3A_209 = arith.constant 8 : i32
    %dma_start3A_210 = arith.constant 0 : i32
    %dma_start3A_211 = tpu.memref_slice %arg8[%dma_start3A_209, %dma_start3A_210] : memref<16x1024xf32, #tpu.memory_space<vmem>> -> memref<8x1024xf32, #tpu.memory_space<vmem>>
    tpu.enqueue_dma source(%dma_start3A_211 : memref<8x1024xf32, #tpu.memory_space<vmem>>) target(%dma_start3A_208 : memref<8x1024xf32, #tpu.memory_space<hbm>>) target_semaphore(%arg21 : memref<!tpu.dma_semaphore, #tpu.memory_space<semaphore_mem>>)
    %dma_wait3A_212 = arith.constant 0 : i32
    %dma_wait3A_213 = arith.constant 0 : i32
    %dma_wait3A_214 = tpu.memref_slice %arg7[%dma_wait3A_212, %dma_wait3A_213] : memref<16x1024xf32, #tpu.memory_space<vmem>> -> memref<8x1024xf32, #tpu.memory_space<vmem>>
    %dma_wait3A_215 = arith.constant 0 : i32
    %dma_wait3A_216 = arith.constant 0 : i32
    %dma_wait3A_217 = tpu.memref_slice %arg5[%dma_wait3A_215, %dma_wait3A_216] : memref<8192x1024xf32, #tpu.memory_space<hbm>> -> memref<8x1024xf32, #tpu.memory_space<hbm>>
    %dma_wait3A_218 = arith.constant 0 : i32
    %dma_wait3A_219 = arith.constant 0 : i32
    %dma_wait3A_220 = tpu.memref_slice %arg5[%dma_wait3A_218, %dma_wait3A_219] : memref<8192x1024xf32, #tpu.memory_space<hbm>> -> memref<8x1024xf32, #tpu.memory_space<hbm>>
    %dma_wait3A_221 = arith.constant 0 : i32
    %dma_wait3A_222 = arith.constant 0 : i32
    %dma_wait3A_223 = tpu.memref_slice %arg7[%dma_wait3A_221, %dma_wait3A_222] : memref<16x1024xf32, #tpu.memory_space<vmem>> -> memref<8x1024xf32, #tpu.memory_space<vmem>>
    tpu.wait_dma2 semaphore(%arg20 : memref<!tpu.dma_semaphore, #tpu.memory_space<semaphore_mem>>) src(%dma_wait3A_223 : memref<8x1024xf32, #tpu.memory_space<vmem>>) dst(%dma_wait3A_220 : memref<8x1024xf32, #tpu.memory_space<hbm>>)
    %dma_wait3A_224 = arith.constant 0 : i32
    %dma_wait3A_225 = arith.constant 0 : i32
    %dma_wait3A_226 = tpu.memref_slice %arg7[%dma_wait3A_224, %dma_wait3A_225] : memref<16x1024xf32, #tpu.memory_space<vmem>> -> memref<8x1024xf32, #tpu.memory_space<vmem>>
    %dma_wait3A_227 = arith.constant 0 : i32
    %dma_wait3A_228 = arith.constant 0 : i32
    %dma_wait3A_229 = tpu.memref_slice %arg5[%dma_wait3A_227, %dma_wait3A_228] : memref<8192x1024xf32, #tpu.memory_space<hbm>> -> memref<8x1024xf32, #tpu.memory_space<hbm>>
    %dma_wait3A_230 = arith.constant 0 : i32
    %dma_wait3A_231 = arith.constant 0 : i32
    %dma_wait3A_232 = tpu.memref_slice %arg5[%dma_wait3A_230, %dma_wait3A_231] : memref<8192x1024xf32, #tpu.memory_space<hbm>> -> memref<8x1024xf32, #tpu.memory_space<hbm>>
    %dma_wait3A_233 = arith.constant 0 : i32
    %dma_wait3A_234 = arith.constant 0 : i32
    %dma_wait3A_235 = tpu.memref_slice %arg7[%dma_wait3A_233, %dma_wait3A_234] : memref<16x1024xf32, #tpu.memory_space<vmem>> -> memref<8x1024xf32, #tpu.memory_space<vmem>>
    tpu.wait_dma2 semaphore(%arg20 : memref<!tpu.dma_semaphore, #tpu.memory_space<semaphore_mem>>) src(%dma_wait3A_235 : memref<8x1024xf32, #tpu.memory_space<vmem>>) dst(%dma_wait3A_232 : memref<8x1024xf32, #tpu.memory_space<hbm>>)
    %dma_start3A_236 = arith.constant 144 : i32
    %dma_start3A_237 = tpu.memref_slice %arg13[%dma_start3A_236] : memref<256xi32, #tpu.memory_space<vmem>> -> memref<16xi32, #tpu.memory_space<vmem>>
    %dma_start3A_238 = arith.constant 0 : i32
    %dma_start3A_239 = arith.constant 0 : i32
    %dma_start3A_240 = tpu.memref_slice %arg2[%dma_start3A_238, %dma_start3A_239] : memref<100000x1024xf32, #tpu.memory_space<hbm>> -> memref<100000x1024xf32, #tpu.memory_space<hbm>>
    tpu.enqueue_indirect_dma source(%dma_start3A_240 : memref<100000x1024xf32, #tpu.memory_space<hbm>>) target(%arg7 : memref<16x1024xf32, #tpu.memory_space<vmem>>) offsets(%dma_start3A_237 : memref<16xi32, #tpu.memory_space<vmem>>) semaphore(%arg15 : memref<!tpu.dma_semaphore, #tpu.memory_space<semaphore_mem>>)
    %dma_wait3A_241 = arith.constant 0 : i32
    %dma_wait3A_242 = arith.constant 0 : i32
    %dma_wait3A_243 = tpu.memref_slice %arg5[%dma_wait3A_241, %dma_wait3A_242] : memref<8192x1024xf32, #tpu.memory_space<hbm>> -> memref<16x1024xf32, #tpu.memory_space<hbm>>
    %dma_wait3A_244 = arith.constant 0 : i32
    %dma_wait3A_245 = arith.constant 0 : i32
    %dma_wait3A_246 = tpu.memref_slice %arg5[%dma_wait3A_244, %dma_wait3A_245] : memref<8192x1024xf32, #tpu.memory_space<hbm>> -> memref<16x1024xf32, #tpu.memory_space<hbm>>
    tpu.wait_dma2 semaphore(%arg17 : memref<!tpu.dma_semaphore, #tpu.memory_space<semaphore_mem>>) src(%dma_wait3A_246 : memref<16x1024xf32, #tpu.memory_space<hbm>>) dst(%arg9 : memref<16x1024xf32, #tpu.memory_space<vmem>>)
    %parallel_loop3A_247 = arith.constant 0 : i32
    %parallel_loop3A_248 = arith.constant 512 : i32
    %parallel_loop3A_249 = arith.constant 1 : i32
    scf.for %parallel_loop3A_1224 = %parallel_loop3A_247 to %parallel_loop3A_248 step %parallel_loop3A_249  : i32 {
      %parallel_loop3A_1225 = arith.constant 6 : i32
      %parallel_loop3A_1226 = arith.shrui %parallel_loop3A_1224, %parallel_loop3A_1225 : i32
      %parallel_loop3A_1227 = arith.constant 0 : i32
      %parallel_loop3A_1228 = arith.addi %parallel_loop3A_1227, %parallel_loop3A_1226 : i32
      %parallel_loop3A_1229 = arith.constant 63 : i32
      %parallel_loop3A_1230 = arith.andi %parallel_loop3A_1224, %parallel_loop3A_1229 : i32
      %parallel_loop3A_1231 = arith.constant 16 : i32
      %parallel_loop3A_1232 = arith.muli %parallel_loop3A_1230, %parallel_loop3A_1231 : i32
      %parallel_loop3A_1233 = tpu.assume_multiple %parallel_loop3A_1232, 16 : i32
      %parallel_loop3A_1234 = arith.index_cast %parallel_loop3A_1228 : i32 to index
      %parallel_loop3A_1235 = arith.index_cast %parallel_loop3A_1233 : i32 to index
      %parallel_loop3A_1236 = tpu.vector_load %arg9[%parallel_loop3A_1234, %parallel_loop3A_1235] {strides = array<i32>} : memref<16x1024xf32, #tpu.memory_space<vmem>>, vector<1x16xf32>,
      %parallel_loop3A_1237 = vector.shape_cast %parallel_loop3A_1236 : vector<1x16xf32> to vector<16xf32>
      %parallel_loop3A_1238 = arith.constant 3.200000e+01 : f32
      %parallel_loop3A_1239 = vector.broadcast %parallel_loop3A_1238 : f32 to vector<16xf32>
      %parallel_loop3A_1240 = arith.mulf %parallel_loop3A_1237, %parallel_loop3A_1239 : vector<16xf32>
      %parallel_loop3A_1241 = arith.index_cast %parallel_loop3A_1228 : i32 to index
      %parallel_loop3A_1242 = arith.index_cast %parallel_loop3A_1233 : i32 to index
      %parallel_loop3A_1243 = tpu.vector_load %arg11[%parallel_loop3A_1241, %parallel_loop3A_1242] {strides = array<i32>} : memref<16x1024xf32, #tpu.memory_space<vmem>>, vector<1x16xf32>,
      %parallel_loop3A_1244 = vector.shape_cast %parallel_loop3A_1243 : vector<1x16xf32> to vector<16xf32>
      %parallel_loop3A_1245 = arith.addf %parallel_loop3A_1240, %parallel_loop3A_1244 : vector<16xf32>
      %parallel_loop3A_1246 = arith.index_cast %parallel_loop3A_1228 : i32 to index
      %parallel_loop3A_1247 = arith.index_cast %parallel_loop3A_1233 : i32 to index
      %parallel_loop3A_1248 = tpu.vector_load %arg9[%parallel_loop3A_1246, %parallel_loop3A_1247] {strides = array<i32>} : memref<16x1024xf32, #tpu.memory_space<vmem>>, vector<1x16xf32>,
      %parallel_loop3A_1249 = vector.shape_cast %parallel_loop3A_1248 : vector<1x16xf32> to vector<16xf32>
      %parallel_loop3A_1250 = vector.shape_cast %parallel_loop3A_1245 : vector<16xf32> to vector<1x16xf32>
      tpu.vector_store %arg9[%parallel_loop3A_1246, %parallel_loop3A_1247], %parallel_loop3A_1250 {strides = array<i32>} : memref<16x1024xf32, #tpu.memory_space<vmem>>, vector<1x16xf32>,
    } {sc.loop_unroll_factor = 4 : i64, sc.parallel_access}
    %add3A_250 = arith.constant 6144 : i32
    %add3A_251 = arith.addi %add3A_250, %mul3A_2 : i32
    %add3A_252 = arith.constant 0 : i32
    %add3A_253 = arith.addi %add3A_251, %add3A_252 : i32
    %add3A_254 = arith.constant 0 : i32
    %add3A_255 = arith.addi %add3A_253, %add3A_254 : i32
    %dma_start3A_256 = arith.constant 0 : i32
    %dma_start3A_257 = arith.constant 0 : i32
    %dma_start3A_258 = tpu.memref_slice %arg9[%dma_start3A_256, %dma_start3A_257] : memref<16x1024xf32, #tpu.memory_space<vmem>> -> memref<8x1024xf32, #tpu.memory_space<vmem>>
    %dma_start3A_259 = arith.constant 0 : i32
    %dma_start3A_260 = tpu.memref_slice %arg5[%add3A_255, %dma_start3A_259] : memref<8192x1024xf32, #tpu.memory_space<hbm>> -> memref<8x1024xf32, #tpu.memory_space<hbm>>
    %dma_start3A_261 = arith.constant 0 : i32
    %dma_start3A_262 = tpu.memref_slice %arg5[%add3A_255, %dma_start3A_261] : memref<8192x1024xf32, #tpu.memory_space<hbm>> -> memref<8x1024xf32, #tpu.memory_space<hbm>>
    %dma_start3A_263 = arith.constant 0 : i32
    %dma_start3A_264 = arith.constant 0 : i32
    %dma_start3A_265 = tpu.memref_slice %arg9[%dma_start3A_263, %dma_start3A_264] : memref<16x1024xf32, #tpu.memory_space<vmem>> -> memref<8x1024xf32, #tpu.memory_space<vmem>>
    tpu.enqueue_dma source(%dma_start3A_265 : memref<8x1024xf32, #tpu.memory_space<vmem>>) target(%dma_start3A_262 : memref<8x1024xf32, #tpu.memory_space<hbm>>) target_semaphore(%arg22 : memref<!tpu.dma_semaphore, #tpu.memory_space<semaphore_mem>>)
    %parallel_loop3A_266 = arith.constant 0 : i32
    %parallel_loop3A_267 = arith.constant 512 : i32
    %parallel_loop3A_268 = arith.constant 1 : i32
    scf.for %parallel_loop3A_1224 = %parallel_loop3A_266 to %parallel_loop3A_267 step %parallel_loop3A_268  : i32 {
      %parallel_loop3A_1225 = arith.constant 6 : i32
      %parallel_loop3A_1226 = arith.shrui %parallel_loop3A_1224, %parallel_loop3A_1225 : i32
      %parallel_loop3A_1227 = arith.constant 8 : i32
      %parallel_loop3A_1228 = arith.addi %parallel_loop3A_1227, %parallel_loop3A_1226 : i32
      %parallel_loop3A_1229 = arith.constant 63 : i32
      %parallel_loop3A_1230 = arith.andi %parallel_loop3A_1224, %parallel_loop3A_1229 : i32
      %parallel_loop3A_1231 = arith.constant 16 : i32
      %parallel_loop3A_1232 = arith.muli %parallel_loop3A_1230, %parallel_loop3A_1231 : i32
      %parallel_loop3A_1233 = tpu.assume_multiple %parallel_loop3A_1232, 16 : i32
      %parallel_loop3A_1234 = arith.index_cast %parallel_loop3A_1228 : i32 to index
      %parallel_loop3A_1235 = arith.index_cast %parallel_loop3A_1233 : i32 to index
      %parallel_loop3A_1236 = tpu.vector_load %arg9[%parallel_loop3A_1234, %parallel_loop3A_1235] {strides = array<i32>} : memref<16x1024xf32, #tpu.memory_space<vmem>>, vector<1x16xf32>,
      %parallel_loop3A_1237 = vector.shape_cast %parallel_loop3A_1236 : vector<1x16xf32> to vector<16xf32>
      %parallel_loop3A_1238 = arith.constant 3.200000e+01 : f32
      %parallel_loop3A_1239 = vector.broadcast %parallel_loop3A_1238 : f32 to vector<16xf32>
      %parallel_loop3A_1240 = arith.mulf %parallel_loop3A_1237, %parallel_loop3A_1239 : vector<16xf32>
      %parallel_loop3A_1241 = arith.index_cast %parallel_loop3A_1228 : i32 to index
      %parallel_loop3A_1242 = arith.index_cast %parallel_loop3A_1233 : i32 to index
      %parallel_loop3A_1243 = tpu.vector_load %arg11[%parallel_loop3A_1241, %parallel_loop3A_1242] {strides = array<i32>} : memref<16x1024xf32, #tpu.memory_space<vmem>>, vector<1x16xf32>,
      %parallel_loop3A_1244 = vector.shape_cast %parallel_loop3A_1243 : vector<1x16xf32> to vector<16xf32>
      %parallel_loop3A_1245 = arith.addf %parallel_loop3A_1240, %parallel_loop3A_1244 : vector<16xf32>
      %parallel_loop3A_1246 = arith.index_cast %parallel_loop3A_1228 : i32 to index
      %parallel_loop3A_1247 = arith.index_cast %parallel_loop3A_1233 : i32 to index
      %parallel_loop3A_1248 = tpu.vector_load %arg9[%parallel_loop3A_1246, %parallel_loop3A_1247] {strides = array<i32>} : memref<16x1024xf32, #tpu.memory_space<vmem>>, vector<1x16xf32>,
      %parallel_loop3A_1249 = vector.shape_cast %parallel_loop3A_1248 : vector<1x16xf32> to vector<16xf32>
      %parallel_loop3A_1250 = vector.shape_cast %parallel_loop3A_1245 : vector<16xf32> to vector<1x16xf32>
      tpu.vector_store %arg9[%parallel_loop3A_1246, %parallel_loop3A_1247], %parallel_loop3A_1250 {strides = array<i32>} : memref<16x1024xf32, #tpu.memory_space<vmem>>, vector<1x16xf32>,
    } {sc.loop_unroll_factor = 4 : i64, sc.parallel_access}
    %add3A_269 = arith.constant 6144 : i32
    %add3A_270 = arith.addi %add3A_269, %mul3A_2 : i32
    %add3A_271 = arith.constant 0 : i32
    %add3A_272 = arith.addi %add3A_270, %add3A_271 : i32
    %add3A_273 = arith.constant 8 : i32
    %add3A_274 = arith.addi %add3A_272, %add3A_273 : i32
    %dma_start3A_275 = arith.constant 8 : i32
    %dma_start3A_276 = arith.constant 0 : i32
    %dma_start3A_277 = tpu.memref_slice %arg9[%dma_start3A_275, %dma_start3A_276] : memref<16x1024xf32, #tpu.memory_space<vmem>> -> memref<8x1024xf32, #tpu.memory_space<vmem>>
    %dma_start3A_278 = arith.constant 0 : i32
    %dma_start3A_279 = tpu.memref_slice %arg5[%add3A_274, %dma_start3A_278] : memref<8192x1024xf32, #tpu.memory_space<hbm>> -> memref<8x1024xf32, #tpu.memory_space<hbm>>
    %dma_start3A_280 = arith.constant 0 : i32
    %dma_start3A_281 = tpu.memref_slice %arg5[%add3A_274, %dma_start3A_280] : memref<8192x1024xf32, #tpu.memory_space<hbm>> -> memref<8x1024xf32, #tpu.memory_space<hbm>>
    %dma_start3A_282 = arith.constant 8 : i32
    %dma_start3A_283 = arith.constant 0 : i32
    %dma_start3A_284 = tpu.memref_slice %arg9[%dma_start3A_282, %dma_start3A_283] : memref<16x1024xf32, #tpu.memory_space<vmem>> -> memref<8x1024xf32, #tpu.memory_space<vmem>>
    tpu.enqueue_dma source(%dma_start3A_284 : memref<8x1024xf32, #tpu.memory_space<vmem>>) target(%dma_start3A_281 : memref<8x1024xf32, #tpu.memory_space<hbm>>) target_semaphore(%arg22 : memref<!tpu.dma_semaphore, #tpu.memory_space<semaphore_mem>>)
    %add3A_285 = arith.constant 32 : i32
    %add3A_286 = arith.addi %mul3A_2, %add3A_285 : i32
    %dma_start3A_287 = arith.constant 0 : i32
    %dma_start3A_288 = tpu.memref_slice %arg4[%add3A_286, %dma_start3A_287] : memref<2048x1024xf32, #tpu.memory_space<hbm>> -> memref<16x1024xf32, #tpu.memory_space<hbm>>
    %dma_start3A_289 = arith.constant 0 : i32
    %dma_start3A_290 = tpu.memref_slice %arg4[%add3A_286, %dma_start3A_289] : memref<2048x1024xf32, #tpu.memory_space<hbm>> -> memref<16x1024xf32, #tpu.memory_space<hbm>>
    tpu.enqueue_dma source(%dma_start3A_290 : memref<16x1024xf32, #tpu.memory_space<hbm>>) target(%arg11 : memref<16x1024xf32, #tpu.memory_space<vmem>>) target_semaphore(%arg24 : memref<!tpu.dma_semaphore, #tpu.memory_space<semaphore_mem>>)
    %dma_wait3A_291 = arith.constant 0 : i32
    %dma_wait3A_292 = arith.constant 0 : i32
    %dma_wait3A_293 = tpu.memref_slice %arg8[%dma_wait3A_291, %dma_wait3A_292] : memref<16x1024xf32, #tpu.memory_space<vmem>> -> memref<8x1024xf32, #tpu.memory_space<vmem>>
    %dma_wait3A_294 = arith.constant 0 : i32
    %dma_wait3A_295 = arith.constant 0 : i32
    %dma_wait3A_296 = tpu.memref_slice %arg5[%dma_wait3A_294, %dma_wait3A_295] : memref<8192x1024xf32, #tpu.memory_space<hbm>> -> memref<8x1024xf32, #tpu.memory_space<hbm>>
    %dma_wait3A_297 = arith.constant 0 : i32
    %dma_wait3A_298 = arith.constant 0 : i32
    %dma_wait3A_299 = tpu.memref_slice %arg5[%dma_wait3A_297, %dma_wait3A_298] : memref<8192x1024xf32, #tpu.memory_space<hbm>> -> memref<8x1024xf32, #tpu.memory_space<hbm>>
    %dma_wait3A_300 = arith.constant 0 : i32
    %dma_wait3A_301 = arith.constant 0 : i32
    %dma_wait3A_302 = tpu.memref_slice %arg8[%dma_wait3A_300, %dma_wait3A_301] : memref<16x1024xf32, #tpu.memory_space<vmem>> -> memref<8x1024xf32, #tpu.memory_space<vmem>>
    tpu.wait_dma2 semaphore(%arg21 : memref<!tpu.dma_semaphore, #tpu.memory_space<semaphore_mem>>) src(%dma_wait3A_302 : memref<8x1024xf32, #tpu.memory_space<vmem>>) dst(%dma_wait3A_299 : memref<8x1024xf32, #tpu.memory_space<hbm>>)
    %dma_wait3A_303 = arith.constant 0 : i32
    %dma_wait3A_304 = arith.constant 0 : i32
    %dma_wait3A_305 = tpu.memref_slice %arg8[%dma_wait3A_303, %dma_wait3A_304] : memref<16x1024xf32, #tpu.memory_space<vmem>> -> memref<8x1024xf32, #tpu.memory_space<vmem>>
    %dma_wait3A_306 = arith.constant 0 : i32
    %dma_wait3A_307 = arith.constant 0 : i32
    %dma_wait3A_308 = tpu.memref_slice %arg5[%dma_wait3A_306, %dma_wait3A_307] : memref<8192x1024xf32, #tpu.memory_space<hbm>> -> memref<8x1024xf32, #tpu.memory_space<hbm>>
    %dma_wait3A_309 = arith.constant 0 : i32
    %dma_wait3A_310 = arith.constant 0 : i32
    %dma_wait3A_311 = tpu.memref_slice %arg5[%dma_wait3A_309, %dma_wait3A_310] : memref<8192x1024xf32, #tpu.memory_space<hbm>> -> memref<8x1024xf32, #tpu.memory_space<hbm>>
    %dma_wait3A_312 = arith.constant 0 : i32
    %dma_wait3A_313 = arith.constant 0 : i32
    %dma_wait3A_314 = tpu.memref_slice %arg8[%dma_wait3A_312, %dma_wait3A_313] : memref<16x1024xf32, #tpu.memory_space<vmem>> -> memref<8x1024xf32, #tpu.memory_space<vmem>>
    tpu.wait_dma2 semaphore(%arg21 : memref<!tpu.dma_semaphore, #tpu.memory_space<semaphore_mem>>) src(%dma_wait3A_314 : memref<8x1024xf32, #tpu.memory_space<vmem>>) dst(%dma_wait3A_311 : memref<8x1024xf32, #tpu.memory_space<hbm>>)
    %dma_start3A_315 = arith.constant 208 : i32
    %dma_start3A_316 = tpu.memref_slice %arg13[%dma_start3A_315] : memref<256xi32, #tpu.memory_space<vmem>> -> memref<16xi32, #tpu.memory_space<vmem>>
    %dma_start3A_317 = arith.constant 0 : i32
    %dma_start3A_318 = arith.constant 0 : i32
    %dma_start3A_319 = tpu.memref_slice %arg2[%dma_start3A_317, %dma_start3A_318] : memref<100000x1024xf32, #tpu.memory_space<hbm>> -> memref<100000x1024xf32, #tpu.memory_space<hbm>>
    tpu.enqueue_indirect_dma source(%dma_start3A_319 : memref<100000x1024xf32, #tpu.memory_space<hbm>>) target(%arg8 : memref<16x1024xf32, #tpu.memory_space<vmem>>) offsets(%dma_start3A_316 : memref<16xi32, #tpu.memory_space<vmem>>) semaphore(%arg16 : memref<!tpu.dma_semaphore, #tpu.memory_space<semaphore_mem>>)
    %dma_wait3A_320 = arith.constant 0 : i32
    %dma_wait3A_321 = arith.constant 0 : i32
    %dma_wait3A_322 = tpu.memref_slice %arg5[%dma_wait3A_320, %dma_wait3A_321] : memref<8192x1024xf32, #tpu.memory_space<hbm>> -> memref<16x1024xf32, #tpu.memory_space<hbm>>
    %dma_wait3A_323 = arith.constant 0 : i32
    %dma_wait3A_324 = arith.constant 0 : i32
    %dma_wait3A_325 = tpu.memref_slice %arg5[%dma_wait3A_323, %dma_wait3A_324] : memref<8192x1024xf32, #tpu.memory_space<hbm>> -> memref<16x1024xf32, #tpu.memory_space<hbm>>
    tpu.wait_dma2 semaphore(%arg18 : memref<!tpu.dma_semaphore, #tpu.memory_space<semaphore_mem>>) src(%dma_wait3A_325 : memref<16x1024xf32, #tpu.memory_space<hbm>>) dst(%arg10 : memref<16x1024xf32, #tpu.memory_space<vmem>>)
    %dma_wait3A_326 = arith.constant 0 : i32
    %dma_wait3A_327 = arith.constant 0 : i32
    %dma_wait3A_328 = tpu.memref_slice %arg4[%dma_wait3A_326, %dma_wait3A_327] : memref<2048x1024xf32, #tpu.memory_space<hbm>> -> memref<16x1024xf32, #tpu.memory_space<hbm>>
    %dma_wait3A_329 = arith.constant 0 : i32
    %dma_wait3A_330 = arith.constant 0 : i32
    %dma_wait3A_331 = tpu.memref_slice %arg4[%dma_wait3A_329, %dma_wait3A_330] : memref<2048x1024xf32, #tpu.memory_space<hbm>> -> memref<16x1024xf32, #tpu.memory_space<hbm>>
    tpu.wait_dma2 semaphore(%arg25 : memref<!tpu.dma_semaphore, #tpu.memory_space<semaphore_mem>>) src(%dma_wait3A_331 : memref<16x1024xf32, #tpu.memory_space<hbm>>) dst(%arg12 : memref<16x1024xf32, #tpu.memory_space<vmem>>)
    %parallel_loop3A_332 = arith.constant 0 : i32
    %parallel_loop3A_333 = arith.constant 512 : i32
    %parallel_loop3A_334 = arith.constant 1 : i32
    scf.for %parallel_loop3A_1224 = %parallel_loop3A_332 to %parallel_loop3A_333 step %parallel_loop3A_334  : i32 {
      %parallel_loop3A_1225 = arith.constant 6 : i32
      %parallel_loop3A_1226 = arith.shrui %parallel_loop3A_1224, %parallel_loop3A_1225 : i32
      %parallel_loop3A_1227 = arith.constant 0 : i32
      %parallel_loop3A_1228 = arith.addi %parallel_loop3A_1227, %parallel_loop3A_1226 : i32
      %parallel_loop3A_1229 = arith.constant 63 : i32
      %parallel_loop3A_1230 = arith.andi %parallel_loop3A_1224, %parallel_loop3A_1229 : i32
      %parallel_loop3A_1231 = arith.constant 16 : i32
      %parallel_loop3A_1232 = arith.muli %parallel_loop3A_1230, %parallel_loop3A_1231 : i32
      %parallel_loop3A_1233 = tpu.assume_multiple %parallel_loop3A_1232, 16 : i32
      %parallel_loop3A_1234 = arith.index_cast %parallel_loop3A_1228 : i32 to index
      %parallel_loop3A_1235 = arith.index_cast %parallel_loop3A_1233 : i32 to index
      %parallel_loop3A_1236 = tpu.vector_load %arg10[%parallel_loop3A_1234, %parallel_loop3A_1235] {strides = array<i32>} : memref<16x1024xf32, #tpu.memory_space<vmem>>, vector<1x16xf32>,
      %parallel_loop3A_1237 = vector.shape_cast %parallel_loop3A_1236 : vector<1x16xf32> to vector<16xf32>
      %parallel_loop3A_1238 = arith.constant 3.200000e+01 : f32
      %parallel_loop3A_1239 = vector.broadcast %parallel_loop3A_1238 : f32 to vector<16xf32>
      %parallel_loop3A_1240 = arith.mulf %parallel_loop3A_1237, %parallel_loop3A_1239 : vector<16xf32>
      %parallel_loop3A_1241 = arith.index_cast %parallel_loop3A_1228 : i32 to index
      %parallel_loop3A_1242 = arith.index_cast %parallel_loop3A_1233 : i32 to index
      %parallel_loop3A_1243 = tpu.vector_load %arg12[%parallel_loop3A_1241, %parallel_loop3A_1242] {strides = array<i32>} : memref<16x1024xf32, #tpu.memory_space<vmem>>, vector<1x16xf32>,
      %parallel_loop3A_1244 = vector.shape_cast %parallel_loop3A_1243 : vector<1x16xf32> to vector<16xf32>
      %parallel_loop3A_1245 = arith.addf %parallel_loop3A_1240, %parallel_loop3A_1244 : vector<16xf32>
      %parallel_loop3A_1246 = arith.index_cast %parallel_loop3A_1228 : i32 to index
      %parallel_loop3A_1247 = arith.index_cast %parallel_loop3A_1233 : i32 to index
      %parallel_loop3A_1248 = tpu.vector_load %arg10[%parallel_loop3A_1246, %parallel_loop3A_1247] {strides = array<i32>} : memref<16x1024xf32, #tpu.memory_space<vmem>>, vector<1x16xf32>,
      %parallel_loop3A_1249 = vector.shape_cast %parallel_loop3A_1248 : vector<1x16xf32> to vector<16xf32>
      %parallel_loop3A_1250 = vector.shape_cast %parallel_loop3A_1245 : vector<16xf32> to vector<1x16xf32>
      tpu.vector_store %arg10[%parallel_loop3A_1246, %parallel_loop3A_1247], %parallel_loop3A_1250 {strides = array<i32>} : memref<16x1024xf32, #tpu.memory_space<vmem>>, vector<1x16xf32>,
    } {sc.loop_unroll_factor = 4 : i64, sc.parallel_access}
    %add3A_335 = arith.constant 0 : i32
    %add3A_336 = arith.addi %add3A_335, %mul3A_2 : i32
    %add3A_337 = arith.constant 16 : i32
    %add3A_338 = arith.addi %add3A_336, %add3A_337 : i32
    %add3A_339 = arith.constant 0 : i32
    %add3A_340 = arith.addi %add3A_338, %add3A_339 : i32
    %dma_start3A_341 = arith.constant 0 : i32
    %dma_start3A_342 = arith.constant 0 : i32
    %dma_start3A_343 = tpu.memref_slice %arg10[%dma_start3A_341, %dma_start3A_342] : memref<16x1024xf32, #tpu.memory_space<vmem>> -> memref<8x1024xf32, #tpu.memory_space<vmem>>
    %dma_start3A_344 = arith.constant 0 : i32
    %dma_start3A_345 = tpu.memref_slice %arg5[%add3A_340, %dma_start3A_344] : memref<8192x1024xf32, #tpu.memory_space<hbm>> -> memref<8x1024xf32, #tpu.memory_space<hbm>>
    %dma_start3A_346 = arith.constant 0 : i32
    %dma_start3A_347 = tpu.memref_slice %arg5[%add3A_340, %dma_start3A_346] : memref<8192x1024xf32, #tpu.memory_space<hbm>> -> memref<8x1024xf32, #tpu.memory_space<hbm>>
    %dma_start3A_348 = arith.constant 0 : i32
    %dma_start3A_349 = arith.constant 0 : i32
    %dma_start3A_350 = tpu.memref_slice %arg10[%dma_start3A_348, %dma_start3A_349] : memref<16x1024xf32, #tpu.memory_space<vmem>> -> memref<8x1024xf32, #tpu.memory_space<vmem>>
    tpu.enqueue_dma source(%dma_start3A_350 : memref<8x1024xf32, #tpu.memory_space<vmem>>) target(%dma_start3A_347 : memref<8x1024xf32, #tpu.memory_space<hbm>>) target_semaphore(%arg23 : memref<!tpu.dma_semaphore, #tpu.memory_space<semaphore_mem>>)
    %parallel_loop3A_351 = arith.constant 0 : i32
    %parallel_loop3A_352 = arith.constant 512 : i32
    %parallel_loop3A_353 = arith.constant 1 : i32
    scf.for %parallel_loop3A_1224 = %parallel_loop3A_351 to %parallel_loop3A_352 step %parallel_loop3A_353  : i32 {
      %parallel_loop3A_1225 = arith.constant 6 : i32
      %parallel_loop3A_1226 = arith.shrui %parallel_loop3A_1224, %parallel_loop3A_1225 : i32
      %parallel_loop3A_1227 = arith.constant 8 : i32
      %parallel_loop3A_1228 = arith.addi %parallel_loop3A_1227, %parallel_loop3A_1226 : i32
      %parallel_loop3A_1229 = arith.constant 63 : i32
      %parallel_loop3A_1230 = arith.andi %parallel_loop3A_1224, %parallel_loop3A_1229 : i32
      %parallel_loop3A_1231 = arith.constant 16 : i32
      %parallel_loop3A_1232 = arith.muli %parallel_loop3A_1230, %parallel_loop3A_1231 : i32
      %parallel_loop3A_1233 = tpu.assume_multiple %parallel_loop3A_1232, 16 : i32
      %parallel_loop3A_1234 = arith.index_cast %parallel_loop3A_1228 : i32 to index
      %parallel_loop3A_1235 = arith.index_cast %parallel_loop3A_1233 : i32 to index
      %parallel_loop3A_1236 = tpu.vector_load %arg10[%parallel_loop3A_1234, %parallel_loop3A_1235] {strides = array<i32>} : memref<16x1024xf32, #tpu.memory_space<vmem>>, vector<1x16xf32>,
      %parallel_loop3A_1237 = vector.shape_cast %parallel_loop3A_1236 : vector<1x16xf32> to vector<16xf32>
      %parallel_loop3A_1238 = arith.constant 3.200000e+01 : f32
      %parallel_loop3A_1239 = vector.broadcast %parallel_loop3A_1238 : f32 to vector<16xf32>
      %parallel_loop3A_1240 = arith.mulf %parallel_loop3A_1237, %parallel_loop3A_1239 : vector<16xf32>
      %parallel_loop3A_1241 = arith.index_cast %parallel_loop3A_1228 : i32 to index
      %parallel_loop3A_1242 = arith.index_cast %parallel_loop3A_1233 : i32 to index
      %parallel_loop3A_1243 = tpu.vector_load %arg12[%parallel_loop3A_1241, %parallel_loop3A_1242] {strides = array<i32>} : memref<16x1024xf32, #tpu.memory_space<vmem>>, vector<1x16xf32>,
      %parallel_loop3A_1244 = vector.shape_cast %parallel_loop3A_1243 : vector<1x16xf32> to vector<16xf32>
      %parallel_loop3A_1245 = arith.addf %parallel_loop3A_1240, %parallel_loop3A_1244 : vector<16xf32>
      %parallel_loop3A_1246 = arith.index_cast %parallel_loop3A_1228 : i32 to index
      %parallel_loop3A_1247 = arith.index_cast %parallel_loop3A_1233 : i32 to index
      %parallel_loop3A_1248 = tpu.vector_load %arg10[%parallel_loop3A_1246, %parallel_loop3A_1247] {strides = array<i32>} : memref<16x1024xf32, #tpu.memory_space<vmem>>, vector<1x16xf32>,
      %parallel_loop3A_1249 = vector.shape_cast %parallel_loop3A_1248 : vector<1x16xf32> to vector<16xf32>
      %parallel_loop3A_1250 = vector.shape_cast %parallel_loop3A_1245 : vector<16xf32> to vector<1x16xf32>
      tpu.vector_store %arg10[%parallel_loop3A_1246, %parallel_loop3A_1247], %parallel_loop3A_1250 {strides = array<i32>} : memref<16x1024xf32, #tpu.memory_space<vmem>>, vector<1x16xf32>,
    } {sc.loop_unroll_factor = 4 : i64, sc.parallel_access}
    %add3A_354 = arith.constant 0 : i32
    %add3A_355 = arith.addi %add3A_354, %mul3A_2 : i32
    %add3A_356 = arith.constant 16 : i32
    %add3A_357 = arith.addi %add3A_355, %add3A_356 : i32
    %add3A_358 = arith.constant 8 : i32
    %add3A_359 = arith.addi %add3A_357, %add3A_358 : i32
    %dma_start3A_360 = arith.constant 8 : i32
    %dma_start3A_361 = arith.constant 0 : i32
    %dma_start3A_362 = tpu.memref_slice %arg10[%dma_start3A_360, %dma_start3A_361] : memref<16x1024xf32, #tpu.memory_space<vmem>> -> memref<8x1024xf32, #tpu.memory_space<vmem>>
    %dma_start3A_363 = arith.constant 0 : i32
    %dma_start3A_364 = tpu.memref_slice %arg5[%add3A_359, %dma_start3A_363] : memref<8192x1024xf32, #tpu.memory_space<hbm>> -> memref<8x1024xf32, #tpu.memory_space<hbm>>
    %dma_start3A_365 = arith.constant 0 : i32
    %dma_start3A_366 = tpu.memref_slice %arg5[%add3A_359, %dma_start3A_365] : memref<8192x1024xf32, #tpu.memory_space<hbm>> -> memref<8x1024xf32, #tpu.memory_space<hbm>>
    %dma_start3A_367 = arith.constant 8 : i32
    %dma_start3A_368 = arith.constant 0 : i32
    %dma_start3A_369 = tpu.memref_slice %arg10[%dma_start3A_367, %dma_start3A_368] : memref<16x1024xf32, #tpu.memory_space<vmem>> -> memref<8x1024xf32, #tpu.memory_space<vmem>>
    tpu.enqueue_dma source(%dma_start3A_369 : memref<8x1024xf32, #tpu.memory_space<vmem>>) target(%dma_start3A_366 : memref<8x1024xf32, #tpu.memory_space<hbm>>) target_semaphore(%arg23 : memref<!tpu.dma_semaphore, #tpu.memory_space<semaphore_mem>>)
    %dma_wait3A_370 = arith.constant 0 : i32
    %dma_wait3A_371 = arith.constant 0 : i32
    %dma_wait3A_372 = tpu.memref_slice %arg9[%dma_wait3A_370, %dma_wait3A_371] : memref<16x1024xf32, #tpu.memory_space<vmem>> -> memref<8x1024xf32, #tpu.memory_space<vmem>>
    %dma_wait3A_373 = arith.constant 0 : i32
    %dma_wait3A_374 = arith.constant 0 : i32
    %dma_wait3A_375 = tpu.memref_slice %arg5[%dma_wait3A_373, %dma_wait3A_374] : memref<8192x1024xf32, #tpu.memory_space<hbm>> -> memref<8x1024xf32, #tpu.memory_space<hbm>>
    %dma_wait3A_376 = arith.constant 0 : i32
    %dma_wait3A_377 = arith.constant 0 : i32
    %dma_wait3A_378 = tpu.memref_slice %arg5[%dma_wait3A_376, %dma_wait3A_377] : memref<8192x1024xf32, #tpu.memory_space<hbm>> -> memref<8x1024xf32, #tpu.memory_space<hbm>>
    %dma_wait3A_379 = arith.constant 0 : i32
    %dma_wait3A_380 = arith.constant 0 : i32
    %dma_wait3A_381 = tpu.memref_slice %arg9[%dma_wait3A_379, %dma_wait3A_380] : memref<16x1024xf32, #tpu.memory_space<vmem>> -> memref<8x1024xf32, #tpu.memory_space<vmem>>
    tpu.wait_dma2 semaphore(%arg22 : memref<!tpu.dma_semaphore, #tpu.memory_space<semaphore_mem>>) src(%dma_wait3A_381 : memref<8x1024xf32, #tpu.memory_space<vmem>>) dst(%dma_wait3A_378 : memref<8x1024xf32, #tpu.memory_space<hbm>>)
    %dma_wait3A_382 = arith.constant 0 : i32
    %dma_wait3A_383 = arith.constant 0 : i32
    %dma_wait3A_384 = tpu.memref_slice %arg9[%dma_wait3A_382, %dma_wait3A_383] : memref<16x1024xf32, #tpu.memory_space<vmem>> -> memref<8x1024xf32, #tpu.memory_space<vmem>>
    %dma_wait3A_385 = arith.constant 0 : i32
    %dma_wait3A_386 = arith.constant 0 : i32
    %dma_wait3A_387 = tpu.memref_slice %arg5[%dma_wait3A_385, %dma_wait3A_386] : memref<8192x1024xf32, #tpu.memory_space<hbm>> -> memref<8x1024xf32, #tpu.memory_space<hbm>>
    %dma_wait3A_388 = arith.constant 0 : i32
    %dma_wait3A_389 = arith.constant 0 : i32
    %dma_wait3A_390 = tpu.memref_slice %arg5[%dma_wait3A_388, %dma_wait3A_389] : memref<8192x1024xf32, #tpu.memory_space<hbm>> -> memref<8x1024xf32, #tpu.memory_space<hbm>>
    %dma_wait3A_391 = arith.constant 0 : i32
    %dma_wait3A_392 = arith.constant 0 : i32
    %dma_wait3A_393 = tpu.memref_slice %arg9[%dma_wait3A_391, %dma_wait3A_392] : memref<16x1024xf32, #tpu.memory_space<vmem>> -> memref<8x1024xf32, #tpu.memory_space<vmem>>
    tpu.wait_dma2 semaphore(%arg22 : memref<!tpu.dma_semaphore, #tpu.memory_space<semaphore_mem>>) src(%dma_wait3A_393 : memref<8x1024xf32, #tpu.memory_space<vmem>>) dst(%dma_wait3A_390 : memref<8x1024xf32, #tpu.memory_space<hbm>>)
    %dma_start3A_394 = arith.constant 32 : i32
    %dma_start3A_395 = tpu.memref_slice %arg13[%dma_start3A_394] : memref<256xi32, #tpu.memory_space<vmem>> -> memref<16xi32, #tpu.memory_space<vmem>>
    %dma_start3A_396 = arith.constant 0 : i32
    %dma_start3A_397 = arith.constant 0 : i32
    %dma_start3A_398 = tpu.memref_slice %arg2[%dma_start3A_396, %dma_start3A_397] : memref<100000x1024xf32, #tpu.memory_space<hbm>> -> memref<100000x1024xf32, #tpu.memory_space<hbm>>
    tpu.enqueue_indirect_dma source(%dma_start3A_398 : memref<100000x1024xf32, #tpu.memory_space<hbm>>) target(%arg9 : memref<16x1024xf32, #tpu.memory_space<vmem>>) offsets(%dma_start3A_395 : memref<16xi32, #tpu.memory_space<vmem>>) semaphore(%arg17 : memref<!tpu.dma_semaphore, #tpu.memory_space<semaphore_mem>>)
    %dma_wait3A_399 = arith.constant 0 : i32
    %dma_wait3A_400 = arith.constant 0 : i32
    %dma_wait3A_401 = tpu.memref_slice %arg5[%dma_wait3A_399, %dma_wait3A_400] : memref<8192x1024xf32, #tpu.memory_space<hbm>> -> memref<16x1024xf32, #tpu.memory_space<hbm>>
    %dma_wait3A_402 = arith.constant 0 : i32
    %dma_wait3A_403 = arith.constant 0 : i32
    %dma_wait3A_404 = tpu.memref_slice %arg5[%dma_wait3A_402, %dma_wait3A_403] : memref<8192x1024xf32, #tpu.memory_space<hbm>> -> memref<16x1024xf32, #tpu.memory_space<hbm>>
    tpu.wait_dma2 semaphore(%arg14 : memref<!tpu.dma_semaphore, #tpu.memory_space<semaphore_mem>>) src(%dma_wait3A_404 : memref<16x1024xf32, #tpu.memory_space<hbm>>) dst(%arg6 : memref<16x1024xf32, #tpu.memory_space<vmem>>)
    %parallel_loop3A_405 = arith.constant 0 : i32
    %parallel_loop3A_406 = arith.constant 512 : i32
    %parallel_loop3A_407 = arith.constant 1 : i32
    scf.for %parallel_loop3A_1224 = %parallel_loop3A_405 to %parallel_loop3A_406 step %parallel_loop3A_407  : i32 {
      %parallel_loop3A_1225 = arith.constant 6 : i32
      %parallel_loop3A_1226 = arith.shrui %parallel_loop3A_1224, %parallel_loop3A_1225 : i32
      %parallel_loop3A_1227 = arith.constant 0 : i32
      %parallel_loop3A_1228 = arith.addi %parallel_loop3A_1227, %parallel_loop3A_1226 : i32
      %parallel_loop3A_1229 = arith.constant 63 : i32
      %parallel_loop3A_1230 = arith.andi %parallel_loop3A_1224, %parallel_loop3A_1229 : i32
      %parallel_loop3A_1231 = arith.constant 16 : i32
      %parallel_loop3A_1232 = arith.muli %parallel_loop3A_1230, %parallel_loop3A_1231 : i32
      %parallel_loop3A_1233 = tpu.assume_multiple %parallel_loop3A_1232, 16 : i32
      %parallel_loop3A_1234 = arith.index_cast %parallel_loop3A_1228 : i32 to index
      %parallel_loop3A_1235 = arith.index_cast %parallel_loop3A_1233 : i32 to index
      %parallel_loop3A_1236 = tpu.vector_load %arg6[%parallel_loop3A_1234, %parallel_loop3A_1235] {strides = array<i32>} : memref<16x1024xf32, #tpu.memory_space<vmem>>, vector<1x16xf32>,
      %parallel_loop3A_1237 = vector.shape_cast %parallel_loop3A_1236 : vector<1x16xf32> to vector<16xf32>
      %parallel_loop3A_1238 = arith.constant 3.200000e+01 : f32
      %parallel_loop3A_1239 = vector.broadcast %parallel_loop3A_1238 : f32 to vector<16xf32>
      %parallel_loop3A_1240 = arith.mulf %parallel_loop3A_1237, %parallel_loop3A_1239 : vector<16xf32>
      %parallel_loop3A_1241 = arith.index_cast %parallel_loop3A_1228 : i32 to index
      %parallel_loop3A_1242 = arith.index_cast %parallel_loop3A_1233 : i32 to index
      %parallel_loop3A_1243 = tpu.vector_load %arg12[%parallel_loop3A_1241, %parallel_loop3A_1242] {strides = array<i32>} : memref<16x1024xf32, #tpu.memory_space<vmem>>, vector<1x16xf32>,
      %parallel_loop3A_1244 = vector.shape_cast %parallel_loop3A_1243 : vector<1x16xf32> to vector<16xf32>
      %parallel_loop3A_1245 = arith.addf %parallel_loop3A_1240, %parallel_loop3A_1244 : vector<16xf32>
      %parallel_loop3A_1246 = arith.index_cast %parallel_loop3A_1228 : i32 to index
      %parallel_loop3A_1247 = arith.index_cast %parallel_loop3A_1233 : i32 to index
      %parallel_loop3A_1248 = tpu.vector_load %arg6[%parallel_loop3A_1246, %parallel_loop3A_1247] {strides = array<i32>} : memref<16x1024xf32, #tpu.memory_space<vmem>>, vector<1x16xf32>,
      %parallel_loop3A_1249 = vector.shape_cast %parallel_loop3A_1248 : vector<1x16xf32> to vector<16xf32>
      %parallel_loop3A_1250 = vector.shape_cast %parallel_loop3A_1245 : vector<16xf32> to vector<1x16xf32>
      tpu.vector_store %arg6[%parallel_loop3A_1246, %parallel_loop3A_1247], %parallel_loop3A_1250 {strides = array<i32>} : memref<16x1024xf32, #tpu.memory_space<vmem>>, vector<1x16xf32>,
    } {sc.loop_unroll_factor = 4 : i64, sc.parallel_access}
    %add3A_408 = arith.constant 2048 : i32
    %add3A_409 = arith.addi %add3A_408, %mul3A_2 : i32
    %add3A_410 = arith.constant 16 : i32
    %add3A_411 = arith.addi %add3A_409, %add3A_410 : i32
    %add3A_412 = arith.constant 0 : i32
    %add3A_413 = arith.addi %add3A_411, %add3A_412 : i32
    %dma_start3A_414 = arith.constant 0 : i32
    %dma_start3A_415 = arith.constant 0 : i32
    %dma_start3A_416 = tpu.memref_slice %arg6[%dma_start3A_414, %dma_start3A_415] : memref<16x1024xf32, #tpu.memory_space<vmem>> -> memref<8x1024xf32, #tpu.memory_space<vmem>>
    %dma_start3A_417 = arith.constant 0 : i32
    %dma_start3A_418 = tpu.memref_slice %arg5[%add3A_413, %dma_start3A_417] : memref<8192x1024xf32, #tpu.memory_space<hbm>> -> memref<8x1024xf32, #tpu.memory_space<hbm>>
    %dma_start3A_419 = arith.constant 0 : i32
    %dma_start3A_420 = tpu.memref_slice %arg5[%add3A_413, %dma_start3A_419] : memref<8192x1024xf32, #tpu.memory_space<hbm>> -> memref<8x1024xf32, #tpu.memory_space<hbm>>
    %dma_start3A_421 = arith.constant 0 : i32
    %dma_start3A_422 = arith.constant 0 : i32
    %dma_start3A_423 = tpu.memref_slice %arg6[%dma_start3A_421, %dma_start3A_422] : memref<16x1024xf32, #tpu.memory_space<vmem>> -> memref<8x1024xf32, #tpu.memory_space<vmem>>
    tpu.enqueue_dma source(%dma_start3A_423 : memref<8x1024xf32, #tpu.memory_space<vmem>>) target(%dma_start3A_420 : memref<8x1024xf32, #tpu.memory_space<hbm>>) target_semaphore(%arg19 : memref<!tpu.dma_semaphore, #tpu.memory_space<semaphore_mem>>)
    %parallel_loop3A_424 = arith.constant 0 : i32
    %parallel_loop3A_425 = arith.constant 512 : i32
    %parallel_loop3A_426 = arith.constant 1 : i32
    scf.for %parallel_loop3A_1224 = %parallel_loop3A_424 to %parallel_loop3A_425 step %parallel_loop3A_426  : i32 {
      %parallel_loop3A_1225 = arith.constant 6 : i32
      %parallel_loop3A_1226 = arith.shrui %parallel_loop3A_1224, %parallel_loop3A_1225 : i32
      %parallel_loop3A_1227 = arith.constant 8 : i32
      %parallel_loop3A_1228 = arith.addi %parallel_loop3A_1227, %parallel_loop3A_1226 : i32
      %parallel_loop3A_1229 = arith.constant 63 : i32
      %parallel_loop3A_1230 = arith.andi %parallel_loop3A_1224, %parallel_loop3A_1229 : i32
      %parallel_loop3A_1231 = arith.constant 16 : i32
      %parallel_loop3A_1232 = arith.muli %parallel_loop3A_1230, %parallel_loop3A_1231 : i32
      %parallel_loop3A_1233 = tpu.assume_multiple %parallel_loop3A_1232, 16 : i32
      %parallel_loop3A_1234 = arith.index_cast %parallel_loop3A_1228 : i32 to index
      %parallel_loop3A_1235 = arith.index_cast %parallel_loop3A_1233 : i32 to index
      %parallel_loop3A_1236 = tpu.vector_load %arg6[%parallel_loop3A_1234, %parallel_loop3A_1235] {strides = array<i32>} : memref<16x1024xf32, #tpu.memory_space<vmem>>, vector<1x16xf32>,
      %parallel_loop3A_1237 = vector.shape_cast %parallel_loop3A_1236 : vector<1x16xf32> to vector<16xf32>
      %parallel_loop3A_1238 = arith.constant 3.200000e+01 : f32
      %parallel_loop3A_1239 = vector.broadcast %parallel_loop3A_1238 : f32 to vector<16xf32>
      %parallel_loop3A_1240 = arith.mulf %parallel_loop3A_1237, %parallel_loop3A_1239 : vector<16xf32>
      %parallel_loop3A_1241 = arith.index_cast %parallel_loop3A_1228 : i32 to index
      %parallel_loop3A_1242 = arith.index_cast %parallel_loop3A_1233 : i32 to index
      %parallel_loop3A_1243 = tpu.vector_load %arg12[%parallel_loop3A_1241, %parallel_loop3A_1242] {strides = array<i32>} : memref<16x1024xf32, #tpu.memory_space<vmem>>, vector<1x16xf32>,
      %parallel_loop3A_1244 = vector.shape_cast %parallel_loop3A_1243 : vector<1x16xf32> to vector<16xf32>
      %parallel_loop3A_1245 = arith.addf %parallel_loop3A_1240, %parallel_loop3A_1244 : vector<16xf32>
      %parallel_loop3A_1246 = arith.index_cast %parallel_loop3A_1228 : i32 to index
      %parallel_loop3A_1247 = arith.index_cast %parallel_loop3A_1233 : i32 to index
      %parallel_loop3A_1248 = tpu.vector_load %arg6[%parallel_loop3A_1246, %parallel_loop3A_1247] {strides = array<i32>} : memref<16x1024xf32, #tpu.memory_space<vmem>>, vector<1x16xf32>,
      %parallel_loop3A_1249 = vector.shape_cast %parallel_loop3A_1248 : vector<1x16xf32> to vector<16xf32>
      %parallel_loop3A_1250 = vector.shape_cast %parallel_loop3A_1245 : vector<16xf32> to vector<1x16xf32>
      tpu.vector_store %arg6[%parallel_loop3A_1246, %parallel_loop3A_1247], %parallel_loop3A_1250 {strides = array<i32>} : memref<16x1024xf32, #tpu.memory_space<vmem>>, vector<1x16xf32>,
    } {sc.loop_unroll_factor = 4 : i64, sc.parallel_access}
    %add3A_427 = arith.constant 2048 : i32
    %add3A_428 = arith.addi %add3A_427, %mul3A_2 : i32
    %add3A_429 = arith.constant 16 : i32
    %add3A_430 = arith.addi %add3A_428, %add3A_429 : i32
    %add3A_431 = arith.constant 8 : i32
    %add3A_432 = arith.addi %add3A_430, %add3A_431 : i32
    %dma_start3A_433 = arith.constant 8 : i32
    %dma_start3A_434 = arith.constant 0 : i32
    %dma_start3A_435 = tpu.memref_slice %arg6[%dma_start3A_433, %dma_start3A_434] : memref<16x1024xf32, #tpu.memory_space<vmem>> -> memref<8x1024xf32, #tpu.memory_space<vmem>>
    %dma_start3A_436 = arith.constant 0 : i32
    %dma_start3A_437 = tpu.memref_slice %arg5[%add3A_432, %dma_start3A_436] : memref<8192x1024xf32, #tpu.memory_space<hbm>> -> memref<8x1024xf32, #tpu.memory_space<hbm>>
    %dma_start3A_438 = arith.constant 0 : i32
    %dma_start3A_439 = tpu.memref_slice %arg5[%add3A_432, %dma_start3A_438] : memref<8192x1024xf32, #tpu.memory_space<hbm>> -> memref<8x1024xf32, #tpu.memory_space<hbm>>
    %dma_start3A_440 = arith.constant 8 : i32
    %dma_start3A_441 = arith.constant 0 : i32
    %dma_start3A_442 = tpu.memref_slice %arg6[%dma_start3A_440, %dma_start3A_441] : memref<16x1024xf32, #tpu.memory_space<vmem>> -> memref<8x1024xf32, #tpu.memory_space<vmem>>
    tpu.enqueue_dma source(%dma_start3A_442 : memref<8x1024xf32, #tpu.memory_space<vmem>>) target(%dma_start3A_439 : memref<8x1024xf32, #tpu.memory_space<hbm>>) target_semaphore(%arg19 : memref<!tpu.dma_semaphore, #tpu.memory_space<semaphore_mem>>)
    %dma_wait3A_443 = arith.constant 0 : i32
    %dma_wait3A_444 = arith.constant 0 : i32
    %dma_wait3A_445 = tpu.memref_slice %arg10[%dma_wait3A_443, %dma_wait3A_444] : memref<16x1024xf32, #tpu.memory_space<vmem>> -> memref<8x1024xf32, #tpu.memory_space<vmem>>
    %dma_wait3A_446 = arith.constant 0 : i32
    %dma_wait3A_447 = arith.constant 0 : i32
    %dma_wait3A_448 = tpu.memref_slice %arg5[%dma_wait3A_446, %dma_wait3A_447] : memref<8192x1024xf32, #tpu.memory_space<hbm>> -> memref<8x1024xf32, #tpu.memory_space<hbm>>
    %dma_wait3A_449 = arith.constant 0 : i32
    %dma_wait3A_450 = arith.constant 0 : i32
    %dma_wait3A_451 = tpu.memref_slice %arg5[%dma_wait3A_449, %dma_wait3A_450] : memref<8192x1024xf32, #tpu.memory_space<hbm>> -> memref<8x1024xf32, #tpu.memory_space<hbm>>
    %dma_wait3A_452 = arith.constant 0 : i32
    %dma_wait3A_453 = arith.constant 0 : i32
    %dma_wait3A_454 = tpu.memref_slice %arg10[%dma_wait3A_452, %dma_wait3A_453] : memref<16x1024xf32, #tpu.memory_space<vmem>> -> memref<8x1024xf32, #tpu.memory_space<vmem>>
    tpu.wait_dma2 semaphore(%arg23 : memref<!tpu.dma_semaphore, #tpu.memory_space<semaphore_mem>>) src(%dma_wait3A_454 : memref<8x1024xf32, #tpu.memory_space<vmem>>) dst(%dma_wait3A_451 : memref<8x1024xf32, #tpu.memory_space<hbm>>)
    %dma_wait3A_455 = arith.constant 0 : i32
    %dma_wait3A_456 = arith.constant 0 : i32
    %dma_wait3A_457 = tpu.memref_slice %arg10[%dma_wait3A_455, %dma_wait3A_456] : memref<16x1024xf32, #tpu.memory_space<vmem>> -> memref<8x1024xf32, #tpu.memory_space<vmem>>
    %dma_wait3A_458 = arith.constant 0 : i32
    %dma_wait3A_459 = arith.constant 0 : i32
    %dma_wait3A_460 = tpu.memref_slice %arg5[%dma_wait3A_458, %dma_wait3A_459] : memref<8192x1024xf32, #tpu.memory_space<hbm>> -> memref<8x1024xf32, #tpu.memory_space<hbm>>
    %dma_wait3A_461 = arith.constant 0 : i32
    %dma_wait3A_462 = arith.constant 0 : i32
    %dma_wait3A_463 = tpu.memref_slice %arg5[%dma_wait3A_461, %dma_wait3A_462] : memref<8192x1024xf32, #tpu.memory_space<hbm>> -> memref<8x1024xf32, #tpu.memory_space<hbm>>
    %dma_wait3A_464 = arith.constant 0 : i32
    %dma_wait3A_465 = arith.constant 0 : i32
    %dma_wait3A_466 = tpu.memref_slice %arg10[%dma_wait3A_464, %dma_wait3A_465] : memref<16x1024xf32, #tpu.memory_space<vmem>> -> memref<8x1024xf32, #tpu.memory_space<vmem>>
    tpu.wait_dma2 semaphore(%arg23 : memref<!tpu.dma_semaphore, #tpu.memory_space<semaphore_mem>>) src(%dma_wait3A_466 : memref<8x1024xf32, #tpu.memory_space<vmem>>) dst(%dma_wait3A_463 : memref<8x1024xf32, #tpu.memory_space<hbm>>)
    %dma_start3A_467 = arith.constant 96 : i32
    %dma_start3A_468 = tpu.memref_slice %arg13[%dma_start3A_467] : memref<256xi32, #tpu.memory_space<vmem>> -> memref<16xi32, #tpu.memory_space<vmem>>
    %dma_start3A_469 = arith.constant 0 : i32
    %dma_start3A_470 = arith.constant 0 : i32
    %dma_start3A_471 = tpu.memref_slice %arg2[%dma_start3A_469, %dma_start3A_470] : memref<100000x1024xf32, #tpu.memory_space<hbm>> -> memref<100000x1024xf32, #tpu.memory_space<hbm>>
    tpu.enqueue_indirect_dma source(%dma_start3A_471 : memref<100000x1024xf32, #tpu.memory_space<hbm>>) target(%arg10 : memref<16x1024xf32, #tpu.memory_space<vmem>>) offsets(%dma_start3A_468 : memref<16xi32, #tpu.memory_space<vmem>>) semaphore(%arg18 : memref<!tpu.dma_semaphore, #tpu.memory_space<semaphore_mem>>)
    %dma_wait3A_472 = arith.constant 0 : i32
    %dma_wait3A_473 = arith.constant 0 : i32
    %dma_wait3A_474 = tpu.memref_slice %arg5[%dma_wait3A_472, %dma_wait3A_473] : memref<8192x1024xf32, #tpu.memory_space<hbm>> -> memref<16x1024xf32, #tpu.memory_space<hbm>>
    %dma_wait3A_475 = arith.constant 0 : i32
    %dma_wait3A_476 = arith.constant 0 : i32
    %dma_wait3A_477 = tpu.memref_slice %arg5[%dma_wait3A_475, %dma_wait3A_476] : memref<8192x1024xf32, #tpu.memory_space<hbm>> -> memref<16x1024xf32, #tpu.memory_space<hbm>>
    tpu.wait_dma2 semaphore(%arg15 : memref<!tpu.dma_semaphore, #tpu.memory_space<semaphore_mem>>) src(%dma_wait3A_477 : memref<16x1024xf32, #tpu.memory_space<hbm>>) dst(%arg7 : memref<16x1024xf32, #tpu.memory_space<vmem>>)
    %parallel_loop3A_478 = arith.constant 0 : i32
    %parallel_loop3A_479 = arith.constant 512 : i32
    %parallel_loop3A_480 = arith.constant 1 : i32
    scf.for %parallel_loop3A_1224 = %parallel_loop3A_478 to %parallel_loop3A_479 step %parallel_loop3A_480  : i32 {
      %parallel_loop3A_1225 = arith.constant 6 : i32
      %parallel_loop3A_1226 = arith.shrui %parallel_loop3A_1224, %parallel_loop3A_1225 : i32
      %parallel_loop3A_1227 = arith.constant 0 : i32
      %parallel_loop3A_1228 = arith.addi %parallel_loop3A_1227, %parallel_loop3A_1226 : i32
      %parallel_loop3A_1229 = arith.constant 63 : i32
      %parallel_loop3A_1230 = arith.andi %parallel_loop3A_1224, %parallel_loop3A_1229 : i32
      %parallel_loop3A_1231 = arith.constant 16 : i32
      %parallel_loop3A_1232 = arith.muli %parallel_loop3A_1230, %parallel_loop3A_1231 : i32
      %parallel_loop3A_1233 = tpu.assume_multiple %parallel_loop3A_1232, 16 : i32
      %parallel_loop3A_1234 = arith.index_cast %parallel_loop3A_1228 : i32 to index
      %parallel_loop3A_1235 = arith.index_cast %parallel_loop3A_1233 : i32 to index
      %parallel_loop3A_1236 = tpu.vector_load %arg7[%parallel_loop3A_1234, %parallel_loop3A_1235] {strides = array<i32>} : memref<16x1024xf32, #tpu.memory_space<vmem>>, vector<1x16xf32>,
      %parallel_loop3A_1237 = vector.shape_cast %parallel_loop3A_1236 : vector<1x16xf32> to vector<16xf32>
      %parallel_loop3A_1238 = arith.constant 3.200000e+01 : f32
      %parallel_loop3A_1239 = vector.broadcast %parallel_loop3A_1238 : f32 to vector<16xf32>
      %parallel_loop3A_1240 = arith.mulf %parallel_loop3A_1237, %parallel_loop3A_1239 : vector<16xf32>
      %parallel_loop3A_1241 = arith.index_cast %parallel_loop3A_1228 : i32 to index
      %parallel_loop3A_1242 = arith.index_cast %parallel_loop3A_1233 : i32 to index
      %parallel_loop3A_1243 = tpu.vector_load %arg12[%parallel_loop3A_1241, %parallel_loop3A_1242] {strides = array<i32>} : memref<16x1024xf32, #tpu.memory_space<vmem>>, vector<1x16xf32>,
      %parallel_loop3A_1244 = vector.shape_cast %parallel_loop3A_1243 : vector<1x16xf32> to vector<16xf32>
      %parallel_loop3A_1245 = arith.addf %parallel_loop3A_1240, %parallel_loop3A_1244 : vector<16xf32>
      %parallel_loop3A_1246 = arith.index_cast %parallel_loop3A_1228 : i32 to index
      %parallel_loop3A_1247 = arith.index_cast %parallel_loop3A_1233 : i32 to index
      %parallel_loop3A_1248 = tpu.vector_load %arg7[%parallel_loop3A_1246, %parallel_loop3A_1247] {strides = array<i32>} : memref<16x1024xf32, #tpu.memory_space<vmem>>, vector<1x16xf32>,
      %parallel_loop3A_1249 = vector.shape_cast %parallel_loop3A_1248 : vector<1x16xf32> to vector<16xf32>
      %parallel_loop3A_1250 = vector.shape_cast %parallel_loop3A_1245 : vector<16xf32> to vector<1x16xf32>
      tpu.vector_store %arg7[%parallel_loop3A_1246, %parallel_loop3A_1247], %parallel_loop3A_1250 {strides = array<i32>} : memref<16x1024xf32, #tpu.memory_space<vmem>>, vector<1x16xf32>,
    } {sc.loop_unroll_factor = 4 : i64, sc.parallel_access}
    %add3A_481 = arith.constant 4096 : i32
    %add3A_482 = arith.addi %add3A_481, %mul3A_2 : i32
    %add3A_483 = arith.constant 16 : i32
    %add3A_484 = arith.addi %add3A_482, %add3A_483 : i32
    %add3A_485 = arith.constant 0 : i32
    %add3A_486 = arith.addi %add3A_484, %add3A_485 : i32
    %dma_start3A_487 = arith.constant 0 : i32
    %dma_start3A_488 = arith.constant 0 : i32
    %dma_start3A_489 = tpu.memref_slice %arg7[%dma_start3A_487, %dma_start3A_488] : memref<16x1024xf32, #tpu.memory_space<vmem>> -> memref<8x1024xf32, #tpu.memory_space<vmem>>
    %dma_start3A_490 = arith.constant 0 : i32
    %dma_start3A_491 = tpu.memref_slice %arg5[%add3A_486, %dma_start3A_490] : memref<8192x1024xf32, #tpu.memory_space<hbm>> -> memref<8x1024xf32, #tpu.memory_space<hbm>>
    %dma_start3A_492 = arith.constant 0 : i32
    %dma_start3A_493 = tpu.memref_slice %arg5[%add3A_486, %dma_start3A_492] : memref<8192x1024xf32, #tpu.memory_space<hbm>> -> memref<8x1024xf32, #tpu.memory_space<hbm>>
    %dma_start3A_494 = arith.constant 0 : i32
    %dma_start3A_495 = arith.constant 0 : i32
    %dma_start3A_496 = tpu.memref_slice %arg7[%dma_start3A_494, %dma_start3A_495] : memref<16x1024xf32, #tpu.memory_space<vmem>> -> memref<8x1024xf32, #tpu.memory_space<vmem>>
    tpu.enqueue_dma source(%dma_start3A_496 : memref<8x1024xf32, #tpu.memory_space<vmem>>) target(%dma_start3A_493 : memref<8x1024xf32, #tpu.memory_space<hbm>>) target_semaphore(%arg20 : memref<!tpu.dma_semaphore, #tpu.memory_space<semaphore_mem>>)
    %parallel_loop3A_497 = arith.constant 0 : i32
    %parallel_loop3A_498 = arith.constant 512 : i32
    %parallel_loop3A_499 = arith.constant 1 : i32
    scf.for %parallel_loop3A_1224 = %parallel_loop3A_497 to %parallel_loop3A_498 step %parallel_loop3A_499  : i32 {
      %parallel_loop3A_1225 = arith.constant 6 : i32
      %parallel_loop3A_1226 = arith.shrui %parallel_loop3A_1224, %parallel_loop3A_1225 : i32
      %parallel_loop3A_1227 = arith.constant 8 : i32
      %parallel_loop3A_1228 = arith.addi %parallel_loop3A_1227, %parallel_loop3A_1226 : i32
      %parallel_loop3A_1229 = arith.constant 63 : i32
      %parallel_loop3A_1230 = arith.andi %parallel_loop3A_1224, %parallel_loop3A_1229 : i32
      %parallel_loop3A_1231 = arith.constant 16 : i32
      %parallel_loop3A_1232 = arith.muli %parallel_loop3A_1230, %parallel_loop3A_1231 : i32
      %parallel_loop3A_1233 = tpu.assume_multiple %parallel_loop3A_1232, 16 : i32
      %parallel_loop3A_1234 = arith.index_cast %parallel_loop3A_1228 : i32 to index
      %parallel_loop3A_1235 = arith.index_cast %parallel_loop3A_1233 : i32 to index
      %parallel_loop3A_1236 = tpu.vector_load %arg7[%parallel_loop3A_1234, %parallel_loop3A_1235] {strides = array<i32>} : memref<16x1024xf32, #tpu.memory_space<vmem>>, vector<1x16xf32>,
      %parallel_loop3A_1237 = vector.shape_cast %parallel_loop3A_1236 : vector<1x16xf32> to vector<16xf32>
      %parallel_loop3A_1238 = arith.constant 3.200000e+01 : f32
      %parallel_loop3A_1239 = vector.broadcast %parallel_loop3A_1238 : f32 to vector<16xf32>
      %parallel_loop3A_1240 = arith.mulf %parallel_loop3A_1237, %parallel_loop3A_1239 : vector<16xf32>
      %parallel_loop3A_1241 = arith.index_cast %parallel_loop3A_1228 : i32 to index
      %parallel_loop3A_1242 = arith.index_cast %parallel_loop3A_1233 : i32 to index
      %parallel_loop3A_1243 = tpu.vector_load %arg12[%parallel_loop3A_1241, %parallel_loop3A_1242] {strides = array<i32>} : memref<16x1024xf32, #tpu.memory_space<vmem>>, vector<1x16xf32>,
      %parallel_loop3A_1244 = vector.shape_cast %parallel_loop3A_1243 : vector<1x16xf32> to vector<16xf32>
      %parallel_loop3A_1245 = arith.addf %parallel_loop3A_1240, %parallel_loop3A_1244 : vector<16xf32>
      %parallel_loop3A_1246 = arith.index_cast %parallel_loop3A_1228 : i32 to index
      %parallel_loop3A_1247 = arith.index_cast %parallel_loop3A_1233 : i32 to index
      %parallel_loop3A_1248 = tpu.vector_load %arg7[%parallel_loop3A_1246, %parallel_loop3A_1247] {strides = array<i32>} : memref<16x1024xf32, #tpu.memory_space<vmem>>, vector<1x16xf32>,
      %parallel_loop3A_1249 = vector.shape_cast %parallel_loop3A_1248 : vector<1x16xf32> to vector<16xf32>
      %parallel_loop3A_1250 = vector.shape_cast %parallel_loop3A_1245 : vector<16xf32> to vector<1x16xf32>
      tpu.vector_store %arg7[%parallel_loop3A_1246, %parallel_loop3A_1247], %parallel_loop3A_1250 {strides = array<i32>} : memref<16x1024xf32, #tpu.memory_space<vmem>>, vector<1x16xf32>,
    } {sc.loop_unroll_factor = 4 : i64, sc.parallel_access}
    %add3A_500 = arith.constant 4096 : i32
    %add3A_501 = arith.addi %add3A_500, %mul3A_2 : i32
    %add3A_502 = arith.constant 16 : i32
    %add3A_503 = arith.addi %add3A_501, %add3A_502 : i32
    %add3A_504 = arith.constant 8 : i32
    %add3A_505 = arith.addi %add3A_503, %add3A_504 : i32
    %dma_start3A_506 = arith.constant 8 : i32
    %dma_start3A_507 = arith.constant 0 : i32
    %dma_start3A_508 = tpu.memref_slice %arg7[%dma_start3A_506, %dma_start3A_507] : memref<16x1024xf32, #tpu.memory_space<vmem>> -> memref<8x1024xf32, #tpu.memory_space<vmem>>
    %dma_start3A_509 = arith.constant 0 : i32
    %dma_start3A_510 = tpu.memref_slice %arg5[%add3A_505, %dma_start3A_509] : memref<8192x1024xf32, #tpu.memory_space<hbm>> -> memref<8x1024xf32, #tpu.memory_space<hbm>>
    %dma_start3A_511 = arith.constant 0 : i32
    %dma_start3A_512 = tpu.memref_slice %arg5[%add3A_505, %dma_start3A_511] : memref<8192x1024xf32, #tpu.memory_space<hbm>> -> memref<8x1024xf32, #tpu.memory_space<hbm>>
    %dma_start3A_513 = arith.constant 8 : i32
    %dma_start3A_514 = arith.constant 0 : i32
    %dma_start3A_515 = tpu.memref_slice %arg7[%dma_start3A_513, %dma_start3A_514] : memref<16x1024xf32, #tpu.memory_space<vmem>> -> memref<8x1024xf32, #tpu.memory_space<vmem>>
    tpu.enqueue_dma source(%dma_start3A_515 : memref<8x1024xf32, #tpu.memory_space<vmem>>) target(%dma_start3A_512 : memref<8x1024xf32, #tpu.memory_space<hbm>>) target_semaphore(%arg20 : memref<!tpu.dma_semaphore, #tpu.memory_space<semaphore_mem>>)
    %dma_wait3A_516 = arith.constant 0 : i32
    %dma_wait3A_517 = arith.constant 0 : i32
    %dma_wait3A_518 = tpu.memref_slice %arg6[%dma_wait3A_516, %dma_wait3A_517] : memref<16x1024xf32, #tpu.memory_space<vmem>> -> memref<8x1024xf32, #tpu.memory_space<vmem>>
    %dma_wait3A_519 = arith.constant 0 : i32
    %dma_wait3A_520 = arith.constant 0 : i32
    %dma_wait3A_521 = tpu.memref_slice %arg5[%dma_wait3A_519, %dma_wait3A_520] : memref<8192x1024xf32, #tpu.memory_space<hbm>> -> memref<8x1024xf32, #tpu.memory_space<hbm>>
    %dma_wait3A_522 = arith.constant 0 : i32
    %dma_wait3A_523 = arith.constant 0 : i32
    %dma_wait3A_524 = tpu.memref_slice %arg5[%dma_wait3A_522, %dma_wait3A_523] : memref<8192x1024xf32, #tpu.memory_space<hbm>> -> memref<8x1024xf32, #tpu.memory_space<hbm>>
    %dma_wait3A_525 = arith.constant 0 : i32
    %dma_wait3A_526 = arith.constant 0 : i32
    %dma_wait3A_527 = tpu.memref_slice %arg6[%dma_wait3A_525, %dma_wait3A_526] : memref<16x1024xf32, #tpu.memory_space<vmem>> -> memref<8x1024xf32, #tpu.memory_space<vmem>>
    tpu.wait_dma2 semaphore(%arg19 : memref<!tpu.dma_semaphore, #tpu.memory_space<semaphore_mem>>) src(%dma_wait3A_527 : memref<8x1024xf32, #tpu.memory_space<vmem>>) dst(%dma_wait3A_524 : memref<8x1024xf32, #tpu.memory_space<hbm>>)
    %dma_wait3A_528 = arith.constant 0 : i32
    %dma_wait3A_529 = arith.constant 0 : i32
    %dma_wait3A_530 = tpu.memref_slice %arg6[%dma_wait3A_528, %dma_wait3A_529] : memref<16x1024xf32, #tpu.memory_space<vmem>> -> memref<8x1024xf32, #tpu.memory_space<vmem>>
    %dma_wait3A_531 = arith.constant 0 : i32
    %dma_wait3A_532 = arith.constant 0 : i32
    %dma_wait3A_533 = tpu.memref_slice %arg5[%dma_wait3A_531, %dma_wait3A_532] : memref<8192x1024xf32, #tpu.memory_space<hbm>> -> memref<8x1024xf32, #tpu.memory_space<hbm>>
    %dma_wait3A_534 = arith.constant 0 : i32
    %dma_wait3A_535 = arith.constant 0 : i32
    %dma_wait3A_536 = tpu.memref_slice %arg5[%dma_wait3A_534, %dma_wait3A_535] : memref<8192x1024xf32, #tpu.memory_space<hbm>> -> memref<8x1024xf32, #tpu.memory_space<hbm>>
    %dma_wait3A_537 = arith.constant 0 : i32
    %dma_wait3A_538 = arith.constant 0 : i32
    %dma_wait3A_539 = tpu.memref_slice %arg6[%dma_wait3A_537, %dma_wait3A_538] : memref<16x1024xf32, #tpu.memory_space<vmem>> -> memref<8x1024xf32, #tpu.memory_space<vmem>>
    tpu.wait_dma2 semaphore(%arg19 : memref<!tpu.dma_semaphore, #tpu.memory_space<semaphore_mem>>) src(%dma_wait3A_539 : memref<8x1024xf32, #tpu.memory_space<vmem>>) dst(%dma_wait3A_536 : memref<8x1024xf32, #tpu.memory_space<hbm>>)
    %dma_start3A_540 = arith.constant 160 : i32
    %dma_start3A_541 = tpu.memref_slice %arg13[%dma_start3A_540] : memref<256xi32, #tpu.memory_space<vmem>> -> memref<16xi32, #tpu.memory_space<vmem>>
    %dma_start3A_542 = arith.constant 0 : i32
    %dma_start3A_543 = arith.constant 0 : i32
    %dma_start3A_544 = tpu.memref_slice %arg2[%dma_start3A_542, %dma_start3A_543] : memref<100000x1024xf32, #tpu.memory_space<hbm>> -> memref<100000x1024xf32, #tpu.memory_space<hbm>>
    tpu.enqueue_indirect_dma source(%dma_start3A_544 : memref<100000x1024xf32, #tpu.memory_space<hbm>>) target(%arg6 : memref<16x1024xf32, #tpu.memory_space<vmem>>) offsets(%dma_start3A_541 : memref<16xi32, #tpu.memory_space<vmem>>) semaphore(%arg14 : memref<!tpu.dma_semaphore, #tpu.memory_space<semaphore_mem>>)
    %dma_wait3A_545 = arith.constant 0 : i32
    %dma_wait3A_546 = arith.constant 0 : i32
    %dma_wait3A_547 = tpu.memref_slice %arg5[%dma_wait3A_545, %dma_wait3A_546] : memref<8192x1024xf32, #tpu.memory_space<hbm>> -> memref<16x1024xf32, #tpu.memory_space<hbm>>
    %dma_wait3A_548 = arith.constant 0 : i32
    %dma_wait3A_549 = arith.constant 0 : i32
    %dma_wait3A_550 = tpu.memref_slice %arg5[%dma_wait3A_548, %dma_wait3A_549] : memref<8192x1024xf32, #tpu.memory_space<hbm>> -> memref<16x1024xf32, #tpu.memory_space<hbm>>
    tpu.wait_dma2 semaphore(%arg16 : memref<!tpu.dma_semaphore, #tpu.memory_space<semaphore_mem>>) src(%dma_wait3A_550 : memref<16x1024xf32, #tpu.memory_space<hbm>>) dst(%arg8 : memref<16x1024xf32, #tpu.memory_space<vmem>>)
    %parallel_loop3A_551 = arith.constant 0 : i32
    %parallel_loop3A_552 = arith.constant 512 : i32
    %parallel_loop3A_553 = arith.constant 1 : i32
    scf.for %parallel_loop3A_1224 = %parallel_loop3A_551 to %parallel_loop3A_552 step %parallel_loop3A_553  : i32 {
      %parallel_loop3A_1225 = arith.constant 6 : i32
      %parallel_loop3A_1226 = arith.shrui %parallel_loop3A_1224, %parallel_loop3A_1225 : i32
      %parallel_loop3A_1227 = arith.constant 0 : i32
      %parallel_loop3A_1228 = arith.addi %parallel_loop3A_1227, %parallel_loop3A_1226 : i32
      %parallel_loop3A_1229 = arith.constant 63 : i32
      %parallel_loop3A_1230 = arith.andi %parallel_loop3A_1224, %parallel_loop3A_1229 : i32
      %parallel_loop3A_1231 = arith.constant 16 : i32
      %parallel_loop3A_1232 = arith.muli %parallel_loop3A_1230, %parallel_loop3A_1231 : i32
      %parallel_loop3A_1233 = tpu.assume_multiple %parallel_loop3A_1232, 16 : i32
      %parallel_loop3A_1234 = arith.index_cast %parallel_loop3A_1228 : i32 to index
      %parallel_loop3A_1235 = arith.index_cast %parallel_loop3A_1233 : i32 to index
      %parallel_loop3A_1236 = tpu.vector_load %arg8[%parallel_loop3A_1234, %parallel_loop3A_1235] {strides = array<i32>} : memref<16x1024xf32, #tpu.memory_space<vmem>>, vector<1x16xf32>,
      %parallel_loop3A_1237 = vector.shape_cast %parallel_loop3A_1236 : vector<1x16xf32> to vector<16xf32>
      %parallel_loop3A_1238 = arith.constant 3.200000e+01 : f32
      %parallel_loop3A_1239 = vector.broadcast %parallel_loop3A_1238 : f32 to vector<16xf32>
      %parallel_loop3A_1240 = arith.mulf %parallel_loop3A_1237, %parallel_loop3A_1239 : vector<16xf32>
      %parallel_loop3A_1241 = arith.index_cast %parallel_loop3A_1228 : i32 to index
      %parallel_loop3A_1242 = arith.index_cast %parallel_loop3A_1233 : i32 to index
      %parallel_loop3A_1243 = tpu.vector_load %arg12[%parallel_loop3A_1241, %parallel_loop3A_1242] {strides = array<i32>} : memref<16x1024xf32, #tpu.memory_space<vmem>>, vector<1x16xf32>,
      %parallel_loop3A_1244 = vector.shape_cast %parallel_loop3A_1243 : vector<1x16xf32> to vector<16xf32>
      %parallel_loop3A_1245 = arith.addf %parallel_loop3A_1240, %parallel_loop3A_1244 : vector<16xf32>
      %parallel_loop3A_1246 = arith.index_cast %parallel_loop3A_1228 : i32 to index
      %parallel_loop3A_1247 = arith.index_cast %parallel_loop3A_1233 : i32 to index
      %parallel_loop3A_1248 = tpu.vector_load %arg8[%parallel_loop3A_1246, %parallel_loop3A_1247] {strides = array<i32>} : memref<16x1024xf32, #tpu.memory_space<vmem>>, vector<1x16xf32>,
      %parallel_loop3A_1249 = vector.shape_cast %parallel_loop3A_1248 : vector<1x16xf32> to vector<16xf32>
      %parallel_loop3A_1250 = vector.shape_cast %parallel_loop3A_1245 : vector<16xf32> to vector<1x16xf32>
      tpu.vector_store %arg8[%parallel_loop3A_1246, %parallel_loop3A_1247], %parallel_loop3A_1250 {strides = array<i32>} : memref<16x1024xf32, #tpu.memory_space<vmem>>, vector<1x16xf32>,
    } {sc.loop_unroll_factor = 4 : i64, sc.parallel_access}
    %add3A_554 = arith.constant 6144 : i32
    %add3A_555 = arith.addi %add3A_554, %mul3A_2 : i32
    %add3A_556 = arith.constant 16 : i32
    %add3A_557 = arith.addi %add3A_555, %add3A_556 : i32
    %add3A_558 = arith.constant 0 : i32
    %add3A_559 = arith.addi %add3A_557, %add3A_558 : i32
    %dma_start3A_560 = arith.constant 0 : i32
    %dma_start3A_561 = arith.constant 0 : i32
    %dma_start3A_562 = tpu.memref_slice %arg8[%dma_start3A_560, %dma_start3A_561] : memref<16x1024xf32, #tpu.memory_space<vmem>> -> memref<8x1024xf32, #tpu.memory_space<vmem>>
    %dma_start3A_563 = arith.constant 0 : i32
    %dma_start3A_564 = tpu.memref_slice %arg5[%add3A_559, %dma_start3A_563] : memref<8192x1024xf32, #tpu.memory_space<hbm>> -> memref<8x1024xf32, #tpu.memory_space<hbm>>
    %dma_start3A_565 = arith.constant 0 : i32
    %dma_start3A_566 = tpu.memref_slice %arg5[%add3A_559, %dma_start3A_565] : memref<8192x1024xf32, #tpu.memory_space<hbm>> -> memref<8x1024xf32, #tpu.memory_space<hbm>>
    %dma_start3A_567 = arith.constant 0 : i32
    %dma_start3A_568 = arith.constant 0 : i32
    %dma_start3A_569 = tpu.memref_slice %arg8[%dma_start3A_567, %dma_start3A_568] : memref<16x1024xf32, #tpu.memory_space<vmem>> -> memref<8x1024xf32, #tpu.memory_space<vmem>>
    tpu.enqueue_dma source(%dma_start3A_569 : memref<8x1024xf32, #tpu.memory_space<vmem>>) target(%dma_start3A_566 : memref<8x1024xf32, #tpu.memory_space<hbm>>) target_semaphore(%arg21 : memref<!tpu.dma_semaphore, #tpu.memory_space<semaphore_mem>>)
    %parallel_loop3A_570 = arith.constant 0 : i32
    %parallel_loop3A_571 = arith.constant 512 : i32
    %parallel_loop3A_572 = arith.constant 1 : i32
    scf.for %parallel_loop3A_1224 = %parallel_loop3A_570 to %parallel_loop3A_571 step %parallel_loop3A_572  : i32 {
      %parallel_loop3A_1225 = arith.constant 6 : i32
      %parallel_loop3A_1226 = arith.shrui %parallel_loop3A_1224, %parallel_loop3A_1225 : i32
      %parallel_loop3A_1227 = arith.constant 8 : i32
      %parallel_loop3A_1228 = arith.addi %parallel_loop3A_1227, %parallel_loop3A_1226 : i32
      %parallel_loop3A_1229 = arith.constant 63 : i32
      %parallel_loop3A_1230 = arith.andi %parallel_loop3A_1224, %parallel_loop3A_1229 : i32
      %parallel_loop3A_1231 = arith.constant 16 : i32
      %parallel_loop3A_1232 = arith.muli %parallel_loop3A_1230, %parallel_loop3A_1231 : i32
      %parallel_loop3A_1233 = tpu.assume_multiple %parallel_loop3A_1232, 16 : i32
      %parallel_loop3A_1234 = arith.index_cast %parallel_loop3A_1228 : i32 to index
      %parallel_loop3A_1235 = arith.index_cast %parallel_loop3A_1233 : i32 to index
      %parallel_loop3A_1236 = tpu.vector_load %arg8[%parallel_loop3A_1234, %parallel_loop3A_1235] {strides = array<i32>} : memref<16x1024xf32, #tpu.memory_space<vmem>>, vector<1x16xf32>,
      %parallel_loop3A_1237 = vector.shape_cast %parallel_loop3A_1236 : vector<1x16xf32> to vector<16xf32>
      %parallel_loop3A_1238 = arith.constant 3.200000e+01 : f32
      %parallel_loop3A_1239 = vector.broadcast %parallel_loop3A_1238 : f32 to vector<16xf32>
      %parallel_loop3A_1240 = arith.mulf %parallel_loop3A_1237, %parallel_loop3A_1239 : vector<16xf32>
      %parallel_loop3A_1241 = arith.index_cast %parallel_loop3A_1228 : i32 to index
      %parallel_loop3A_1242 = arith.index_cast %parallel_loop3A_1233 : i32 to index
      %parallel_loop3A_1243 = tpu.vector_load %arg12[%parallel_loop3A_1241, %parallel_loop3A_1242] {strides = array<i32>} : memref<16x1024xf32, #tpu.memory_space<vmem>>, vector<1x16xf32>,
      %parallel_loop3A_1244 = vector.shape_cast %parallel_loop3A_1243 : vector<1x16xf32> to vector<16xf32>
      %parallel_loop3A_1245 = arith.addf %parallel_loop3A_1240, %parallel_loop3A_1244 : vector<16xf32>
      %parallel_loop3A_1246 = arith.index_cast %parallel_loop3A_1228 : i32 to index
      %parallel_loop3A_1247 = arith.index_cast %parallel_loop3A_1233 : i32 to index
      %parallel_loop3A_1248 = tpu.vector_load %arg8[%parallel_loop3A_1246, %parallel_loop3A_1247] {strides = array<i32>} : memref<16x1024xf32, #tpu.memory_space<vmem>>, vector<1x16xf32>,
      %parallel_loop3A_1249 = vector.shape_cast %parallel_loop3A_1248 : vector<1x16xf32> to vector<16xf32>
      %parallel_loop3A_1250 = vector.shape_cast %parallel_loop3A_1245 : vector<16xf32> to vector<1x16xf32>
      tpu.vector_store %arg8[%parallel_loop3A_1246, %parallel_loop3A_1247], %parallel_loop3A_1250 {strides = array<i32>} : memref<16x1024xf32, #tpu.memory_space<vmem>>, vector<1x16xf32>,
    } {sc.loop_unroll_factor = 4 : i64, sc.parallel_access}
    %add3A_573 = arith.constant 6144 : i32
    %add3A_574 = arith.addi %add3A_573, %mul3A_2 : i32
    %add3A_575 = arith.constant 16 : i32
    %add3A_576 = arith.addi %add3A_574, %add3A_575 : i32
    %add3A_577 = arith.constant 8 : i32
    %add3A_578 = arith.addi %add3A_576, %add3A_577 : i32
    %dma_start3A_579 = arith.constant 8 : i32
    %dma_start3A_580 = arith.constant 0 : i32
    %dma_start3A_581 = tpu.memref_slice %arg8[%dma_start3A_579, %dma_start3A_580] : memref<16x1024xf32, #tpu.memory_space<vmem>> -> memref<8x1024xf32, #tpu.memory_space<vmem>>
    %dma_start3A_582 = arith.constant 0 : i32
    %dma_start3A_583 = tpu.memref_slice %arg5[%add3A_578, %dma_start3A_582] : memref<8192x1024xf32, #tpu.memory_space<hbm>> -> memref<8x1024xf32, #tpu.memory_space<hbm>>
    %dma_start3A_584 = arith.constant 0 : i32
    %dma_start3A_585 = tpu.memref_slice %arg5[%add3A_578, %dma_start3A_584] : memref<8192x1024xf32, #tpu.memory_space<hbm>> -> memref<8x1024xf32, #tpu.memory_space<hbm>>
    %dma_start3A_586 = arith.constant 8 : i32
    %dma_start3A_587 = arith.constant 0 : i32
    %dma_start3A_588 = tpu.memref_slice %arg8[%dma_start3A_586, %dma_start3A_587] : memref<16x1024xf32, #tpu.memory_space<vmem>> -> memref<8x1024xf32, #tpu.memory_space<vmem>>
    tpu.enqueue_dma source(%dma_start3A_588 : memref<8x1024xf32, #tpu.memory_space<vmem>>) target(%dma_start3A_585 : memref<8x1024xf32, #tpu.memory_space<hbm>>) target_semaphore(%arg21 : memref<!tpu.dma_semaphore, #tpu.memory_space<semaphore_mem>>)
    %add3A_589 = arith.constant 48 : i32
    %add3A_590 = arith.addi %mul3A_2, %add3A_589 : i32
    %dma_start3A_591 = arith.constant 0 : i32
    %dma_start3A_592 = tpu.memref_slice %arg4[%add3A_590, %dma_start3A_591] : memref<2048x1024xf32, #tpu.memory_space<hbm>> -> memref<16x1024xf32, #tpu.memory_space<hbm>>
    %dma_start3A_593 = arith.constant 0 : i32
    %dma_start3A_594 = tpu.memref_slice %arg4[%add3A_590, %dma_start3A_593] : memref<2048x1024xf32, #tpu.memory_space<hbm>> -> memref<16x1024xf32, #tpu.memory_space<hbm>>
    tpu.enqueue_dma source(%dma_start3A_594 : memref<16x1024xf32, #tpu.memory_space<hbm>>) target(%arg12 : memref<16x1024xf32, #tpu.memory_space<vmem>>) target_semaphore(%arg25 : memref<!tpu.dma_semaphore, #tpu.memory_space<semaphore_mem>>)
    %dma_wait3A_595 = arith.constant 0 : i32
    %dma_wait3A_596 = arith.constant 0 : i32
    %dma_wait3A_597 = tpu.memref_slice %arg7[%dma_wait3A_595, %dma_wait3A_596] : memref<16x1024xf32, #tpu.memory_space<vmem>> -> memref<8x1024xf32, #tpu.memory_space<vmem>>
    %dma_wait3A_598 = arith.constant 0 : i32
    %dma_wait3A_599 = arith.constant 0 : i32
    %dma_wait3A_600 = tpu.memref_slice %arg5[%dma_wait3A_598, %dma_wait3A_599] : memref<8192x1024xf32, #tpu.memory_space<hbm>> -> memref<8x1024xf32, #tpu.memory_space<hbm>>
    %dma_wait3A_601 = arith.constant 0 : i32
    %dma_wait3A_602 = arith.constant 0 : i32
    %dma_wait3A_603 = tpu.memref_slice %arg5[%dma_wait3A_601, %dma_wait3A_602] : memref<8192x1024xf32, #tpu.memory_space<hbm>> -> memref<8x1024xf32, #tpu.memory_space<hbm>>
    %dma_wait3A_604 = arith.constant 0 : i32
    %dma_wait3A_605 = arith.constant 0 : i32
    %dma_wait3A_606 = tpu.memref_slice %arg7[%dma_wait3A_604, %dma_wait3A_605] : memref<16x1024xf32, #tpu.memory_space<vmem>> -> memref<8x1024xf32, #tpu.memory_space<vmem>>
    tpu.wait_dma2 semaphore(%arg20 : memref<!tpu.dma_semaphore, #tpu.memory_space<semaphore_mem>>) src(%dma_wait3A_606 : memref<8x1024xf32, #tpu.memory_space<vmem>>) dst(%dma_wait3A_603 : memref<8x1024xf32, #tpu.memory_space<hbm>>)
    %dma_wait3A_607 = arith.constant 0 : i32
    %dma_wait3A_608 = arith.constant 0 : i32
    %dma_wait3A_609 = tpu.memref_slice %arg7[%dma_wait3A_607, %dma_wait3A_608] : memref<16x1024xf32, #tpu.memory_space<vmem>> -> memref<8x1024xf32, #tpu.memory_space<vmem>>
    %dma_wait3A_610 = arith.constant 0 : i32
    %dma_wait3A_611 = arith.constant 0 : i32
    %dma_wait3A_612 = tpu.memref_slice %arg5[%dma_wait3A_610, %dma_wait3A_611] : memref<8192x1024xf32, #tpu.memory_space<hbm>> -> memref<8x1024xf32, #tpu.memory_space<hbm>>
    %dma_wait3A_613 = arith.constant 0 : i32
    %dma_wait3A_614 = arith.constant 0 : i32
    %dma_wait3A_615 = tpu.memref_slice %arg5[%dma_wait3A_613, %dma_wait3A_614] : memref<8192x1024xf32, #tpu.memory_space<hbm>> -> memref<8x1024xf32, #tpu.memory_space<hbm>>
    %dma_wait3A_616 = arith.constant 0 : i32
    %dma_wait3A_617 = arith.constant 0 : i32
    %dma_wait3A_618 = tpu.memref_slice %arg7[%dma_wait3A_616, %dma_wait3A_617] : memref<16x1024xf32, #tpu.memory_space<vmem>> -> memref<8x1024xf32, #tpu.memory_space<vmem>>
    tpu.wait_dma2 semaphore(%arg20 : memref<!tpu.dma_semaphore, #tpu.memory_space<semaphore_mem>>) src(%dma_wait3A_618 : memref<8x1024xf32, #tpu.memory_space<vmem>>) dst(%dma_wait3A_615 : memref<8x1024xf32, #tpu.memory_space<hbm>>)
    %dma_start3A_619 = arith.constant 224 : i32
    %dma_start3A_620 = tpu.memref_slice %arg13[%dma_start3A_619] : memref<256xi32, #tpu.memory_space<vmem>> -> memref<16xi32, #tpu.memory_space<vmem>>
    %dma_start3A_621 = arith.constant 0 : i32
    %dma_start3A_622 = arith.constant 0 : i32
    %dma_start3A_623 = tpu.memref_slice %arg2[%dma_start3A_621, %dma_start3A_622] : memref<100000x1024xf32, #tpu.memory_space<hbm>> -> memref<100000x1024xf32, #tpu.memory_space<hbm>>
    tpu.enqueue_indirect_dma source(%dma_start3A_623 : memref<100000x1024xf32, #tpu.memory_space<hbm>>) target(%arg7 : memref<16x1024xf32, #tpu.memory_space<vmem>>) offsets(%dma_start3A_620 : memref<16xi32, #tpu.memory_space<vmem>>) semaphore(%arg15 : memref<!tpu.dma_semaphore, #tpu.memory_space<semaphore_mem>>)
    %dma_wait3A_624 = arith.constant 0 : i32
    %dma_wait3A_625 = arith.constant 0 : i32
    %dma_wait3A_626 = tpu.memref_slice %arg5[%dma_wait3A_624, %dma_wait3A_625] : memref<8192x1024xf32, #tpu.memory_space<hbm>> -> memref<16x1024xf32, #tpu.memory_space<hbm>>
    %dma_wait3A_627 = arith.constant 0 : i32
    %dma_wait3A_628 = arith.constant 0 : i32
    %dma_wait3A_629 = tpu.memref_slice %arg5[%dma_wait3A_627, %dma_wait3A_628] : memref<8192x1024xf32, #tpu.memory_space<hbm>> -> memref<16x1024xf32, #tpu.memory_space<hbm>>
    tpu.wait_dma2 semaphore(%arg17 : memref<!tpu.dma_semaphore, #tpu.memory_space<semaphore_mem>>) src(%dma_wait3A_629 : memref<16x1024xf32, #tpu.memory_space<hbm>>) dst(%arg9 : memref<16x1024xf32, #tpu.memory_space<vmem>>)
    %dma_wait3A_630 = arith.constant 0 : i32
    %dma_wait3A_631 = arith.constant 0 : i32
    %dma_wait3A_632 = tpu.memref_slice %arg4[%dma_wait3A_630, %dma_wait3A_631] : memref<2048x1024xf32, #tpu.memory_space<hbm>> -> memref<16x1024xf32, #tpu.memory_space<hbm>>
    %dma_wait3A_633 = arith.constant 0 : i32
    %dma_wait3A_634 = arith.constant 0 : i32
    %dma_wait3A_635 = tpu.memref_slice %arg4[%dma_wait3A_633, %dma_wait3A_634] : memref<2048x1024xf32, #tpu.memory_space<hbm>> -> memref<16x1024xf32, #tpu.memory_space<hbm>>
    tpu.wait_dma2 semaphore(%arg24 : memref<!tpu.dma_semaphore, #tpu.memory_space<semaphore_mem>>) src(%dma_wait3A_635 : memref<16x1024xf32, #tpu.memory_space<hbm>>) dst(%arg11 : memref<16x1024xf32, #tpu.memory_space<vmem>>)
    %parallel_loop3A_636 = arith.constant 0 : i32
    %parallel_loop3A_637 = arith.constant 512 : i32
    %parallel_loop3A_638 = arith.constant 1 : i32
    scf.for %parallel_loop3A_1224 = %parallel_loop3A_636 to %parallel_loop3A_637 step %parallel_loop3A_638  : i32 {
      %parallel_loop3A_1225 = arith.constant 6 : i32
      %parallel_loop3A_1226 = arith.shrui %parallel_loop3A_1224, %parallel_loop3A_1225 : i32
      %parallel_loop3A_1227 = arith.constant 0 : i32
      %parallel_loop3A_1228 = arith.addi %parallel_loop3A_1227, %parallel_loop3A_1226 : i32
      %parallel_loop3A_1229 = arith.constant 63 : i32
      %parallel_loop3A_1230 = arith.andi %parallel_loop3A_1224, %parallel_loop3A_1229 : i32
      %parallel_loop3A_1231 = arith.constant 16 : i32
      %parallel_loop3A_1232 = arith.muli %parallel_loop3A_1230, %parallel_loop3A_1231 : i32
      %parallel_loop3A_1233 = tpu.assume_multiple %parallel_loop3A_1232, 16 : i32
      %parallel_loop3A_1234 = arith.index_cast %parallel_loop3A_1228 : i32 to index
      %parallel_loop3A_1235 = arith.index_cast %parallel_loop3A_1233 : i32 to index
      %parallel_loop3A_1236 = tpu.vector_load %arg9[%parallel_loop3A_1234, %parallel_loop3A_1235] {strides = array<i32>} : memref<16x1024xf32, #tpu.memory_space<vmem>>, vector<1x16xf32>,
      %parallel_loop3A_1237 = vector.shape_cast %parallel_loop3A_1236 : vector<1x16xf32> to vector<16xf32>
      %parallel_loop3A_1238 = arith.constant 3.200000e+01 : f32
      %parallel_loop3A_1239 = vector.broadcast %parallel_loop3A_1238 : f32 to vector<16xf32>
      %parallel_loop3A_1240 = arith.mulf %parallel_loop3A_1237, %parallel_loop3A_1239 : vector<16xf32>
      %parallel_loop3A_1241 = arith.index_cast %parallel_loop3A_1228 : i32 to index
      %parallel_loop3A_1242 = arith.index_cast %parallel_loop3A_1233 : i32 to index
      %parallel_loop3A_1243 = tpu.vector_load %arg11[%parallel_loop3A_1241, %parallel_loop3A_1242] {strides = array<i32>} : memref<16x1024xf32, #tpu.memory_space<vmem>>, vector<1x16xf32>,
      %parallel_loop3A_1244 = vector.shape_cast %parallel_loop3A_1243 : vector<1x16xf32> to vector<16xf32>
      %parallel_loop3A_1245 = arith.addf %parallel_loop3A_1240, %parallel_loop3A_1244 : vector<16xf32>
      %parallel_loop3A_1246 = arith.index_cast %parallel_loop3A_1228 : i32 to index
      %parallel_loop3A_1247 = arith.index_cast %parallel_loop3A_1233 : i32 to index
      %parallel_loop3A_1248 = tpu.vector_load %arg9[%parallel_loop3A_1246, %parallel_loop3A_1247] {strides = array<i32>} : memref<16x1024xf32, #tpu.memory_space<vmem>>, vector<1x16xf32>,
      %parallel_loop3A_1249 = vector.shape_cast %parallel_loop3A_1248 : vector<1x16xf32> to vector<16xf32>
      %parallel_loop3A_1250 = vector.shape_cast %parallel_loop3A_1245 : vector<16xf32> to vector<1x16xf32>
      tpu.vector_store %arg9[%parallel_loop3A_1246, %parallel_loop3A_1247], %parallel_loop3A_1250 {strides = array<i32>} : memref<16x1024xf32, #tpu.memory_space<vmem>>, vector<1x16xf32>,
    } {sc.loop_unroll_factor = 4 : i64, sc.parallel_access}
    %add3A_639 = arith.constant 0 : i32
    %add3A_640 = arith.addi %add3A_639, %mul3A_2 : i32
    %add3A_641 = arith.constant 32 : i32
    %add3A_642 = arith.addi %add3A_640, %add3A_641 : i32
    %add3A_643 = arith.constant 0 : i32
    %add3A_644 = arith.addi %add3A_642, %add3A_643 : i32
    %dma_start3A_645 = arith.constant 0 : i32
    %dma_start3A_646 = arith.constant 0 : i32
    %dma_start3A_647 = tpu.memref_slice %arg9[%dma_start3A_645, %dma_start3A_646] : memref<16x1024xf32, #tpu.memory_space<vmem>> -> memref<8x1024xf32, #tpu.memory_space<vmem>>
    %dma_start3A_648 = arith.constant 0 : i32
    %dma_start3A_649 = tpu.memref_slice %arg5[%add3A_644, %dma_start3A_648] : memref<8192x1024xf32, #tpu.memory_space<hbm>> -> memref<8x1024xf32, #tpu.memory_space<hbm>>
    %dma_start3A_650 = arith.constant 0 : i32
    %dma_start3A_651 = tpu.memref_slice %arg5[%add3A_644, %dma_start3A_650] : memref<8192x1024xf32, #tpu.memory_space<hbm>> -> memref<8x1024xf32, #tpu.memory_space<hbm>>
    %dma_start3A_652 = arith.constant 0 : i32
    %dma_start3A_653 = arith.constant 0 : i32
    %dma_start3A_654 = tpu.memref_slice %arg9[%dma_start3A_652, %dma_start3A_653] : memref<16x1024xf32, #tpu.memory_space<vmem>> -> memref<8x1024xf32, #tpu.memory_space<vmem>>
    tpu.enqueue_dma source(%dma_start3A_654 : memref<8x1024xf32, #tpu.memory_space<vmem>>) target(%dma_start3A_651 : memref<8x1024xf32, #tpu.memory_space<hbm>>) target_semaphore(%arg22 : memref<!tpu.dma_semaphore, #tpu.memory_space<semaphore_mem>>)
    %parallel_loop3A_655 = arith.constant 0 : i32
    %parallel_loop3A_656 = arith.constant 512 : i32
    %parallel_loop3A_657 = arith.constant 1 : i32
    scf.for %parallel_loop3A_1224 = %parallel_loop3A_655 to %parallel_loop3A_656 step %parallel_loop3A_657  : i32 {
      %parallel_loop3A_1225 = arith.constant 6 : i32
      %parallel_loop3A_1226 = arith.shrui %parallel_loop3A_1224, %parallel_loop3A_1225 : i32
      %parallel_loop3A_1227 = arith.constant 8 : i32
      %parallel_loop3A_1228 = arith.addi %parallel_loop3A_1227, %parallel_loop3A_1226 : i32
      %parallel_loop3A_1229 = arith.constant 63 : i32
      %parallel_loop3A_1230 = arith.andi %parallel_loop3A_1224, %parallel_loop3A_1229 : i32
      %parallel_loop3A_1231 = arith.constant 16 : i32
      %parallel_loop3A_1232 = arith.muli %parallel_loop3A_1230, %parallel_loop3A_1231 : i32
      %parallel_loop3A_1233 = tpu.assume_multiple %parallel_loop3A_1232, 16 : i32
      %parallel_loop3A_1234 = arith.index_cast %parallel_loop3A_1228 : i32 to index
      %parallel_loop3A_1235 = arith.index_cast %parallel_loop3A_1233 : i32 to index
      %parallel_loop3A_1236 = tpu.vector_load %arg9[%parallel_loop3A_1234, %parallel_loop3A_1235] {strides = array<i32>} : memref<16x1024xf32, #tpu.memory_space<vmem>>, vector<1x16xf32>,
      %parallel_loop3A_1237 = vector.shape_cast %parallel_loop3A_1236 : vector<1x16xf32> to vector<16xf32>
      %parallel_loop3A_1238 = arith.constant 3.200000e+01 : f32
      %parallel_loop3A_1239 = vector.broadcast %parallel_loop3A_1238 : f32 to vector<16xf32>
      %parallel_loop3A_1240 = arith.mulf %parallel_loop3A_1237, %parallel_loop3A_1239 : vector<16xf32>
      %parallel_loop3A_1241 = arith.index_cast %parallel_loop3A_1228 : i32 to index
      %parallel_loop3A_1242 = arith.index_cast %parallel_loop3A_1233 : i32 to index
      %parallel_loop3A_1243 = tpu.vector_load %arg11[%parallel_loop3A_1241, %parallel_loop3A_1242] {strides = array<i32>} : memref<16x1024xf32, #tpu.memory_space<vmem>>, vector<1x16xf32>,
      %parallel_loop3A_1244 = vector.shape_cast %parallel_loop3A_1243 : vector<1x16xf32> to vector<16xf32>
      %parallel_loop3A_1245 = arith.addf %parallel_loop3A_1240, %parallel_loop3A_1244 : vector<16xf32>
      %parallel_loop3A_1246 = arith.index_cast %parallel_loop3A_1228 : i32 to index
      %parallel_loop3A_1247 = arith.index_cast %parallel_loop3A_1233 : i32 to index
      %parallel_loop3A_1248 = tpu.vector_load %arg9[%parallel_loop3A_1246, %parallel_loop3A_1247] {strides = array<i32>} : memref<16x1024xf32, #tpu.memory_space<vmem>>, vector<1x16xf32>,
      %parallel_loop3A_1249 = vector.shape_cast %parallel_loop3A_1248 : vector<1x16xf32> to vector<16xf32>
      %parallel_loop3A_1250 = vector.shape_cast %parallel_loop3A_1245 : vector<16xf32> to vector<1x16xf32>
      tpu.vector_store %arg9[%parallel_loop3A_1246, %parallel_loop3A_1247], %parallel_loop3A_1250 {strides = array<i32>} : memref<16x1024xf32, #tpu.memory_space<vmem>>, vector<1x16xf32>,
    } {sc.loop_unroll_factor = 4 : i64, sc.parallel_access}
    %add3A_658 = arith.constant 0 : i32
    %add3A_659 = arith.addi %add3A_658, %mul3A_2 : i32
    %add3A_660 = arith.constant 32 : i32
    %add3A_661 = arith.addi %add3A_659, %add3A_660 : i32
    %add3A_662 = arith.constant 8 : i32
    %add3A_663 = arith.addi %add3A_661, %add3A_662 : i32
    %dma_start3A_664 = arith.constant 8 : i32
    %dma_start3A_665 = arith.constant 0 : i32
    %dma_start3A_666 = tpu.memref_slice %arg9[%dma_start3A_664, %dma_start3A_665] : memref<16x1024xf32, #tpu.memory_space<vmem>> -> memref<8x1024xf32, #tpu.memory_space<vmem>>
    %dma_start3A_667 = arith.constant 0 : i32
    %dma_start3A_668 = tpu.memref_slice %arg5[%add3A_663, %dma_start3A_667] : memref<8192x1024xf32, #tpu.memory_space<hbm>> -> memref<8x1024xf32, #tpu.memory_space<hbm>>
    %dma_start3A_669 = arith.constant 0 : i32
    %dma_start3A_670 = tpu.memref_slice %arg5[%add3A_663, %dma_start3A_669] : memref<8192x1024xf32, #tpu.memory_space<hbm>> -> memref<8x1024xf32, #tpu.memory_space<hbm>>
    %dma_start3A_671 = arith.constant 8 : i32
    %dma_start3A_672 = arith.constant 0 : i32
    %dma_start3A_673 = tpu.memref_slice %arg9[%dma_start3A_671, %dma_start3A_672] : memref<16x1024xf32, #tpu.memory_space<vmem>> -> memref<8x1024xf32, #tpu.memory_space<vmem>>
    tpu.enqueue_dma source(%dma_start3A_673 : memref<8x1024xf32, #tpu.memory_space<vmem>>) target(%dma_start3A_670 : memref<8x1024xf32, #tpu.memory_space<hbm>>) target_semaphore(%arg22 : memref<!tpu.dma_semaphore, #tpu.memory_space<semaphore_mem>>)
    %dma_wait3A_674 = arith.constant 0 : i32
    %dma_wait3A_675 = arith.constant 0 : i32
    %dma_wait3A_676 = tpu.memref_slice %arg8[%dma_wait3A_674, %dma_wait3A_675] : memref<16x1024xf32, #tpu.memory_space<vmem>> -> memref<8x1024xf32, #tpu.memory_space<vmem>>
    %dma_wait3A_677 = arith.constant 0 : i32
    %dma_wait3A_678 = arith.constant 0 : i32
    %dma_wait3A_679 = tpu.memref_slice %arg5[%dma_wait3A_677, %dma_wait3A_678] : memref<8192x1024xf32, #tpu.memory_space<hbm>> -> memref<8x1024xf32, #tpu.memory_space<hbm>>
    %dma_wait3A_680 = arith.constant 0 : i32
    %dma_wait3A_681 = arith.constant 0 : i32
    %dma_wait3A_682 = tpu.memref_slice %arg5[%dma_wait3A_680, %dma_wait3A_681] : memref<8192x1024xf32, #tpu.memory_space<hbm>> -> memref<8x1024xf32, #tpu.memory_space<hbm>>
    %dma_wait3A_683 = arith.constant 0 : i32
    %dma_wait3A_684 = arith.constant 0 : i32
    %dma_wait3A_685 = tpu.memref_slice %arg8[%dma_wait3A_683, %dma_wait3A_684] : memref<16x1024xf32, #tpu.memory_space<vmem>> -> memref<8x1024xf32, #tpu.memory_space<vmem>>
    tpu.wait_dma2 semaphore(%arg21 : memref<!tpu.dma_semaphore, #tpu.memory_space<semaphore_mem>>) src(%dma_wait3A_685 : memref<8x1024xf32, #tpu.memory_space<vmem>>) dst(%dma_wait3A_682 : memref<8x1024xf32, #tpu.memory_space<hbm>>)
    %dma_wait3A_686 = arith.constant 0 : i32
    %dma_wait3A_687 = arith.constant 0 : i32
    %dma_wait3A_688 = tpu.memref_slice %arg8[%dma_wait3A_686, %dma_wait3A_687] : memref<16x1024xf32, #tpu.memory_space<vmem>> -> memref<8x1024xf32, #tpu.memory_space<vmem>>
    %dma_wait3A_689 = arith.constant 0 : i32
    %dma_wait3A_690 = arith.constant 0 : i32
    %dma_wait3A_691 = tpu.memref_slice %arg5[%dma_wait3A_689, %dma_wait3A_690] : memref<8192x1024xf32, #tpu.memory_space<hbm>> -> memref<8x1024xf32, #tpu.memory_space<hbm>>
    %dma_wait3A_692 = arith.constant 0 : i32
    %dma_wait3A_693 = arith.constant 0 : i32
    %dma_wait3A_694 = tpu.memref_slice %arg5[%dma_wait3A_692, %dma_wait3A_693] : memref<8192x1024xf32, #tpu.memory_space<hbm>> -> memref<8x1024xf32, #tpu.memory_space<hbm>>
    %dma_wait3A_695 = arith.constant 0 : i32
    %dma_wait3A_696 = arith.constant 0 : i32
    %dma_wait3A_697 = tpu.memref_slice %arg8[%dma_wait3A_695, %dma_wait3A_696] : memref<16x1024xf32, #tpu.memory_space<vmem>> -> memref<8x1024xf32, #tpu.memory_space<vmem>>
    tpu.wait_dma2 semaphore(%arg21 : memref<!tpu.dma_semaphore, #tpu.memory_space<semaphore_mem>>) src(%dma_wait3A_697 : memref<8x1024xf32, #tpu.memory_space<vmem>>) dst(%dma_wait3A_694 : memref<8x1024xf32, #tpu.memory_space<hbm>>)
    %dma_start3A_698 = arith.constant 48 : i32
    %dma_start3A_699 = tpu.memref_slice %arg13[%dma_start3A_698] : memref<256xi32, #tpu.memory_space<vmem>> -> memref<16xi32, #tpu.memory_space<vmem>>
    %dma_start3A_700 = arith.constant 0 : i32
    %dma_start3A_701 = arith.constant 0 : i32
    %dma_start3A_702 = tpu.memref_slice %arg2[%dma_start3A_700, %dma_start3A_701] : memref<100000x1024xf32, #tpu.memory_space<hbm>> -> memref<100000x1024xf32, #tpu.memory_space<hbm>>
    tpu.enqueue_indirect_dma source(%dma_start3A_702 : memref<100000x1024xf32, #tpu.memory_space<hbm>>) target(%arg8 : memref<16x1024xf32, #tpu.memory_space<vmem>>) offsets(%dma_start3A_699 : memref<16xi32, #tpu.memory_space<vmem>>) semaphore(%arg16 : memref<!tpu.dma_semaphore, #tpu.memory_space<semaphore_mem>>)
    %dma_wait3A_703 = arith.constant 0 : i32
    %dma_wait3A_704 = arith.constant 0 : i32
    %dma_wait3A_705 = tpu.memref_slice %arg5[%dma_wait3A_703, %dma_wait3A_704] : memref<8192x1024xf32, #tpu.memory_space<hbm>> -> memref<16x1024xf32, #tpu.memory_space<hbm>>
    %dma_wait3A_706 = arith.constant 0 : i32
    %dma_wait3A_707 = arith.constant 0 : i32
    %dma_wait3A_708 = tpu.memref_slice %arg5[%dma_wait3A_706, %dma_wait3A_707] : memref<8192x1024xf32, #tpu.memory_space<hbm>> -> memref<16x1024xf32, #tpu.memory_space<hbm>>
    tpu.wait_dma2 semaphore(%arg18 : memref<!tpu.dma_semaphore, #tpu.memory_space<semaphore_mem>>) src(%dma_wait3A_708 : memref<16x1024xf32, #tpu.memory_space<hbm>>) dst(%arg10 : memref<16x1024xf32, #tpu.memory_space<vmem>>)
    %parallel_loop3A_709 = arith.constant 0 : i32
    %parallel_loop3A_710 = arith.constant 512 : i32
    %parallel_loop3A_711 = arith.constant 1 : i32
    scf.for %parallel_loop3A_1224 = %parallel_loop3A_709 to %parallel_loop3A_710 step %parallel_loop3A_711  : i32 {
      %parallel_loop3A_1225 = arith.constant 6 : i32
      %parallel_loop3A_1226 = arith.shrui %parallel_loop3A_1224, %parallel_loop3A_1225 : i32
      %parallel_loop3A_1227 = arith.constant 0 : i32
      %parallel_loop3A_1228 = arith.addi %parallel_loop3A_1227, %parallel_loop3A_1226 : i32
      %parallel_loop3A_1229 = arith.constant 63 : i32
      %parallel_loop3A_1230 = arith.andi %parallel_loop3A_1224, %parallel_loop3A_1229 : i32
      %parallel_loop3A_1231 = arith.constant 16 : i32
      %parallel_loop3A_1232 = arith.muli %parallel_loop3A_1230, %parallel_loop3A_1231 : i32
      %parallel_loop3A_1233 = tpu.assume_multiple %parallel_loop3A_1232, 16 : i32
      %parallel_loop3A_1234 = arith.index_cast %parallel_loop3A_1228 : i32 to index
      %parallel_loop3A_1235 = arith.index_cast %parallel_loop3A_1233 : i32 to index
      %parallel_loop3A_1236 = tpu.vector_load %arg10[%parallel_loop3A_1234, %parallel_loop3A_1235] {strides = array<i32>} : memref<16x1024xf32, #tpu.memory_space<vmem>>, vector<1x16xf32>,
      %parallel_loop3A_1237 = vector.shape_cast %parallel_loop3A_1236 : vector<1x16xf32> to vector<16xf32>
      %parallel_loop3A_1238 = arith.constant 3.200000e+01 : f32
      %parallel_loop3A_1239 = vector.broadcast %parallel_loop3A_1238 : f32 to vector<16xf32>
      %parallel_loop3A_1240 = arith.mulf %parallel_loop3A_1237, %parallel_loop3A_1239 : vector<16xf32>
      %parallel_loop3A_1241 = arith.index_cast %parallel_loop3A_1228 : i32 to index
      %parallel_loop3A_1242 = arith.index_cast %parallel_loop3A_1233 : i32 to index
      %parallel_loop3A_1243 = tpu.vector_load %arg11[%parallel_loop3A_1241, %parallel_loop3A_1242] {strides = array<i32>} : memref<16x1024xf32, #tpu.memory_space<vmem>>, vector<1x16xf32>,
      %parallel_loop3A_1244 = vector.shape_cast %parallel_loop3A_1243 : vector<1x16xf32> to vector<16xf32>
      %parallel_loop3A_1245 = arith.addf %parallel_loop3A_1240, %parallel_loop3A_1244 : vector<16xf32>
      %parallel_loop3A_1246 = arith.index_cast %parallel_loop3A_1228 : i32 to index
      %parallel_loop3A_1247 = arith.index_cast %parallel_loop3A_1233 : i32 to index
      %parallel_loop3A_1248 = tpu.vector_load %arg10[%parallel_loop3A_1246, %parallel_loop3A_1247] {strides = array<i32>} : memref<16x1024xf32, #tpu.memory_space<vmem>>, vector<1x16xf32>,
      %parallel_loop3A_1249 = vector.shape_cast %parallel_loop3A_1248 : vector<1x16xf32> to vector<16xf32>
      %parallel_loop3A_1250 = vector.shape_cast %parallel_loop3A_1245 : vector<16xf32> to vector<1x16xf32>
      tpu.vector_store %arg10[%parallel_loop3A_1246, %parallel_loop3A_1247], %parallel_loop3A_1250 {strides = array<i32>} : memref<16x1024xf32, #tpu.memory_space<vmem>>, vector<1x16xf32>,
    } {sc.loop_unroll_factor = 4 : i64, sc.parallel_access}
    %add3A_712 = arith.constant 2048 : i32
    %add3A_713 = arith.addi %add3A_712, %mul3A_2 : i32
    %add3A_714 = arith.constant 32 : i32
    %add3A_715 = arith.addi %add3A_713, %add3A_714 : i32
    %add3A_716 = arith.constant 0 : i32
    %add3A_717 = arith.addi %add3A_715, %add3A_716 : i32
    %dma_start3A_718 = arith.constant 0 : i32
    %dma_start3A_719 = arith.constant 0 : i32
    %dma_start3A_720 = tpu.memref_slice %arg10[%dma_start3A_718, %dma_start3A_719] : memref<16x1024xf32, #tpu.memory_space<vmem>> -> memref<8x1024xf32, #tpu.memory_space<vmem>>
    %dma_start3A_721 = arith.constant 0 : i32
    %dma_start3A_722 = tpu.memref_slice %arg5[%add3A_717, %dma_start3A_721] : memref<8192x1024xf32, #tpu.memory_space<hbm>> -> memref<8x1024xf32, #tpu.memory_space<hbm>>
    %dma_start3A_723 = arith.constant 0 : i32
    %dma_start3A_724 = tpu.memref_slice %arg5[%add3A_717, %dma_start3A_723] : memref<8192x1024xf32, #tpu.memory_space<hbm>> -> memref<8x1024xf32, #tpu.memory_space<hbm>>
    %dma_start3A_725 = arith.constant 0 : i32
    %dma_start3A_726 = arith.constant 0 : i32
    %dma_start3A_727 = tpu.memref_slice %arg10[%dma_start3A_725, %dma_start3A_726] : memref<16x1024xf32, #tpu.memory_space<vmem>> -> memref<8x1024xf32, #tpu.memory_space<vmem>>
    tpu.enqueue_dma source(%dma_start3A_727 : memref<8x1024xf32, #tpu.memory_space<vmem>>) target(%dma_start3A_724 : memref<8x1024xf32, #tpu.memory_space<hbm>>) target_semaphore(%arg23 : memref<!tpu.dma_semaphore, #tpu.memory_space<semaphore_mem>>)
    %parallel_loop3A_728 = arith.constant 0 : i32
    %parallel_loop3A_729 = arith.constant 512 : i32
    %parallel_loop3A_730 = arith.constant 1 : i32
    scf.for %parallel_loop3A_1224 = %parallel_loop3A_728 to %parallel_loop3A_729 step %parallel_loop3A_730  : i32 {
      %parallel_loop3A_1225 = arith.constant 6 : i32
      %parallel_loop3A_1226 = arith.shrui %parallel_loop3A_1224, %parallel_loop3A_1225 : i32
      %parallel_loop3A_1227 = arith.constant 8 : i32
      %parallel_loop3A_1228 = arith.addi %parallel_loop3A_1227, %parallel_loop3A_1226 : i32
      %parallel_loop3A_1229 = arith.constant 63 : i32
      %parallel_loop3A_1230 = arith.andi %parallel_loop3A_1224, %parallel_loop3A_1229 : i32
      %parallel_loop3A_1231 = arith.constant 16 : i32
      %parallel_loop3A_1232 = arith.muli %parallel_loop3A_1230, %parallel_loop3A_1231 : i32
      %parallel_loop3A_1233 = tpu.assume_multiple %parallel_loop3A_1232, 16 : i32
      %parallel_loop3A_1234 = arith.index_cast %parallel_loop3A_1228 : i32 to index
      %parallel_loop3A_1235 = arith.index_cast %parallel_loop3A_1233 : i32 to index
      %parallel_loop3A_1236 = tpu.vector_load %arg10[%parallel_loop3A_1234, %parallel_loop3A_1235] {strides = array<i32>} : memref<16x1024xf32, #tpu.memory_space<vmem>>, vector<1x16xf32>,
      %parallel_loop3A_1237 = vector.shape_cast %parallel_loop3A_1236 : vector<1x16xf32> to vector<16xf32>
      %parallel_loop3A_1238 = arith.constant 3.200000e+01 : f32
      %parallel_loop3A_1239 = vector.broadcast %parallel_loop3A_1238 : f32 to vector<16xf32>
      %parallel_loop3A_1240 = arith.mulf %parallel_loop3A_1237, %parallel_loop3A_1239 : vector<16xf32>
      %parallel_loop3A_1241 = arith.index_cast %parallel_loop3A_1228 : i32 to index
      %parallel_loop3A_1242 = arith.index_cast %parallel_loop3A_1233 : i32 to index
      %parallel_loop3A_1243 = tpu.vector_load %arg11[%parallel_loop3A_1241, %parallel_loop3A_1242] {strides = array<i32>} : memref<16x1024xf32, #tpu.memory_space<vmem>>, vector<1x16xf32>,
      %parallel_loop3A_1244 = vector.shape_cast %parallel_loop3A_1243 : vector<1x16xf32> to vector<16xf32>
      %parallel_loop3A_1245 = arith.addf %parallel_loop3A_1240, %parallel_loop3A_1244 : vector<16xf32>
      %parallel_loop3A_1246 = arith.index_cast %parallel_loop3A_1228 : i32 to index
      %parallel_loop3A_1247 = arith.index_cast %parallel_loop3A_1233 : i32 to index
      %parallel_loop3A_1248 = tpu.vector_load %arg10[%parallel_loop3A_1246, %parallel_loop3A_1247] {strides = array<i32>} : memref<16x1024xf32, #tpu.memory_space<vmem>>, vector<1x16xf32>,
      %parallel_loop3A_1249 = vector.shape_cast %parallel_loop3A_1248 : vector<1x16xf32> to vector<16xf32>
      %parallel_loop3A_1250 = vector.shape_cast %parallel_loop3A_1245 : vector<16xf32> to vector<1x16xf32>
      tpu.vector_store %arg10[%parallel_loop3A_1246, %parallel_loop3A_1247], %parallel_loop3A_1250 {strides = array<i32>} : memref<16x1024xf32, #tpu.memory_space<vmem>>, vector<1x16xf32>,
    } {sc.loop_unroll_factor = 4 : i64, sc.parallel_access}
    %add3A_731 = arith.constant 2048 : i32
    %add3A_732 = arith.addi %add3A_731, %mul3A_2 : i32
    %add3A_733 = arith.constant 32 : i32
    %add3A_734 = arith.addi %add3A_732, %add3A_733 : i32
    %add3A_735 = arith.constant 8 : i32
    %add3A_736 = arith.addi %add3A_734, %add3A_735 : i32
    %dma_start3A_737 = arith.constant 8 : i32
    %dma_start3A_738 = arith.constant 0 : i32
    %dma_start3A_739 = tpu.memref_slice %arg10[%dma_start3A_737, %dma_start3A_738] : memref<16x1024xf32, #tpu.memory_space<vmem>> -> memref<8x1024xf32, #tpu.memory_space<vmem>>
    %dma_start3A_740 = arith.constant 0 : i32
    %dma_start3A_741 = tpu.memref_slice %arg5[%add3A_736, %dma_start3A_740] : memref<8192x1024xf32, #tpu.memory_space<hbm>> -> memref<8x1024xf32, #tpu.memory_space<hbm>>
    %dma_start3A_742 = arith.constant 0 : i32
    %dma_start3A_743 = tpu.memref_slice %arg5[%add3A_736, %dma_start3A_742] : memref<8192x1024xf32, #tpu.memory_space<hbm>> -> memref<8x1024xf32, #tpu.memory_space<hbm>>
    %dma_start3A_744 = arith.constant 8 : i32
    %dma_start3A_745 = arith.constant 0 : i32
    %dma_start3A_746 = tpu.memref_slice %arg10[%dma_start3A_744, %dma_start3A_745] : memref<16x1024xf32, #tpu.memory_space<vmem>> -> memref<8x1024xf32, #tpu.memory_space<vmem>>
    tpu.enqueue_dma source(%dma_start3A_746 : memref<8x1024xf32, #tpu.memory_space<vmem>>) target(%dma_start3A_743 : memref<8x1024xf32, #tpu.memory_space<hbm>>) target_semaphore(%arg23 : memref<!tpu.dma_semaphore, #tpu.memory_space<semaphore_mem>>)
    %dma_wait3A_747 = arith.constant 0 : i32
    %dma_wait3A_748 = arith.constant 0 : i32
    %dma_wait3A_749 = tpu.memref_slice %arg9[%dma_wait3A_747, %dma_wait3A_748] : memref<16x1024xf32, #tpu.memory_space<vmem>> -> memref<8x1024xf32, #tpu.memory_space<vmem>>
    %dma_wait3A_750 = arith.constant 0 : i32
    %dma_wait3A_751 = arith.constant 0 : i32
    %dma_wait3A_752 = tpu.memref_slice %arg5[%dma_wait3A_750, %dma_wait3A_751] : memref<8192x1024xf32, #tpu.memory_space<hbm>> -> memref<8x1024xf32, #tpu.memory_space<hbm>>
    %dma_wait3A_753 = arith.constant 0 : i32
    %dma_wait3A_754 = arith.constant 0 : i32
    %dma_wait3A_755 = tpu.memref_slice %arg5[%dma_wait3A_753, %dma_wait3A_754] : memref<8192x1024xf32, #tpu.memory_space<hbm>> -> memref<8x1024xf32, #tpu.memory_space<hbm>>
    %dma_wait3A_756 = arith.constant 0 : i32
    %dma_wait3A_757 = arith.constant 0 : i32
    %dma_wait3A_758 = tpu.memref_slice %arg9[%dma_wait3A_756, %dma_wait3A_757] : memref<16x1024xf32, #tpu.memory_space<vmem>> -> memref<8x1024xf32, #tpu.memory_space<vmem>>
    tpu.wait_dma2 semaphore(%arg22 : memref<!tpu.dma_semaphore, #tpu.memory_space<semaphore_mem>>) src(%dma_wait3A_758 : memref<8x1024xf32, #tpu.memory_space<vmem>>) dst(%dma_wait3A_755 : memref<8x1024xf32, #tpu.memory_space<hbm>>)
    %dma_wait3A_759 = arith.constant 0 : i32
    %dma_wait3A_760 = arith.constant 0 : i32
    %dma_wait3A_761 = tpu.memref_slice %arg9[%dma_wait3A_759, %dma_wait3A_760] : memref<16x1024xf32, #tpu.memory_space<vmem>> -> memref<8x1024xf32, #tpu.memory_space<vmem>>
    %dma_wait3A_762 = arith.constant 0 : i32
    %dma_wait3A_763 = arith.constant 0 : i32
    %dma_wait3A_764 = tpu.memref_slice %arg5[%dma_wait3A_762, %dma_wait3A_763] : memref<8192x1024xf32, #tpu.memory_space<hbm>> -> memref<8x1024xf32, #tpu.memory_space<hbm>>
    %dma_wait3A_765 = arith.constant 0 : i32
    %dma_wait3A_766 = arith.constant 0 : i32
    %dma_wait3A_767 = tpu.memref_slice %arg5[%dma_wait3A_765, %dma_wait3A_766] : memref<8192x1024xf32, #tpu.memory_space<hbm>> -> memref<8x1024xf32, #tpu.memory_space<hbm>>
    %dma_wait3A_768 = arith.constant 0 : i32
    %dma_wait3A_769 = arith.constant 0 : i32
    %dma_wait3A_770 = tpu.memref_slice %arg9[%dma_wait3A_768, %dma_wait3A_769] : memref<16x1024xf32, #tpu.memory_space<vmem>> -> memref<8x1024xf32, #tpu.memory_space<vmem>>
    tpu.wait_dma2 semaphore(%arg22 : memref<!tpu.dma_semaphore, #tpu.memory_space<semaphore_mem>>) src(%dma_wait3A_770 : memref<8x1024xf32, #tpu.memory_space<vmem>>) dst(%dma_wait3A_767 : memref<8x1024xf32, #tpu.memory_space<hbm>>)
    %dma_start3A_771 = arith.constant 112 : i32
    %dma_start3A_772 = tpu.memref_slice %arg13[%dma_start3A_771] : memref<256xi32, #tpu.memory_space<vmem>> -> memref<16xi32, #tpu.memory_space<vmem>>
    %dma_start3A_773 = arith.constant 0 : i32
    %dma_start3A_774 = arith.constant 0 : i32
    %dma_start3A_775 = tpu.memref_slice %arg2[%dma_start3A_773, %dma_start3A_774] : memref<100000x1024xf32, #tpu.memory_space<hbm>> -> memref<100000x1024xf32, #tpu.memory_space<hbm>>
    tpu.enqueue_indirect_dma source(%dma_start3A_775 : memref<100000x1024xf32, #tpu.memory_space<hbm>>) target(%arg9 : memref<16x1024xf32, #tpu.memory_space<vmem>>) offsets(%dma_start3A_772 : memref<16xi32, #tpu.memory_space<vmem>>) semaphore(%arg17 : memref<!tpu.dma_semaphore, #tpu.memory_space<semaphore_mem>>)
    %dma_wait3A_776 = arith.constant 0 : i32
    %dma_wait3A_777 = arith.constant 0 : i32
    %dma_wait3A_778 = tpu.memref_slice %arg5[%dma_wait3A_776, %dma_wait3A_777] : memref<8192x1024xf32, #tpu.memory_space<hbm>> -> memref<16x1024xf32, #tpu.memory_space<hbm>>
    %dma_wait3A_779 = arith.constant 0 : i32
    %dma_wait3A_780 = arith.constant 0 : i32
    %dma_wait3A_781 = tpu.memref_slice %arg5[%dma_wait3A_779, %dma_wait3A_780] : memref<8192x1024xf32, #tpu.memory_space<hbm>> -> memref<16x1024xf32, #tpu.memory_space<hbm>>
    tpu.wait_dma2 semaphore(%arg14 : memref<!tpu.dma_semaphore, #tpu.memory_space<semaphore_mem>>) src(%dma_wait3A_781 : memref<16x1024xf32, #tpu.memory_space<hbm>>) dst(%arg6 : memref<16x1024xf32, #tpu.memory_space<vmem>>)
    %parallel_loop3A_782 = arith.constant 0 : i32
    %parallel_loop3A_783 = arith.constant 512 : i32
    %parallel_loop3A_784 = arith.constant 1 : i32
    scf.for %parallel_loop3A_1224 = %parallel_loop3A_782 to %parallel_loop3A_783 step %parallel_loop3A_784  : i32 {
      %parallel_loop3A_1225 = arith.constant 6 : i32
      %parallel_loop3A_1226 = arith.shrui %parallel_loop3A_1224, %parallel_loop3A_1225 : i32
      %parallel_loop3A_1227 = arith.constant 0 : i32
      %parallel_loop3A_1228 = arith.addi %parallel_loop3A_1227, %parallel_loop3A_1226 : i32
      %parallel_loop3A_1229 = arith.constant 63 : i32
      %parallel_loop3A_1230 = arith.andi %parallel_loop3A_1224, %parallel_loop3A_1229 : i32
      %parallel_loop3A_1231 = arith.constant 16 : i32
      %parallel_loop3A_1232 = arith.muli %parallel_loop3A_1230, %parallel_loop3A_1231 : i32
      %parallel_loop3A_1233 = tpu.assume_multiple %parallel_loop3A_1232, 16 : i32
      %parallel_loop3A_1234 = arith.index_cast %parallel_loop3A_1228 : i32 to index
      %parallel_loop3A_1235 = arith.index_cast %parallel_loop3A_1233 : i32 to index
      %parallel_loop3A_1236 = tpu.vector_load %arg6[%parallel_loop3A_1234, %parallel_loop3A_1235] {strides = array<i32>} : memref<16x1024xf32, #tpu.memory_space<vmem>>, vector<1x16xf32>,
      %parallel_loop3A_1237 = vector.shape_cast %parallel_loop3A_1236 : vector<1x16xf32> to vector<16xf32>
      %parallel_loop3A_1238 = arith.constant 3.200000e+01 : f32
      %parallel_loop3A_1239 = vector.broadcast %parallel_loop3A_1238 : f32 to vector<16xf32>
      %parallel_loop3A_1240 = arith.mulf %parallel_loop3A_1237, %parallel_loop3A_1239 : vector<16xf32>
      %parallel_loop3A_1241 = arith.index_cast %parallel_loop3A_1228 : i32 to index
      %parallel_loop3A_1242 = arith.index_cast %parallel_loop3A_1233 : i32 to index
      %parallel_loop3A_1243 = tpu.vector_load %arg11[%parallel_loop3A_1241, %parallel_loop3A_1242] {strides = array<i32>} : memref<16x1024xf32, #tpu.memory_space<vmem>>, vector<1x16xf32>,
      %parallel_loop3A_1244 = vector.shape_cast %parallel_loop3A_1243 : vector<1x16xf32> to vector<16xf32>
      %parallel_loop3A_1245 = arith.addf %parallel_loop3A_1240, %parallel_loop3A_1244 : vector<16xf32>
      %parallel_loop3A_1246 = arith.index_cast %parallel_loop3A_1228 : i32 to index
      %parallel_loop3A_1247 = arith.index_cast %parallel_loop3A_1233 : i32 to index
      %parallel_loop3A_1248 = tpu.vector_load %arg6[%parallel_loop3A_1246, %parallel_loop3A_1247] {strides = array<i32>} : memref<16x1024xf32, #tpu.memory_space<vmem>>, vector<1x16xf32>,
      %parallel_loop3A_1249 = vector.shape_cast %parallel_loop3A_1248 : vector<1x16xf32> to vector<16xf32>
      %parallel_loop3A_1250 = vector.shape_cast %parallel_loop3A_1245 : vector<16xf32> to vector<1x16xf32>
      tpu.vector_store %arg6[%parallel_loop3A_1246, %parallel_loop3A_1247], %parallel_loop3A_1250 {strides = array<i32>} : memref<16x1024xf32, #tpu.memory_space<vmem>>, vector<1x16xf32>,
    } {sc.loop_unroll_factor = 4 : i64, sc.parallel_access}
    %add3A_785 = arith.constant 4096 : i32
    %add3A_786 = arith.addi %add3A_785, %mul3A_2 : i32
    %add3A_787 = arith.constant 32 : i32
    %add3A_788 = arith.addi %add3A_786, %add3A_787 : i32
    %add3A_789 = arith.constant 0 : i32
    %add3A_790 = arith.addi %add3A_788, %add3A_789 : i32
    %dma_start3A_791 = arith.constant 0 : i32
    %dma_start3A_792 = arith.constant 0 : i32
    %dma_start3A_793 = tpu.memref_slice %arg6[%dma_start3A_791, %dma_start3A_792] : memref<16x1024xf32, #tpu.memory_space<vmem>> -> memref<8x1024xf32, #tpu.memory_space<vmem>>
    %dma_start3A_794 = arith.constant 0 : i32
    %dma_start3A_795 = tpu.memref_slice %arg5[%add3A_790, %dma_start3A_794] : memref<8192x1024xf32, #tpu.memory_space<hbm>> -> memref<8x1024xf32, #tpu.memory_space<hbm>>
    %dma_start3A_796 = arith.constant 0 : i32
    %dma_start3A_797 = tpu.memref_slice %arg5[%add3A_790, %dma_start3A_796] : memref<8192x1024xf32, #tpu.memory_space<hbm>> -> memref<8x1024xf32, #tpu.memory_space<hbm>>
    %dma_start3A_798 = arith.constant 0 : i32
    %dma_start3A_799 = arith.constant 0 : i32
    %dma_start3A_800 = tpu.memref_slice %arg6[%dma_start3A_798, %dma_start3A_799] : memref<16x1024xf32, #tpu.memory_space<vmem>> -> memref<8x1024xf32, #tpu.memory_space<vmem>>
    tpu.enqueue_dma source(%dma_start3A_800 : memref<8x1024xf32, #tpu.memory_space<vmem>>) target(%dma_start3A_797 : memref<8x1024xf32, #tpu.memory_space<hbm>>) target_semaphore(%arg19 : memref<!tpu.dma_semaphore, #tpu.memory_space<semaphore_mem>>)
    %parallel_loop3A_801 = arith.constant 0 : i32
    %parallel_loop3A_802 = arith.constant 512 : i32
    %parallel_loop3A_803 = arith.constant 1 : i32
    scf.for %parallel_loop3A_1224 = %parallel_loop3A_801 to %parallel_loop3A_802 step %parallel_loop3A_803  : i32 {
      %parallel_loop3A_1225 = arith.constant 6 : i32
      %parallel_loop3A_1226 = arith.shrui %parallel_loop3A_1224, %parallel_loop3A_1225 : i32
      %parallel_loop3A_1227 = arith.constant 8 : i32
      %parallel_loop3A_1228 = arith.addi %parallel_loop3A_1227, %parallel_loop3A_1226 : i32
      %parallel_loop3A_1229 = arith.constant 63 : i32
      %parallel_loop3A_1230 = arith.andi %parallel_loop3A_1224, %parallel_loop3A_1229 : i32
      %parallel_loop3A_1231 = arith.constant 16 : i32
      %parallel_loop3A_1232 = arith.muli %parallel_loop3A_1230, %parallel_loop3A_1231 : i32
      %parallel_loop3A_1233 = tpu.assume_multiple %parallel_loop3A_1232, 16 : i32
      %parallel_loop3A_1234 = arith.index_cast %parallel_loop3A_1228 : i32 to index
      %parallel_loop3A_1235 = arith.index_cast %parallel_loop3A_1233 : i32 to index
      %parallel_loop3A_1236 = tpu.vector_load %arg6[%parallel_loop3A_1234, %parallel_loop3A_1235] {strides = array<i32>} : memref<16x1024xf32, #tpu.memory_space<vmem>>, vector<1x16xf32>,
      %parallel_loop3A_1237 = vector.shape_cast %parallel_loop3A_1236 : vector<1x16xf32> to vector<16xf32>
      %parallel_loop3A_1238 = arith.constant 3.200000e+01 : f32
      %parallel_loop3A_1239 = vector.broadcast %parallel_loop3A_1238 : f32 to vector<16xf32>
      %parallel_loop3A_1240 = arith.mulf %parallel_loop3A_1237, %parallel_loop3A_1239 : vector<16xf32>
      %parallel_loop3A_1241 = arith.index_cast %parallel_loop3A_1228 : i32 to index
      %parallel_loop3A_1242 = arith.index_cast %parallel_loop3A_1233 : i32 to index
      %parallel_loop3A_1243 = tpu.vector_load %arg11[%parallel_loop3A_1241, %parallel_loop3A_1242] {strides = array<i32>} : memref<16x1024xf32, #tpu.memory_space<vmem>>, vector<1x16xf32>,
      %parallel_loop3A_1244 = vector.shape_cast %parallel_loop3A_1243 : vector<1x16xf32> to vector<16xf32>
      %parallel_loop3A_1245 = arith.addf %parallel_loop3A_1240, %parallel_loop3A_1244 : vector<16xf32>
      %parallel_loop3A_1246 = arith.index_cast %parallel_loop3A_1228 : i32 to index
      %parallel_loop3A_1247 = arith.index_cast %parallel_loop3A_1233 : i32 to index
      %parallel_loop3A_1248 = tpu.vector_load %arg6[%parallel_loop3A_1246, %parallel_loop3A_1247] {strides = array<i32>} : memref<16x1024xf32, #tpu.memory_space<vmem>>, vector<1x16xf32>,
      %parallel_loop3A_1249 = vector.shape_cast %parallel_loop3A_1248 : vector<1x16xf32> to vector<16xf32>
      %parallel_loop3A_1250 = vector.shape_cast %parallel_loop3A_1245 : vector<16xf32> to vector<1x16xf32>
      tpu.vector_store %arg6[%parallel_loop3A_1246, %parallel_loop3A_1247], %parallel_loop3A_1250 {strides = array<i32>} : memref<16x1024xf32, #tpu.memory_space<vmem>>, vector<1x16xf32>,
    } {sc.loop_unroll_factor = 4 : i64, sc.parallel_access}
    %add3A_804 = arith.constant 4096 : i32
    %add3A_805 = arith.addi %add3A_804, %mul3A_2 : i32
    %add3A_806 = arith.constant 32 : i32
    %add3A_807 = arith.addi %add3A_805, %add3A_806 : i32
    %add3A_808 = arith.constant 8 : i32
    %add3A_809 = arith.addi %add3A_807, %add3A_808 : i32
    %dma_start3A_810 = arith.constant 8 : i32
    %dma_start3A_811 = arith.constant 0 : i32
    %dma_start3A_812 = tpu.memref_slice %arg6[%dma_start3A_810, %dma_start3A_811] : memref<16x1024xf32, #tpu.memory_space<vmem>> -> memref<8x1024xf32, #tpu.memory_space<vmem>>
    %dma_start3A_813 = arith.constant 0 : i32
    %dma_start3A_814 = tpu.memref_slice %arg5[%add3A_809, %dma_start3A_813] : memref<8192x1024xf32, #tpu.memory_space<hbm>> -> memref<8x1024xf32, #tpu.memory_space<hbm>>
    %dma_start3A_815 = arith.constant 0 : i32
    %dma_start3A_816 = tpu.memref_slice %arg5[%add3A_809, %dma_start3A_815] : memref<8192x1024xf32, #tpu.memory_space<hbm>> -> memref<8x1024xf32, #tpu.memory_space<hbm>>
    %dma_start3A_817 = arith.constant 8 : i32
    %dma_start3A_818 = arith.constant 0 : i32
    %dma_start3A_819 = tpu.memref_slice %arg6[%dma_start3A_817, %dma_start3A_818] : memref<16x1024xf32, #tpu.memory_space<vmem>> -> memref<8x1024xf32, #tpu.memory_space<vmem>>
    tpu.enqueue_dma source(%dma_start3A_819 : memref<8x1024xf32, #tpu.memory_space<vmem>>) target(%dma_start3A_816 : memref<8x1024xf32, #tpu.memory_space<hbm>>) target_semaphore(%arg19 : memref<!tpu.dma_semaphore, #tpu.memory_space<semaphore_mem>>)
    %dma_wait3A_820 = arith.constant 0 : i32
    %dma_wait3A_821 = arith.constant 0 : i32
    %dma_wait3A_822 = tpu.memref_slice %arg10[%dma_wait3A_820, %dma_wait3A_821] : memref<16x1024xf32, #tpu.memory_space<vmem>> -> memref<8x1024xf32, #tpu.memory_space<vmem>>
    %dma_wait3A_823 = arith.constant 0 : i32
    %dma_wait3A_824 = arith.constant 0 : i32
    %dma_wait3A_825 = tpu.memref_slice %arg5[%dma_wait3A_823, %dma_wait3A_824] : memref<8192x1024xf32, #tpu.memory_space<hbm>> -> memref<8x1024xf32, #tpu.memory_space<hbm>>
    %dma_wait3A_826 = arith.constant 0 : i32
    %dma_wait3A_827 = arith.constant 0 : i32
    %dma_wait3A_828 = tpu.memref_slice %arg5[%dma_wait3A_826, %dma_wait3A_827] : memref<8192x1024xf32, #tpu.memory_space<hbm>> -> memref<8x1024xf32, #tpu.memory_space<hbm>>
    %dma_wait3A_829 = arith.constant 0 : i32
    %dma_wait3A_830 = arith.constant 0 : i32
    %dma_wait3A_831 = tpu.memref_slice %arg10[%dma_wait3A_829, %dma_wait3A_830] : memref<16x1024xf32, #tpu.memory_space<vmem>> -> memref<8x1024xf32, #tpu.memory_space<vmem>>
    tpu.wait_dma2 semaphore(%arg23 : memref<!tpu.dma_semaphore, #tpu.memory_space<semaphore_mem>>) src(%dma_wait3A_831 : memref<8x1024xf32, #tpu.memory_space<vmem>>) dst(%dma_wait3A_828 : memref<8x1024xf32, #tpu.memory_space<hbm>>)
    %dma_wait3A_832 = arith.constant 0 : i32
    %dma_wait3A_833 = arith.constant 0 : i32
    %dma_wait3A_834 = tpu.memref_slice %arg10[%dma_wait3A_832, %dma_wait3A_833] : memref<16x1024xf32, #tpu.memory_space<vmem>> -> memref<8x1024xf32, #tpu.memory_space<vmem>>
    %dma_wait3A_835 = arith.constant 0 : i32
    %dma_wait3A_836 = arith.constant 0 : i32
    %dma_wait3A_837 = tpu.memref_slice %arg5[%dma_wait3A_835, %dma_wait3A_836] : memref<8192x1024xf32, #tpu.memory_space<hbm>> -> memref<8x1024xf32, #tpu.memory_space<hbm>>
    %dma_wait3A_838 = arith.constant 0 : i32
    %dma_wait3A_839 = arith.constant 0 : i32
    %dma_wait3A_840 = tpu.memref_slice %arg5[%dma_wait3A_838, %dma_wait3A_839] : memref<8192x1024xf32, #tpu.memory_space<hbm>> -> memref<8x1024xf32, #tpu.memory_space<hbm>>
    %dma_wait3A_841 = arith.constant 0 : i32
    %dma_wait3A_842 = arith.constant 0 : i32
    %dma_wait3A_843 = tpu.memref_slice %arg10[%dma_wait3A_841, %dma_wait3A_842] : memref<16x1024xf32, #tpu.memory_space<vmem>> -> memref<8x1024xf32, #tpu.memory_space<vmem>>
    tpu.wait_dma2 semaphore(%arg23 : memref<!tpu.dma_semaphore, #tpu.memory_space<semaphore_mem>>) src(%dma_wait3A_843 : memref<8x1024xf32, #tpu.memory_space<vmem>>) dst(%dma_wait3A_840 : memref<8x1024xf32, #tpu.memory_space<hbm>>)
    %dma_start3A_844 = arith.constant 176 : i32
    %dma_start3A_845 = tpu.memref_slice %arg13[%dma_start3A_844] : memref<256xi32, #tpu.memory_space<vmem>> -> memref<16xi32, #tpu.memory_space<vmem>>
    %dma_start3A_846 = arith.constant 0 : i32
    %dma_start3A_847 = arith.constant 0 : i32
    %dma_start3A_848 = tpu.memref_slice %arg2[%dma_start3A_846, %dma_start3A_847] : memref<100000x1024xf32, #tpu.memory_space<hbm>> -> memref<100000x1024xf32, #tpu.memory_space<hbm>>
    tpu.enqueue_indirect_dma source(%dma_start3A_848 : memref<100000x1024xf32, #tpu.memory_space<hbm>>) target(%arg10 : memref<16x1024xf32, #tpu.memory_space<vmem>>) offsets(%dma_start3A_845 : memref<16xi32, #tpu.memory_space<vmem>>) semaphore(%arg18 : memref<!tpu.dma_semaphore, #tpu.memory_space<semaphore_mem>>)
    %dma_wait3A_849 = arith.constant 0 : i32
    %dma_wait3A_850 = arith.constant 0 : i32
    %dma_wait3A_851 = tpu.memref_slice %arg5[%dma_wait3A_849, %dma_wait3A_850] : memref<8192x1024xf32, #tpu.memory_space<hbm>> -> memref<16x1024xf32, #tpu.memory_space<hbm>>
    %dma_wait3A_852 = arith.constant 0 : i32
    %dma_wait3A_853 = arith.constant 0 : i32
    %dma_wait3A_854 = tpu.memref_slice %arg5[%dma_wait3A_852, %dma_wait3A_853] : memref<8192x1024xf32, #tpu.memory_space<hbm>> -> memref<16x1024xf32, #tpu.memory_space<hbm>>
    tpu.wait_dma2 semaphore(%arg15 : memref<!tpu.dma_semaphore, #tpu.memory_space<semaphore_mem>>) src(%dma_wait3A_854 : memref<16x1024xf32, #tpu.memory_space<hbm>>) dst(%arg7 : memref<16x1024xf32, #tpu.memory_space<vmem>>)
    %parallel_loop3A_855 = arith.constant 0 : i32
    %parallel_loop3A_856 = arith.constant 512 : i32
    %parallel_loop3A_857 = arith.constant 1 : i32
    scf.for %parallel_loop3A_1224 = %parallel_loop3A_855 to %parallel_loop3A_856 step %parallel_loop3A_857  : i32 {
      %parallel_loop3A_1225 = arith.constant 6 : i32
      %parallel_loop3A_1226 = arith.shrui %parallel_loop3A_1224, %parallel_loop3A_1225 : i32
      %parallel_loop3A_1227 = arith.constant 0 : i32
      %parallel_loop3A_1228 = arith.addi %parallel_loop3A_1227, %parallel_loop3A_1226 : i32
      %parallel_loop3A_1229 = arith.constant 63 : i32
      %parallel_loop3A_1230 = arith.andi %parallel_loop3A_1224, %parallel_loop3A_1229 : i32
      %parallel_loop3A_1231 = arith.constant 16 : i32
      %parallel_loop3A_1232 = arith.muli %parallel_loop3A_1230, %parallel_loop3A_1231 : i32
      %parallel_loop3A_1233 = tpu.assume_multiple %parallel_loop3A_1232, 16 : i32
      %parallel_loop3A_1234 = arith.index_cast %parallel_loop3A_1228 : i32 to index
      %parallel_loop3A_1235 = arith.index_cast %parallel_loop3A_1233 : i32 to index
      %parallel_loop3A_1236 = tpu.vector_load %arg7[%parallel_loop3A_1234, %parallel_loop3A_1235] {strides = array<i32>} : memref<16x1024xf32, #tpu.memory_space<vmem>>, vector<1x16xf32>,
      %parallel_loop3A_1237 = vector.shape_cast %parallel_loop3A_1236 : vector<1x16xf32> to vector<16xf32>
      %parallel_loop3A_1238 = arith.constant 3.200000e+01 : f32
      %parallel_loop3A_1239 = vector.broadcast %parallel_loop3A_1238 : f32 to vector<16xf32>
      %parallel_loop3A_1240 = arith.mulf %parallel_loop3A_1237, %parallel_loop3A_1239 : vector<16xf32>
      %parallel_loop3A_1241 = arith.index_cast %parallel_loop3A_1228 : i32 to index
      %parallel_loop3A_1242 = arith.index_cast %parallel_loop3A_1233 : i32 to index
      %parallel_loop3A_1243 = tpu.vector_load %arg11[%parallel_loop3A_1241, %parallel_loop3A_1242] {strides = array<i32>} : memref<16x1024xf32, #tpu.memory_space<vmem>>, vector<1x16xf32>,
      %parallel_loop3A_1244 = vector.shape_cast %parallel_loop3A_1243 : vector<1x16xf32> to vector<16xf32>
      %parallel_loop3A_1245 = arith.addf %parallel_loop3A_1240, %parallel_loop3A_1244 : vector<16xf32>
      %parallel_loop3A_1246 = arith.index_cast %parallel_loop3A_1228 : i32 to index
      %parallel_loop3A_1247 = arith.index_cast %parallel_loop3A_1233 : i32 to index
      %parallel_loop3A_1248 = tpu.vector_load %arg7[%parallel_loop3A_1246, %parallel_loop3A_1247] {strides = array<i32>} : memref<16x1024xf32, #tpu.memory_space<vmem>>, vector<1x16xf32>,
      %parallel_loop3A_1249 = vector.shape_cast %parallel_loop3A_1248 : vector<1x16xf32> to vector<16xf32>
      %parallel_loop3A_1250 = vector.shape_cast %parallel_loop3A_1245 : vector<16xf32> to vector<1x16xf32>
      tpu.vector_store %arg7[%parallel_loop3A_1246, %parallel_loop3A_1247], %parallel_loop3A_1250 {strides = array<i32>} : memref<16x1024xf32, #tpu.memory_space<vmem>>, vector<1x16xf32>,
    } {sc.loop_unroll_factor = 4 : i64, sc.parallel_access}
    %add3A_858 = arith.constant 6144 : i32
    %add3A_859 = arith.addi %add3A_858, %mul3A_2 : i32
    %add3A_860 = arith.constant 32 : i32
    %add3A_861 = arith.addi %add3A_859, %add3A_860 : i32
    %add3A_862 = arith.constant 0 : i32
    %add3A_863 = arith.addi %add3A_861, %add3A_862 : i32
    %dma_start3A_864 = arith.constant 0 : i32
    %dma_start3A_865 = arith.constant 0 : i32
    %dma_start3A_866 = tpu.memref_slice %arg7[%dma_start3A_864, %dma_start3A_865] : memref<16x1024xf32, #tpu.memory_space<vmem>> -> memref<8x1024xf32, #tpu.memory_space<vmem>>
    %dma_start3A_867 = arith.constant 0 : i32
    %dma_start3A_868 = tpu.memref_slice %arg5[%add3A_863, %dma_start3A_867] : memref<8192x1024xf32, #tpu.memory_space<hbm>> -> memref<8x1024xf32, #tpu.memory_space<hbm>>
    %dma_start3A_869 = arith.constant 0 : i32
    %dma_start3A_870 = tpu.memref_slice %arg5[%add3A_863, %dma_start3A_869] : memref<8192x1024xf32, #tpu.memory_space<hbm>> -> memref<8x1024xf32, #tpu.memory_space<hbm>>
    %dma_start3A_871 = arith.constant 0 : i32
    %dma_start3A_872 = arith.constant 0 : i32
    %dma_start3A_873 = tpu.memref_slice %arg7[%dma_start3A_871, %dma_start3A_872] : memref<16x1024xf32, #tpu.memory_space<vmem>> -> memref<8x1024xf32, #tpu.memory_space<vmem>>
    tpu.enqueue_dma source(%dma_start3A_873 : memref<8x1024xf32, #tpu.memory_space<vmem>>) target(%dma_start3A_870 : memref<8x1024xf32, #tpu.memory_space<hbm>>) target_semaphore(%arg20 : memref<!tpu.dma_semaphore, #tpu.memory_space<semaphore_mem>>)
    %parallel_loop3A_874 = arith.constant 0 : i32
    %parallel_loop3A_875 = arith.constant 512 : i32
    %parallel_loop3A_876 = arith.constant 1 : i32
    scf.for %parallel_loop3A_1224 = %parallel_loop3A_874 to %parallel_loop3A_875 step %parallel_loop3A_876  : i32 {
      %parallel_loop3A_1225 = arith.constant 6 : i32
      %parallel_loop3A_1226 = arith.shrui %parallel_loop3A_1224, %parallel_loop3A_1225 : i32
      %parallel_loop3A_1227 = arith.constant 8 : i32
      %parallel_loop3A_1228 = arith.addi %parallel_loop3A_1227, %parallel_loop3A_1226 : i32
      %parallel_loop3A_1229 = arith.constant 63 : i32
      %parallel_loop3A_1230 = arith.andi %parallel_loop3A_1224, %parallel_loop3A_1229 : i32
      %parallel_loop3A_1231 = arith.constant 16 : i32
      %parallel_loop3A_1232 = arith.muli %parallel_loop3A_1230, %parallel_loop3A_1231 : i32
      %parallel_loop3A_1233 = tpu.assume_multiple %parallel_loop3A_1232, 16 : i32
      %parallel_loop3A_1234 = arith.index_cast %parallel_loop3A_1228 : i32 to index
      %parallel_loop3A_1235 = arith.index_cast %parallel_loop3A_1233 : i32 to index
      %parallel_loop3A_1236 = tpu.vector_load %arg7[%parallel_loop3A_1234, %parallel_loop3A_1235] {strides = array<i32>} : memref<16x1024xf32, #tpu.memory_space<vmem>>, vector<1x16xf32>,
      %parallel_loop3A_1237 = vector.shape_cast %parallel_loop3A_1236 : vector<1x16xf32> to vector<16xf32>
      %parallel_loop3A_1238 = arith.constant 3.200000e+01 : f32
      %parallel_loop3A_1239 = vector.broadcast %parallel_loop3A_1238 : f32 to vector<16xf32>
      %parallel_loop3A_1240 = arith.mulf %parallel_loop3A_1237, %parallel_loop3A_1239 : vector<16xf32>
      %parallel_loop3A_1241 = arith.index_cast %parallel_loop3A_1228 : i32 to index
      %parallel_loop3A_1242 = arith.index_cast %parallel_loop3A_1233 : i32 to index
      %parallel_loop3A_1243 = tpu.vector_load %arg11[%parallel_loop3A_1241, %parallel_loop3A_1242] {strides = array<i32>} : memref<16x1024xf32, #tpu.memory_space<vmem>>, vector<1x16xf32>,
      %parallel_loop3A_1244 = vector.shape_cast %parallel_loop3A_1243 : vector<1x16xf32> to vector<16xf32>
      %parallel_loop3A_1245 = arith.addf %parallel_loop3A_1240, %parallel_loop3A_1244 : vector<16xf32>
      %parallel_loop3A_1246 = arith.index_cast %parallel_loop3A_1228 : i32 to index
      %parallel_loop3A_1247 = arith.index_cast %parallel_loop3A_1233 : i32 to index
      %parallel_loop3A_1248 = tpu.vector_load %arg7[%parallel_loop3A_1246, %parallel_loop3A_1247] {strides = array<i32>} : memref<16x1024xf32, #tpu.memory_space<vmem>>, vector<1x16xf32>,
      %parallel_loop3A_1249 = vector.shape_cast %parallel_loop3A_1248 : vector<1x16xf32> to vector<16xf32>
      %parallel_loop3A_1250 = vector.shape_cast %parallel_loop3A_1245 : vector<16xf32> to vector<1x16xf32>
      tpu.vector_store %arg7[%parallel_loop3A_1246, %parallel_loop3A_1247], %parallel_loop3A_1250 {strides = array<i32>} : memref<16x1024xf32, #tpu.memory_space<vmem>>, vector<1x16xf32>,
    } {sc.loop_unroll_factor = 4 : i64, sc.parallel_access}
    %add3A_877 = arith.constant 6144 : i32
    %add3A_878 = arith.addi %add3A_877, %mul3A_2 : i32
    %add3A_879 = arith.constant 32 : i32
    %add3A_880 = arith.addi %add3A_878, %add3A_879 : i32
    %add3A_881 = arith.constant 8 : i32
    %add3A_882 = arith.addi %add3A_880, %add3A_881 : i32
    %dma_start3A_883 = arith.constant 8 : i32
    %dma_start3A_884 = arith.constant 0 : i32
    %dma_start3A_885 = tpu.memref_slice %arg7[%dma_start3A_883, %dma_start3A_884] : memref<16x1024xf32, #tpu.memory_space<vmem>> -> memref<8x1024xf32, #tpu.memory_space<vmem>>
    %dma_start3A_886 = arith.constant 0 : i32
    %dma_start3A_887 = tpu.memref_slice %arg5[%add3A_882, %dma_start3A_886] : memref<8192x1024xf32, #tpu.memory_space<hbm>> -> memref<8x1024xf32, #tpu.memory_space<hbm>>
    %dma_start3A_888 = arith.constant 0 : i32
    %dma_start3A_889 = tpu.memref_slice %arg5[%add3A_882, %dma_start3A_888] : memref<8192x1024xf32, #tpu.memory_space<hbm>> -> memref<8x1024xf32, #tpu.memory_space<hbm>>
    %dma_start3A_890 = arith.constant 8 : i32
    %dma_start3A_891 = arith.constant 0 : i32
    %dma_start3A_892 = tpu.memref_slice %arg7[%dma_start3A_890, %dma_start3A_891] : memref<16x1024xf32, #tpu.memory_space<vmem>> -> memref<8x1024xf32, #tpu.memory_space<vmem>>
    tpu.enqueue_dma source(%dma_start3A_892 : memref<8x1024xf32, #tpu.memory_space<vmem>>) target(%dma_start3A_889 : memref<8x1024xf32, #tpu.memory_space<hbm>>) target_semaphore(%arg20 : memref<!tpu.dma_semaphore, #tpu.memory_space<semaphore_mem>>)
    %dma_wait3A_893 = arith.constant 0 : i32
    %dma_wait3A_894 = arith.constant 0 : i32
    %dma_wait3A_895 = tpu.memref_slice %arg6[%dma_wait3A_893, %dma_wait3A_894] : memref<16x1024xf32, #tpu.memory_space<vmem>> -> memref<8x1024xf32, #tpu.memory_space<vmem>>
    %dma_wait3A_896 = arith.constant 0 : i32
    %dma_wait3A_897 = arith.constant 0 : i32
    %dma_wait3A_898 = tpu.memref_slice %arg5[%dma_wait3A_896, %dma_wait3A_897] : memref<8192x1024xf32, #tpu.memory_space<hbm>> -> memref<8x1024xf32, #tpu.memory_space<hbm>>
    %dma_wait3A_899 = arith.constant 0 : i32
    %dma_wait3A_900 = arith.constant 0 : i32
    %dma_wait3A_901 = tpu.memref_slice %arg5[%dma_wait3A_899, %dma_wait3A_900] : memref<8192x1024xf32, #tpu.memory_space<hbm>> -> memref<8x1024xf32, #tpu.memory_space<hbm>>
    %dma_wait3A_902 = arith.constant 0 : i32
    %dma_wait3A_903 = arith.constant 0 : i32
    %dma_wait3A_904 = tpu.memref_slice %arg6[%dma_wait3A_902, %dma_wait3A_903] : memref<16x1024xf32, #tpu.memory_space<vmem>> -> memref<8x1024xf32, #tpu.memory_space<vmem>>
    tpu.wait_dma2 semaphore(%arg19 : memref<!tpu.dma_semaphore, #tpu.memory_space<semaphore_mem>>) src(%dma_wait3A_904 : memref<8x1024xf32, #tpu.memory_space<vmem>>) dst(%dma_wait3A_901 : memref<8x1024xf32, #tpu.memory_space<hbm>>)
    %dma_wait3A_905 = arith.constant 0 : i32
    %dma_wait3A_906 = arith.constant 0 : i32
    %dma_wait3A_907 = tpu.memref_slice %arg6[%dma_wait3A_905, %dma_wait3A_906] : memref<16x1024xf32, #tpu.memory_space<vmem>> -> memref<8x1024xf32, #tpu.memory_space<vmem>>
    %dma_wait3A_908 = arith.constant 0 : i32
    %dma_wait3A_909 = arith.constant 0 : i32
    %dma_wait3A_910 = tpu.memref_slice %arg5[%dma_wait3A_908, %dma_wait3A_909] : memref<8192x1024xf32, #tpu.memory_space<hbm>> -> memref<8x1024xf32, #tpu.memory_space<hbm>>
    %dma_wait3A_911 = arith.constant 0 : i32
    %dma_wait3A_912 = arith.constant 0 : i32
    %dma_wait3A_913 = tpu.memref_slice %arg5[%dma_wait3A_911, %dma_wait3A_912] : memref<8192x1024xf32, #tpu.memory_space<hbm>> -> memref<8x1024xf32, #tpu.memory_space<hbm>>
    %dma_wait3A_914 = arith.constant 0 : i32
    %dma_wait3A_915 = arith.constant 0 : i32
    %dma_wait3A_916 = tpu.memref_slice %arg6[%dma_wait3A_914, %dma_wait3A_915] : memref<16x1024xf32, #tpu.memory_space<vmem>> -> memref<8x1024xf32, #tpu.memory_space<vmem>>
    tpu.wait_dma2 semaphore(%arg19 : memref<!tpu.dma_semaphore, #tpu.memory_space<semaphore_mem>>) src(%dma_wait3A_916 : memref<8x1024xf32, #tpu.memory_space<vmem>>) dst(%dma_wait3A_913 : memref<8x1024xf32, #tpu.memory_space<hbm>>)
    %dma_start3A_917 = arith.constant 240 : i32
    %dma_start3A_918 = tpu.memref_slice %arg13[%dma_start3A_917] : memref<256xi32, #tpu.memory_space<vmem>> -> memref<16xi32, #tpu.memory_space<vmem>>
    %dma_start3A_919 = arith.constant 0 : i32
    %dma_start3A_920 = arith.constant 0 : i32
    %dma_start3A_921 = tpu.memref_slice %arg2[%dma_start3A_919, %dma_start3A_920] : memref<100000x1024xf32, #tpu.memory_space<hbm>> -> memref<100000x1024xf32, #tpu.memory_space<hbm>>
    tpu.enqueue_indirect_dma source(%dma_start3A_921 : memref<100000x1024xf32, #tpu.memory_space<hbm>>) target(%arg6 : memref<16x1024xf32, #tpu.memory_space<vmem>>) offsets(%dma_start3A_918 : memref<16xi32, #tpu.memory_space<vmem>>) semaphore(%arg14 : memref<!tpu.dma_semaphore, #tpu.memory_space<semaphore_mem>>)
    %dma_wait3A_922 = arith.constant 0 : i32
    %dma_wait3A_923 = arith.constant 0 : i32
    %dma_wait3A_924 = tpu.memref_slice %arg5[%dma_wait3A_922, %dma_wait3A_923] : memref<8192x1024xf32, #tpu.memory_space<hbm>> -> memref<16x1024xf32, #tpu.memory_space<hbm>>
    %dma_wait3A_925 = arith.constant 0 : i32
    %dma_wait3A_926 = arith.constant 0 : i32
    %dma_wait3A_927 = tpu.memref_slice %arg5[%dma_wait3A_925, %dma_wait3A_926] : memref<8192x1024xf32, #tpu.memory_space<hbm>> -> memref<16x1024xf32, #tpu.memory_space<hbm>>
    tpu.wait_dma2 semaphore(%arg16 : memref<!tpu.dma_semaphore, #tpu.memory_space<semaphore_mem>>) src(%dma_wait3A_927 : memref<16x1024xf32, #tpu.memory_space<hbm>>) dst(%arg8 : memref<16x1024xf32, #tpu.memory_space<vmem>>)
    %dma_wait3A_928 = arith.constant 0 : i32
    %dma_wait3A_929 = arith.constant 0 : i32
    %dma_wait3A_930 = tpu.memref_slice %arg4[%dma_wait3A_928, %dma_wait3A_929] : memref<2048x1024xf32, #tpu.memory_space<hbm>> -> memref<16x1024xf32, #tpu.memory_space<hbm>>
    %dma_wait3A_931 = arith.constant 0 : i32
    %dma_wait3A_932 = arith.constant 0 : i32
    %dma_wait3A_933 = tpu.memref_slice %arg4[%dma_wait3A_931, %dma_wait3A_932] : memref<2048x1024xf32, #tpu.memory_space<hbm>> -> memref<16x1024xf32, #tpu.memory_space<hbm>>
    tpu.wait_dma2 semaphore(%arg25 : memref<!tpu.dma_semaphore, #tpu.memory_space<semaphore_mem>>) src(%dma_wait3A_933 : memref<16x1024xf32, #tpu.memory_space<hbm>>) dst(%arg12 : memref<16x1024xf32, #tpu.memory_space<vmem>>)
    %parallel_loop3A_934 = arith.constant 0 : i32
    %parallel_loop3A_935 = arith.constant 512 : i32
    %parallel_loop3A_936 = arith.constant 1 : i32
    scf.for %parallel_loop3A_1224 = %parallel_loop3A_934 to %parallel_loop3A_935 step %parallel_loop3A_936  : i32 {
      %parallel_loop3A_1225 = arith.constant 6 : i32
      %parallel_loop3A_1226 = arith.shrui %parallel_loop3A_1224, %parallel_loop3A_1225 : i32
      %parallel_loop3A_1227 = arith.constant 0 : i32
      %parallel_loop3A_1228 = arith.addi %parallel_loop3A_1227, %parallel_loop3A_1226 : i32
      %parallel_loop3A_1229 = arith.constant 63 : i32
      %parallel_loop3A_1230 = arith.andi %parallel_loop3A_1224, %parallel_loop3A_1229 : i32
      %parallel_loop3A_1231 = arith.constant 16 : i32
      %parallel_loop3A_1232 = arith.muli %parallel_loop3A_1230, %parallel_loop3A_1231 : i32
      %parallel_loop3A_1233 = tpu.assume_multiple %parallel_loop3A_1232, 16 : i32
      %parallel_loop3A_1234 = arith.index_cast %parallel_loop3A_1228 : i32 to index
      %parallel_loop3A_1235 = arith.index_cast %parallel_loop3A_1233 : i32 to index
      %parallel_loop3A_1236 = tpu.vector_load %arg8[%parallel_loop3A_1234, %parallel_loop3A_1235] {strides = array<i32>} : memref<16x1024xf32, #tpu.memory_space<vmem>>, vector<1x16xf32>,
      %parallel_loop3A_1237 = vector.shape_cast %parallel_loop3A_1236 : vector<1x16xf32> to vector<16xf32>
      %parallel_loop3A_1238 = arith.constant 3.200000e+01 : f32
      %parallel_loop3A_1239 = vector.broadcast %parallel_loop3A_1238 : f32 to vector<16xf32>
      %parallel_loop3A_1240 = arith.mulf %parallel_loop3A_1237, %parallel_loop3A_1239 : vector<16xf32>
      %parallel_loop3A_1241 = arith.index_cast %parallel_loop3A_1228 : i32 to index
      %parallel_loop3A_1242 = arith.index_cast %parallel_loop3A_1233 : i32 to index
      %parallel_loop3A_1243 = tpu.vector_load %arg12[%parallel_loop3A_1241, %parallel_loop3A_1242] {strides = array<i32>} : memref<16x1024xf32, #tpu.memory_space<vmem>>, vector<1x16xf32>,
      %parallel_loop3A_1244 = vector.shape_cast %parallel_loop3A_1243 : vector<1x16xf32> to vector<16xf32>
      %parallel_loop3A_1245 = arith.addf %parallel_loop3A_1240, %parallel_loop3A_1244 : vector<16xf32>
      %parallel_loop3A_1246 = arith.index_cast %parallel_loop3A_1228 : i32 to index
      %parallel_loop3A_1247 = arith.index_cast %parallel_loop3A_1233 : i32 to index
      %parallel_loop3A_1248 = tpu.vector_load %arg8[%parallel_loop3A_1246, %parallel_loop3A_1247] {strides = array<i32>} : memref<16x1024xf32, #tpu.memory_space<vmem>>, vector<1x16xf32>,
      %parallel_loop3A_1249 = vector.shape_cast %parallel_loop3A_1248 : vector<1x16xf32> to vector<16xf32>
      %parallel_loop3A_1250 = vector.shape_cast %parallel_loop3A_1245 : vector<16xf32> to vector<1x16xf32>
      tpu.vector_store %arg8[%parallel_loop3A_1246, %parallel_loop3A_1247], %parallel_loop3A_1250 {strides = array<i32>} : memref<16x1024xf32, #tpu.memory_space<vmem>>, vector<1x16xf32>,
    } {sc.loop_unroll_factor = 4 : i64, sc.parallel_access}
    %add3A_937 = arith.constant 0 : i32
    %add3A_938 = arith.addi %add3A_937, %mul3A_2 : i32
    %add3A_939 = arith.constant 48 : i32
    %add3A_940 = arith.addi %add3A_938, %add3A_939 : i32
    %add3A_941 = arith.constant 0 : i32
    %add3A_942 = arith.addi %add3A_940, %add3A_941 : i32
    %dma_start3A_943 = arith.constant 0 : i32
    %dma_start3A_944 = arith.constant 0 : i32
    %dma_start3A_945 = tpu.memref_slice %arg8[%dma_start3A_943, %dma_start3A_944] : memref<16x1024xf32, #tpu.memory_space<vmem>> -> memref<8x1024xf32, #tpu.memory_space<vmem>>
    %dma_start3A_946 = arith.constant 0 : i32
    %dma_start3A_947 = tpu.memref_slice %arg5[%add3A_942, %dma_start3A_946] : memref<8192x1024xf32, #tpu.memory_space<hbm>> -> memref<8x1024xf32, #tpu.memory_space<hbm>>
    %dma_start3A_948 = arith.constant 0 : i32
    %dma_start3A_949 = tpu.memref_slice %arg5[%add3A_942, %dma_start3A_948] : memref<8192x1024xf32, #tpu.memory_space<hbm>> -> memref<8x1024xf32, #tpu.memory_space<hbm>>
    %dma_start3A_950 = arith.constant 0 : i32
    %dma_start3A_951 = arith.constant 0 : i32
    %dma_start3A_952 = tpu.memref_slice %arg8[%dma_start3A_950, %dma_start3A_951] : memref<16x1024xf32, #tpu.memory_space<vmem>> -> memref<8x1024xf32, #tpu.memory_space<vmem>>
    tpu.enqueue_dma source(%dma_start3A_952 : memref<8x1024xf32, #tpu.memory_space<vmem>>) target(%dma_start3A_949 : memref<8x1024xf32, #tpu.memory_space<hbm>>) target_semaphore(%arg21 : memref<!tpu.dma_semaphore, #tpu.memory_space<semaphore_mem>>)
    %parallel_loop3A_953 = arith.constant 0 : i32
    %parallel_loop3A_954 = arith.constant 512 : i32
    %parallel_loop3A_955 = arith.constant 1 : i32
    scf.for %parallel_loop3A_1224 = %parallel_loop3A_953 to %parallel_loop3A_954 step %parallel_loop3A_955  : i32 {
      %parallel_loop3A_1225 = arith.constant 6 : i32
      %parallel_loop3A_1226 = arith.shrui %parallel_loop3A_1224, %parallel_loop3A_1225 : i32
      %parallel_loop3A_1227 = arith.constant 8 : i32
      %parallel_loop3A_1228 = arith.addi %parallel_loop3A_1227, %parallel_loop3A_1226 : i32
      %parallel_loop3A_1229 = arith.constant 63 : i32
      %parallel_loop3A_1230 = arith.andi %parallel_loop3A_1224, %parallel_loop3A_1229 : i32
      %parallel_loop3A_1231 = arith.constant 16 : i32
      %parallel_loop3A_1232 = arith.muli %parallel_loop3A_1230, %parallel_loop3A_1231 : i32
      %parallel_loop3A_1233 = tpu.assume_multiple %parallel_loop3A_1232, 16 : i32
      %parallel_loop3A_1234 = arith.index_cast %parallel_loop3A_1228 : i32 to index
      %parallel_loop3A_1235 = arith.index_cast %parallel_loop3A_1233 : i32 to index
      %parallel_loop3A_1236 = tpu.vector_load %arg8[%parallel_loop3A_1234, %parallel_loop3A_1235] {strides = array<i32>} : memref<16x1024xf32, #tpu.memory_space<vmem>>, vector<1x16xf32>,
      %parallel_loop3A_1237 = vector.shape_cast %parallel_loop3A_1236 : vector<1x16xf32> to vector<16xf32>
      %parallel_loop3A_1238 = arith.constant 3.200000e+01 : f32
      %parallel_loop3A_1239 = vector.broadcast %parallel_loop3A_1238 : f32 to vector<16xf32>
      %parallel_loop3A_1240 = arith.mulf %parallel_loop3A_1237, %parallel_loop3A_1239 : vector<16xf32>
      %parallel_loop3A_1241 = arith.index_cast %parallel_loop3A_1228 : i32 to index
      %parallel_loop3A_1242 = arith.index_cast %parallel_loop3A_1233 : i32 to index
      %parallel_loop3A_1243 = tpu.vector_load %arg12[%parallel_loop3A_1241, %parallel_loop3A_1242] {strides = array<i32>} : memref<16x1024xf32, #tpu.memory_space<vmem>>, vector<1x16xf32>,
      %parallel_loop3A_1244 = vector.shape_cast %parallel_loop3A_1243 : vector<1x16xf32> to vector<16xf32>
      %parallel_loop3A_1245 = arith.addf %parallel_loop3A_1240, %parallel_loop3A_1244 : vector<16xf32>
      %parallel_loop3A_1246 = arith.index_cast %parallel_loop3A_1228 : i32 to index
      %parallel_loop3A_1247 = arith.index_cast %parallel_loop3A_1233 : i32 to index
      %parallel_loop3A_1248 = tpu.vector_load %arg8[%parallel_loop3A_1246, %parallel_loop3A_1247] {strides = array<i32>} : memref<16x1024xf32, #tpu.memory_space<vmem>>, vector<1x16xf32>,
      %parallel_loop3A_1249 = vector.shape_cast %parallel_loop3A_1248 : vector<1x16xf32> to vector<16xf32>
      %parallel_loop3A_1250 = vector.shape_cast %parallel_loop3A_1245 : vector<16xf32> to vector<1x16xf32>
      tpu.vector_store %arg8[%parallel_loop3A_1246, %parallel_loop3A_1247], %parallel_loop3A_1250 {strides = array<i32>} : memref<16x1024xf32, #tpu.memory_space<vmem>>, vector<1x16xf32>,
    } {sc.loop_unroll_factor = 4 : i64, sc.parallel_access}
    %add3A_956 = arith.constant 0 : i32
    %add3A_957 = arith.addi %add3A_956, %mul3A_2 : i32
    %add3A_958 = arith.constant 48 : i32
    %add3A_959 = arith.addi %add3A_957, %add3A_958 : i32
    %add3A_960 = arith.constant 8 : i32
    %add3A_961 = arith.addi %add3A_959, %add3A_960 : i32
    %dma_start3A_962 = arith.constant 8 : i32
    %dma_start3A_963 = arith.constant 0 : i32
    %dma_start3A_964 = tpu.memref_slice %arg8[%dma_start3A_962, %dma_start3A_963] : memref<16x1024xf32, #tpu.memory_space<vmem>> -> memref<8x1024xf32, #tpu.memory_space<vmem>>
    %dma_start3A_965 = arith.constant 0 : i32
    %dma_start3A_966 = tpu.memref_slice %arg5[%add3A_961, %dma_start3A_965] : memref<8192x1024xf32, #tpu.memory_space<hbm>> -> memref<8x1024xf32, #tpu.memory_space<hbm>>
    %dma_start3A_967 = arith.constant 0 : i32
    %dma_start3A_968 = tpu.memref_slice %arg5[%add3A_961, %dma_start3A_967] : memref<8192x1024xf32, #tpu.memory_space<hbm>> -> memref<8x1024xf32, #tpu.memory_space<hbm>>
    %dma_start3A_969 = arith.constant 8 : i32
    %dma_start3A_970 = arith.constant 0 : i32
    %dma_start3A_971 = tpu.memref_slice %arg8[%dma_start3A_969, %dma_start3A_970] : memref<16x1024xf32, #tpu.memory_space<vmem>> -> memref<8x1024xf32, #tpu.memory_space<vmem>>
    tpu.enqueue_dma source(%dma_start3A_971 : memref<8x1024xf32, #tpu.memory_space<vmem>>) target(%dma_start3A_968 : memref<8x1024xf32, #tpu.memory_space<hbm>>) target_semaphore(%arg21 : memref<!tpu.dma_semaphore, #tpu.memory_space<semaphore_mem>>)
    %dma_wait3A_972 = arith.constant 0 : i32
    %dma_wait3A_973 = arith.constant 0 : i32
    %dma_wait3A_974 = tpu.memref_slice %arg5[%dma_wait3A_972, %dma_wait3A_973] : memref<8192x1024xf32, #tpu.memory_space<hbm>> -> memref<16x1024xf32, #tpu.memory_space<hbm>>
    %dma_wait3A_975 = arith.constant 0 : i32
    %dma_wait3A_976 = arith.constant 0 : i32
    %dma_wait3A_977 = tpu.memref_slice %arg5[%dma_wait3A_975, %dma_wait3A_976] : memref<8192x1024xf32, #tpu.memory_space<hbm>> -> memref<16x1024xf32, #tpu.memory_space<hbm>>
    tpu.wait_dma2 semaphore(%arg17 : memref<!tpu.dma_semaphore, #tpu.memory_space<semaphore_mem>>) src(%dma_wait3A_977 : memref<16x1024xf32, #tpu.memory_space<hbm>>) dst(%arg9 : memref<16x1024xf32, #tpu.memory_space<vmem>>)
    %parallel_loop3A_978 = arith.constant 0 : i32
    %parallel_loop3A_979 = arith.constant 512 : i32
    %parallel_loop3A_980 = arith.constant 1 : i32
    scf.for %parallel_loop3A_1224 = %parallel_loop3A_978 to %parallel_loop3A_979 step %parallel_loop3A_980  : i32 {
      %parallel_loop3A_1225 = arith.constant 6 : i32
      %parallel_loop3A_1226 = arith.shrui %parallel_loop3A_1224, %parallel_loop3A_1225 : i32
      %parallel_loop3A_1227 = arith.constant 0 : i32
      %parallel_loop3A_1228 = arith.addi %parallel_loop3A_1227, %parallel_loop3A_1226 : i32
      %parallel_loop3A_1229 = arith.constant 63 : i32
      %parallel_loop3A_1230 = arith.andi %parallel_loop3A_1224, %parallel_loop3A_1229 : i32
      %parallel_loop3A_1231 = arith.constant 16 : i32
      %parallel_loop3A_1232 = arith.muli %parallel_loop3A_1230, %parallel_loop3A_1231 : i32
      %parallel_loop3A_1233 = tpu.assume_multiple %parallel_loop3A_1232, 16 : i32
      %parallel_loop3A_1234 = arith.index_cast %parallel_loop3A_1228 : i32 to index
      %parallel_loop3A_1235 = arith.index_cast %parallel_loop3A_1233 : i32 to index
      %parallel_loop3A_1236 = tpu.vector_load %arg9[%parallel_loop3A_1234, %parallel_loop3A_1235] {strides = array<i32>} : memref<16x1024xf32, #tpu.memory_space<vmem>>, vector<1x16xf32>,
      %parallel_loop3A_1237 = vector.shape_cast %parallel_loop3A_1236 : vector<1x16xf32> to vector<16xf32>
      %parallel_loop3A_1238 = arith.constant 3.200000e+01 : f32
      %parallel_loop3A_1239 = vector.broadcast %parallel_loop3A_1238 : f32 to vector<16xf32>
      %parallel_loop3A_1240 = arith.mulf %parallel_loop3A_1237, %parallel_loop3A_1239 : vector<16xf32>
      %parallel_loop3A_1241 = arith.index_cast %parallel_loop3A_1228 : i32 to index
      %parallel_loop3A_1242 = arith.index_cast %parallel_loop3A_1233 : i32 to index
      %parallel_loop3A_1243 = tpu.vector_load %arg12[%parallel_loop3A_1241, %parallel_loop3A_1242] {strides = array<i32>} : memref<16x1024xf32, #tpu.memory_space<vmem>>, vector<1x16xf32>,
      %parallel_loop3A_1244 = vector.shape_cast %parallel_loop3A_1243 : vector<1x16xf32> to vector<16xf32>
      %parallel_loop3A_1245 = arith.addf %parallel_loop3A_1240, %parallel_loop3A_1244 : vector<16xf32>
      %parallel_loop3A_1246 = arith.index_cast %parallel_loop3A_1228 : i32 to index
      %parallel_loop3A_1247 = arith.index_cast %parallel_loop3A_1233 : i32 to index
      %parallel_loop3A_1248 = tpu.vector_load %arg9[%parallel_loop3A_1246, %parallel_loop3A_1247] {strides = array<i32>} : memref<16x1024xf32, #tpu.memory_space<vmem>>, vector<1x16xf32>,
      %parallel_loop3A_1249 = vector.shape_cast %parallel_loop3A_1248 : vector<1x16xf32> to vector<16xf32>
      %parallel_loop3A_1250 = vector.shape_cast %parallel_loop3A_1245 : vector<16xf32> to vector<1x16xf32>
      tpu.vector_store %arg9[%parallel_loop3A_1246, %parallel_loop3A_1247], %parallel_loop3A_1250 {strides = array<i32>} : memref<16x1024xf32, #tpu.memory_space<vmem>>, vector<1x16xf32>,
    } {sc.loop_unroll_factor = 4 : i64, sc.parallel_access}
    %add3A_981 = arith.constant 2048 : i32
    %add3A_982 = arith.addi %add3A_981, %mul3A_2 : i32
    %add3A_983 = arith.constant 48 : i32
    %add3A_984 = arith.addi %add3A_982, %add3A_983 : i32
    %add3A_985 = arith.constant 0 : i32
    %add3A_986 = arith.addi %add3A_984, %add3A_985 : i32
    %dma_start3A_987 = arith.constant 0 : i32
    %dma_start3A_988 = arith.constant 0 : i32
    %dma_start3A_989 = tpu.memref_slice %arg9[%dma_start3A_987, %dma_start3A_988] : memref<16x1024xf32, #tpu.memory_space<vmem>> -> memref<8x1024xf32, #tpu.memory_space<vmem>>
    %dma_start3A_990 = arith.constant 0 : i32
    %dma_start3A_991 = tpu.memref_slice %arg5[%add3A_986, %dma_start3A_990] : memref<8192x1024xf32, #tpu.memory_space<hbm>> -> memref<8x1024xf32, #tpu.memory_space<hbm>>
    %dma_start3A_992 = arith.constant 0 : i32
    %dma_start3A_993 = tpu.memref_slice %arg5[%add3A_986, %dma_start3A_992] : memref<8192x1024xf32, #tpu.memory_space<hbm>> -> memref<8x1024xf32, #tpu.memory_space<hbm>>
    %dma_start3A_994 = arith.constant 0 : i32
    %dma_start3A_995 = arith.constant 0 : i32
    %dma_start3A_996 = tpu.memref_slice %arg9[%dma_start3A_994, %dma_start3A_995] : memref<16x1024xf32, #tpu.memory_space<vmem>> -> memref<8x1024xf32, #tpu.memory_space<vmem>>
    tpu.enqueue_dma source(%dma_start3A_996 : memref<8x1024xf32, #tpu.memory_space<vmem>>) target(%dma_start3A_993 : memref<8x1024xf32, #tpu.memory_space<hbm>>) target_semaphore(%arg22 : memref<!tpu.dma_semaphore, #tpu.memory_space<semaphore_mem>>)
    %parallel_loop3A_997 = arith.constant 0 : i32
    %parallel_loop3A_998 = arith.constant 512 : i32
    %parallel_loop3A_999 = arith.constant 1 : i32
    scf.for %parallel_loop3A_1224 = %parallel_loop3A_997 to %parallel_loop3A_998 step %parallel_loop3A_999  : i32 {
      %parallel_loop3A_1225 = arith.constant 6 : i32
      %parallel_loop3A_1226 = arith.shrui %parallel_loop3A_1224, %parallel_loop3A_1225 : i32
      %parallel_loop3A_1227 = arith.constant 8 : i32
      %parallel_loop3A_1228 = arith.addi %parallel_loop3A_1227, %parallel_loop3A_1226 : i32
      %parallel_loop3A_1229 = arith.constant 63 : i32
      %parallel_loop3A_1230 = arith.andi %parallel_loop3A_1224, %parallel_loop3A_1229 : i32
      %parallel_loop3A_1231 = arith.constant 16 : i32
      %parallel_loop3A_1232 = arith.muli %parallel_loop3A_1230, %parallel_loop3A_1231 : i32
      %parallel_loop3A_1233 = tpu.assume_multiple %parallel_loop3A_1232, 16 : i32
      %parallel_loop3A_1234 = arith.index_cast %parallel_loop3A_1228 : i32 to index
      %parallel_loop3A_1235 = arith.index_cast %parallel_loop3A_1233 : i32 to index
      %parallel_loop3A_1236 = tpu.vector_load %arg9[%parallel_loop3A_1234, %parallel_loop3A_1235] {strides = array<i32>} : memref<16x1024xf32, #tpu.memory_space<vmem>>, vector<1x16xf32>,
      %parallel_loop3A_1237 = vector.shape_cast %parallel_loop3A_1236 : vector<1x16xf32> to vector<16xf32>
      %parallel_loop3A_1238 = arith.constant 3.200000e+01 : f32
      %parallel_loop3A_1239 = vector.broadcast %parallel_loop3A_1238 : f32 to vector<16xf32>
      %parallel_loop3A_1240 = arith.mulf %parallel_loop3A_1237, %parallel_loop3A_1239 : vector<16xf32>
      %parallel_loop3A_1241 = arith.index_cast %parallel_loop3A_1228 : i32 to index
      %parallel_loop3A_1242 = arith.index_cast %parallel_loop3A_1233 : i32 to index
      %parallel_loop3A_1243 = tpu.vector_load %arg12[%parallel_loop3A_1241, %parallel_loop3A_1242] {strides = array<i32>} : memref<16x1024xf32, #tpu.memory_space<vmem>>, vector<1x16xf32>,
      %parallel_loop3A_1244 = vector.shape_cast %parallel_loop3A_1243 : vector<1x16xf32> to vector<16xf32>
      %parallel_loop3A_1245 = arith.addf %parallel_loop3A_1240, %parallel_loop3A_1244 : vector<16xf32>
      %parallel_loop3A_1246 = arith.index_cast %parallel_loop3A_1228 : i32 to index
      %parallel_loop3A_1247 = arith.index_cast %parallel_loop3A_1233 : i32 to index
      %parallel_loop3A_1248 = tpu.vector_load %arg9[%parallel_loop3A_1246, %parallel_loop3A_1247] {strides = array<i32>} : memref<16x1024xf32, #tpu.memory_space<vmem>>, vector<1x16xf32>,
      %parallel_loop3A_1249 = vector.shape_cast %parallel_loop3A_1248 : vector<1x16xf32> to vector<16xf32>
      %parallel_loop3A_1250 = vector.shape_cast %parallel_loop3A_1245 : vector<16xf32> to vector<1x16xf32>
      tpu.vector_store %arg9[%parallel_loop3A_1246, %parallel_loop3A_1247], %parallel_loop3A_1250 {strides = array<i32>} : memref<16x1024xf32, #tpu.memory_space<vmem>>, vector<1x16xf32>,
    } {sc.loop_unroll_factor = 4 : i64, sc.parallel_access}
    %add3A_1000 = arith.constant 2048 : i32
    %add3A_1001 = arith.addi %add3A_1000, %mul3A_2 : i32
    %add3A_1002 = arith.constant 48 : i32
    %add3A_1003 = arith.addi %add3A_1001, %add3A_1002 : i32
    %add3A_1004 = arith.constant 8 : i32
    %add3A_1005 = arith.addi %add3A_1003, %add3A_1004 : i32
    %dma_start3A_1006 = arith.constant 8 : i32
    %dma_start3A_1007 = arith.constant 0 : i32
    %dma_start3A_1008 = tpu.memref_slice %arg9[%dma_start3A_1006, %dma_start3A_1007] : memref<16x1024xf32, #tpu.memory_space<vmem>> -> memref<8x1024xf32, #tpu.memory_space<vmem>>
    %dma_start3A_1009 = arith.constant 0 : i32
    %dma_start3A_1010 = tpu.memref_slice %arg5[%add3A_1005, %dma_start3A_1009] : memref<8192x1024xf32, #tpu.memory_space<hbm>> -> memref<8x1024xf32, #tpu.memory_space<hbm>>
    %dma_start3A_1011 = arith.constant 0 : i32
    %dma_start3A_1012 = tpu.memref_slice %arg5[%add3A_1005, %dma_start3A_1011] : memref<8192x1024xf32, #tpu.memory_space<hbm>> -> memref<8x1024xf32, #tpu.memory_space<hbm>>
    %dma_start3A_1013 = arith.constant 8 : i32
    %dma_start3A_1014 = arith.constant 0 : i32
    %dma_start3A_1015 = tpu.memref_slice %arg9[%dma_start3A_1013, %dma_start3A_1014] : memref<16x1024xf32, #tpu.memory_space<vmem>> -> memref<8x1024xf32, #tpu.memory_space<vmem>>
    tpu.enqueue_dma source(%dma_start3A_1015 : memref<8x1024xf32, #tpu.memory_space<vmem>>) target(%dma_start3A_1012 : memref<8x1024xf32, #tpu.memory_space<hbm>>) target_semaphore(%arg22 : memref<!tpu.dma_semaphore, #tpu.memory_space<semaphore_mem>>)
    %dma_wait3A_1016 = arith.constant 0 : i32
    %dma_wait3A_1017 = arith.constant 0 : i32
    %dma_wait3A_1018 = tpu.memref_slice %arg5[%dma_wait3A_1016, %dma_wait3A_1017] : memref<8192x1024xf32, #tpu.memory_space<hbm>> -> memref<16x1024xf32, #tpu.memory_space<hbm>>
    %dma_wait3A_1019 = arith.constant 0 : i32
    %dma_wait3A_1020 = arith.constant 0 : i32
    %dma_wait3A_1021 = tpu.memref_slice %arg5[%dma_wait3A_1019, %dma_wait3A_1020] : memref<8192x1024xf32, #tpu.memory_space<hbm>> -> memref<16x1024xf32, #tpu.memory_space<hbm>>
    tpu.wait_dma2 semaphore(%arg18 : memref<!tpu.dma_semaphore, #tpu.memory_space<semaphore_mem>>) src(%dma_wait3A_1021 : memref<16x1024xf32, #tpu.memory_space<hbm>>) dst(%arg10 : memref<16x1024xf32, #tpu.memory_space<vmem>>)
    %parallel_loop3A_1022 = arith.constant 0 : i32
    %parallel_loop3A_1023 = arith.constant 512 : i32
    %parallel_loop3A_1024 = arith.constant 1 : i32
    scf.for %parallel_loop3A_1224 = %parallel_loop3A_1022 to %parallel_loop3A_1023 step %parallel_loop3A_1024  : i32 {
      %parallel_loop3A_1225 = arith.constant 6 : i32
      %parallel_loop3A_1226 = arith.shrui %parallel_loop3A_1224, %parallel_loop3A_1225 : i32
      %parallel_loop3A_1227 = arith.constant 0 : i32
      %parallel_loop3A_1228 = arith.addi %parallel_loop3A_1227, %parallel_loop3A_1226 : i32
      %parallel_loop3A_1229 = arith.constant 63 : i32
      %parallel_loop3A_1230 = arith.andi %parallel_loop3A_1224, %parallel_loop3A_1229 : i32
      %parallel_loop3A_1231 = arith.constant 16 : i32
      %parallel_loop3A_1232 = arith.muli %parallel_loop3A_1230, %parallel_loop3A_1231 : i32
      %parallel_loop3A_1233 = tpu.assume_multiple %parallel_loop3A_1232, 16 : i32
      %parallel_loop3A_1234 = arith.index_cast %parallel_loop3A_1228 : i32 to index
      %parallel_loop3A_1235 = arith.index_cast %parallel_loop3A_1233 : i32 to index
      %parallel_loop3A_1236 = tpu.vector_load %arg10[%parallel_loop3A_1234, %parallel_loop3A_1235] {strides = array<i32>} : memref<16x1024xf32, #tpu.memory_space<vmem>>, vector<1x16xf32>,
      %parallel_loop3A_1237 = vector.shape_cast %parallel_loop3A_1236 : vector<1x16xf32> to vector<16xf32>
      %parallel_loop3A_1238 = arith.constant 3.200000e+01 : f32
      %parallel_loop3A_1239 = vector.broadcast %parallel_loop3A_1238 : f32 to vector<16xf32>
      %parallel_loop3A_1240 = arith.mulf %parallel_loop3A_1237, %parallel_loop3A_1239 : vector<16xf32>
      %parallel_loop3A_1241 = arith.index_cast %parallel_loop3A_1228 : i32 to index
      %parallel_loop3A_1242 = arith.index_cast %parallel_loop3A_1233 : i32 to index
      %parallel_loop3A_1243 = tpu.vector_load %arg12[%parallel_loop3A_1241, %parallel_loop3A_1242] {strides = array<i32>} : memref<16x1024xf32, #tpu.memory_space<vmem>>, vector<1x16xf32>,
      %parallel_loop3A_1244 = vector.shape_cast %parallel_loop3A_1243 : vector<1x16xf32> to vector<16xf32>
      %parallel_loop3A_1245 = arith.addf %parallel_loop3A_1240, %parallel_loop3A_1244 : vector<16xf32>
      %parallel_loop3A_1246 = arith.index_cast %parallel_loop3A_1228 : i32 to index
      %parallel_loop3A_1247 = arith.index_cast %parallel_loop3A_1233 : i32 to index
      %parallel_loop3A_1248 = tpu.vector_load %arg10[%parallel_loop3A_1246, %parallel_loop3A_1247] {strides = array<i32>} : memref<16x1024xf32, #tpu.memory_space<vmem>>, vector<1x16xf32>,
      %parallel_loop3A_1249 = vector.shape_cast %parallel_loop3A_1248 : vector<1x16xf32> to vector<16xf32>
      %parallel_loop3A_1250 = vector.shape_cast %parallel_loop3A_1245 : vector<16xf32> to vector<1x16xf32>
      tpu.vector_store %arg10[%parallel_loop3A_1246, %parallel_loop3A_1247], %parallel_loop3A_1250 {strides = array<i32>} : memref<16x1024xf32, #tpu.memory_space<vmem>>, vector<1x16xf32>,
    } {sc.loop_unroll_factor = 4 : i64, sc.parallel_access}
    %add3A_1025 = arith.constant 4096 : i32
    %add3A_1026 = arith.addi %add3A_1025, %mul3A_2 : i32
    %add3A_1027 = arith.constant 48 : i32
    %add3A_1028 = arith.addi %add3A_1026, %add3A_1027 : i32
    %add3A_1029 = arith.constant 0 : i32
    %add3A_1030 = arith.addi %add3A_1028, %add3A_1029 : i32
    %dma_start3A_1031 = arith.constant 0 : i32
    %dma_start3A_1032 = arith.constant 0 : i32
    %dma_start3A_1033 = tpu.memref_slice %arg10[%dma_start3A_1031, %dma_start3A_1032] : memref<16x1024xf32, #tpu.memory_space<vmem>> -> memref<8x1024xf32, #tpu.memory_space<vmem>>
    %dma_start3A_1034 = arith.constant 0 : i32
    %dma_start3A_1035 = tpu.memref_slice %arg5[%add3A_1030, %dma_start3A_1034] : memref<8192x1024xf32, #tpu.memory_space<hbm>> -> memref<8x1024xf32, #tpu.memory_space<hbm>>
    %dma_start3A_1036 = arith.constant 0 : i32
    %dma_start3A_1037 = tpu.memref_slice %arg5[%add3A_1030, %dma_start3A_1036] : memref<8192x1024xf32, #tpu.memory_space<hbm>> -> memref<8x1024xf32, #tpu.memory_space<hbm>>
    %dma_start3A_1038 = arith.constant 0 : i32
    %dma_start3A_1039 = arith.constant 0 : i32
    %dma_start3A_1040 = tpu.memref_slice %arg10[%dma_start3A_1038, %dma_start3A_1039] : memref<16x1024xf32, #tpu.memory_space<vmem>> -> memref<8x1024xf32, #tpu.memory_space<vmem>>
    tpu.enqueue_dma source(%dma_start3A_1040 : memref<8x1024xf32, #tpu.memory_space<vmem>>) target(%dma_start3A_1037 : memref<8x1024xf32, #tpu.memory_space<hbm>>) target_semaphore(%arg23 : memref<!tpu.dma_semaphore, #tpu.memory_space<semaphore_mem>>)
    %parallel_loop3A_1041 = arith.constant 0 : i32
    %parallel_loop3A_1042 = arith.constant 512 : i32
    %parallel_loop3A_1043 = arith.constant 1 : i32
    scf.for %parallel_loop3A_1224 = %parallel_loop3A_1041 to %parallel_loop3A_1042 step %parallel_loop3A_1043  : i32 {
      %parallel_loop3A_1225 = arith.constant 6 : i32
      %parallel_loop3A_1226 = arith.shrui %parallel_loop3A_1224, %parallel_loop3A_1225 : i32
      %parallel_loop3A_1227 = arith.constant 8 : i32
      %parallel_loop3A_1228 = arith.addi %parallel_loop3A_1227, %parallel_loop3A_1226 : i32
      %parallel_loop3A_1229 = arith.constant 63 : i32
      %parallel_loop3A_1230 = arith.andi %parallel_loop3A_1224, %parallel_loop3A_1229 : i32
      %parallel_loop3A_1231 = arith.constant 16 : i32
      %parallel_loop3A_1232 = arith.muli %parallel_loop3A_1230, %parallel_loop3A_1231 : i32
      %parallel_loop3A_1233 = tpu.assume_multiple %parallel_loop3A_1232, 16 : i32
      %parallel_loop3A_1234 = arith.index_cast %parallel_loop3A_1228 : i32 to index
      %parallel_loop3A_1235 = arith.index_cast %parallel_loop3A_1233 : i32 to index
      %parallel_loop3A_1236 = tpu.vector_load %arg10[%parallel_loop3A_1234, %parallel_loop3A_1235] {strides = array<i32>} : memref<16x1024xf32, #tpu.memory_space<vmem>>, vector<1x16xf32>,
      %parallel_loop3A_1237 = vector.shape_cast %parallel_loop3A_1236 : vector<1x16xf32> to vector<16xf32>
      %parallel_loop3A_1238 = arith.constant 3.200000e+01 : f32
      %parallel_loop3A_1239 = vector.broadcast %parallel_loop3A_1238 : f32 to vector<16xf32>
      %parallel_loop3A_1240 = arith.mulf %parallel_loop3A_1237, %parallel_loop3A_1239 : vector<16xf32>
      %parallel_loop3A_1241 = arith.index_cast %parallel_loop3A_1228 : i32 to index
      %parallel_loop3A_1242 = arith.index_cast %parallel_loop3A_1233 : i32 to index
      %parallel_loop3A_1243 = tpu.vector_load %arg12[%parallel_loop3A_1241, %parallel_loop3A_1242] {strides = array<i32>} : memref<16x1024xf32, #tpu.memory_space<vmem>>, vector<1x16xf32>,
      %parallel_loop3A_1244 = vector.shape_cast %parallel_loop3A_1243 : vector<1x16xf32> to vector<16xf32>
      %parallel_loop3A_1245 = arith.addf %parallel_loop3A_1240, %parallel_loop3A_1244 : vector<16xf32>
      %parallel_loop3A_1246 = arith.index_cast %parallel_loop3A_1228 : i32 to index
      %parallel_loop3A_1247 = arith.index_cast %parallel_loop3A_1233 : i32 to index
      %parallel_loop3A_1248 = tpu.vector_load %arg10[%parallel_loop3A_1246, %parallel_loop3A_1247] {strides = array<i32>} : memref<16x1024xf32, #tpu.memory_space<vmem>>, vector<1x16xf32>,
      %parallel_loop3A_1249 = vector.shape_cast %parallel_loop3A_1248 : vector<1x16xf32> to vector<16xf32>
      %parallel_loop3A_1250 = vector.shape_cast %parallel_loop3A_1245 : vector<16xf32> to vector<1x16xf32>
      tpu.vector_store %arg10[%parallel_loop3A_1246, %parallel_loop3A_1247], %parallel_loop3A_1250 {strides = array<i32>} : memref<16x1024xf32, #tpu.memory_space<vmem>>, vector<1x16xf32>,
    } {sc.loop_unroll_factor = 4 : i64, sc.parallel_access}
    %add3A_1044 = arith.constant 4096 : i32
    %add3A_1045 = arith.addi %add3A_1044, %mul3A_2 : i32
    %add3A_1046 = arith.constant 48 : i32
    %add3A_1047 = arith.addi %add3A_1045, %add3A_1046 : i32
    %add3A_1048 = arith.constant 8 : i32
    %add3A_1049 = arith.addi %add3A_1047, %add3A_1048 : i32
    %dma_start3A_1050 = arith.constant 8 : i32
    %dma_start3A_1051 = arith.constant 0 : i32
    %dma_start3A_1052 = tpu.memref_slice %arg10[%dma_start3A_1050, %dma_start3A_1051] : memref<16x1024xf32, #tpu.memory_space<vmem>> -> memref<8x1024xf32, #tpu.memory_space<vmem>>
    %dma_start3A_1053 = arith.constant 0 : i32
    %dma_start3A_1054 = tpu.memref_slice %arg5[%add3A_1049, %dma_start3A_1053] : memref<8192x1024xf32, #tpu.memory_space<hbm>> -> memref<8x1024xf32, #tpu.memory_space<hbm>>
    %dma_start3A_1055 = arith.constant 0 : i32
    %dma_start3A_1056 = tpu.memref_slice %arg5[%add3A_1049, %dma_start3A_1055] : memref<8192x1024xf32, #tpu.memory_space<hbm>> -> memref<8x1024xf32, #tpu.memory_space<hbm>>
    %dma_start3A_1057 = arith.constant 8 : i32
    %dma_start3A_1058 = arith.constant 0 : i32
    %dma_start3A_1059 = tpu.memref_slice %arg10[%dma_start3A_1057, %dma_start3A_1058] : memref<16x1024xf32, #tpu.memory_space<vmem>> -> memref<8x1024xf32, #tpu.memory_space<vmem>>
    tpu.enqueue_dma source(%dma_start3A_1059 : memref<8x1024xf32, #tpu.memory_space<vmem>>) target(%dma_start3A_1056 : memref<8x1024xf32, #tpu.memory_space<hbm>>) target_semaphore(%arg23 : memref<!tpu.dma_semaphore, #tpu.memory_space<semaphore_mem>>)
    %dma_wait3A_1060 = arith.constant 0 : i32
    %dma_wait3A_1061 = arith.constant 0 : i32
    %dma_wait3A_1062 = tpu.memref_slice %arg5[%dma_wait3A_1060, %dma_wait3A_1061] : memref<8192x1024xf32, #tpu.memory_space<hbm>> -> memref<16x1024xf32, #tpu.memory_space<hbm>>
    %dma_wait3A_1063 = arith.constant 0 : i32
    %dma_wait3A_1064 = arith.constant 0 : i32
    %dma_wait3A_1065 = tpu.memref_slice %arg5[%dma_wait3A_1063, %dma_wait3A_1064] : memref<8192x1024xf32, #tpu.memory_space<hbm>> -> memref<16x1024xf32, #tpu.memory_space<hbm>>
    tpu.wait_dma2 semaphore(%arg14 : memref<!tpu.dma_semaphore, #tpu.memory_space<semaphore_mem>>) src(%dma_wait3A_1065 : memref<16x1024xf32, #tpu.memory_space<hbm>>) dst(%arg6 : memref<16x1024xf32, #tpu.memory_space<vmem>>)
    %parallel_loop3A_1066 = arith.constant 0 : i32
    %parallel_loop3A_1067 = arith.constant 512 : i32
    %parallel_loop3A_1068 = arith.constant 1 : i32
    scf.for %parallel_loop3A_1224 = %parallel_loop3A_1066 to %parallel_loop3A_1067 step %parallel_loop3A_1068  : i32 {
      %parallel_loop3A_1225 = arith.constant 6 : i32
      %parallel_loop3A_1226 = arith.shrui %parallel_loop3A_1224, %parallel_loop3A_1225 : i32
      %parallel_loop3A_1227 = arith.constant 0 : i32
      %parallel_loop3A_1228 = arith.addi %parallel_loop3A_1227, %parallel_loop3A_1226 : i32
      %parallel_loop3A_1229 = arith.constant 63 : i32
      %parallel_loop3A_1230 = arith.andi %parallel_loop3A_1224, %parallel_loop3A_1229 : i32
      %parallel_loop3A_1231 = arith.constant 16 : i32
      %parallel_loop3A_1232 = arith.muli %parallel_loop3A_1230, %parallel_loop3A_1231 : i32
      %parallel_loop3A_1233 = tpu.assume_multiple %parallel_loop3A_1232, 16 : i32
      %parallel_loop3A_1234 = arith.index_cast %parallel_loop3A_1228 : i32 to index
      %parallel_loop3A_1235 = arith.index_cast %parallel_loop3A_1233 : i32 to index
      %parallel_loop3A_1236 = tpu.vector_load %arg6[%parallel_loop3A_1234, %parallel_loop3A_1235] {strides = array<i32>} : memref<16x1024xf32, #tpu.memory_space<vmem>>, vector<1x16xf32>,
      %parallel_loop3A_1237 = vector.shape_cast %parallel_loop3A_1236 : vector<1x16xf32> to vector<16xf32>
      %parallel_loop3A_1238 = arith.constant 3.200000e+01 : f32
      %parallel_loop3A_1239 = vector.broadcast %parallel_loop3A_1238 : f32 to vector<16xf32>
      %parallel_loop3A_1240 = arith.mulf %parallel_loop3A_1237, %parallel_loop3A_1239 : vector<16xf32>
      %parallel_loop3A_1241 = arith.index_cast %parallel_loop3A_1228 : i32 to index
      %parallel_loop3A_1242 = arith.index_cast %parallel_loop3A_1233 : i32 to index
      %parallel_loop3A_1243 = tpu.vector_load %arg12[%parallel_loop3A_1241, %parallel_loop3A_1242] {strides = array<i32>} : memref<16x1024xf32, #tpu.memory_space<vmem>>, vector<1x16xf32>,
      %parallel_loop3A_1244 = vector.shape_cast %parallel_loop3A_1243 : vector<1x16xf32> to vector<16xf32>
      %parallel_loop3A_1245 = arith.addf %parallel_loop3A_1240, %parallel_loop3A_1244 : vector<16xf32>
      %parallel_loop3A_1246 = arith.index_cast %parallel_loop3A_1228 : i32 to index
      %parallel_loop3A_1247 = arith.index_cast %parallel_loop3A_1233 : i32 to index
      %parallel_loop3A_1248 = tpu.vector_load %arg6[%parallel_loop3A_1246, %parallel_loop3A_1247] {strides = array<i32>} : memref<16x1024xf32, #tpu.memory_space<vmem>>, vector<1x16xf32>,
      %parallel_loop3A_1249 = vector.shape_cast %parallel_loop3A_1248 : vector<1x16xf32> to vector<16xf32>
      %parallel_loop3A_1250 = vector.shape_cast %parallel_loop3A_1245 : vector<16xf32> to vector<1x16xf32>
      tpu.vector_store %arg6[%parallel_loop3A_1246, %parallel_loop3A_1247], %parallel_loop3A_1250 {strides = array<i32>} : memref<16x1024xf32, #tpu.memory_space<vmem>>, vector<1x16xf32>,
    } {sc.loop_unroll_factor = 4 : i64, sc.parallel_access}
    %add3A_1069 = arith.constant 6144 : i32
    %add3A_1070 = arith.addi %add3A_1069, %mul3A_2 : i32
    %add3A_1071 = arith.constant 48 : i32
    %add3A_1072 = arith.addi %add3A_1070, %add3A_1071 : i32
    %add3A_1073 = arith.constant 0 : i32
    %add3A_1074 = arith.addi %add3A_1072, %add3A_1073 : i32
    %dma_start3A_1075 = arith.constant 0 : i32
    %dma_start3A_1076 = arith.constant 0 : i32
    %dma_start3A_1077 = tpu.memref_slice %arg6[%dma_start3A_1075, %dma_start3A_1076] : memref<16x1024xf32, #tpu.memory_space<vmem>> -> memref<8x1024xf32, #tpu.memory_space<vmem>>
    %dma_start3A_1078 = arith.constant 0 : i32
    %dma_start3A_1079 = tpu.memref_slice %arg5[%add3A_1074, %dma_start3A_1078] : memref<8192x1024xf32, #tpu.memory_space<hbm>> -> memref<8x1024xf32, #tpu.memory_space<hbm>>
    %dma_start3A_1080 = arith.constant 0 : i32
    %dma_start3A_1081 = tpu.memref_slice %arg5[%add3A_1074, %dma_start3A_1080] : memref<8192x1024xf32, #tpu.memory_space<hbm>> -> memref<8x1024xf32, #tpu.memory_space<hbm>>
    %dma_start3A_1082 = arith.constant 0 : i32
    %dma_start3A_1083 = arith.constant 0 : i32
    %dma_start3A_1084 = tpu.memref_slice %arg6[%dma_start3A_1082, %dma_start3A_1083] : memref<16x1024xf32, #tpu.memory_space<vmem>> -> memref<8x1024xf32, #tpu.memory_space<vmem>>
    tpu.enqueue_dma source(%dma_start3A_1084 : memref<8x1024xf32, #tpu.memory_space<vmem>>) target(%dma_start3A_1081 : memref<8x1024xf32, #tpu.memory_space<hbm>>) target_semaphore(%arg19 : memref<!tpu.dma_semaphore, #tpu.memory_space<semaphore_mem>>)
    %parallel_loop3A_1085 = arith.constant 0 : i32
    %parallel_loop3A_1086 = arith.constant 512 : i32
    %parallel_loop3A_1087 = arith.constant 1 : i32
    scf.for %parallel_loop3A_1224 = %parallel_loop3A_1085 to %parallel_loop3A_1086 step %parallel_loop3A_1087  : i32 {
      %parallel_loop3A_1225 = arith.constant 6 : i32
      %parallel_loop3A_1226 = arith.shrui %parallel_loop3A_1224, %parallel_loop3A_1225 : i32
      %parallel_loop3A_1227 = arith.constant 8 : i32
      %parallel_loop3A_1228 = arith.addi %parallel_loop3A_1227, %parallel_loop3A_1226 : i32
      %parallel_loop3A_1229 = arith.constant 63 : i32
      %parallel_loop3A_1230 = arith.andi %parallel_loop3A_1224, %parallel_loop3A_1229 : i32
      %parallel_loop3A_1231 = arith.constant 16 : i32
      %parallel_loop3A_1232 = arith.muli %parallel_loop3A_1230, %parallel_loop3A_1231 : i32
      %parallel_loop3A_1233 = tpu.assume_multiple %parallel_loop3A_1232, 16 : i32
      %parallel_loop3A_1234 = arith.index_cast %parallel_loop3A_1228 : i32 to index
      %parallel_loop3A_1235 = arith.index_cast %parallel_loop3A_1233 : i32 to index
      %parallel_loop3A_1236 = tpu.vector_load %arg6[%parallel_loop3A_1234, %parallel_loop3A_1235] {strides = array<i32>} : memref<16x1024xf32, #tpu.memory_space<vmem>>, vector<1x16xf32>,
      %parallel_loop3A_1237 = vector.shape_cast %parallel_loop3A_1236 : vector<1x16xf32> to vector<16xf32>
      %parallel_loop3A_1238 = arith.constant 3.200000e+01 : f32
      %parallel_loop3A_1239 = vector.broadcast %parallel_loop3A_1238 : f32 to vector<16xf32>
      %parallel_loop3A_1240 = arith.mulf %parallel_loop3A_1237, %parallel_loop3A_1239 : vector<16xf32>
      %parallel_loop3A_1241 = arith.index_cast %parallel_loop3A_1228 : i32 to index
      %parallel_loop3A_1242 = arith.index_cast %parallel_loop3A_1233 : i32 to index
      %parallel_loop3A_1243 = tpu.vector_load %arg12[%parallel_loop3A_1241, %parallel_loop3A_1242] {strides = array<i32>} : memref<16x1024xf32, #tpu.memory_space<vmem>>, vector<1x16xf32>,
      %parallel_loop3A_1244 = vector.shape_cast %parallel_loop3A_1243 : vector<1x16xf32> to vector<16xf32>
      %parallel_loop3A_1245 = arith.addf %parallel_loop3A_1240, %parallel_loop3A_1244 : vector<16xf32>
      %parallel_loop3A_1246 = arith.index_cast %parallel_loop3A_1228 : i32 to index
      %parallel_loop3A_1247 = arith.index_cast %parallel_loop3A_1233 : i32 to index
      %parallel_loop3A_1248 = tpu.vector_load %arg6[%parallel_loop3A_1246, %parallel_loop3A_1247] {strides = array<i32>} : memref<16x1024xf32, #tpu.memory_space<vmem>>, vector<1x16xf32>,
      %parallel_loop3A_1249 = vector.shape_cast %parallel_loop3A_1248 : vector<1x16xf32> to vector<16xf32>
      %parallel_loop3A_1250 = vector.shape_cast %parallel_loop3A_1245 : vector<16xf32> to vector<1x16xf32>
      tpu.vector_store %arg6[%parallel_loop3A_1246, %parallel_loop3A_1247], %parallel_loop3A_1250 {strides = array<i32>} : memref<16x1024xf32, #tpu.memory_space<vmem>>, vector<1x16xf32>,
    } {sc.loop_unroll_factor = 4 : i64, sc.parallel_access}
    %add3A_1088 = arith.constant 6144 : i32
    %add3A_1089 = arith.addi %add3A_1088, %mul3A_2 : i32
    %add3A_1090 = arith.constant 48 : i32
    %add3A_1091 = arith.addi %add3A_1089, %add3A_1090 : i32
    %add3A_1092 = arith.constant 8 : i32
    %add3A_1093 = arith.addi %add3A_1091, %add3A_1092 : i32
    %dma_start3A_1094 = arith.constant 8 : i32
    %dma_start3A_1095 = arith.constant 0 : i32
    %dma_start3A_1096 = tpu.memref_slice %arg6[%dma_start3A_1094, %dma_start3A_1095] : memref<16x1024xf32, #tpu.memory_space<vmem>> -> memref<8x1024xf32, #tpu.memory_space<vmem>>
    %dma_start3A_1097 = arith.constant 0 : i32
    %dma_start3A_1098 = tpu.memref_slice %arg5[%add3A_1093, %dma_start3A_1097] : memref<8192x1024xf32, #tpu.memory_space<hbm>> -> memref<8x1024xf32, #tpu.memory_space<hbm>>
    %dma_start3A_1099 = arith.constant 0 : i32
    %dma_start3A_1100 = tpu.memref_slice %arg5[%add3A_1093, %dma_start3A_1099] : memref<8192x1024xf32, #tpu.memory_space<hbm>> -> memref<8x1024xf32, #tpu.memory_space<hbm>>
    %dma_start3A_1101 = arith.constant 8 : i32
    %dma_start3A_1102 = arith.constant 0 : i32
    %dma_start3A_1103 = tpu.memref_slice %arg6[%dma_start3A_1101, %dma_start3A_1102] : memref<16x1024xf32, #tpu.memory_space<vmem>> -> memref<8x1024xf32, #tpu.memory_space<vmem>>
    tpu.enqueue_dma source(%dma_start3A_1103 : memref<8x1024xf32, #tpu.memory_space<vmem>>) target(%dma_start3A_1100 : memref<8x1024xf32, #tpu.memory_space<hbm>>) target_semaphore(%arg19 : memref<!tpu.dma_semaphore, #tpu.memory_space<semaphore_mem>>)
    %dma_wait3A_1104 = arith.constant 0 : i32
    %dma_wait3A_1105 = arith.constant 0 : i32
    %dma_wait3A_1106 = tpu.memref_slice %arg7[%dma_wait3A_1104, %dma_wait3A_1105] : memref<16x1024xf32, #tpu.memory_space<vmem>> -> memref<8x1024xf32, #tpu.memory_space<vmem>>
    %dma_wait3A_1107 = arith.constant 0 : i32
    %dma_wait3A_1108 = arith.constant 0 : i32
    %dma_wait3A_1109 = tpu.memref_slice %arg5[%dma_wait3A_1107, %dma_wait3A_1108] : memref<8192x1024xf32, #tpu.memory_space<hbm>> -> memref<8x1024xf32, #tpu.memory_space<hbm>>
    %dma_wait3A_1110 = arith.constant 0 : i32
    %dma_wait3A_1111 = arith.constant 0 : i32
    %dma_wait3A_1112 = tpu.memref_slice %arg5[%dma_wait3A_1110, %dma_wait3A_1111] : memref<8192x1024xf32, #tpu.memory_space<hbm>> -> memref<8x1024xf32, #tpu.memory_space<hbm>>
    %dma_wait3A_1113 = arith.constant 0 : i32
    %dma_wait3A_1114 = arith.constant 0 : i32
    %dma_wait3A_1115 = tpu.memref_slice %arg7[%dma_wait3A_1113, %dma_wait3A_1114] : memref<16x1024xf32, #tpu.memory_space<vmem>> -> memref<8x1024xf32, #tpu.memory_space<vmem>>
    tpu.wait_dma2 semaphore(%arg20 : memref<!tpu.dma_semaphore, #tpu.memory_space<semaphore_mem>>) src(%dma_wait3A_1115 : memref<8x1024xf32, #tpu.memory_space<vmem>>) dst(%dma_wait3A_1112 : memref<8x1024xf32, #tpu.memory_space<hbm>>)
    %dma_wait3A_1116 = arith.constant 0 : i32
    %dma_wait3A_1117 = arith.constant 0 : i32
    %dma_wait3A_1118 = tpu.memref_slice %arg7[%dma_wait3A_1116, %dma_wait3A_1117] : memref<16x1024xf32, #tpu.memory_space<vmem>> -> memref<8x1024xf32, #tpu.memory_space<vmem>>
    %dma_wait3A_1119 = arith.constant 0 : i32
    %dma_wait3A_1120 = arith.constant 0 : i32
    %dma_wait3A_1121 = tpu.memref_slice %arg5[%dma_wait3A_1119, %dma_wait3A_1120] : memref<8192x1024xf32, #tpu.memory_space<hbm>> -> memref<8x1024xf32, #tpu.memory_space<hbm>>
    %dma_wait3A_1122 = arith.constant 0 : i32
    %dma_wait3A_1123 = arith.constant 0 : i32
    %dma_wait3A_1124 = tpu.memref_slice %arg5[%dma_wait3A_1122, %dma_wait3A_1123] : memref<8192x1024xf32, #tpu.memory_space<hbm>> -> memref<8x1024xf32, #tpu.memory_space<hbm>>
    %dma_wait3A_1125 = arith.constant 0 : i32
    %dma_wait3A_1126 = arith.constant 0 : i32
    %dma_wait3A_1127 = tpu.memref_slice %arg7[%dma_wait3A_1125, %dma_wait3A_1126] : memref<16x1024xf32, #tpu.memory_space<vmem>> -> memref<8x1024xf32, #tpu.memory_space<vmem>>
    tpu.wait_dma2 semaphore(%arg20 : memref<!tpu.dma_semaphore, #tpu.memory_space<semaphore_mem>>) src(%dma_wait3A_1127 : memref<8x1024xf32, #tpu.memory_space<vmem>>) dst(%dma_wait3A_1124 : memref<8x1024xf32, #tpu.memory_space<hbm>>)
    %dma_wait3A_1128 = arith.constant 0 : i32
    %dma_wait3A_1129 = arith.constant 0 : i32
    %dma_wait3A_1130 = tpu.memref_slice %arg8[%dma_wait3A_1128, %dma_wait3A_1129] : memref<16x1024xf32, #tpu.memory_space<vmem>> -> memref<8x1024xf32, #tpu.memory_space<vmem>>
    %dma_wait3A_1131 = arith.constant 0 : i32
    %dma_wait3A_1132 = arith.constant 0 : i32
    %dma_wait3A_1133 = tpu.memref_slice %arg5[%dma_wait3A_1131, %dma_wait3A_1132] : memref<8192x1024xf32, #tpu.memory_space<hbm>> -> memref<8x1024xf32, #tpu.memory_space<hbm>>
    %dma_wait3A_1134 = arith.constant 0 : i32
    %dma_wait3A_1135 = arith.constant 0 : i32
    %dma_wait3A_1136 = tpu.memref_slice %arg5[%dma_wait3A_1134, %dma_wait3A_1135] : memref<8192x1024xf32, #tpu.memory_space<hbm>> -> memref<8x1024xf32, #tpu.memory_space<hbm>>
    %dma_wait3A_1137 = arith.constant 0 : i32
    %dma_wait3A_1138 = arith.constant 0 : i32
    %dma_wait3A_1139 = tpu.memref_slice %arg8[%dma_wait3A_1137, %dma_wait3A_1138] : memref<16x1024xf32, #tpu.memory_space<vmem>> -> memref<8x1024xf32, #tpu.memory_space<vmem>>
    tpu.wait_dma2 semaphore(%arg21 : memref<!tpu.dma_semaphore, #tpu.memory_space<semaphore_mem>>) src(%dma_wait3A_1139 : memref<8x1024xf32, #tpu.memory_space<vmem>>) dst(%dma_wait3A_1136 : memref<8x1024xf32, #tpu.memory_space<hbm>>)
    %dma_wait3A_1140 = arith.constant 0 : i32
    %dma_wait3A_1141 = arith.constant 0 : i32
    %dma_wait3A_1142 = tpu.memref_slice %arg8[%dma_wait3A_1140, %dma_wait3A_1141] : memref<16x1024xf32, #tpu.memory_space<vmem>> -> memref<8x1024xf32, #tpu.memory_space<vmem>>
    %dma_wait3A_1143 = arith.constant 0 : i32
    %dma_wait3A_1144 = arith.constant 0 : i32
    %dma_wait3A_1145 = tpu.memref_slice %arg5[%dma_wait3A_1143, %dma_wait3A_1144] : memref<8192x1024xf32, #tpu.memory_space<hbm>> -> memref<8x1024xf32, #tpu.memory_space<hbm>>
    %dma_wait3A_1146 = arith.constant 0 : i32
    %dma_wait3A_1147 = arith.constant 0 : i32
    %dma_wait3A_1148 = tpu.memref_slice %arg5[%dma_wait3A_1146, %dma_wait3A_1147] : memref<8192x1024xf32, #tpu.memory_space<hbm>> -> memref<8x1024xf32, #tpu.memory_space<hbm>>
    %dma_wait3A_1149 = arith.constant 0 : i32
    %dma_wait3A_1150 = arith.constant 0 : i32
    %dma_wait3A_1151 = tpu.memref_slice %arg8[%dma_wait3A_1149, %dma_wait3A_1150] : memref<16x1024xf32, #tpu.memory_space<vmem>> -> memref<8x1024xf32, #tpu.memory_space<vmem>>
    tpu.wait_dma2 semaphore(%arg21 : memref<!tpu.dma_semaphore, #tpu.memory_space<semaphore_mem>>) src(%dma_wait3A_1151 : memref<8x1024xf32, #tpu.memory_space<vmem>>) dst(%dma_wait3A_1148 : memref<8x1024xf32, #tpu.memory_space<hbm>>)
    %dma_wait3A_1152 = arith.constant 0 : i32
    %dma_wait3A_1153 = arith.constant 0 : i32
    %dma_wait3A_1154 = tpu.memref_slice %arg9[%dma_wait3A_1152, %dma_wait3A_1153] : memref<16x1024xf32, #tpu.memory_space<vmem>> -> memref<8x1024xf32, #tpu.memory_space<vmem>>
    %dma_wait3A_1155 = arith.constant 0 : i32
    %dma_wait3A_1156 = arith.constant 0 : i32
    %dma_wait3A_1157 = tpu.memref_slice %arg5[%dma_wait3A_1155, %dma_wait3A_1156] : memref<8192x1024xf32, #tpu.memory_space<hbm>> -> memref<8x1024xf32, #tpu.memory_space<hbm>>
    %dma_wait3A_1158 = arith.constant 0 : i32
    %dma_wait3A_1159 = arith.constant 0 : i32
    %dma_wait3A_1160 = tpu.memref_slice %arg5[%dma_wait3A_1158, %dma_wait3A_1159] : memref<8192x1024xf32, #tpu.memory_space<hbm>> -> memref<8x1024xf32, #tpu.memory_space<hbm>>
    %dma_wait3A_1161 = arith.constant 0 : i32
    %dma_wait3A_1162 = arith.constant 0 : i32
    %dma_wait3A_1163 = tpu.memref_slice %arg9[%dma_wait3A_1161, %dma_wait3A_1162] : memref<16x1024xf32, #tpu.memory_space<vmem>> -> memref<8x1024xf32, #tpu.memory_space<vmem>>
    tpu.wait_dma2 semaphore(%arg22 : memref<!tpu.dma_semaphore, #tpu.memory_space<semaphore_mem>>) src(%dma_wait3A_1163 : memref<8x1024xf32, #tpu.memory_space<vmem>>) dst(%dma_wait3A_1160 : memref<8x1024xf32, #tpu.memory_space<hbm>>)
    %dma_wait3A_1164 = arith.constant 0 : i32
    %dma_wait3A_1165 = arith.constant 0 : i32
    %dma_wait3A_1166 = tpu.memref_slice %arg9[%dma_wait3A_1164, %dma_wait3A_1165] : memref<16x1024xf32, #tpu.memory_space<vmem>> -> memref<8x1024xf32, #tpu.memory_space<vmem>>
    %dma_wait3A_1167 = arith.constant 0 : i32
    %dma_wait3A_1168 = arith.constant 0 : i32
    %dma_wait3A_1169 = tpu.memref_slice %arg5[%dma_wait3A_1167, %dma_wait3A_1168] : memref<8192x1024xf32, #tpu.memory_space<hbm>> -> memref<8x1024xf32, #tpu.memory_space<hbm>>
    %dma_wait3A_1170 = arith.constant 0 : i32
    %dma_wait3A_1171 = arith.constant 0 : i32
    %dma_wait3A_1172 = tpu.memref_slice %arg5[%dma_wait3A_1170, %dma_wait3A_1171] : memref<8192x1024xf32, #tpu.memory_space<hbm>> -> memref<8x1024xf32, #tpu.memory_space<hbm>>
    %dma_wait3A_1173 = arith.constant 0 : i32
    %dma_wait3A_1174 = arith.constant 0 : i32
    %dma_wait3A_1175 = tpu.memref_slice %arg9[%dma_wait3A_1173, %dma_wait3A_1174] : memref<16x1024xf32, #tpu.memory_space<vmem>> -> memref<8x1024xf32, #tpu.memory_space<vmem>>
    tpu.wait_dma2 semaphore(%arg22 : memref<!tpu.dma_semaphore, #tpu.memory_space<semaphore_mem>>) src(%dma_wait3A_1175 : memref<8x1024xf32, #tpu.memory_space<vmem>>) dst(%dma_wait3A_1172 : memref<8x1024xf32, #tpu.memory_space<hbm>>)
    %dma_wait3A_1176 = arith.constant 0 : i32
    %dma_wait3A_1177 = arith.constant 0 : i32
    %dma_wait3A_1178 = tpu.memref_slice %arg10[%dma_wait3A_1176, %dma_wait3A_1177] : memref<16x1024xf32, #tpu.memory_space<vmem>> -> memref<8x1024xf32, #tpu.memory_space<vmem>>
    %dma_wait3A_1179 = arith.constant 0 : i32
    %dma_wait3A_1180 = arith.constant 0 : i32
    %dma_wait3A_1181 = tpu.memref_slice %arg5[%dma_wait3A_1179, %dma_wait3A_1180] : memref<8192x1024xf32, #tpu.memory_space<hbm>> -> memref<8x1024xf32, #tpu.memory_space<hbm>>
    %dma_wait3A_1182 = arith.constant 0 : i32
    %dma_wait3A_1183 = arith.constant 0 : i32
    %dma_wait3A_1184 = tpu.memref_slice %arg5[%dma_wait3A_1182, %dma_wait3A_1183] : memref<8192x1024xf32, #tpu.memory_space<hbm>> -> memref<8x1024xf32, #tpu.memory_space<hbm>>
    %dma_wait3A_1185 = arith.constant 0 : i32
    %dma_wait3A_1186 = arith.constant 0 : i32
    %dma_wait3A_1187 = tpu.memref_slice %arg10[%dma_wait3A_1185, %dma_wait3A_1186] : memref<16x1024xf32, #tpu.memory_space<vmem>> -> memref<8x1024xf32, #tpu.memory_space<vmem>>
    tpu.wait_dma2 semaphore(%arg23 : memref<!tpu.dma_semaphore, #tpu.memory_space<semaphore_mem>>) src(%dma_wait3A_1187 : memref<8x1024xf32, #tpu.memory_space<vmem>>) dst(%dma_wait3A_1184 : memref<8x1024xf32, #tpu.memory_space<hbm>>)
    %dma_wait3A_1188 = arith.constant 0 : i32
    %dma_wait3A_1189 = arith.constant 0 : i32
    %dma_wait3A_1190 = tpu.memref_slice %arg10[%dma_wait3A_1188, %dma_wait3A_1189] : memref<16x1024xf32, #tpu.memory_space<vmem>> -> memref<8x1024xf32, #tpu.memory_space<vmem>>
    %dma_wait3A_1191 = arith.constant 0 : i32
    %dma_wait3A_1192 = arith.constant 0 : i32
    %dma_wait3A_1193 = tpu.memref_slice %arg5[%dma_wait3A_1191, %dma_wait3A_1192] : memref<8192x1024xf32, #tpu.memory_space<hbm>> -> memref<8x1024xf32, #tpu.memory_space<hbm>>
    %dma_wait3A_1194 = arith.constant 0 : i32
    %dma_wait3A_1195 = arith.constant 0 : i32
    %dma_wait3A_1196 = tpu.memref_slice %arg5[%dma_wait3A_1194, %dma_wait3A_1195] : memref<8192x1024xf32, #tpu.memory_space<hbm>> -> memref<8x1024xf32, #tpu.memory_space<hbm>>
    %dma_wait3A_1197 = arith.constant 0 : i32
    %dma_wait3A_1198 = arith.constant 0 : i32
    %dma_wait3A_1199 = tpu.memref_slice %arg10[%dma_wait3A_1197, %dma_wait3A_1198] : memref<16x1024xf32, #tpu.memory_space<vmem>> -> memref<8x1024xf32, #tpu.memory_space<vmem>>
    tpu.wait_dma2 semaphore(%arg23 : memref<!tpu.dma_semaphore, #tpu.memory_space<semaphore_mem>>) src(%dma_wait3A_1199 : memref<8x1024xf32, #tpu.memory_space<vmem>>) dst(%dma_wait3A_1196 : memref<8x1024xf32, #tpu.memory_space<hbm>>)
    %dma_wait3A_1200 = arith.constant 0 : i32
    %dma_wait3A_1201 = arith.constant 0 : i32
    %dma_wait3A_1202 = tpu.memref_slice %arg6[%dma_wait3A_1200, %dma_wait3A_1201] : memref<16x1024xf32, #tpu.memory_space<vmem>> -> memref<8x1024xf32, #tpu.memory_space<vmem>>
    %dma_wait3A_1203 = arith.constant 0 : i32
    %dma_wait3A_1204 = arith.constant 0 : i32
    %dma_wait3A_1205 = tpu.memref_slice %arg5[%dma_wait3A_1203, %dma_wait3A_1204] : memref<8192x1024xf32, #tpu.memory_space<hbm>> -> memref<8x1024xf32, #tpu.memory_space<hbm>>
    %dma_wait3A_1206 = arith.constant 0 : i32
    %dma_wait3A_1207 = arith.constant 0 : i32
    %dma_wait3A_1208 = tpu.memref_slice %arg5[%dma_wait3A_1206, %dma_wait3A_1207] : memref<8192x1024xf32, #tpu.memory_space<hbm>> -> memref<8x1024xf32, #tpu.memory_space<hbm>>
    %dma_wait3A_1209 = arith.constant 0 : i32
    %dma_wait3A_1210 = arith.constant 0 : i32
    %dma_wait3A_1211 = tpu.memref_slice %arg6[%dma_wait3A_1209, %dma_wait3A_1210] : memref<16x1024xf32, #tpu.memory_space<vmem>> -> memref<8x1024xf32, #tpu.memory_space<vmem>>
    tpu.wait_dma2 semaphore(%arg19 : memref<!tpu.dma_semaphore, #tpu.memory_space<semaphore_mem>>) src(%dma_wait3A_1211 : memref<8x1024xf32, #tpu.memory_space<vmem>>) dst(%dma_wait3A_1208 : memref<8x1024xf32, #tpu.memory_space<hbm>>)
    %dma_wait3A_1212 = arith.constant 0 : i32
    %dma_wait3A_1213 = arith.constant 0 : i32
    %dma_wait3A_1214 = tpu.memref_slice %arg6[%dma_wait3A_1212, %dma_wait3A_1213] : memref<16x1024xf32, #tpu.memory_space<vmem>> -> memref<8x1024xf32, #tpu.memory_space<vmem>>
    %dma_wait3A_1215 = arith.constant 0 : i32
    %dma_wait3A_1216 = arith.constant 0 : i32
    %dma_wait3A_1217 = tpu.memref_slice %arg5[%dma_wait3A_1215, %dma_wait3A_1216] : memref<8192x1024xf32, #tpu.memory_space<hbm>> -> memref<8x1024xf32, #tpu.memory_space<hbm>>
    %dma_wait3A_1218 = arith.constant 0 : i32
    %dma_wait3A_1219 = arith.constant 0 : i32
    %dma_wait3A_1220 = tpu.memref_slice %arg5[%dma_wait3A_1218, %dma_wait3A_1219] : memref<8192x1024xf32, #tpu.memory_space<hbm>> -> memref<8x1024xf32, #tpu.memory_space<hbm>>
    %dma_wait3A_1221 = arith.constant 0 : i32
    %dma_wait3A_1222 = arith.constant 0 : i32
    %dma_wait3A_1223 = tpu.memref_slice %arg6[%dma_wait3A_1221, %dma_wait3A_1222] : memref<16x1024xf32, #tpu.memory_space<vmem>> -> memref<8x1024xf32, #tpu.memory_space<vmem>>
    tpu.wait_dma2 semaphore(%arg19 : memref<!tpu.dma_semaphore, #tpu.memory_space<semaphore_mem>>) src(%dma_wait3A_1223 : memref<8x1024xf32, #tpu.memory_space<vmem>>) dst(%dma_wait3A_1220 : memref<8x1024xf32, #tpu.memory_space<hbm>>)
    return
  }
}

</mosaic_0001>

<sc_bundles>
// kernel: _run.3.cloned.1.call-start
scs
__scs_entry_jumppad:
0x0: {  	(pc) =	sbr.rel $0x88, $3  }
0x1: {  	(tag) =	ssettag $0x0;
	lr =	simm.s32 $0x1  }
0x2: {  	[smem:$0x3F9E] =	sst lr;
	_ =	strace $0xD0000000  }
0x3: {  	_ = 	snop  }
0x4: {  	_ = 	snop  }
0x5: {  	_ = 	snop  }
0x6: {  	_ = 	snop  }
0x7: {  	_ = 	snop  }
__scs_overlays_trampoline_lowered:
0x8: {  	[smem:$0x3FAD] =	sst s0  }
0x9: {  	[smem:$0x3FAE] =	sst s1  }
0xa: {  	[smem:$0x3FAF] =	sst s2  }
0xb: {  	[smem:$0x3FB0] =	sst s3  }
0xc: {  	[smem:$0x3FB1] =	sst s4  }
0xd: {  	[smem:$0x3FB2] =	sst s5  }
0xe: {  	[smem:$0x3FB3] =	sst s6  }
0xf: {  	[smem:$0x3FB4] =	sst s7  }
0x10: {  	[smem:$0x3FB5] =	sst s8  }
0x11: {  	[smem:$0x3FB6] =	sst s9;
	s0 =	simm.s32 @!p0 $0x0  }
0x12: {  	s1 =	sld [smem:$0x3F9C];
	s0 =	simm.s32 @p0 $0x1  }
0x13: {  	[smem:$0x3FB7] =	sst s0;
	s0 =	simm.s32 @!p1 $0x0  }
0x14: {  	s2 =	sld [smem:$0x3F9B];
	s0 =	simm.s32 @p1 $0x1  }
0x15: {  	[smem:$0x3FB8] =	sst s0;
	s0 =	simm.s32 @!p2 $0x0  }
0x16: {  	s3 =	sld [smem:$0x3FDB];
	s0 =	simm.s32 @p2 $0x1  }
0x17: {  	s4 =	simm.s32 $0x1BF5;
	[smem:$0x3FBA] =	sst s0  }
0x18: {  	s0 =	sld [smem:$0x3F9D];
	_ =	swait.ge [sflag:s4], $0x0  }
0x19: {  	s7 =	sld [smem:$0x3F9E]  }
0x1a: {  	s8 =	sadd.s32 $0xFFFFE003, lr  }
0x1b: {  	s9 =	sadd.s32 $0xFFFFFEF7, lr;
	s5 =	simm.s32 $0xFFFFFFFF;
	p2 =	slt.u32 s8, $0xFFFFF086  }
0x1c: {  	p1 =	slt.u32 s9, $0xF7A;
	s5 =	simm.s32 @!p2 $0x0  }
0x1d: {  	s5 =	simm.s32 @p1 $0x1;
	p0 =	seq.s32 s7, s2  }
0x1e: {  	s7 =	smul.u32 @!p0 $0xF7A, s2;
	p2 =	seq.s32 @!p0 s5, $0x0  }
0x1f: {  	s9 =	smul.u32 $0xF7A, s1;
	s8 =	simm.s32 @!p0 $0x1BF5;
	p2 =	por !p2, p0  }
0x20: {  	[sflag:s8] =	ssyncset.s32 @!p0 $0xFFFFF086;
	s6 =	sadd.s32 @!p0 s3, s7;
	s7 =	simm.s32 @!p0 $0x108  }
0x21: {  	s3 =	sadd.s32 s3, s9;
	s6 =	sadd.s32 @!p0 $0x88, s6;
	s7 =	simm.s32 @p2 $0x1082  }
0x22: {  	[simem:s7], [sflag:s8] =	dma.local @!p0 [hbm:s6], $0xF7A  }
0x23: {  	s9 =	sor.u32 $0xD0000000, s2;
	s6 =	simm.s32 $0x108;
	_ =	swait.ge @!p0 [sflag:s8], $0x0  }
0x24: {  	s3 =	sadd.s32 $0x88, s3;
	s6 =	simm.s32 @!p1 $0x1082;
	[sflag:s4] =	ssyncset.s32 $0xFFFFF086  }
0x25: {  	[simem:s6], [sflag:s4] =	dma.local [hbm:s3], $0xF7A  }
0x26: {  	[smem:$0x3F9E] =	sst s1;
	(tag) =	ssettag s2;
	_ =	strace s9  }
0x27: {  	s1 =	sld [smem:$0x3FAE]  }
0x28: {  	s2 =	sld [smem:$0x3FAF]  }
0x29: {  	s4 =	sld [smem:$0x3FB1]  }
0x2a: {  	p0 =	seq.s32 s5, $0x0;
	s5 =	sld [smem:$0x3FB2]  }
0x2b: {  	s6 =	sld [smem:$0x3FB3]  }
0x2c: {  	s7 =	sld [smem:$0x3FB4]  }
0x2d: {  	s3 =	simm.s32 $0x108;
	s8 =	sld [smem:$0x3FB5]  }
0x2e: {  	s3 =	simm.s32 @!p0 $0x1082;
	s9 =	sld [smem:$0x3FB6]  }
0x2f: {  	lr =	sadd.s32 s0, s3;
	s0 =	sld [smem:$0x3FAD]  }
0x30: {  	s3 =	sld [smem:$0x3FB0]  }
0x31: {  	[smem:$0x3FB9] =	sst s10  }
0x32: {  	s10 =	sld [smem:$0x3FB7];
	_ =	sdelay $0x3  }
0x33: {  	p0 =	seq.s32 s10, $0x1;
	s10 =	sld [smem:$0x3FB9];
	_ =	sdelay $0x3  }
0x34: {  	[smem:$0x3FB9] =	sst s10  }
0x35: {  	s10 =	sld [smem:$0x3FB8];
	_ =	sdelay $0x3  }
0x36: {  	p1 =	seq.s32 s10, $0x1;
	s10 =	sld [smem:$0x3FB9];
	_ =	sdelay $0x3  }
0x37: {  	[smem:$0x3FB9] =	sst s10  }
0x38: {  	s10 =	sld [smem:$0x3FBA]  }
0x39: {  	_ = 	snop;
	(pc) =	sbr.ind lr, $3  }
0x3a: {  	_ = 	snop  }
0x3b: {  	_ = 	snop  }
0x3c: {  	p2 =	seq.s32 s10, $0x1;
	s10 =	sld [smem:$0x3FB9]  }
0x3d: {  	_ =	shalt  }
0x3e: {  	_ =	shalt  }
0x3f: {  	_ =	shalt  }
0x40: {  	_ =	shalt  }
0x41: {  	_ =	shalt  }
0x42: {  	_ =	shalt  }
0x43: {  	_ =	shalt  }
0x44: {  	_ =	shalt  }
0x45: {  	_ =	shalt  }
0x46: {  	_ =	shalt  }
0x47: {  	_ =	shalt  }
0x48: {  	_ =	shalt  }
0x49: {  	_ =	shalt  }
0x4a: {  	_ =	shalt  }
0x4b: {  	_ =	shalt  }
0x4c: {  	_ =	shalt  }
0x4d: {  	_ =	shalt  }
0x4e: {  	_ =	shalt  }
0x4f: {  	_ =	shalt  }
0x50: {  	_ =	shalt  }
0x51: {  	_ =	shalt  }
0x52: {  	_ =	shalt  }
0x53: {  	_ =	shalt  }
0x54: {  	_ =	shalt  }
0x55: {  	_ =	shalt  }
0x56: {  	_ =	shalt  }
0x57: {  	_ =	shalt  }
0x58: {  	_ =	shalt  }
0x59: {  	_ =	shalt  }
0x5a: {  	_ =	shalt  }
0x5b: {  	_ =	shalt  }
0x5c: {  	_ =	shalt  }
0x5d: {  	_ =	shalt  }
0x5e: {  	_ =	shalt  }
0x5f: {  	_ =	shalt  }
0x60: {  	_ =	shalt  }
0x61: {  	_ =	shalt  }
0x62: {  	_ =	shalt  }
0x63: {  	_ =	shalt  }
0x64: {  	_ =	shalt  }
0x65: {  	_ =	shalt  }
0x66: {  	_ =	shalt  }
0x67: {  	_ =	shalt  }
0x68: {  	_ =	shalt  }
0x69: {  	_ =	shalt  }
0x6a: {  	_ =	shalt  }
0x6b: {  	_ =	shalt  }
0x6c: {  	_ =	shalt  }
0x6d: {  	_ =	shalt  }
0x6e: {  	_ =	shalt  }
0x6f: {  	_ =	shalt  }
0x70: {  	_ =	shalt  }
0x71: {  	_ =	shalt  }
0x72: {  	_ =	shalt  }
0x73: {  	_ =	shalt  }
0x74: {  	_ =	shalt  }
0x75: {  	_ =	shalt  }
0x76: {  	_ =	shalt  }
0x77: {  	_ =	shalt  }
0x78: {  	_ =	shalt  }
0x79: {  	_ =	shalt  }
0x7a: {  	_ =	shalt  }
0x7b: {  	_ =	shalt  }
0x7c: {  	_ =	shalt  }
0x7d: {  	_ =	shalt  }
0x7e: {  	_ =	shalt  }
0x7f: {  	_ =	shalt  }
0x80: {  	_ =	shalt  }
0x81: {  	_ =	shalt  }
0x82: {  	_ =	shalt  }
0x83: {  	_ =	shalt  }
0x84: {  	_ =	shalt  }
0x85: {  	_ =	shalt  }
0x86: {  	_ =	shalt  }
0x87: {  	_ =	shalt  }
.Lfunc_end0:
.L_simem_size_0:
called_computation_lowered:
.L_overlay_start_0:
0x88: {  	s2 =	sld [smem:$0x3FD9]  }
0x89: {  	s3 =	sld [smem:$0x3FFE];
	_ =	sdelay $0x1  }
0x8a: {  	s1 =	srdreg.scid  }
0x8b: {  	s0 =	sand.u32 $0x1, s1  }
0x8c: {  	s18 =	sshll.u32 s0, $0xA;
	s2 =	sadd.s32 s3, s2  }
0x8d: {  	s2 =	sadd.s32 s2, s18  }
0x8e: {  	[smem:$0x3FC5] =	sst s2  }
0x8f: {  	_ = 	snop  }
0x90: {  	s2 =	sld [smem:$0x3FC9]  }
0x91: {  	s19 =	sld [smem:$0x3FC8]  }
0x92: {  	s4 =	sld [smem:$0x3FC7]  }
0x93: {  	s5 =	sld [smem:$0x3FD0];
	(tm) =	ssettm $0x1  }
0x94: {  	s6 =	sld [smem:$0x3FFB];
	_ =	sdelay $0x3  }
0x95: {  	_ =	strace s6  }
0x96: {  	s6 =	sld [smem:$0x3FFC];
	_ =	sdelay $0x3  }
0x97: {  	_ =	strace s6  }
0x98: {  	s6 =	sld [smem:$0x3FFD];
	_ =	sdelay $0x3  }
0x99: {  	_ =	strace s6  }
0x9a: {  	_ =	strace $0x8FFFFFFF  }
0x9b: {  	s20 =	sld [smem:$0x3FDB];
	_ =	sdelay $0x1  }
0x9c: {  	s7 =	simm.s32 $_scs_section_size  }
0x9d: {  	s8 =	simm.s32 $_size__tile_overlayer_lowered;
	s9 =	simm.s32 $_tile_overlayer_lowered  }
0x9e: {  	s23 =	simm.s32 $0x1BFF;
	s22 =	sshll.u32 s9, $0x1;
	s6 =	sadd.s32 s7, s20  }
0x9f: {  	s10 =	simm.s32 $0x0;
	s21 =	sshll.u32 s8, $0x1;
	s8 =	sadd.s32 s22, s6  }
0xa0: {  	[timem:s10], [sflag:s23] =	dma.local [hbm:s8], s21  }
0xa1: {  	_ =	swait.ge [sflag:s23], s21  }
0xa2: {  	s7 =	ssub.s32 $0x0, s21;
	[sflag:s23] =	ssyncset.done $0x0  }
0xa3: {  	[sflag:s23] =	ssyncadd.s32 s7;
	_ =	sdelay $0x1  }
0xa4: {  	s24 =	simm.s32 $0x1B8B  }
0xa5: {  	_ =	swait.ge [sflag:s24], $0x1  }
0xa6: {  	[sflag:s24] =	ssyncset.done $0x0  }
0xa7: {  	s25 =	simm.s32 $0x1B8E;
	[sflag:s24] =	ssyncadd.s32 $0xFFFFFFFF  }
0xa8: {  	s26 =	simm.s32 $execute0_lowered;
	[smem:$0x3FD2] =	sst s25  }
0xa9: {  	s7 =	sshll.u32 s26, $0x1;
	_ =	strace $0x80000046;
	[dreg:$0x1] =	wrdreg $0xFFFFFFFF  }
0xaa: {  	s28 =	simm.s32 $_size_execute0_lowered;
	s6 =	sadd.s32 s6, s7;
	[dreg:$0x0] =	wrdreg $0x0  }
0xab: {  	s7 =	sshll.u32 s28, $0x1;
	[dreg:$0x2] =	wrdreg s6  }
0xac: {  	[dreg:$0x3] =	wrdreg s7  }
0xad: {  	[dreg:$0x4] =	wrdreg $0xC0  }
0xae: {  	_ =	task [dreg:s10], $0x5FFFF  }
0xaf: {  	[dreg:$0x1] =	wrdreg $0xFFFFFFFF  }
0xb0: {  	[dreg:$0x0] =	wrdreg $0x60  }
0xb1: {  	[dreg:$0x2] =	wrdreg s19  }
0xb2: {  	[dreg:$0x3] =	wrdreg s2  }
0xb3: {  	[dreg:$0x4] =	wrdreg s4  }
0xb4: {  	[dreg:$0x5] =	wrdreg s5  }
0xb5: {  	[dreg:$0x6] =	wrdreg $0x9  }
0xb6: {  	_ =	task.clear_ibuf [dreg:s10], $0x7FFFF;
	_ =	strace $0x90000046  }
0xb7: {  	s29 =	simm.s32 $0x9;
	_ =	strace $0x80000048  }
0xb8: {  	_ =	swait.ge [sflag:s29], $0x1  }
0xb9: {  	[sflag:s29] =	ssyncadd.s32 $0xFFFFFFFF  }
0xba: {  	_ =	strace $0x90000048  }
0xbb: {  	_ =	sfence  }
0xbc: {  	s30 =	sld [smem:$0x0];
	_ =	sdelay $0x2  }
0xbd: {  	s31 =	sshll.u32 s1, $0xD;
	s1 =	sshrl.u32 s1, $0x2  }
0xbe: {  	s3 =	sand.u32 $0x4000, s31;
	s1 =	sadd.s32 s1, s30  }
0xbf: {  	s0 =	sor.u32 s3, s0;
	s1 =	sshll.u32 s1, $0x11  }
0xc0: {  	s0 =	sor.u32 s1, s0  }
0xc1: {  	s0 =	sadd.s32 $0x8F2B, s0  }
0xc2: {  	[sflag:s0] =	ssyncadd.remote.s32 $0x1  }
0xc3: {  	_ =	sfence.sel $0xFFFF  }
0xc4: {  	[dreg:$0x0] =	wrdreg $0xFFFFFFFF;
	(pc) =	sbr.abs _section_cstart, $3  }
0xc5: {  	[dreg:$0x1] =	wrdreg $0xFFFFFFFF  }
0xc6: {  	_ =	task.clear_ibuf [dreg:s10], $0x2FFFF;
	_ =	strace $0x9FFFFFFF  }
0xc7: {  	(tm) =	ssettm $0x7FFFFFFF  }
tec
execute0_lowered:
.L_overlay_start_1:
0x0: {  	(tag) =	ssettag $0x1  }
0x1: {  	s1 =	rddreg [dreg:$0x0]  }
0x2: {  	s0 =	rddreg [dreg:$0x1]  }
0x3: {  	s2 =	rddreg [dreg:$0x2]  }
0x4: {  	s4 =	rddreg [dreg:$0x3]  }
0x5: {  	s3 =	srdreg.scid;
	s6 =	stileid.u32  }
0x6: {  	s5 =	sand.u32 $0x1, s3;
	s3 =	simm.s32 $0x0;
	s6 =	sshll.u32 s6, $0x7  }
0x7: {  	s7 =	sshll.u32 s5, $0x6;
	[smem:$0x7FF] =	sst s3;
	s5 =	ssub.s32 $0x2, s5  }
0x8: {  	s6 =	sor.u32 s7, s6;
	_ =	strace $0x80000047;
	s13 =	sshrl.u32 s5, $0x1  }
0x9: {  	s8 =	sshll.u32 s6, $0x7;
	s5 =	ssub.s32 s5, s13;
	s15 =	sshrl.u32 s6, $0x3  }
0xa: {  	s16 =	sor.u32 $0x800, s6;
	s12 =	sor.u32 $0x1000, s6;
	s14 =	sadd.s32 s2, s8  }
0xb: {  	s6 =	sor.u32 $0x1800, s6;
	s7 =	sadd.s32 s0, s15;
	[dreg:$0x5] =	wrdreg s14  }
0xc: {  	s9 =	sshrl.u32 s16, $0x3;
	s13 =	sadd.s32 s4, s8;
	[dreg:$0x6] =	wrdreg s7  }
0xd: {  	s10 =	sshrl.u32 s12, $0x3;
	s9 =	sadd.s32 s0, s9;
	[dreg:$0xa] =	wrdreg s13  }
0xe: {  	s18 =	sshrl.u32 s6, $0x3;
	s17 =	sadd.s32 s0, s10;
	[dreg:$0x7] =	wrdreg s9  }
0xf: {  	s19 =	sor.u32 $0x800, s8;
	s0 =	sadd.s32 s0, s18;
	[dreg:$0x8] =	wrdreg s17  }
0x10: {  	s14 =	sadd.s32 s2, s19;
	[dreg:$0x9] =	wrdreg s0  }
0x11: {  	s20 =	sadd.s32 $0x400, s13;
	[dreg:$0xb] =	wrdreg s14  }
0x12: {  	s6 =	sshll.u32 s6, $0x7;
	s21 =	sadd.s32 $0x40400, s13;
	[dreg:$0xc] =	wrdreg s20  }
0x13: {  	s23 =	sor.u32 $0x1000, s8;
	s6 =	sadd.s32 s4, s6;
	[dreg:$0xe] =	wrdreg s21  }
0x14: {  	s25 =	sor.u32 $0x1800, s8;
	s24 =	sadd.s32 s2, s23;
	[dreg:$0x10] =	wrdreg s6  }
0x15: {  	s26 =	sadd.s32 s2, s25;
	[dreg:$0x11] =	wrdreg s24  }
0x16: {  	s29 =	sadd.s32 s4, s23;
	[dreg:$0x13] =	wrdreg s26  }
0x17: {  	s30 =	sadd.s32 s4, s25;
	[dreg:$0x14] =	wrdreg s29  }
0x18: {  	s31 =	sadd.s32 $0x80400, s13;
	[dreg:$0x15] =	wrdreg s30  }
0x19: {  	s2 =	smax.u32 s5, $0x1;
	[dreg:$0x16] =	wrdreg s31  }
0x1a: {  	s5 =	sadd.s32 $0xC00, s13;
	[dreg:$0x17] =	wrdreg s2  }
0x1b: {  	s8 =	sadd.s32 $0x80800, s13;
	[dreg:$0x19] =	wrdreg s5  }
0x1c: {  	s22 =	sshll.u32 s12, $0x7;
	s12 =	sadd.s32 $0x80C00, s13;
	[dreg:$0x1c] =	wrdreg s8  }
0x1d: {  	s15 =	sadd.s32 $0xC0C00, s13;
	[dreg:$0x1d] =	wrdreg s12  }
0x1e: {  	s7 =	sshll.u32 s16, $0x7;
	s16 =	sadd.s32 $0x1400, s13;
	[dreg:$0x1f] =	wrdreg s15  }
0x1f: {  	s18 =	sadd.s32 $0x41400, s13;
	[smem:$0x7F0] =	sst s16  }
0x20: {  	s23 =	sadd.s32 $0x1C00, s13;
	[smem:$0x7F2] =	sst s18  }
0x21: {  	s28 =	simm.s32 $0x2000;
	s25 =	sadd.s32 $0x41C00, s13;
	[smem:$0x7F7] =	sst s23  }
0x22: {  	s11 =	sadd.s32 $0x300, s1;
	s7 =	sadd.s32 s4, s7;
	[smem:$0x7F9] =	sst s25  }
0x23: {  	s10 =	sadd.s32 $0x200, s1;
	s0 =	sadd.s32 s4, s19;
	[dreg:$0xd] =	wrdreg s7  }
0x24: {  	s9 =	sadd.s32 $0x100, s1;
	s6 =	sadd.s32 $0x40800, s13;
	[dreg:$0x12] =	wrdreg s0  }
0x25: {  	s14 =	sadd.s32 $0xC0800, s13;
	s17 =	sadd.s32 $0x41000, s13;
	[dreg:$0x1a] =	wrdreg s6  }
0x26: {  	s19 =	sadd.s32 $0x81000, s13;
	s20 =	sadd.s32 $0x81400, s13;
	[dreg:$0x1e] =	wrdreg s14  }
0x27: {  	s21 =	sadd.s32 $0xC1000, s13;
	s24 =	sadd.s32 $0x41800, s13;
	[smem:$0x7F1] =	sst s17  }
0x28: {  	s26 =	sadd.s32 $0x81800, s13;
	s29 =	sadd.s32 $0x81C00, s13;
	[smem:$0x7F3] =	sst s19  }
0x29: {  	s30 =	sadd.s32 $0xC1800, s13;
	s31 =	sadd.s32 $0xC1C00, s13;
	[smem:$0x7F4] =	sst s20  }
0x2a: {  	s23 =	simm.s32 $0xD;
	s16 =	simm.s32 $0x1;
	[smem:$0x7F5] =	sst s21  }
0x2b: {  	s15 =	simm.s32 $0x2;
	s2 =	simm.s32 $0x7;
	[smem:$0x7F8] =	sst s24  }
0x2c: {  	s5 =	simm.s32 $0x4;
	s8 =	simm.s32 $0x8;
	[smem:$0x7FA] =	sst s26  }
0x2d: {  	s12 =	simm.s32 $0xC;
	s25 =	simm.s32 $0xA;
	[smem:$0x7FB] =	sst s29  }
0x2e: {  	s7 =	sadd.s32 s4, s22;
	s4 =	sadd.s32 $0xC0400, s13;
	[smem:$0x7FC] =	sst s30  }
0x2f: {  	s22 =	sadd.s32 $0xC1400, s13;
	[smem:$0x7FD] =	sst s31;
	s17 =	simm.s32 $0xB  }
0x30: {  	s19 =	simm.s32 $0x10000;
	s20 =	simm.s32 $0x6;
	[dreg:$0xf] =	wrdreg s7  }
0x31: {  	v2 =	vlaneseq.u32;
	s21 =	simm.s32 $0x3;
	s24 =	simm.s32 $0x9;
	[dreg:$0x18] =	wrdreg s4  }
0x32: {  	vm0 =	vmmov $0xffff;
	v1 =	vshrl.u32 v2, $0x3;
	s26 =	simm.s32 $0x0;
	s7 =	sadd.s32 $0x40C00, s13;
	[smem:$0x7F6] =	sst s22  }
0x33: {  	v0 =	vand.u32 $0x7, v2;
	v2 =	vor.u32 $0x8, v2;
	v1 =	vmul.u32 $0x8, v1;
	s4 =	simm.s32 $0x12000;
	s13 =	simm.s32 $0x5;
	[dreg:$0x1b] =	wrdreg s7  }
.LBB2_1:
0x34: {  	s0 =	rddreg [dreg:$0x5];
	s6 =	simm.s32 $0x14000  }
0x35: {  	[tilespmem:s6], [sflag:$0xB] =	stream.linear.gather [hbm4b:s0+s3], $0x4000, $0x38;
	[tilespmem:$0x1C100] =	vst v63  }
0x36: {  	s18 =	rddreg [dreg:$0x6];
	s22 =	simm.s32 $0x1C000  }
0x37: {  	[tilespmem:s22], [sflag:$0xD] =	stream.linear.gather [hbm4b:s18+s3], $0x40, $0x38;
	[tilespmem:$0x1C100] =	vst v63  }
0x38: {  	_ =	swait.ge [sflag:s23], $0x40  }
0x39: {  	[sflag:s23] =	ssyncset.done $0x0  }
0x3a: {  	s14 =	simm.s32 $0x1C040;
	s7 =	rddreg [dreg:$0x7];
	[sflag:s23] =	ssyncadd.s32 $0xFFFFFFC0  }
0x3b: {  	[tilespmem:s14], [sflag:$0xD] =	stream.linear.gather [hbm4b:s7+s3], $0x40, $0x38;
	[tilespmem:$0x1C100] =	vst v63  }
0x3c: {  	_ =	swait.ge [sflag:s23], $0x40  }
0x3d: {  	[sflag:s23] =	ssyncset.done $0x0  }
0x3e: {  	s22 =	simm.s32 $0x1C080;
	s18 =	rddreg [dreg:$0x8];
	[sflag:s23] =	ssyncadd.s32 $0xFFFFFFC0  }
0x3f: {  	[tilespmem:s22], [sflag:$0xD] =	stream.linear.gather [hbm4b:s18+s3], $0x40, $0x38;
	[tilespmem:$0x1C100] =	vst v63  }
0x40: {  	_ =	swait.ge [sflag:s23], $0x40  }
0x41: {  	[sflag:s23] =	ssyncset.done $0x0  }
0x42: {  	s14 =	simm.s32 $0x1C0C0;
	s7 =	rddreg [dreg:$0x9];
	[sflag:s23] =	ssyncadd.s32 $0xFFFFFFC0  }
0x43: {  	[tilespmem:s14], [sflag:$0xD] =	stream.linear.gather [hbm4b:s7+s3], $0x40, $0x38;
	[tilespmem:$0x1C100] =	vst v63  }
0x44: {  	_ =	swait.ge [sflag:s23], $0x40  }
0x45: {  	[sflag:s23] =	ssyncset.done $0x0  }
0x46: {  	[sflag:s23] =	ssyncadd.s32 $0xFFFFFFC0  }
0x47: {  	v3 =	vld [tilespmem:$0x1C000];
	_ =	sdelay $0x4  }
0x48: {  	v4 =	vshll.u32 v3, $0x3  }
0x49: {  	v3 =	vand.u32 $0x7, v3;
	v4 =	vand.u32 $0xFFFFFFC0, v4  }
0x4a: {  	v3 =	vor.u32 v3, v4  }
0x4b: {  	v4 =	vperm.xlane v3, v0;
	_ =	sdelay $0x1  }
0x4c: {  	v4 =	vadd.s32 v1, v4;
	_ =	sdelay $0x4  }
0x4d: {  	[tilespmem:s3], [sflag:$0x1] =	stream.indirect_vreg.gather [hbm4b:s1+s3], $0x80, v4, vm0, $0xb8;
	[tilespmem:$0x1C100] =	vst v63  }
0x4e: {  	s18 =	simm.s32 $0x800;
	v3 =	vperm.xlane v3, v2  }
0x4f: {  	[tilespmem:s18], [sflag:$0x1] =	stream.indirect_vreg.gather [hbm4b:s9+s3], $0x80, v4, vm0, $0xb8;
	[tilespmem:$0x1C100] =	vst v63  }
0x50: {  	s22 =	simm.s32 $0x1000;
	v3 =	vadd.s32 v1, v3  }
0x51: {  	[tilespmem:s22], [sflag:$0x1] =	stream.indirect_vreg.gather [hbm4b:s10+s3], $0x80, v4, vm0, $0xb8;
	[tilespmem:$0x1C100] =	vst v63  }
0x52: {  	s6 =	simm.s32 $0x1800  }
0x53: {  	[tilespmem:s6], [sflag:$0x1] =	stream.indirect_vreg.gather [hbm4b:s11+s3], $0x80, v4, vm0, $0xb8;
	[tilespmem:$0x1C100] =	vst v63  }
0x54: {  	_ = 	snop  }
0x55: {  	[tilespmem:s28], [sflag:$0x1] =	stream.indirect_vreg.gather [hbm4b:s1+s3], $0x80, v3, vm0, $0xb8;
	[tilespmem:$0x1C100] =	vst v63  }
0x56: {  	s7 =	simm.s32 $0x2800  }
0x57: {  	[tilespmem:s7], [sflag:$0x1] =	stream.indirect_vreg.gather [hbm4b:s9+s3], $0x80, v3, vm0, $0xb8;
	[tilespmem:$0x1C100] =	vst v63  }
0x58: {  	s14 =	simm.s32 $0x3000  }
0x59: {  	[tilespmem:s14], [sflag:$0x1] =	stream.indirect_vreg.gather [hbm4b:s10+s3], $0x80, v3, vm0, $0xb8;
	[tilespmem:$0x1C100] =	vst v63  }
0x5a: {  	s18 =	simm.s32 $0x3800  }
0x5b: {  	[tilespmem:s18], [sflag:$0x1] =	stream.indirect_vreg.gather [hbm4b:s11+s3], $0x80, v3, vm0, $0xb8;
	[tilespmem:$0x1C100] =	vst v63  }
0x5c: {  	v3 =	vld [tilespmem:$0x1C040];
	_ =	sdelay $0x4  }
0x5d: {  	v4 =	vshll.u32 v3, $0x3  }
0x5e: {  	v3 =	vand.u32 $0x7, v3;
	v4 =	vand.u32 $0xFFFFFFC0, v4  }
0x5f: {  	v3 =	vor.u32 v3, v4  }
0x60: {  	v4 =	vperm.xlane v3, v0;
	_ =	sdelay $0x1  }
0x61: {  	v4 =	vadd.s32 v1, v4;
	_ =	sdelay $0x3  }
0x62: {  	s22 =	simm.s32 $0x4000  }
0x63: {  	[tilespmem:s22], [sflag:$0x2] =	stream.indirect_vreg.gather [hbm4b:s1+s3], $0x80, v4, vm0, $0xb8;
	[tilespmem:$0x1C100] =	vst v63  }
0x64: {  	s6 =	simm.s32 $0x4800;
	v3 =	vperm.xlane v3, v2  }
0x65: {  	[tilespmem:s6], [sflag:$0x2] =	stream.indirect_vreg.gather [hbm4b:s9+s3], $0x80, v4, vm0, $0xb8;
	[tilespmem:$0x1C100] =	vst v63  }
0x66: {  	s7 =	simm.s32 $0x5000;
	v3 =	vadd.s32 v1, v3  }
0x67: {  	[tilespmem:s7], [sflag:$0x2] =	stream.indirect_vreg.gather [hbm4b:s10+s3], $0x80, v4, vm0, $0xb8;
	[tilespmem:$0x1C100] =	vst v63  }
0x68: {  	s14 =	simm.s32 $0x5800  }
0x69: {  	[tilespmem:s14], [sflag:$0x2] =	stream.indirect_vreg.gather [hbm4b:s11+s3], $0x80, v4, vm0, $0xb8;
	[tilespmem:$0x1C100] =	vst v63  }
0x6a: {  	s18 =	simm.s32 $0x6000  }
0x6b: {  	[tilespmem:s18], [sflag:$0x2] =	stream.indirect_vreg.gather [hbm4b:s1+s3], $0x80, v3, vm0, $0xb8;
	[tilespmem:$0x1C100] =	vst v63  }
0x6c: {  	s22 =	simm.s32 $0x6800  }
0x6d: {  	[tilespmem:s22], [sflag:$0x2] =	stream.indirect_vreg.gather [hbm4b:s9+s3], $0x80, v3, vm0, $0xb8;
	[tilespmem:$0x1C100] =	vst v63  }
0x6e: {  	s6 =	simm.s32 $0x7000  }
0x6f: {  	[tilespmem:s6], [sflag:$0x2] =	stream.indirect_vreg.gather [hbm4b:s10+s3], $0x80, v3, vm0, $0xb8;
	[tilespmem:$0x1C100] =	vst v63  }
0x70: {  	s7 =	simm.s32 $0x7800  }
0x71: {  	[tilespmem:s7], [sflag:$0x2] =	stream.indirect_vreg.gather [hbm4b:s11+s3], $0x80, v3, vm0, $0xb8;
	[tilespmem:$0x1C100] =	vst v63  }
0x72: {  	v3 =	vld [tilespmem:$0x1C080];
	_ =	sdelay $0x4  }
0x73: {  	v4 =	vshll.u32 v3, $0x3  }
0x74: {  	v3 =	vand.u32 $0x7, v3;
	v4 =	vand.u32 $0xFFFFFFC0, v4  }
0x75: {  	v3 =	vor.u32 v3, v4  }
0x76: {  	v4 =	vperm.xlane v3, v0;
	_ =	sdelay $0x1  }
0x77: {  	v4 =	vadd.s32 v1, v4;
	_ =	sdelay $0x3  }
0x78: {  	s14 =	simm.s32 $0x8000  }
0x79: {  	[tilespmem:s14], [sflag:$0x3] =	stream.indirect_vreg.gather [hbm4b:s1+s3], $0x80, v4, vm0, $0xb8;
	[tilespmem:$0x1C100] =	vst v63  }
0x7a: {  	s18 =	simm.s32 $0x8800;
	v3 =	vperm.xlane v3, v2  }
0x7b: {  	[tilespmem:s18], [sflag:$0x3] =	stream.indirect_vreg.gather [hbm4b:s9+s3], $0x80, v4, vm0, $0xb8;
	[tilespmem:$0x1C100] =	vst v63  }
0x7c: {  	s22 =	simm.s32 $0x9000;
	v3 =	vadd.s32 v1, v3  }
0x7d: {  	[tilespmem:s22], [sflag:$0x3] =	stream.indirect_vreg.gather [hbm4b:s10+s3], $0x80, v4, vm0, $0xb8;
	[tilespmem:$0x1C100] =	vst v63  }
0x7e: {  	s6 =	simm.s32 $0x9800  }
0x7f: {  	[tilespmem:s6], [sflag:$0x3] =	stream.indirect_vreg.gather [hbm4b:s11+s3], $0x80, v4, vm0, $0xb8;
	[tilespmem:$0x1C100] =	vst v63  }
0x80: {  	s7 =	simm.s32 $0xA000  }
0x81: {  	[tilespmem:s7], [sflag:$0x3] =	stream.indirect_vreg.gather [hbm4b:s1+s3], $0x80, v3, vm0, $0xb8;
	[tilespmem:$0x1C100] =	vst v63  }
0x82: {  	s14 =	simm.s32 $0xA800  }
0x83: {  	[tilespmem:s14], [sflag:$0x3] =	stream.indirect_vreg.gather [hbm4b:s9+s3], $0x80, v3, vm0, $0xb8;
	[tilespmem:$0x1C100] =	vst v63  }
0x84: {  	s18 =	simm.s32 $0xB000  }
0x85: {  	[tilespmem:s18], [sflag:$0x3] =	stream.indirect_vreg.gather [hbm4b:s10+s3], $0x80, v3, vm0, $0xb8;
	[tilespmem:$0x1C100] =	vst v63  }
0x86: {  	s22 =	simm.s32 $0xB800  }
0x87: {  	[tilespmem:s22], [sflag:$0x3] =	stream.indirect_vreg.gather [hbm4b:s11+s3], $0x80, v3, vm0, $0xb8;
	[tilespmem:$0x1C100] =	vst v63  }
0x88: {  	s6 =	rddreg [dreg:$0xb];
	s7 =	simm.s32 $0x18000  }
0x89: {  	[tilespmem:s7], [sflag:$0xC] =	stream.linear.gather [hbm4b:s6+s3], $0x4000, $0x38;
	[tilespmem:$0x1C100] =	vst v63  }
0x8a: {  	v3 =	vld [tilespmem:$0x1C0C0];
	_ =	sdelay $0x4  }
0x8b: {  	v4 =	vshll.u32 v3, $0x3  }
0x8c: {  	v3 =	vand.u32 $0x7, v3;
	v4 =	vand.u32 $0xFFFFFFC0, v4  }
0x8d: {  	v3 =	vor.u32 v3, v4  }
0x8e: {  	v4 =	vperm.xlane v3, v0;
	_ =	sdelay $0x1  }
0x8f: {  	v4 =	vadd.s32 v1, v4;
	_ =	sdelay $0x3  }
0x90: {  	s14 =	simm.s32 $0xC000  }
0x91: {  	[tilespmem:s14], [sflag:$0x4] =	stream.indirect_vreg.gather [hbm4b:s1+s3], $0x80, v4, vm0, $0xb8;
	[tilespmem:$0x1C100] =	vst v63  }
0x92: {  	s18 =	simm.s32 $0xC800;
	v3 =	vperm.xlane v3, v2  }
0x93: {  	[tilespmem:s18], [sflag:$0x4] =	stream.indirect_vreg.gather [hbm4b:s9+s3], $0x80, v4, vm0, $0xb8;
	[tilespmem:$0x1C100] =	vst v63  }
0x94: {  	s22 =	simm.s32 $0xD000;
	v3 =	vadd.s32 v1, v3  }
0x95: {  	[tilespmem:s22], [sflag:$0x4] =	stream.indirect_vreg.gather [hbm4b:s10+s3], $0x80, v4, vm0, $0xb8;
	[tilespmem:$0x1C100] =	vst v63  }
0x96: {  	s6 =	simm.s32 $0xD800  }
0x97: {  	[tilespmem:s6], [sflag:$0x4] =	stream.indirect_vreg.gather [hbm4b:s11+s3], $0x80, v4, vm0, $0xb8;
	[tilespmem:$0x1C100] =	vst v63  }
0x98: {  	s7 =	simm.s32 $0xE000  }
0x99: {  	[tilespmem:s7], [sflag:$0x4] =	stream.indirect_vreg.gather [hbm4b:s1+s3], $0x80, v3, vm0, $0xb8;
	[tilespmem:$0x1C100] =	vst v63  }
0x9a: {  	s14 =	simm.s32 $0xE800  }
0x9b: {  	[tilespmem:s14], [sflag:$0x4] =	stream.indirect_vreg.gather [hbm4b:s9+s3], $0x80, v3, vm0, $0xb8;
	[tilespmem:$0x1C100] =	vst v63  }
0x9c: {  	s18 =	simm.s32 $0xF000  }
0x9d: {  	[tilespmem:s18], [sflag:$0x4] =	stream.indirect_vreg.gather [hbm4b:s10+s3], $0x80, v3, vm0, $0xb8;
	[tilespmem:$0x1C100] =	vst v63  }
0x9e: {  	s22 =	simm.s32 $0xF800  }
0x9f: {  	[tilespmem:s22], [sflag:$0x4] =	stream.indirect_vreg.gather [hbm4b:s11+s3], $0x80, v3, vm0, $0xb8;
	[tilespmem:$0x1C100] =	vst v63  }
0xa0: {  	_ =	swait.ge [sflag:s16], $0x4000  }
0xa1: {  	[sflag:s16] =	ssyncset.done $0x0  }
0xa2: {  	[sflag:s16] =	ssyncadd.s32 $0xFFFFC000  }
0xa3: {  	s6 =	sand.u32 $0x1C00, s3;
	s7 =	sand.u32 $0x380, s3;
	_ =	swait.ge [sflag:s17], $0x4000  }
0xa4: {  	s0 =	sor.u32 s7, s6;
	s14 =	sand.u32 $0x40, s3;
	[sflag:s17] =	ssyncset.done $0x0  }
0xa5: {  	s29 =	sor.u32 s14, s0;
	[sflag:s17] =	ssyncadd.s32 $0xFFFFC000  }
0xa6: {  	v3 =	vld [tilespmem:s29+$0x30]  }
0xa7: {  	v4 =	vld [tilespmem:s29+$0x0]  }
0xa8: {  	v5 =	vld [tilespmem:s29+$0x14030]  }
0xa9: {  	v6 =	vld [tilespmem:s29+$0x10]  }
0xaa: {  	s14 =	simm.s32 $0x8;
	s18 =	simm.s32 $0x200;
	v8 =	vld [tilespmem:s29+$0x20]  }
0xab: {  	s0 =	sand.u32 $0x380, s14;
	s6 =	sand.u32 $0x1C00, s18;
	s22 =	simm.s32 $0x40;
	v9 =	vld [tilespmem:s29+$0x14000]  }
0xac: {  	s0 =	sor.u32 s0, s6;
	s14 =	sand.u32 $0x40, s22;
	v10 =	vld [tilespmem:s29+$0x14010]  }
0xad: {  	s30 =	sor.u32 s14, s0;
	v11 =	vld [tilespmem:s29+$0x14020];
	v3 =	vmul.f32 $3.200000000e+01, v3  }
0xae: {  	v7 =	vld [tilespmem:s30+$0x30];
	v4 =	vmul.f32 $3.200000000e+01, v4  }
0xaf: {  	v6 =	vmul.f32 $3.200000000e+01, v6;
	v5 =	vadd.f32 v5, v3;
	v3 =	vld [tilespmem:s30+$0x0]  }
0xb0: {  	v12 =	vmul.f32 $3.200000000e+01, v8;
	v9 =	vadd.f32 v9, v4;
	v4 =	vld [tilespmem:s30+$0x14030]  }
0xb1: {  	s31 =	simm.s32 $0x4;
	v8 =	vadd.f32 v10, v6;
	[tilespmem:s29+$0x30] =	vst v5;
	v5 =	vld [tilespmem:s30+$0x10]  }
0xb2: {  	s6 =	simm.s32 $0x400;
	s0 =	simm.s32 $0x10;
	s14 =	simm.s32 $0x80;
	v6 =	vld [tilespmem:s30+$0x20];
	[tilespmem:s29+$0x0] =	vst v9;
	v9 =	vadd.f32 v11, v12  }
.LBB2_2:
0xb3: {  	s18 =	sand.u32 $0x1C00, s6;
	s22 =	sand.u32 $0x380, s0;
	s31 =	sadd.s32 $0x4, s31;
	v10 =	vld [tilespmem:s30+$0x14000];
	v7 =	vmul.f32 $3.200000000e+01, v7;
	[tilespmem:s29+$0x10] =	vst v8  }
0xb4: {  	s7 =	sand.u32 $0x40, s14;
	s18 =	sor.u32 s22, s18;
	p0 =	slt.u32 s31, $0x1FC;
	v8 =	vmul.f32 $3.200000000e+01, v3;
	v11 =	vld [tilespmem:s30+$0x14010];
	[tilespmem:s29+$0x20] =	vst v9  }
0xb5: {  	s29 =	smov.u32 s30;
	v9 =	vld [tilespmem:s30+$0x14020];
	v4 =	vadd.f32 v4, v7;
	s30 =	sor.u32 s7, s18  }
.Ltmp0:
0xb6: {  	v7 =	vld [tilespmem:s30+$0x30];
	v12 =	vmul.f32 $3.200000000e+01, v5;
	(pc) =	sbr.rel @p0 .LBB2_2-.Ltmp0, $4  }
0xb7: {  	v3 =	vld [tilespmem:s30+$0x0];
	v13 =	vmul.f32 $3.200000000e+01, v6;
	[tilespmem:s29+$0x30] =	vst v4  }
0xb8: {  	v4 =	vld [tilespmem:s30+$0x14030];
	v10 =	vadd.f32 v10, v8  }
0xb9: {  	v5 =	vld [tilespmem:s30+$0x10];
	v8 =	vadd.f32 v11, v12  }
0xba: {  	s0 =	sadd.s32 $0x8, s0;
	s6 =	sadd.s32 $0x200, s6;
	s14 =	sadd.s32 $0x40, s14;
	v6 =	vld [tilespmem:s30+$0x20];
	[tilespmem:s29+$0x0] =	vst v10;
	v9 =	vadd.f32 v9, v13  }
0xbb: {  	v10 =	vld [tilespmem:s30+$0x14000]  }
0xbc: {  	v11 =	vld [tilespmem:s30+$0x14010]  }
0xbd: {  	v7 =	vmul.f32 $3.200000000e+01, v7;
	v12 =	vld [tilespmem:s30+$0x14020]  }
0xbe: {  	v3 =	vmul.f32 $3.200000000e+01, v3  }
0xbf: {  	[tilespmem:s29+$0x10] =	vst v8;
	v4 =	vadd.f32 v4, v7;
	v5 =	vmul.f32 $3.200000000e+01, v5  }
0xc0: {  	[tilespmem:s29+$0x20] =	vst v9;
	v6 =	vmul.f32 $3.200000000e+01, v6;
	v3 =	vadd.f32 v10, v3  }
0xc1: {  	[tilespmem:s30+$0x30] =	vst v4;
	v4 =	vadd.f32 v11, v5  }
0xc2: {  	[tilespmem:s30+$0x0] =	vst v3;
	v3 =	vadd.f32 v12, v6  }
0xc3: {  	[tilespmem:s30+$0x10] =	vst v4  }
0xc4: {  	s0 =	simm.s32 $0x0;
	[tilespmem:s30+$0x20] =	vst v3  }
0xc5: {  	s22 =	sand.u32 $0x1C00, s0;
	s7 =	sand.u32 $0x380, s0;
	s6 =	rddreg [dreg:$0xa]  }
0xc6: {  	[hbm4b:s6+s0] =	stream.linear.scatter [tilespmem:s0], [sflag:$0x6], $0x2000, $0x38;
	[tilespmem:$0x1C100] =	vst v63  }
0xc7: {  	s0 =	sand.u32 $0x40, s0;
	s6 =	sor.u32 s7, s22  }
0xc8: {  	s29 =	sor.u32 s0, s6  }
0xc9: {  	v3 =	vld [tilespmem:s29+$0x2030]  }
0xca: {  	v4 =	vld [tilespmem:s29+$0x2000]  }
0xcb: {  	v5 =	vld [tilespmem:s29+$0x16030]  }
0xcc: {  	v6 =	vld [tilespmem:s29+$0x2010]  }
0xcd: {  	s14 =	simm.s32 $0x200;
	s18 =	simm.s32 $0x8;
	v8 =	vld [tilespmem:s29+$0x2020]  }
0xce: {  	s22 =	simm.s32 $0x40;
	s0 =	sand.u32 $0x1C00, s14;
	s6 =	sand.u32 $0x380, s18;
	v9 =	vld [tilespmem:s29+$0x16000]  }
0xcf: {  	s7 =	sand.u32 $0x40, s22;
	s0 =	sor.u32 s6, s0;
	v10 =	vld [tilespmem:s29+$0x16010]  }
0xd0: {  	v11 =	vld [tilespmem:s29+$0x16020];
	s30 =	sor.u32 s7, s0;
	v3 =	vmul.f32 $3.200000000e+01, v3  }
0xd1: {  	v7 =	vld [tilespmem:s30+$0x2030];
	v4 =	vmul.f32 $3.200000000e+01, v4  }
0xd2: {  	v6 =	vmul.f32 $3.200000000e+01, v6;
	v5 =	vadd.f32 v5, v3;
	v3 =	vld [tilespmem:s30+$0x2000]  }
0xd3: {  	v63 =	vmul.f32 $3.200000000e+01, v8;
	v9 =	vadd.f32 v9, v4;
	v4 =	vld [tilespmem:s30+$0x16030]  }
0xd4: {  	s31 =	simm.s32 $0x4;
	v8 =	vadd.f32 v10, v6;
	[tilespmem:s29+$0x2030] =	vst v5;
	v5 =	vld [tilespmem:s30+$0x2010]  }
0xd5: {  	s14 =	simm.s32 $0x10;
	s6 =	simm.s32 $0x80;
	s0 =	simm.s32 $0x400;
	v6 =	vld [tilespmem:s30+$0x2020];
	[tilespmem:s29+$0x2000] =	vst v9;
	v9 =	vadd.f32 v11, v63  }
.LBB2_4:
0xd6: {  	s7 =	sand.u32 $0x1C00, s0;
	s18 =	sand.u32 $0x380, s14;
	s31 =	sadd.s32 $0x4, s31;
	v10 =	vld [tilespmem:s30+$0x16000];
	v7 =	vmul.f32 $3.200000000e+01, v7;
	[tilespmem:s29+$0x2010] =	vst v8  }
0xd7: {  	s22 =	sand.u32 $0x40, s6;
	s7 =	sor.u32 s18, s7;
	p0 =	slt.u32 s31, $0x1FC;
	v8 =	vmul.f32 $3.200000000e+01, v3;
	v11 =	vld [tilespmem:s30+$0x16010];
	[tilespmem:s29+$0x2020] =	vst v9  }
0xd8: {  	s29 =	smov.u32 s30;
	v9 =	vld [tilespmem:s30+$0x16020];
	v4 =	vadd.f32 v4, v7;
	s30 =	sor.u32 s22, s7  }
.Ltmp1:
0xd9: {  	v7 =	vld [tilespmem:s30+$0x2030];
	v12 =	vmul.f32 $3.200000000e+01, v5;
	(pc) =	sbr.rel @p0 .LBB2_4-.Ltmp1, $4  }
0xda: {  	v3 =	vld [tilespmem:s30+$0x2000];
	v13 =	vmul.f32 $3.200000000e+01, v6;
	[tilespmem:s29+$0x2030] =	vst v4  }
0xdb: {  	v4 =	vld [tilespmem:s30+$0x16030];
	v10 =	vadd.f32 v10, v8  }
0xdc: {  	v5 =	vld [tilespmem:s30+$0x2010];
	v8 =	vadd.f32 v11, v12  }
0xdd: {  	s0 =	sadd.s32 $0x200, s0;
	s6 =	sadd.s32 $0x40, s6;
	s14 =	sadd.s32 $0x8, s14;
	v6 =	vld [tilespmem:s30+$0x2020];
	[tilespmem:s29+$0x2000] =	vst v10;
	v9 =	vadd.f32 v9, v13  }
0xde: {  	v10 =	vld [tilespmem:s30+$0x16000]  }
0xdf: {  	v11 =	vld [tilespmem:s30+$0x16010]  }
0xe0: {  	v7 =	vmul.f32 $3.200000000e+01, v7;
	v12 =	vld [tilespmem:s30+$0x16020]  }
0xe1: {  	v3 =	vmul.f32 $3.200000000e+01, v3  }
0xe2: {  	[tilespmem:s29+$0x2010] =	vst v8;
	v4 =	vadd.f32 v4, v7;
	v5 =	vmul.f32 $3.200000000e+01, v5  }
0xe3: {  	[tilespmem:s29+$0x2020] =	vst v9;
	v6 =	vmul.f32 $3.200000000e+01, v6;
	v3 =	vadd.f32 v10, v3  }
0xe4: {  	[tilespmem:s30+$0x2030] =	vst v4;
	v4 =	vadd.f32 v11, v5  }
0xe5: {  	[tilespmem:s30+$0x2000] =	vst v3;
	v3 =	vadd.f32 v12, v6  }
0xe6: {  	[tilespmem:s30+$0x2010] =	vst v4  }
0xe7: {  	[tilespmem:s30+$0x2020] =	vst v3  }
0xe8: {  	s0 =	simm.s32 $0x0;
	s6 =	rddreg [dreg:$0xc]  }
0xe9: {  	[hbm4b:s6+s0] =	stream.linear.scatter [tilespmem:s28], [sflag:$0x6], $0x2000, $0x38;
	[tilespmem:$0x1C100] =	vst v63  }
0xea: {  	v3 =	vld [tilespmem:$0x1C010];
	_ =	sdelay $0x4  }
0xeb: {  	v4 =	vshll.u32 v3, $0x3  }
0xec: {  	v3 =	vand.u32 $0x7, v3;
	v4 =	vand.u32 $0xFFFFFFC0, v4  }
0xed: {  	v3 =	vor.u32 v3, v4  }
0xee: {  	v4 =	vperm.xlane v3, v0;
	_ =	sdelay $0x1  }
0xef: {  	v4 =	vadd.s32 v1, v4;
	_ =	sdelay $0x4  }
0xf0: {  	[tilespmem:s19], [sflag:$0x5] =	stream.indirect_vreg.gather [hbm4b:s1+s0], $0x80, v4, vm0, $0xb8;
	[tilespmem:$0x1C100] =	vst v63  }
0xf1: {  	s14 =	simm.s32 $0x10800;
	v3 =	vperm.xlane v3, v2  }
0xf2: {  	[tilespmem:s14], [sflag:$0x5] =	stream.indirect_vreg.gather [hbm4b:s9+s0], $0x80, v4, vm0, $0xb8;
	[tilespmem:$0x1C100] =	vst v63  }
0xf3: {  	s18 =	simm.s32 $0x11000;
	v3 =	vadd.s32 v1, v3  }
0xf4: {  	[tilespmem:s18], [sflag:$0x5] =	stream.indirect_vreg.gather [hbm4b:s10+s0], $0x80, v4, vm0, $0xb8;
	[tilespmem:$0x1C100] =	vst v63  }
0xf5: {  	s22 =	simm.s32 $0x11800  }
0xf6: {  	[tilespmem:s22], [sflag:$0x5] =	stream.indirect_vreg.gather [hbm4b:s11+s0], $0x80, v4, vm0, $0xb8;
	[tilespmem:$0x1C100] =	vst v63  }
0xf7: {  	_ = 	snop  }
0xf8: {  	[tilespmem:s4], [sflag:$0x5] =	stream.indirect_vreg.gather [hbm4b:s1+s0], $0x80, v3, vm0, $0xb8;
	[tilespmem:$0x1C100] =	vst v63  }
0xf9: {  	s7 =	simm.s32 $0x12800  }
0xfa: {  	[tilespmem:s7], [sflag:$0x5] =	stream.indirect_vreg.gather [hbm4b:s9+s0], $0x80, v3, vm0, $0xb8;
	[tilespmem:$0x1C100] =	vst v63  }
0xfb: {  	s14 =	simm.s32 $0x13000  }
0xfc: {  	[tilespmem:s14], [sflag:$0x5] =	stream.indirect_vreg.gather [hbm4b:s10+s0], $0x80, v3, vm0, $0xb8;
	[tilespmem:$0x1C100] =	vst v63  }
0xfd: {  	s18 =	simm.s32 $0x13800  }
0xfe: {  	[tilespmem:s18], [sflag:$0x5] =	stream.indirect_vreg.gather [hbm4b:s11+s0], $0x80, v3, vm0, $0xb8;
	[tilespmem:$0x1C100] =	vst v63  }
0xff: {  	s22 =	sand.u32 $0x1C00, s0;
	s7 =	sand.u32 $0x380, s0;
	_ =	swait.ge [sflag:s15], $0x4000  }
0x100: {  	s6 =	sor.u32 s7, s22;
	s0 =	sand.u32 $0x40, s0;
	[sflag:s15] =	ssyncset.done $0x0  }
0x101: {  	s29 =	sor.u32 s0, s6;
	[sflag:s15] =	ssyncadd.s32 $0xFFFFC000  }
0x102: {  	v3 =	vld [tilespmem:s29+$0x4030]  }
0x103: {  	v4 =	vld [tilespmem:s29+$0x4000]  }
0x104: {  	v5 =	vld [tilespmem:s29+$0x14030]  }
0x105: {  	v6 =	vld [tilespmem:s29+$0x4010]  }
0x106: {  	s14 =	simm.s32 $0x8;
	s18 =	simm.s32 $0x200;
	v8 =	vld [tilespmem:s29+$0x4020]  }
0x107: {  	s22 =	simm.s32 $0x40;
	s6 =	sand.u32 $0x1C00, s18;
	s0 =	sand.u32 $0x380, s14;
	v9 =	vld [tilespmem:s29+$0x14000]  }
0x108: {  	s7 =	sand.u32 $0x40, s22;
	s0 =	sor.u32 s0, s6;
	v10 =	vld [tilespmem:s29+$0x14010]  }
0x109: {  	s30 =	sor.u32 s7, s0;
	v11 =	vld [tilespmem:s29+$0x14020];
	v3 =	vmul.f32 $3.200000000e+01, v3  }
0x10a: {  	v7 =	vld [tilespmem:s30+$0x4030];
	v4 =	vmul.f32 $3.200000000e+01, v4  }
0x10b: {  	v6 =	vmul.f32 $3.200000000e+01, v6;
	v5 =	vadd.f32 v5, v3;
	v3 =	vld [tilespmem:s30+$0x4000]  }
0x10c: {  	v63 =	vmul.f32 $3.200000000e+01, v8;
	v9 =	vadd.f32 v9, v4;
	v4 =	vld [tilespmem:s30+$0x14030]  }
0x10d: {  	s31 =	simm.s32 $0x4;
	v8 =	vadd.f32 v10, v6;
	[tilespmem:s29+$0x4030] =	vst v5;
	v5 =	vld [tilespmem:s30+$0x4010]  }
0x10e: {  	s14 =	simm.s32 $0x80;
	s6 =	simm.s32 $0x400;
	s0 =	simm.s32 $0x10;
	v6 =	vld [tilespmem:s30+$0x4020];
	[tilespmem:s29+$0x4000] =	vst v9;
	v9 =	vadd.f32 v11, v63  }
.LBB2_6:
0x10f: {  	s7 =	sand.u32 $0x1C00, s6;
	s18 =	sand.u32 $0x380, s0;
	s31 =	sadd.s32 $0x4, s31;
	v10 =	vld [tilespmem:s30+$0x14000];
	v7 =	vmul.f32 $3.200000000e+01, v7;
	[tilespmem:s29+$0x4010] =	vst v8  }
0x110: {  	s22 =	sand.u32 $0x40, s14;
	s7 =	sor.u32 s18, s7;
	p0 =	slt.u32 s31, $0x1FC;
	v8 =	vmul.f32 $3.200000000e+01, v3;
	v11 =	vld [tilespmem:s30+$0x14010];
	[tilespmem:s29+$0x4020] =	vst v9  }
0x111: {  	s29 =	smov.u32 s30;
	v9 =	vld [tilespmem:s30+$0x14020];
	v4 =	vadd.f32 v4, v7;
	s30 =	sor.u32 s22, s7  }
.Ltmp2:
0x112: {  	v7 =	vld [tilespmem:s30+$0x4030];
	v12 =	vmul.f32 $3.200000000e+01, v5;
	(pc) =	sbr.rel @p0 .LBB2_6-.Ltmp2, $4  }
0x113: {  	v3 =	vld [tilespmem:s30+$0x4000];
	v13 =	vmul.f32 $3.200000000e+01, v6;
	[tilespmem:s29+$0x4030] =	vst v4  }
0x114: {  	v4 =	vld [tilespmem:s30+$0x14030];
	v10 =	vadd.f32 v10, v8  }
0x115: {  	v5 =	vld [tilespmem:s30+$0x4010];
	v8 =	vadd.f32 v11, v12  }
0x116: {  	s0 =	sadd.s32 $0x8, s0;
	s6 =	sadd.s32 $0x200, s6;
	s14 =	sadd.s32 $0x40, s14;
	v6 =	vld [tilespmem:s30+$0x4020];
	[tilespmem:s29+$0x4000] =	vst v10;
	v9 =	vadd.f32 v9, v13  }
0x117: {  	v10 =	vld [tilespmem:s30+$0x14000]  }
0x118: {  	v11 =	vld [tilespmem:s30+$0x14010]  }
0x119: {  	v7 =	vmul.f32 $3.200000000e+01, v7;
	v12 =	vld [tilespmem:s30+$0x14020]  }
0x11a: {  	v3 =	vmul.f32 $3.200000000e+01, v3  }
0x11b: {  	[tilespmem:s29+$0x4010] =	vst v8;
	v4 =	vadd.f32 v4, v7;
	v5 =	vmul.f32 $3.200000000e+01, v5  }
0x11c: {  	[tilespmem:s29+$0x4020] =	vst v9;
	v6 =	vmul.f32 $3.200000000e+01, v6;
	v3 =	vadd.f32 v10, v3  }
0x11d: {  	[tilespmem:s30+$0x4030] =	vst v4;
	v4 =	vadd.f32 v11, v5  }
0x11e: {  	[tilespmem:s30+$0x4000] =	vst v3;
	v3 =	vadd.f32 v12, v6  }
0x11f: {  	[tilespmem:s30+$0x4010] =	vst v4  }
0x120: {  	s0 =	simm.s32 $0x0;
	s7 =	simm.s32 $0x4000;
	[tilespmem:s30+$0x4020] =	vst v3  }
0x121: {  	s18 =	sand.u32 $0x1C00, s0;
	s22 =	sand.u32 $0x380, s0;
	s6 =	rddreg [dreg:$0xd]  }
0x122: {  	[hbm4b:s6+s0] =	stream.linear.scatter [tilespmem:s7], [sflag:$0x7], $0x2000, $0x38;
	[tilespmem:$0x1C100] =	vst v63  }
0x123: {  	s0 =	sand.u32 $0x40, s0;
	s6 =	sor.u32 s22, s18  }
0x124: {  	s29 =	sor.u32 s0, s6  }
0x125: {  	v3 =	vld [tilespmem:s29+$0x6030]  }
0x126: {  	v4 =	vld [tilespmem:s29+$0x6000]  }
0x127: {  	v5 =	vld [tilespmem:s29+$0x16030]  }
0x128: {  	v6 =	vld [tilespmem:s29+$0x6010]  }
0x129: {  	s14 =	simm.s32 $0x200;
	s18 =	simm.s32 $0x8;
	v8 =	vld [tilespmem:s29+$0x6020]  }
0x12a: {  	s22 =	simm.s32 $0x40;
	s0 =	sand.u32 $0x1C00, s14;
	s6 =	sand.u32 $0x380, s18;
	v9 =	vld [tilespmem:s29+$0x16000]  }
0x12b: {  	s7 =	sand.u32 $0x40, s22;
	s0 =	sor.u32 s6, s0;
	v10 =	vld [tilespmem:s29+$0x16010]  }
0x12c: {  	v11 =	vld [tilespmem:s29+$0x16020];
	s30 =	sor.u32 s7, s0;
	v3 =	vmul.f32 $3.200000000e+01, v3  }
0x12d: {  	v7 =	vld [tilespmem:s30+$0x6030];
	v4 =	vmul.f32 $3.200000000e+01, v4  }
0x12e: {  	v6 =	vmul.f32 $3.200000000e+01, v6;
	v5 =	vadd.f32 v5, v3;
	v3 =	vld [tilespmem:s30+$0x6000]  }
0x12f: {  	v63 =	vmul.f32 $3.200000000e+01, v8;
	v9 =	vadd.f32 v9, v4;
	v4 =	vld [tilespmem:s30+$0x16030]  }
0x130: {  	s31 =	simm.s32 $0x4;
	v8 =	vadd.f32 v10, v6;
	[tilespmem:s29+$0x6030] =	vst v5;
	v5 =	vld [tilespmem:s30+$0x6010]  }
0x131: {  	s14 =	simm.s32 $0x10;
	s6 =	simm.s32 $0x80;
	s0 =	simm.s32 $0x400;
	v6 =	vld [tilespmem:s30+$0x6020];
	[tilespmem:s29+$0x6000] =	vst v9;
	v9 =	vadd.f32 v11, v63  }
.LBB2_8:
0x132: {  	s7 =	sand.u32 $0x1C00, s0;
	s18 =	sand.u32 $0x380, s14;
	s31 =	sadd.s32 $0x4, s31;
	v10 =	vld [tilespmem:s30+$0x16000];
	v7 =	vmul.f32 $3.200000000e+01, v7;
	[tilespmem:s29+$0x6010] =	vst v8  }
0x133: {  	s22 =	sand.u32 $0x40, s6;
	s7 =	sor.u32 s18, s7;
	p0 =	slt.u32 s31, $0x1FC;
	v8 =	vmul.f32 $3.200000000e+01, v3;
	v11 =	vld [tilespmem:s30+$0x16010];
	[tilespmem:s29+$0x6020] =	vst v9  }
0x134: {  	s29 =	smov.u32 s30;
	v9 =	vld [tilespmem:s30+$0x16020];
	v4 =	vadd.f32 v4, v7;
	s30 =	sor.u32 s22, s7  }
.Ltmp3:
0x135: {  	v7 =	vld [tilespmem:s30+$0x6030];
	v12 =	vmul.f32 $3.200000000e+01, v5;
	(pc) =	sbr.rel @p0 .LBB2_8-.Ltmp3, $4  }
0x136: {  	v3 =	vld [tilespmem:s30+$0x6000];
	v13 =	vmul.f32 $3.200000000e+01, v6;
	[tilespmem:s29+$0x6030] =	vst v4  }
0x137: {  	v4 =	vld [tilespmem:s30+$0x16030];
	v10 =	vadd.f32 v10, v8  }
0x138: {  	v5 =	vld [tilespmem:s30+$0x6010];
	v8 =	vadd.f32 v11, v12  }
0x139: {  	s0 =	sadd.s32 $0x200, s0;
	s6 =	sadd.s32 $0x40, s6;
	s14 =	sadd.s32 $0x8, s14;
	v6 =	vld [tilespmem:s30+$0x6020];
	[tilespmem:s29+$0x6000] =	vst v10;
	v9 =	vadd.f32 v9, v13  }
0x13a: {  	v10 =	vld [tilespmem:s30+$0x16000]  }
0x13b: {  	v11 =	vld [tilespmem:s30+$0x16010]  }
0x13c: {  	v7 =	vmul.f32 $3.200000000e+01, v7;
	v12 =	vld [tilespmem:s30+$0x16020]  }
0x13d: {  	v3 =	vmul.f32 $3.200000000e+01, v3  }
0x13e: {  	[tilespmem:s29+$0x6010] =	vst v8;
	v4 =	vadd.f32 v4, v7;
	v5 =	vmul.f32 $3.200000000e+01, v5  }
0x13f: {  	[tilespmem:s29+$0x6020] =	vst v9;
	v6 =	vmul.f32 $3.200000000e+01, v6;
	v3 =	vadd.f32 v10, v3  }
0x140: {  	[tilespmem:s30+$0x6030] =	vst v4;
	v4 =	vadd.f32 v11, v5  }
0x141: {  	[tilespmem:s30+$0x6000] =	vst v3;
	v3 =	vadd.f32 v12, v6  }
0x142: {  	[tilespmem:s30+$0x6010] =	vst v4  }
0x143: {  	[tilespmem:s30+$0x6020] =	vst v3  }
0x144: {  	s0 =	simm.s32 $0x0;
	s7 =	simm.s32 $0x6000;
	s6 =	rddreg [dreg:$0xe]  }
0x145: {  	[hbm4b:s6+s0] =	stream.linear.scatter [tilespmem:s7], [sflag:$0x7], $0x2000, $0x38;
	[tilespmem:$0x1C100] =	vst v63  }
0x146: {  	_ =	swait.ge [sflag:s20], $0x2000  }
0x147: {  	[sflag:s20] =	ssyncset.done $0x0  }
0x148: {  	[sflag:s20] =	ssyncadd.s32 $0xFFFFE000  }
0x149: {  	_ =	swait.ge [sflag:s20], $0x2000  }
0x14a: {  	[sflag:s20] =	ssyncset.done $0x0  }
0x14b: {  	[sflag:s20] =	ssyncadd.s32 $0xFFFFE000  }
0x14c: {  	v3 =	vld [tilespmem:$0x1C050];
	_ =	sdelay $0x4  }
0x14d: {  	v4 =	vshll.u32 v3, $0x3  }
0x14e: {  	v3 =	vand.u32 $0x7, v3;
	v4 =	vand.u32 $0xFFFFFFC0, v4  }
0x14f: {  	v3 =	vor.u32 v3, v4  }
0x150: {  	v4 =	vperm.xlane v3, v0;
	_ =	sdelay $0x1  }
0x151: {  	v4 =	vadd.s32 v1, v4;
	_ =	sdelay $0x4  }
0x152: {  	[tilespmem:s0], [sflag:$0x1] =	stream.indirect_vreg.gather [hbm4b:s1+s0], $0x80, v4, vm0, $0xb8;
	[tilespmem:$0x1C100] =	vst v63  }
0x153: {  	s7 =	simm.s32 $0x800;
	v3 =	vperm.xlane v3, v2  }
0x154: {  	[tilespmem:s7], [sflag:$0x1] =	stream.indirect_vreg.gather [hbm4b:s9+s0], $0x80, v4, vm0, $0xb8;
	[tilespmem:$0x1C100] =	vst v63  }
0x155: {  	s14 =	simm.s32 $0x1000;
	v3 =	vadd.s32 v1, v3  }
0x156: {  	[tilespmem:s14], [sflag:$0x1] =	stream.indirect_vreg.gather [hbm4b:s10+s0], $0x80, v4, vm0, $0xb8;
	[tilespmem:$0x1C100] =	vst v63  }
0x157: {  	s18 =	simm.s32 $0x1800  }
0x158: {  	[tilespmem:s18], [sflag:$0x1] =	stream.indirect_vreg.gather [hbm4b:s11+s0], $0x80, v4, vm0, $0xb8;
	[tilespmem:$0x1C100] =	vst v63  }
0x159: {  	_ = 	snop  }
0x15a: {  	[tilespmem:s28], [sflag:$0x1] =	stream.indirect_vreg.gather [hbm4b:s1+s0], $0x80, v3, vm0, $0xb8;
	[tilespmem:$0x1C100] =	vst v63  }
0x15b: {  	s22 =	simm.s32 $0x2800  }
0x15c: {  	[tilespmem:s22], [sflag:$0x1] =	stream.indirect_vreg.gather [hbm4b:s9+s0], $0x80, v3, vm0, $0xb8;
	[tilespmem:$0x1C100] =	vst v63  }
0x15d: {  	s7 =	simm.s32 $0x3000  }
0x15e: {  	[tilespmem:s7], [sflag:$0x1] =	stream.indirect_vreg.gather [hbm4b:s10+s0], $0x80, v3, vm0, $0xb8;
	[tilespmem:$0x1C100] =	vst v63  }
0x15f: {  	s14 =	simm.s32 $0x3800  }
0x160: {  	[tilespmem:s14], [sflag:$0x1] =	stream.indirect_vreg.gather [hbm4b:s11+s0], $0x80, v3, vm0, $0xb8;
	[tilespmem:$0x1C100] =	vst v63  }
0x161: {  	s18 =	sand.u32 $0x1C00, s0;
	s22 =	sand.u32 $0x380, s0;
	_ =	swait.ge [sflag:s21], $0x4000  }
0x162: {  	s6 =	sor.u32 s22, s18;
	s0 =	sand.u32 $0x40, s0;
	[sflag:s21] =	ssyncset.done $0x0  }
0x163: {  	s29 =	sor.u32 s0, s6;
	[sflag:s21] =	ssyncadd.s32 $0xFFFFC000  }
0x164: {  	v3 =	vld [tilespmem:s29+$0x8030]  }
0x165: {  	v4 =	vld [tilespmem:s29+$0x8000]  }
0x166: {  	v5 =	vld [tilespmem:s29+$0x14030]  }
0x167: {  	v6 =	vld [tilespmem:s29+$0x8010]  }
0x168: {  	s18 =	simm.s32 $0x200;
	s14 =	simm.s32 $0x8;
	v8 =	vld [tilespmem:s29+$0x8020]  }
0x169: {  	s22 =	simm.s32 $0x40;
	s6 =	sand.u32 $0x1C00, s18;
	s0 =	sand.u32 $0x380, s14;
	v9 =	vld [tilespmem:s29+$0x14000]  }
0x16a: {  	s7 =	sand.u32 $0x40, s22;
	s0 =	sor.u32 s0, s6;
	v10 =	vld [tilespmem:s29+$0x14010]  }
0x16b: {  	s30 =	sor.u32 s7, s0;
	v11 =	vld [tilespmem:s29+$0x14020];
	v3 =	vmul.f32 $3.200000000e+01, v3  }
0x16c: {  	v7 =	vld [tilespmem:s30+$0x8030];
	v4 =	vmul.f32 $3.200000000e+01, v4  }
0x16d: {  	v6 =	vmul.f32 $3.200000000e+01, v6;
	v5 =	vadd.f32 v5, v3;
	v3 =	vld [tilespmem:s30+$0x8000]  }
0x16e: {  	v63 =	vmul.f32 $3.200000000e+01, v8;
	v9 =	vadd.f32 v9, v4;
	v4 =	vld [tilespmem:s30+$0x14030]  }
0x16f: {  	s31 =	simm.s32 $0x4;
	v8 =	vadd.f32 v10, v6;
	[tilespmem:s29+$0x8030] =	vst v5;
	v5 =	vld [tilespmem:s30+$0x8010]  }
0x170: {  	s14 =	simm.s32 $0x80;
	s6 =	simm.s32 $0x400;
	s0 =	simm.s32 $0x10;
	v6 =	vld [tilespmem:s30+$0x8020];
	[tilespmem:s29+$0x8000] =	vst v9;
	v9 =	vadd.f32 v11, v63  }
.LBB2_10:
0x171: {  	s7 =	sand.u32 $0x1C00, s6;
	s18 =	sand.u32 $0x380, s0;
	s31 =	sadd.s32 $0x4, s31;
	v10 =	vld [tilespmem:s30+$0x14000];
	v7 =	vmul.f32 $3.200000000e+01, v7;
	[tilespmem:s29+$0x8010] =	vst v8  }
0x172: {  	s22 =	sand.u32 $0x40, s14;
	s7 =	sor.u32 s18, s7;
	p0 =	slt.u32 s31, $0x1FC;
	v8 =	vmul.f32 $3.200000000e+01, v3;
	v11 =	vld [tilespmem:s30+$0x14010];
	[tilespmem:s29+$0x8020] =	vst v9  }
0x173: {  	s29 =	smov.u32 s30;
	v9 =	vld [tilespmem:s30+$0x14020];
	v4 =	vadd.f32 v4, v7;
	s30 =	sor.u32 s22, s7  }
.Ltmp4:
0x174: {  	v7 =	vld [tilespmem:s30+$0x8030];
	v12 =	vmul.f32 $3.200000000e+01, v5;
	(pc) =	sbr.rel @p0 .LBB2_10-.Ltmp4, $4  }
0x175: {  	v3 =	vld [tilespmem:s30+$0x8000];
	v13 =	vmul.f32 $3.200000000e+01, v6;
	[tilespmem:s29+$0x8030] =	vst v4  }
0x176: {  	v4 =	vld [tilespmem:s30+$0x14030];
	v10 =	vadd.f32 v10, v8  }
0x177: {  	v5 =	vld [tilespmem:s30+$0x8010];
	v8 =	vadd.f32 v11, v12  }
0x178: {  	s0 =	sadd.s32 $0x8, s0;
	s6 =	sadd.s32 $0x200, s6;
	s14 =	sadd.s32 $0x40, s14;
	v6 =	vld [tilespmem:s30+$0x8020];
	[tilespmem:s29+$0x8000] =	vst v10;
	v9 =	vadd.f32 v9, v13  }
0x179: {  	v10 =	vld [tilespmem:s30+$0x14000]  }
0x17a: {  	v11 =	vld [tilespmem:s30+$0x14010]  }
0x17b: {  	v7 =	vmul.f32 $3.200000000e+01, v7;
	v12 =	vld [tilespmem:s30+$0x14020]  }
0x17c: {  	v3 =	vmul.f32 $3.200000000e+01, v3  }
0x17d: {  	[tilespmem:s29+$0x8010] =	vst v8;
	v4 =	vadd.f32 v4, v7;
	v5 =	vmul.f32 $3.200000000e+01, v5  }
0x17e: {  	[tilespmem:s29+$0x8020] =	vst v9;
	v6 =	vmul.f32 $3.200000000e+01, v6;
	v3 =	vadd.f32 v10, v3  }
0x17f: {  	[tilespmem:s30+$0x8030] =	vst v4;
	v4 =	vadd.f32 v11, v5  }
0x180: {  	[tilespmem:s30+$0x8000] =	vst v3;
	v3 =	vadd.f32 v12, v6  }
0x181: {  	[tilespmem:s30+$0x8010] =	vst v4  }
0x182: {  	s0 =	simm.s32 $0x0;
	s7 =	simm.s32 $0x8000;
	[tilespmem:s30+$0x8020] =	vst v3  }
0x183: {  	s18 =	sand.u32 $0x1C00, s0;
	s22 =	sand.u32 $0x380, s0;
	s6 =	rddreg [dreg:$0xf]  }
0x184: {  	[hbm4b:s6+s0] =	stream.linear.scatter [tilespmem:s7], [sflag:$0x8], $0x2000, $0x38;
	[tilespmem:$0x1C100] =	vst v63  }
0x185: {  	s0 =	sand.u32 $0x40, s0;
	s6 =	sor.u32 s22, s18  }
0x186: {  	s29 =	sor.u32 s0, s6  }
0x187: {  	v3 =	vld [tilespmem:s29+$0xA030]  }
0x188: {  	v4 =	vld [tilespmem:s29+$0xA000]  }
0x189: {  	v5 =	vld [tilespmem:s29+$0x16030]  }
0x18a: {  	v6 =	vld [tilespmem:s29+$0xA010]  }
0x18b: {  	s14 =	simm.s32 $0x200;
	s18 =	simm.s32 $0x8;
	v8 =	vld [tilespmem:s29+$0xA020]  }
0x18c: {  	s22 =	simm.s32 $0x40;
	s0 =	sand.u32 $0x1C00, s14;
	s6 =	sand.u32 $0x380, s18;
	v9 =	vld [tilespmem:s29+$0x16000]  }
0x18d: {  	s7 =	sand.u32 $0x40, s22;
	s0 =	sor.u32 s6, s0;
	v10 =	vld [tilespmem:s29+$0x16010]  }
0x18e: {  	v11 =	vld [tilespmem:s29+$0x16020];
	s30 =	sor.u32 s7, s0;
	v3 =	vmul.f32 $3.200000000e+01, v3  }
0x18f: {  	v7 =	vld [tilespmem:s30+$0xA030];
	v4 =	vmul.f32 $3.200000000e+01, v4  }
0x190: {  	v6 =	vmul.f32 $3.200000000e+01, v6;
	v5 =	vadd.f32 v5, v3;
	v3 =	vld [tilespmem:s30+$0xA000]  }
0x191: {  	v63 =	vmul.f32 $3.200000000e+01, v8;
	v9 =	vadd.f32 v9, v4;
	v4 =	vld [tilespmem:s30+$0x16030]  }
0x192: {  	s31 =	simm.s32 $0x4;
	v8 =	vadd.f32 v10, v6;
	[tilespmem:s29+$0xA030] =	vst v5;
	v5 =	vld [tilespmem:s30+$0xA010]  }
0x193: {  	s14 =	simm.s32 $0x10;
	s6 =	simm.s32 $0x80;
	s0 =	simm.s32 $0x400;
	v6 =	vld [tilespmem:s30+$0xA020];
	[tilespmem:s29+$0xA000] =	vst v9;
	v9 =	vadd.f32 v11, v63  }
.LBB2_12:
0x194: {  	s7 =	sand.u32 $0x1C00, s0;
	s18 =	sand.u32 $0x380, s14;
	s31 =	sadd.s32 $0x4, s31;
	v10 =	vld [tilespmem:s30+$0x16000];
	v7 =	vmul.f32 $3.200000000e+01, v7;
	[tilespmem:s29+$0xA010] =	vst v8  }
0x195: {  	s22 =	sand.u32 $0x40, s6;
	s7 =	sor.u32 s18, s7;
	p0 =	slt.u32 s31, $0x1FC;
	v8 =	vmul.f32 $3.200000000e+01, v3;
	v11 =	vld [tilespmem:s30+$0x16010];
	[tilespmem:s29+$0xA020] =	vst v9  }
0x196: {  	s29 =	smov.u32 s30;
	v9 =	vld [tilespmem:s30+$0x16020];
	v4 =	vadd.f32 v4, v7;
	s30 =	sor.u32 s22, s7  }
.Ltmp5:
0x197: {  	v7 =	vld [tilespmem:s30+$0xA030];
	v12 =	vmul.f32 $3.200000000e+01, v5;
	(pc) =	sbr.rel @p0 .LBB2_12-.Ltmp5, $4  }
0x198: {  	v3 =	vld [tilespmem:s30+$0xA000];
	v13 =	vmul.f32 $3.200000000e+01, v6;
	[tilespmem:s29+$0xA030] =	vst v4  }
0x199: {  	v4 =	vld [tilespmem:s30+$0x16030];
	v10 =	vadd.f32 v10, v8  }
0x19a: {  	v5 =	vld [tilespmem:s30+$0xA010];
	v8 =	vadd.f32 v11, v12  }
0x19b: {  	s0 =	sadd.s32 $0x200, s0;
	s6 =	sadd.s32 $0x40, s6;
	s14 =	sadd.s32 $0x8, s14;
	v6 =	vld [tilespmem:s30+$0xA020];
	[tilespmem:s29+$0xA000] =	vst v10;
	v9 =	vadd.f32 v9, v13  }
0x19c: {  	v10 =	vld [tilespmem:s30+$0x16000]  }
0x19d: {  	v11 =	vld [tilespmem:s30+$0x16010]  }
0x19e: {  	v7 =	vmul.f32 $3.200000000e+01, v7;
	v12 =	vld [tilespmem:s30+$0x16020]  }
0x19f: {  	v3 =	vmul.f32 $3.200000000e+01, v3  }
0x1a0: {  	[tilespmem:s29+$0xA010] =	vst v8;
	v4 =	vadd.f32 v4, v7;
	v5 =	vmul.f32 $3.200000000e+01, v5  }
0x1a1: {  	[tilespmem:s29+$0xA020] =	vst v9;
	v6 =	vmul.f32 $3.200000000e+01, v6;
	v3 =	vadd.f32 v10, v3  }
0x1a2: {  	[tilespmem:s30+$0xA030] =	vst v4;
	v4 =	vadd.f32 v11, v5  }
0x1a3: {  	[tilespmem:s30+$0xA000] =	vst v3;
	v3 =	vadd.f32 v12, v6  }
0x1a4: {  	[tilespmem:s30+$0xA010] =	vst v4  }
0x1a5: {  	[tilespmem:s30+$0xA020] =	vst v3  }
0x1a6: {  	s0 =	simm.s32 $0x0;
	s7 =	simm.s32 $0xA000;
	s6 =	rddreg [dreg:$0x16]  }
0x1a7: {  	[hbm4b:s6+s0] =	stream.linear.scatter [tilespmem:s7], [sflag:$0x8], $0x2000, $0x38;
	[tilespmem:$0x1C100] =	vst v63  }
0x1a8: {  	_ =	swait.ge [sflag:s2], $0x2000  }
0x1a9: {  	[sflag:s2] =	ssyncset.done $0x0  }
0x1aa: {  	[sflag:s2] =	ssyncadd.s32 $0xFFFFE000  }
0x1ab: {  	_ =	swait.ge [sflag:s2], $0x2000  }
0x1ac: {  	[sflag:s2] =	ssyncset.done $0x0  }
0x1ad: {  	[sflag:s2] =	ssyncadd.s32 $0xFFFFE000  }
0x1ae: {  	v3 =	vld [tilespmem:$0x1C090];
	_ =	sdelay $0x4  }
0x1af: {  	v4 =	vshll.u32 v3, $0x3  }
0x1b0: {  	v3 =	vand.u32 $0x7, v3;
	v4 =	vand.u32 $0xFFFFFFC0, v4  }
0x1b1: {  	v3 =	vor.u32 v3, v4  }
0x1b2: {  	v4 =	vperm.xlane v3, v0;
	_ =	sdelay $0x1  }
0x1b3: {  	v4 =	vadd.s32 v1, v4;
	_ =	sdelay $0x3  }
0x1b4: {  	s18 =	simm.s32 $0x4000  }
0x1b5: {  	[tilespmem:s18], [sflag:$0x2] =	stream.indirect_vreg.gather [hbm4b:s1+s0], $0x80, v4, vm0, $0xb8;
	[tilespmem:$0x1C100] =	vst v63  }
0x1b6: {  	s22 =	simm.s32 $0x4800;
	v3 =	vperm.xlane v3, v2  }
0x1b7: {  	[tilespmem:s22], [sflag:$0x2] =	stream.indirect_vreg.gather [hbm4b:s9+s0], $0x80, v4, vm0, $0xb8;
	[tilespmem:$0x1C100] =	vst v63  }
0x1b8: {  	s7 =	simm.s32 $0x5000;
	v3 =	vadd.s32 v1, v3  }
0x1b9: {  	[tilespmem:s7], [sflag:$0x2] =	stream.indirect_vreg.gather [hbm4b:s10+s0], $0x80, v4, vm0, $0xb8;
	[tilespmem:$0x1C100] =	vst v63  }
0x1ba: {  	s14 =	simm.s32 $0x5800  }
0x1bb: {  	[tilespmem:s14], [sflag:$0x2] =	stream.indirect_vreg.gather [hbm4b:s11+s0], $0x80, v4, vm0, $0xb8;
	[tilespmem:$0x1C100] =	vst v63  }
0x1bc: {  	s18 =	simm.s32 $0x6000  }
0x1bd: {  	[tilespmem:s18], [sflag:$0x2] =	stream.indirect_vreg.gather [hbm4b:s1+s0], $0x80, v3, vm0, $0xb8;
	[tilespmem:$0x1C100] =	vst v63  }
0x1be: {  	s22 =	simm.s32 $0x6800  }
0x1bf: {  	[tilespmem:s22], [sflag:$0x2] =	stream.indirect_vreg.gather [hbm4b:s9+s0], $0x80, v3, vm0, $0xb8;
	[tilespmem:$0x1C100] =	vst v63  }
0x1c0: {  	s7 =	simm.s32 $0x7000  }
0x1c1: {  	[tilespmem:s7], [sflag:$0x2] =	stream.indirect_vreg.gather [hbm4b:s10+s0], $0x80, v3, vm0, $0xb8;
	[tilespmem:$0x1C100] =	vst v63  }
0x1c2: {  	s14 =	simm.s32 $0x7800  }
0x1c3: {  	[tilespmem:s14], [sflag:$0x2] =	stream.indirect_vreg.gather [hbm4b:s11+s0], $0x80, v3, vm0, $0xb8;
	[tilespmem:$0x1C100] =	vst v63  }
0x1c4: {  	s18 =	sand.u32 $0x1C00, s0;
	s22 =	sand.u32 $0x380, s0;
	_ =	swait.ge [sflag:s5], $0x4000  }
0x1c5: {  	s6 =	sor.u32 s22, s18;
	s0 =	sand.u32 $0x40, s0;
	[sflag:s5] =	ssyncset.done $0x0  }
0x1c6: {  	s29 =	sor.u32 s0, s6;
	[sflag:s5] =	ssyncadd.s32 $0xFFFFC000  }
0x1c7: {  	v3 =	vld [tilespmem:s29+$0xC030]  }
0x1c8: {  	v4 =	vld [tilespmem:s29+$0xC000]  }
0x1c9: {  	v5 =	vld [tilespmem:s29+$0x14030]  }
0x1ca: {  	v6 =	vld [tilespmem:s29+$0xC010]  }
0x1cb: {  	s18 =	simm.s32 $0x200;
	s14 =	simm.s32 $0x8;
	v8 =	vld [tilespmem:s29+$0xC020]  }
0x1cc: {  	s22 =	simm.s32 $0x40;
	s6 =	sand.u32 $0x1C00, s18;
	s0 =	sand.u32 $0x380, s14;
	v9 =	vld [tilespmem:s29+$0x14000]  }
0x1cd: {  	s7 =	sand.u32 $0x40, s22;
	s0 =	sor.u32 s0, s6;
	v10 =	vld [tilespmem:s29+$0x14010]  }
0x1ce: {  	s30 =	sor.u32 s7, s0;
	v11 =	vld [tilespmem:s29+$0x14020];
	v3 =	vmul.f32 $3.200000000e+01, v3  }
0x1cf: {  	v7 =	vld [tilespmem:s30+$0xC030];
	v4 =	vmul.f32 $3.200000000e+01, v4  }
0x1d0: {  	v6 =	vmul.f32 $3.200000000e+01, v6;
	v5 =	vadd.f32 v5, v3;
	v3 =	vld [tilespmem:s30+$0xC000]  }
0x1d1: {  	v63 =	vmul.f32 $3.200000000e+01, v8;
	v9 =	vadd.f32 v9, v4;
	v4 =	vld [tilespmem:s30+$0x14030]  }
0x1d2: {  	s31 =	simm.s32 $0x4;
	v8 =	vadd.f32 v10, v6;
	[tilespmem:s29+$0xC030] =	vst v5;
	v5 =	vld [tilespmem:s30+$0xC010]  }
0x1d3: {  	s14 =	simm.s32 $0x80;
	s6 =	simm.s32 $0x400;
	s0 =	simm.s32 $0x10;
	v6 =	vld [tilespmem:s30+$0xC020];
	[tilespmem:s29+$0xC000] =	vst v9;
	v9 =	vadd.f32 v11, v63  }
.LBB2_14:
0x1d4: {  	s7 =	sand.u32 $0x1C00, s6;
	s18 =	sand.u32 $0x380, s0;
	s31 =	sadd.s32 $0x4, s31;
	v10 =	vld [tilespmem:s30+$0x14000];
	v7 =	vmul.f32 $3.200000000e+01, v7;
	[tilespmem:s29+$0xC010] =	vst v8  }
0x1d5: {  	s22 =	sand.u32 $0x40, s14;
	s7 =	sor.u32 s18, s7;
	p0 =	slt.u32 s31, $0x1FC;
	v8 =	vmul.f32 $3.200000000e+01, v3;
	v11 =	vld [tilespmem:s30+$0x14010];
	[tilespmem:s29+$0xC020] =	vst v9  }
0x1d6: {  	s29 =	smov.u32 s30;
	v9 =	vld [tilespmem:s30+$0x14020];
	v4 =	vadd.f32 v4, v7;
	s30 =	sor.u32 s22, s7  }
.Ltmp6:
0x1d7: {  	v7 =	vld [tilespmem:s30+$0xC030];
	v12 =	vmul.f32 $3.200000000e+01, v5;
	(pc) =	sbr.rel @p0 .LBB2_14-.Ltmp6, $4  }
0x1d8: {  	v3 =	vld [tilespmem:s30+$0xC000];
	v13 =	vmul.f32 $3.200000000e+01, v6;
	[tilespmem:s29+$0xC030] =	vst v4  }
0x1d9: {  	v4 =	vld [tilespmem:s30+$0x14030];
	v10 =	vadd.f32 v10, v8  }
0x1da: {  	v5 =	vld [tilespmem:s30+$0xC010];
	v8 =	vadd.f32 v11, v12  }
0x1db: {  	s0 =	sadd.s32 $0x8, s0;
	s6 =	sadd.s32 $0x200, s6;
	s14 =	sadd.s32 $0x40, s14;
	v6 =	vld [tilespmem:s30+$0xC020];
	[tilespmem:s29+$0xC000] =	vst v10;
	v9 =	vadd.f32 v9, v13  }
0x1dc: {  	v10 =	vld [tilespmem:s30+$0x14000]  }
0x1dd: {  	v11 =	vld [tilespmem:s30+$0x14010]  }
0x1de: {  	v7 =	vmul.f32 $3.200000000e+01, v7;
	v12 =	vld [tilespmem:s30+$0x14020]  }
0x1df: {  	v3 =	vmul.f32 $3.200000000e+01, v3  }
0x1e0: {  	[tilespmem:s29+$0xC010] =	vst v8;
	v4 =	vadd.f32 v4, v7;
	v5 =	vmul.f32 $3.200000000e+01, v5  }
0x1e1: {  	[tilespmem:s29+$0xC020] =	vst v9;
	v6 =	vmul.f32 $3.200000000e+01, v6;
	v3 =	vadd.f32 v10, v3  }
0x1e2: {  	[tilespmem:s30+$0xC030] =	vst v4;
	v4 =	vadd.f32 v11, v5  }
0x1e3: {  	[tilespmem:s30+$0xC000] =	vst v3;
	v3 =	vadd.f32 v12, v6  }
0x1e4: {  	[tilespmem:s30+$0xC010] =	vst v4  }
0x1e5: {  	s0 =	simm.s32 $0x0;
	s7 =	simm.s32 $0xC000;
	[tilespmem:s30+$0xC020] =	vst v3  }
0x1e6: {  	s18 =	sand.u32 $0x1C00, s0;
	s22 =	sand.u32 $0x380, s0;
	s6 =	rddreg [dreg:$0x10]  }
0x1e7: {  	[hbm4b:s6+s0] =	stream.linear.scatter [tilespmem:s7], [sflag:$0x9], $0x2000, $0x38;
	[tilespmem:$0x1C100] =	vst v63  }
0x1e8: {  	s0 =	sand.u32 $0x40, s0;
	s6 =	sor.u32 s22, s18  }
0x1e9: {  	s29 =	sor.u32 s0, s6  }
0x1ea: {  	v3 =	vld [tilespmem:s29+$0xE030]  }
0x1eb: {  	v4 =	vld [tilespmem:s29+$0xE000]  }
0x1ec: {  	v5 =	vld [tilespmem:s29+$0x16030]  }
0x1ed: {  	v6 =	vld [tilespmem:s29+$0xE010]  }
0x1ee: {  	s14 =	simm.s32 $0x200;
	s18 =	simm.s32 $0x8;
	v8 =	vld [tilespmem:s29+$0xE020]  }
0x1ef: {  	s22 =	simm.s32 $0x40;
	s0 =	sand.u32 $0x1C00, s14;
	s6 =	sand.u32 $0x380, s18;
	v9 =	vld [tilespmem:s29+$0x16000]  }
0x1f0: {  	s7 =	sand.u32 $0x40, s22;
	s0 =	sor.u32 s6, s0;
	v10 =	vld [tilespmem:s29+$0x16010]  }
0x1f1: {  	v11 =	vld [tilespmem:s29+$0x16020];
	s30 =	sor.u32 s7, s0;
	v3 =	vmul.f32 $3.200000000e+01, v3  }
0x1f2: {  	v7 =	vld [tilespmem:s30+$0xE030];
	v4 =	vmul.f32 $3.200000000e+01, v4  }
0x1f3: {  	v6 =	vmul.f32 $3.200000000e+01, v6;
	v5 =	vadd.f32 v5, v3;
	v3 =	vld [tilespmem:s30+$0xE000]  }
0x1f4: {  	v63 =	vmul.f32 $3.200000000e+01, v8;
	v9 =	vadd.f32 v9, v4;
	v4 =	vld [tilespmem:s30+$0x16030]  }
0x1f5: {  	s31 =	simm.s32 $0x4;
	v8 =	vadd.f32 v10, v6;
	[tilespmem:s29+$0xE030] =	vst v5;
	v5 =	vld [tilespmem:s30+$0xE010]  }
0x1f6: {  	s14 =	simm.s32 $0x10;
	s6 =	simm.s32 $0x80;
	s0 =	simm.s32 $0x400;
	v6 =	vld [tilespmem:s30+$0xE020];
	[tilespmem:s29+$0xE000] =	vst v9;
	v9 =	vadd.f32 v11, v63  }
.LBB2_16:
0x1f7: {  	s7 =	sand.u32 $0x1C00, s0;
	s18 =	sand.u32 $0x380, s14;
	s31 =	sadd.s32 $0x4, s31;
	v10 =	vld [tilespmem:s30+$0x16000];
	v7 =	vmul.f32 $3.200000000e+01, v7;
	[tilespmem:s29+$0xE010] =	vst v8  }
0x1f8: {  	s22 =	sand.u32 $0x40, s6;
	s7 =	sor.u32 s18, s7;
	p0 =	slt.u32 s31, $0x1FC;
	v8 =	vmul.f32 $3.200000000e+01, v3;
	v11 =	vld [tilespmem:s30+$0x16010];
	[tilespmem:s29+$0xE020] =	vst v9  }
0x1f9: {  	s29 =	smov.u32 s30;
	v9 =	vld [tilespmem:s30+$0x16020];
	v4 =	vadd.f32 v4, v7;
	s30 =	sor.u32 s22, s7  }
.Ltmp7:
0x1fa: {  	v7 =	vld [tilespmem:s30+$0xE030];
	v12 =	vmul.f32 $3.200000000e+01, v5;
	(pc) =	sbr.rel @p0 .LBB2_16-.Ltmp7, $4  }
0x1fb: {  	v3 =	vld [tilespmem:s30+$0xE000];
	v13 =	vmul.f32 $3.200000000e+01, v6;
	[tilespmem:s29+$0xE030] =	vst v4  }
0x1fc: {  	v4 =	vld [tilespmem:s30+$0x16030];
	v10 =	vadd.f32 v10, v8  }
0x1fd: {  	v5 =	vld [tilespmem:s30+$0xE010];
	v8 =	vadd.f32 v11, v12  }
0x1fe: {  	s0 =	sadd.s32 $0x200, s0;
	s6 =	sadd.s32 $0x40, s6;
	s14 =	sadd.s32 $0x8, s14;
	v6 =	vld [tilespmem:s30+$0xE020];
	[tilespmem:s29+$0xE000] =	vst v10;
	v9 =	vadd.f32 v9, v13  }
0x1ff: {  	v10 =	vld [tilespmem:s30+$0x16000]  }
0x200: {  	v11 =	vld [tilespmem:s30+$0x16010]  }
0x201: {  	v7 =	vmul.f32 $3.200000000e+01, v7;
	v12 =	vld [tilespmem:s30+$0x16020]  }
0x202: {  	v3 =	vmul.f32 $3.200000000e+01, v3  }
0x203: {  	[tilespmem:s29+$0xE010] =	vst v8;
	v4 =	vadd.f32 v4, v7;
	v5 =	vmul.f32 $3.200000000e+01, v5  }
0x204: {  	[tilespmem:s29+$0xE020] =	vst v9;
	v6 =	vmul.f32 $3.200000000e+01, v6;
	v3 =	vadd.f32 v10, v3  }
0x205: {  	[tilespmem:s30+$0xE030] =	vst v4;
	v4 =	vadd.f32 v11, v5  }
0x206: {  	[tilespmem:s30+$0xE000] =	vst v3;
	v3 =	vadd.f32 v12, v6  }
0x207: {  	[tilespmem:s30+$0xE010] =	vst v4  }
0x208: {  	[tilespmem:s30+$0xE020] =	vst v3  }
0x209: {  	s0 =	simm.s32 $0x0;
	s7 =	simm.s32 $0xE000;
	s6 =	rddreg [dreg:$0x18]  }
0x20a: {  	[hbm4b:s6+s0] =	stream.linear.scatter [tilespmem:s7], [sflag:$0x9], $0x2000, $0x38;
	[tilespmem:$0x1C100] =	vst v63  }
0x20b: {  	s14 =	simm.s32 $0x14000;
	s7 =	rddreg [dreg:$0x11]  }
0x20c: {  	[tilespmem:s14], [sflag:$0xB] =	stream.linear.gather [hbm4b:s7+s0], $0x4000, $0x38;
	[tilespmem:$0x1C100] =	vst v63  }
0x20d: {  	_ =	swait.ge [sflag:s8], $0x2000  }
0x20e: {  	[sflag:s8] =	ssyncset.done $0x0  }
0x20f: {  	[sflag:s8] =	ssyncadd.s32 $0xFFFFE000  }
0x210: {  	_ =	swait.ge [sflag:s8], $0x2000  }
0x211: {  	[sflag:s8] =	ssyncset.done $0x0  }
0x212: {  	[sflag:s8] =	ssyncadd.s32 $0xFFFFE000  }
0x213: {  	v3 =	vld [tilespmem:$0x1C0D0];
	_ =	sdelay $0x4  }
0x214: {  	v4 =	vshll.u32 v3, $0x3  }
0x215: {  	v3 =	vand.u32 $0x7, v3;
	v4 =	vand.u32 $0xFFFFFFC0, v4  }
0x216: {  	v3 =	vor.u32 v3, v4  }
0x217: {  	v4 =	vperm.xlane v3, v0;
	_ =	sdelay $0x1  }
0x218: {  	v4 =	vadd.s32 v1, v4;
	_ =	sdelay $0x3  }
0x219: {  	s18 =	simm.s32 $0x8000  }
0x21a: {  	[tilespmem:s18], [sflag:$0x3] =	stream.indirect_vreg.gather [hbm4b:s1+s0], $0x80, v4, vm0, $0xb8;
	[tilespmem:$0x1C100] =	vst v63  }
0x21b: {  	s22 =	simm.s32 $0x8800;
	v3 =	vperm.xlane v3, v2  }
0x21c: {  	[tilespmem:s22], [sflag:$0x3] =	stream.indirect_vreg.gather [hbm4b:s9+s0], $0x80, v4, vm0, $0xb8;
	[tilespmem:$0x1C100] =	vst v63  }
0x21d: {  	s7 =	simm.s32 $0x9000;
	v3 =	vadd.s32 v1, v3  }
0x21e: {  	[tilespmem:s7], [sflag:$0x3] =	stream.indirect_vreg.gather [hbm4b:s10+s0], $0x80, v4, vm0, $0xb8;
	[tilespmem:$0x1C100] =	vst v63  }
0x21f: {  	s14 =	simm.s32 $0x9800  }
0x220: {  	[tilespmem:s14], [sflag:$0x3] =	stream.indirect_vreg.gather [hbm4b:s11+s0], $0x80, v4, vm0, $0xb8;
	[tilespmem:$0x1C100] =	vst v63  }
0x221: {  	s18 =	simm.s32 $0xA000  }
0x222: {  	[tilespmem:s18], [sflag:$0x3] =	stream.indirect_vreg.gather [hbm4b:s1+s0], $0x80, v3, vm0, $0xb8;
	[tilespmem:$0x1C100] =	vst v63  }
0x223: {  	s22 =	simm.s32 $0xA800  }
0x224: {  	[tilespmem:s22], [sflag:$0x3] =	stream.indirect_vreg.gather [hbm4b:s9+s0], $0x80, v3, vm0, $0xb8;
	[tilespmem:$0x1C100] =	vst v63  }
0x225: {  	s7 =	simm.s32 $0xB000  }
0x226: {  	[tilespmem:s7], [sflag:$0x3] =	stream.indirect_vreg.gather [hbm4b:s10+s0], $0x80, v3, vm0, $0xb8;
	[tilespmem:$0x1C100] =	vst v63  }
0x227: {  	s14 =	simm.s32 $0xB800  }
0x228: {  	[tilespmem:s14], [sflag:$0x3] =	stream.indirect_vreg.gather [hbm4b:s11+s0], $0x80, v3, vm0, $0xb8;
	[tilespmem:$0x1C100] =	vst v63  }
0x229: {  	_ =	swait.ge [sflag:s13], $0x4000  }
0x22a: {  	[sflag:s13] =	ssyncset.done $0x0  }
0x22b: {  	[sflag:s13] =	ssyncadd.s32 $0xFFFFC000  }
0x22c: {  	s18 =	sand.u32 $0x1C00, s0;
	s22 =	sand.u32 $0x380, s0;
	_ =	swait.ge [sflag:s12], $0x4000  }
0x22d: {  	s6 =	sor.u32 s22, s18;
	s0 =	sand.u32 $0x40, s0;
	[sflag:s12] =	ssyncset.done $0x0  }
0x22e: {  	s29 =	sor.u32 s0, s6;
	[sflag:s12] =	ssyncadd.s32 $0xFFFFC000  }
0x22f: {  	v3 =	vld [tilespmem:s29+$0x10030]  }
0x230: {  	v4 =	vld [tilespmem:s29+$0x10000]  }
0x231: {  	v5 =	vld [tilespmem:s29+$0x18030]  }
0x232: {  	v6 =	vld [tilespmem:s29+$0x10010]  }
0x233: {  	s18 =	simm.s32 $0x200;
	s14 =	simm.s32 $0x8;
	v8 =	vld [tilespmem:s29+$0x10020]  }
0x234: {  	s22 =	simm.s32 $0x40;
	s6 =	sand.u32 $0x1C00, s18;
	s0 =	sand.u32 $0x380, s14;
	v9 =	vld [tilespmem:s29+$0x18000]  }
0x235: {  	s7 =	sand.u32 $0x40, s22;
	s0 =	sor.u32 s0, s6;
	v10 =	vld [tilespmem:s29+$0x18010]  }
0x236: {  	s30 =	sor.u32 s7, s0;
	v11 =	vld [tilespmem:s29+$0x18020];
	v3 =	vmul.f32 $3.200000000e+01, v3  }
0x237: {  	v7 =	vld [tilespmem:s30+$0x10030];
	v4 =	vmul.f32 $3.200000000e+01, v4  }
0x238: {  	v6 =	vmul.f32 $3.200000000e+01, v6;
	v5 =	vadd.f32 v5, v3;
	v3 =	vld [tilespmem:s30+$0x10000]  }
0x239: {  	v63 =	vmul.f32 $3.200000000e+01, v8;
	v9 =	vadd.f32 v9, v4;
	v4 =	vld [tilespmem:s30+$0x18030]  }
0x23a: {  	s31 =	simm.s32 $0x4;
	v8 =	vadd.f32 v10, v6;
	[tilespmem:s29+$0x10030] =	vst v5;
	v5 =	vld [tilespmem:s30+$0x10010]  }
0x23b: {  	s14 =	simm.s32 $0x80;
	s6 =	simm.s32 $0x400;
	s0 =	simm.s32 $0x10;
	v6 =	vld [tilespmem:s30+$0x10020];
	[tilespmem:s29+$0x10000] =	vst v9;
	v9 =	vadd.f32 v11, v63  }
.LBB2_18:
0x23c: {  	s7 =	sand.u32 $0x1C00, s6;
	s18 =	sand.u32 $0x380, s0;
	s31 =	sadd.s32 $0x4, s31;
	v10 =	vld [tilespmem:s30+$0x18000];
	v7 =	vmul.f32 $3.200000000e+01, v7;
	[tilespmem:s29+$0x10010] =	vst v8  }
0x23d: {  	s22 =	sand.u32 $0x40, s14;
	s7 =	sor.u32 s18, s7;
	p0 =	slt.u32 s31, $0x1FC;
	v8 =	vmul.f32 $3.200000000e+01, v3;
	v11 =	vld [tilespmem:s30+$0x18010];
	[tilespmem:s29+$0x10020] =	vst v9  }
0x23e: {  	s29 =	smov.u32 s30;
	v9 =	vld [tilespmem:s30+$0x18020];
	v4 =	vadd.f32 v4, v7;
	s30 =	sor.u32 s22, s7  }
.Ltmp8:
0x23f: {  	v7 =	vld [tilespmem:s30+$0x10030];
	v12 =	vmul.f32 $3.200000000e+01, v5;
	(pc) =	sbr.rel @p0 .LBB2_18-.Ltmp8, $4  }
0x240: {  	v3 =	vld [tilespmem:s30+$0x10000];
	v13 =	vmul.f32 $3.200000000e+01, v6;
	[tilespmem:s29+$0x10030] =	vst v4  }
0x241: {  	v4 =	vld [tilespmem:s30+$0x18030];
	v10 =	vadd.f32 v10, v8  }
0x242: {  	v5 =	vld [tilespmem:s30+$0x10010];
	v8 =	vadd.f32 v11, v12  }
0x243: {  	s0 =	sadd.s32 $0x8, s0;
	s6 =	sadd.s32 $0x200, s6;
	s14 =	sadd.s32 $0x40, s14;
	v6 =	vld [tilespmem:s30+$0x10020];
	[tilespmem:s29+$0x10000] =	vst v10;
	v9 =	vadd.f32 v9, v13  }
0x244: {  	v10 =	vld [tilespmem:s30+$0x18000]  }
0x245: {  	v11 =	vld [tilespmem:s30+$0x18010]  }
0x246: {  	v7 =	vmul.f32 $3.200000000e+01, v7;
	v12 =	vld [tilespmem:s30+$0x18020]  }
0x247: {  	v3 =	vmul.f32 $3.200000000e+01, v3  }
0x248: {  	[tilespmem:s29+$0x10010] =	vst v8;
	v4 =	vadd.f32 v4, v7;
	v5 =	vmul.f32 $3.200000000e+01, v5  }
0x249: {  	[tilespmem:s29+$0x10020] =	vst v9;
	v6 =	vmul.f32 $3.200000000e+01, v6;
	v3 =	vadd.f32 v10, v3  }
0x24a: {  	[tilespmem:s30+$0x10030] =	vst v4;
	v4 =	vadd.f32 v11, v5  }
0x24b: {  	[tilespmem:s30+$0x10000] =	vst v3;
	v3 =	vadd.f32 v12, v6  }
0x24c: {  	[tilespmem:s30+$0x10010] =	vst v4  }
0x24d: {  	s0 =	simm.s32 $0x0;
	[tilespmem:s30+$0x10020] =	vst v3  }
0x24e: {  	s22 =	sand.u32 $0x1C00, s0;
	s7 =	sand.u32 $0x380, s0;
	s6 =	rddreg [dreg:$0x12]  }
0x24f: {  	[hbm4b:s6+s0] =	stream.linear.scatter [tilespmem:s19], [sflag:$0xA], $0x2000, $0x38;
	[tilespmem:$0x1C100] =	vst v63  }
0x250: {  	s0 =	sand.u32 $0x40, s0;
	s6 =	sor.u32 s7, s22  }
0x251: {  	s29 =	sor.u32 s0, s6  }
0x252: {  	v3 =	vld [tilespmem:s29+$0x12030]  }
0x253: {  	v4 =	vld [tilespmem:s29+$0x12000]  }
0x254: {  	v5 =	vld [tilespmem:s29+$0x1A030]  }
0x255: {  	v6 =	vld [tilespmem:s29+$0x12010]  }
0x256: {  	s14 =	simm.s32 $0x200;
	s18 =	simm.s32 $0x8;
	v8 =	vld [tilespmem:s29+$0x12020]  }
0x257: {  	s22 =	simm.s32 $0x40;
	s0 =	sand.u32 $0x1C00, s14;
	s6 =	sand.u32 $0x380, s18;
	v9 =	vld [tilespmem:s29+$0x1A000]  }
0x258: {  	s7 =	sand.u32 $0x40, s22;
	s0 =	sor.u32 s6, s0;
	v10 =	vld [tilespmem:s29+$0x1A010]  }
0x259: {  	v11 =	vld [tilespmem:s29+$0x1A020];
	s30 =	sor.u32 s7, s0;
	v3 =	vmul.f32 $3.200000000e+01, v3  }
0x25a: {  	v7 =	vld [tilespmem:s30+$0x12030];
	v4 =	vmul.f32 $3.200000000e+01, v4  }
0x25b: {  	v6 =	vmul.f32 $3.200000000e+01, v6;
	v5 =	vadd.f32 v5, v3;
	v3 =	vld [tilespmem:s30+$0x12000]  }
0x25c: {  	v63 =	vmul.f32 $3.200000000e+01, v8;
	v9 =	vadd.f32 v9, v4;
	v4 =	vld [tilespmem:s30+$0x1A030]  }
0x25d: {  	s31 =	simm.s32 $0x4;
	v8 =	vadd.f32 v10, v6;
	[tilespmem:s29+$0x12030] =	vst v5;
	v5 =	vld [tilespmem:s30+$0x12010]  }
0x25e: {  	s14 =	simm.s32 $0x10;
	s6 =	simm.s32 $0x80;
	s0 =	simm.s32 $0x400;
	v6 =	vld [tilespmem:s30+$0x12020];
	[tilespmem:s29+$0x12000] =	vst v9;
	v9 =	vadd.f32 v11, v63  }
.LBB2_20:
0x25f: {  	s7 =	sand.u32 $0x1C00, s0;
	s18 =	sand.u32 $0x380, s14;
	s31 =	sadd.s32 $0x4, s31;
	v10 =	vld [tilespmem:s30+$0x1A000];
	v7 =	vmul.f32 $3.200000000e+01, v7;
	[tilespmem:s29+$0x12010] =	vst v8  }
0x260: {  	s22 =	sand.u32 $0x40, s6;
	s7 =	sor.u32 s18, s7;
	p0 =	slt.u32 s31, $0x1FC;
	v8 =	vmul.f32 $3.200000000e+01, v3;
	v11 =	vld [tilespmem:s30+$0x1A010];
	[tilespmem:s29+$0x12020] =	vst v9  }
0x261: {  	s29 =	smov.u32 s30;
	v9 =	vld [tilespmem:s30+$0x1A020];
	v4 =	vadd.f32 v4, v7;
	s30 =	sor.u32 s22, s7  }
.Ltmp9:
0x262: {  	v7 =	vld [tilespmem:s30+$0x12030];
	v12 =	vmul.f32 $3.200000000e+01, v5;
	(pc) =	sbr.rel @p0 .LBB2_20-.Ltmp9, $4  }
0x263: {  	v3 =	vld [tilespmem:s30+$0x12000];
	v13 =	vmul.f32 $3.200000000e+01, v6;
	[tilespmem:s29+$0x12030] =	vst v4  }
0x264: {  	v4 =	vld [tilespmem:s30+$0x1A030];
	v10 =	vadd.f32 v10, v8  }
0x265: {  	v5 =	vld [tilespmem:s30+$0x12010];
	v8 =	vadd.f32 v11, v12  }
0x266: {  	s0 =	sadd.s32 $0x200, s0;
	s6 =	sadd.s32 $0x40, s6;
	s14 =	sadd.s32 $0x8, s14;
	v6 =	vld [tilespmem:s30+$0x12020];
	[tilespmem:s29+$0x12000] =	vst v10;
	v9 =	vadd.f32 v9, v13  }
0x267: {  	v10 =	vld [tilespmem:s30+$0x1A000]  }
0x268: {  	v11 =	vld [tilespmem:s30+$0x1A010]  }
0x269: {  	v7 =	vmul.f32 $3.200000000e+01, v7;
	v12 =	vld [tilespmem:s30+$0x1A020]  }
0x26a: {  	v3 =	vmul.f32 $3.200000000e+01, v3  }
0x26b: {  	[tilespmem:s29+$0x12010] =	vst v8;
	v4 =	vadd.f32 v4, v7;
	v5 =	vmul.f32 $3.200000000e+01, v5  }
0x26c: {  	[tilespmem:s29+$0x12020] =	vst v9;
	v6 =	vmul.f32 $3.200000000e+01, v6;
	v3 =	vadd.f32 v10, v3  }
0x26d: {  	[tilespmem:s30+$0x12030] =	vst v4;
	v4 =	vadd.f32 v11, v5  }
0x26e: {  	[tilespmem:s30+$0x12000] =	vst v3;
	v3 =	vadd.f32 v12, v6  }
0x26f: {  	[tilespmem:s30+$0x12010] =	vst v4  }
0x270: {  	[tilespmem:s30+$0x12020] =	vst v3  }
0x271: {  	s0 =	simm.s32 $0x0;
	s6 =	rddreg [dreg:$0x19]  }
0x272: {  	[hbm4b:s6+s0] =	stream.linear.scatter [tilespmem:s4], [sflag:$0xA], $0x2000, $0x38;
	[tilespmem:$0x1C100] =	vst v63  }
0x273: {  	_ =	swait.ge [sflag:s24], $0x2000  }
0x274: {  	[sflag:s24] =	ssyncset.done $0x0  }
0x275: {  	[sflag:s24] =	ssyncadd.s32 $0xFFFFE000  }
0x276: {  	_ =	swait.ge [sflag:s24], $0x2000  }
0x277: {  	[sflag:s24] =	ssyncset.done $0x0  }
0x278: {  	[sflag:s24] =	ssyncadd.s32 $0xFFFFE000  }
0x279: {  	v3 =	vld [tilespmem:$0x1C020];
	_ =	sdelay $0x4  }
0x27a: {  	v4 =	vshll.u32 v3, $0x3  }
0x27b: {  	v3 =	vand.u32 $0x7, v3;
	v4 =	vand.u32 $0xFFFFFFC0, v4  }
0x27c: {  	v3 =	vor.u32 v3, v4  }
0x27d: {  	v4 =	vperm.xlane v3, v0;
	_ =	sdelay $0x1  }
0x27e: {  	v4 =	vadd.s32 v1, v4;
	_ =	sdelay $0x3  }
0x27f: {  	s22 =	simm.s32 $0xC000  }
0x280: {  	[tilespmem:s22], [sflag:$0x4] =	stream.indirect_vreg.gather [hbm4b:s1+s0], $0x80, v4, vm0, $0xb8;
	[tilespmem:$0x1C100] =	vst v63  }
0x281: {  	s7 =	simm.s32 $0xC800;
	v3 =	vperm.xlane v3, v2  }
0x282: {  	[tilespmem:s7], [sflag:$0x4] =	stream.indirect_vreg.gather [hbm4b:s9+s0], $0x80, v4, vm0, $0xb8;
	[tilespmem:$0x1C100] =	vst v63  }
0x283: {  	s14 =	simm.s32 $0xD000;
	v3 =	vadd.s32 v1, v3  }
0x284: {  	[tilespmem:s14], [sflag:$0x4] =	stream.indirect_vreg.gather [hbm4b:s10+s0], $0x80, v4, vm0, $0xb8;
	[tilespmem:$0x1C100] =	vst v63  }
0x285: {  	s18 =	simm.s32 $0xD800  }
0x286: {  	[tilespmem:s18], [sflag:$0x4] =	stream.indirect_vreg.gather [hbm4b:s11+s0], $0x80, v4, vm0, $0xb8;
	[tilespmem:$0x1C100] =	vst v63  }
0x287: {  	s22 =	simm.s32 $0xE000  }
0x288: {  	[tilespmem:s22], [sflag:$0x4] =	stream.indirect_vreg.gather [hbm4b:s1+s0], $0x80, v3, vm0, $0xb8;
	[tilespmem:$0x1C100] =	vst v63  }
0x289: {  	s7 =	simm.s32 $0xE800  }
0x28a: {  	[tilespmem:s7], [sflag:$0x4] =	stream.indirect_vreg.gather [hbm4b:s9+s0], $0x80, v3, vm0, $0xb8;
	[tilespmem:$0x1C100] =	vst v63  }
0x28b: {  	s14 =	simm.s32 $0xF000  }
0x28c: {  	[tilespmem:s14], [sflag:$0x4] =	stream.indirect_vreg.gather [hbm4b:s10+s0], $0x80, v3, vm0, $0xb8;
	[tilespmem:$0x1C100] =	vst v63  }
0x28d: {  	s18 =	simm.s32 $0xF800  }
0x28e: {  	[tilespmem:s18], [sflag:$0x4] =	stream.indirect_vreg.gather [hbm4b:s11+s0], $0x80, v3, vm0, $0xb8;
	[tilespmem:$0x1C100] =	vst v63  }
0x28f: {  	s22 =	sand.u32 $0x1C00, s0;
	s7 =	sand.u32 $0x380, s0;
	_ =	swait.ge [sflag:s16], $0x4000  }
0x290: {  	s6 =	sor.u32 s7, s22;
	s0 =	sand.u32 $0x40, s0;
	[sflag:s16] =	ssyncset.done $0x0  }
0x291: {  	s29 =	sor.u32 s0, s6;
	[sflag:s16] =	ssyncadd.s32 $0xFFFFC000  }
0x292: {  	v3 =	vld [tilespmem:s29+$0x30]  }
0x293: {  	v4 =	vld [tilespmem:s29+$0x0]  }
0x294: {  	v5 =	vld [tilespmem:s29+$0x18030]  }
0x295: {  	v6 =	vld [tilespmem:s29+$0x10]  }
0x296: {  	s14 =	simm.s32 $0x8;
	s18 =	simm.s32 $0x200;
	v8 =	vld [tilespmem:s29+$0x20]  }
0x297: {  	s22 =	simm.s32 $0x40;
	s6 =	sand.u32 $0x1C00, s18;
	s0 =	sand.u32 $0x380, s14;
	v9 =	vld [tilespmem:s29+$0x18000]  }
0x298: {  	s7 =	sand.u32 $0x40, s22;
	s0 =	sor.u32 s0, s6;
	v10 =	vld [tilespmem:s29+$0x18010]  }
0x299: {  	s30 =	sor.u32 s7, s0;
	v11 =	vld [tilespmem:s29+$0x18020];
	v3 =	vmul.f32 $3.200000000e+01, v3  }
0x29a: {  	v7 =	vld [tilespmem:s30+$0x30];
	v4 =	vmul.f32 $3.200000000e+01, v4  }
0x29b: {  	v6 =	vmul.f32 $3.200000000e+01, v6;
	v5 =	vadd.f32 v5, v3;
	v3 =	vld [tilespmem:s30+$0x0]  }
0x29c: {  	v63 =	vmul.f32 $3.200000000e+01, v8;
	v9 =	vadd.f32 v9, v4;
	v4 =	vld [tilespmem:s30+$0x18030]  }
0x29d: {  	s31 =	simm.s32 $0x4;
	v8 =	vadd.f32 v10, v6;
	[tilespmem:s29+$0x30] =	vst v5;
	v5 =	vld [tilespmem:s30+$0x10]  }
0x29e: {  	s14 =	simm.s32 $0x80;
	s6 =	simm.s32 $0x400;
	s0 =	simm.s32 $0x10;
	v6 =	vld [tilespmem:s30+$0x20];
	[tilespmem:s29+$0x0] =	vst v9;
	v9 =	vadd.f32 v11, v63  }
.LBB2_22:
0x29f: {  	s7 =	sand.u32 $0x1C00, s6;
	s18 =	sand.u32 $0x380, s0;
	s31 =	sadd.s32 $0x4, s31;
	v10 =	vld [tilespmem:s30+$0x18000];
	v7 =	vmul.f32 $3.200000000e+01, v7;
	[tilespmem:s29+$0x10] =	vst v8  }
0x2a0: {  	s22 =	sand.u32 $0x40, s14;
	s7 =	sor.u32 s18, s7;
	p0 =	slt.u32 s31, $0x1FC;
	v8 =	vmul.f32 $3.200000000e+01, v3;
	v11 =	vld [tilespmem:s30+$0x18010];
	[tilespmem:s29+$0x20] =	vst v9  }
0x2a1: {  	s29 =	smov.u32 s30;
	v9 =	vld [tilespmem:s30+$0x18020];
	v4 =	vadd.f32 v4, v7;
	s30 =	sor.u32 s22, s7  }
.Ltmp10:
0x2a2: {  	v7 =	vld [tilespmem:s30+$0x30];
	v12 =	vmul.f32 $3.200000000e+01, v5;
	(pc) =	sbr.rel @p0 .LBB2_22-.Ltmp10, $4  }
0x2a3: {  	v3 =	vld [tilespmem:s30+$0x0];
	v13 =	vmul.f32 $3.200000000e+01, v6;
	[tilespmem:s29+$0x30] =	vst v4  }
0x2a4: {  	v4 =	vld [tilespmem:s30+$0x18030];
	v10 =	vadd.f32 v10, v8  }
0x2a5: {  	v5 =	vld [tilespmem:s30+$0x10];
	v8 =	vadd.f32 v11, v12  }
0x2a6: {  	s0 =	sadd.s32 $0x8, s0;
	s6 =	sadd.s32 $0x200, s6;
	s14 =	sadd.s32 $0x40, s14;
	v6 =	vld [tilespmem:s30+$0x20];
	[tilespmem:s29+$0x0] =	vst v10;
	v9 =	vadd.f32 v9, v13  }
0x2a7: {  	v10 =	vld [tilespmem:s30+$0x18000]  }
0x2a8: {  	v11 =	vld [tilespmem:s30+$0x18010]  }
0x2a9: {  	v7 =	vmul.f32 $3.200000000e+01, v7;
	v12 =	vld [tilespmem:s30+$0x18020]  }
0x2aa: {  	v3 =	vmul.f32 $3.200000000e+01, v3  }
0x2ab: {  	[tilespmem:s29+$0x10] =	vst v8;
	v4 =	vadd.f32 v4, v7;
	v5 =	vmul.f32 $3.200000000e+01, v5  }
0x2ac: {  	[tilespmem:s29+$0x20] =	vst v9;
	v6 =	vmul.f32 $3.200000000e+01, v6;
	v3 =	vadd.f32 v10, v3  }
0x2ad: {  	[tilespmem:s30+$0x30] =	vst v4;
	v4 =	vadd.f32 v11, v5  }
0x2ae: {  	[tilespmem:s30+$0x0] =	vst v3;
	v3 =	vadd.f32 v12, v6  }
0x2af: {  	[tilespmem:s30+$0x10] =	vst v4  }
0x2b0: {  	s0 =	simm.s32 $0x0;
	[tilespmem:s30+$0x20] =	vst v3  }
0x2b1: {  	s22 =	sand.u32 $0x1C00, s0;
	s7 =	sand.u32 $0x380, s0;
	s6 =	rddreg [dreg:$0x1a]  }
0x2b2: {  	[hbm4b:s6+s0] =	stream.linear.scatter [tilespmem:s0], [sflag:$0x6], $0x2000, $0x38;
	[tilespmem:$0x1C100] =	vst v63  }
0x2b3: {  	s0 =	sand.u32 $0x40, s0;
	s6 =	sor.u32 s7, s22  }
0x2b4: {  	s29 =	sor.u32 s0, s6  }
0x2b5: {  	v3 =	vld [tilespmem:s29+$0x2030]  }
0x2b6: {  	v4 =	vld [tilespmem:s29+$0x2000]  }
0x2b7: {  	v5 =	vld [tilespmem:s29+$0x1A030]  }
0x2b8: {  	v6 =	vld [tilespmem:s29+$0x2010]  }
0x2b9: {  	s14 =	simm.s32 $0x200;
	s18 =	simm.s32 $0x8;
	v8 =	vld [tilespmem:s29+$0x2020]  }
0x2ba: {  	s22 =	simm.s32 $0x40;
	s0 =	sand.u32 $0x1C00, s14;
	s6 =	sand.u32 $0x380, s18;
	v9 =	vld [tilespmem:s29+$0x1A000]  }
0x2bb: {  	s7 =	sand.u32 $0x40, s22;
	s0 =	sor.u32 s6, s0;
	v10 =	vld [tilespmem:s29+$0x1A010]  }
0x2bc: {  	v11 =	vld [tilespmem:s29+$0x1A020];
	s30 =	sor.u32 s7, s0;
	v3 =	vmul.f32 $3.200000000e+01, v3  }
0x2bd: {  	v7 =	vld [tilespmem:s30+$0x2030];
	v4 =	vmul.f32 $3.200000000e+01, v4  }
0x2be: {  	v6 =	vmul.f32 $3.200000000e+01, v6;
	v5 =	vadd.f32 v5, v3;
	v3 =	vld [tilespmem:s30+$0x2000]  }
0x2bf: {  	v63 =	vmul.f32 $3.200000000e+01, v8;
	v9 =	vadd.f32 v9, v4;
	v4 =	vld [tilespmem:s30+$0x1A030]  }
0x2c0: {  	s31 =	simm.s32 $0x4;
	v8 =	vadd.f32 v10, v6;
	[tilespmem:s29+$0x2030] =	vst v5;
	v5 =	vld [tilespmem:s30+$0x2010]  }
0x2c1: {  	s14 =	simm.s32 $0x10;
	s6 =	simm.s32 $0x80;
	s0 =	simm.s32 $0x400;
	v6 =	vld [tilespmem:s30+$0x2020];
	[tilespmem:s29+$0x2000] =	vst v9;
	v9 =	vadd.f32 v11, v63  }
.LBB2_24:
0x2c2: {  	s7 =	sand.u32 $0x1C00, s0;
	s18 =	sand.u32 $0x380, s14;
	s31 =	sadd.s32 $0x4, s31;
	v10 =	vld [tilespmem:s30+$0x1A000];
	v7 =	vmul.f32 $3.200000000e+01, v7;
	[tilespmem:s29+$0x2010] =	vst v8  }
0x2c3: {  	s22 =	sand.u32 $0x40, s6;
	s7 =	sor.u32 s18, s7;
	p0 =	slt.u32 s31, $0x1FC;
	v8 =	vmul.f32 $3.200000000e+01, v3;
	v11 =	vld [tilespmem:s30+$0x1A010];
	[tilespmem:s29+$0x2020] =	vst v9  }
0x2c4: {  	s29 =	smov.u32 s30;
	v9 =	vld [tilespmem:s30+$0x1A020];
	v4 =	vadd.f32 v4, v7;
	s30 =	sor.u32 s22, s7  }
.Ltmp11:
0x2c5: {  	v7 =	vld [tilespmem:s30+$0x2030];
	v12 =	vmul.f32 $3.200000000e+01, v5;
	(pc) =	sbr.rel @p0 .LBB2_24-.Ltmp11, $4  }
0x2c6: {  	v3 =	vld [tilespmem:s30+$0x2000];
	v13 =	vmul.f32 $3.200000000e+01, v6;
	[tilespmem:s29+$0x2030] =	vst v4  }
0x2c7: {  	v4 =	vld [tilespmem:s30+$0x1A030];
	v10 =	vadd.f32 v10, v8  }
0x2c8: {  	v5 =	vld [tilespmem:s30+$0x2010];
	v8 =	vadd.f32 v11, v12  }
0x2c9: {  	s0 =	sadd.s32 $0x200, s0;
	s6 =	sadd.s32 $0x40, s6;
	s14 =	sadd.s32 $0x8, s14;
	v6 =	vld [tilespmem:s30+$0x2020];
	[tilespmem:s29+$0x2000] =	vst v10;
	v9 =	vadd.f32 v9, v13  }
0x2ca: {  	v10 =	vld [tilespmem:s30+$0x1A000]  }
0x2cb: {  	v11 =	vld [tilespmem:s30+$0x1A010]  }
0x2cc: {  	v7 =	vmul.f32 $3.200000000e+01, v7;
	v12 =	vld [tilespmem:s30+$0x1A020]  }
0x2cd: {  	v3 =	vmul.f32 $3.200000000e+01, v3  }
0x2ce: {  	[tilespmem:s29+$0x2010] =	vst v8;
	v4 =	vadd.f32 v4, v7;
	v5 =	vmul.f32 $3.200000000e+01, v5  }
0x2cf: {  	[tilespmem:s29+$0x2020] =	vst v9;
	v6 =	vmul.f32 $3.200000000e+01, v6;
	v3 =	vadd.f32 v10, v3  }
0x2d0: {  	[tilespmem:s30+$0x2030] =	vst v4;
	v4 =	vadd.f32 v11, v5  }
0x2d1: {  	[tilespmem:s30+$0x2000] =	vst v3;
	v3 =	vadd.f32 v12, v6  }
0x2d2: {  	[tilespmem:s30+$0x2010] =	vst v4  }
0x2d3: {  	[tilespmem:s30+$0x2020] =	vst v3  }
0x2d4: {  	s0 =	simm.s32 $0x0;
	s6 =	rddreg [dreg:$0x1b]  }
0x2d5: {  	[hbm4b:s6+s0] =	stream.linear.scatter [tilespmem:s28], [sflag:$0x6], $0x2000, $0x38;
	[tilespmem:$0x1C100] =	vst v63  }
0x2d6: {  	_ =	swait.ge [sflag:s25], $0x2000  }
0x2d7: {  	[sflag:s25] =	ssyncset.done $0x0  }
0x2d8: {  	[sflag:s25] =	ssyncadd.s32 $0xFFFFE000  }
0x2d9: {  	_ =	swait.ge [sflag:s25], $0x2000  }
0x2da: {  	[sflag:s25] =	ssyncset.done $0x0  }
0x2db: {  	[sflag:s25] =	ssyncadd.s32 $0xFFFFE000  }
0x2dc: {  	v3 =	vld [tilespmem:$0x1C060];
	_ =	sdelay $0x4  }
0x2dd: {  	v4 =	vshll.u32 v3, $0x3  }
0x2de: {  	v3 =	vand.u32 $0x7, v3;
	v4 =	vand.u32 $0xFFFFFFC0, v4  }
0x2df: {  	v3 =	vor.u32 v3, v4  }
0x2e0: {  	v4 =	vperm.xlane v3, v0;
	_ =	sdelay $0x1  }
0x2e1: {  	v4 =	vadd.s32 v1, v4;
	_ =	sdelay $0x4  }
0x2e2: {  	[tilespmem:s19], [sflag:$0x5] =	stream.indirect_vreg.gather [hbm4b:s1+s0], $0x80, v4, vm0, $0xb8;
	[tilespmem:$0x1C100] =	vst v63  }
0x2e3: {  	s14 =	simm.s32 $0x10800;
	v3 =	vperm.xlane v3, v2  }
0x2e4: {  	[tilespmem:s14], [sflag:$0x5] =	stream.indirect_vreg.gather [hbm4b:s9+s0], $0x80, v4, vm0, $0xb8;
	[tilespmem:$0x1C100] =	vst v63  }
0x2e5: {  	s18 =	simm.s32 $0x11000;
	v3 =	vadd.s32 v1, v3  }
0x2e6: {  	[tilespmem:s18], [sflag:$0x5] =	stream.indirect_vreg.gather [hbm4b:s10+s0], $0x80, v4, vm0, $0xb8;
	[tilespmem:$0x1C100] =	vst v63  }
0x2e7: {  	s22 =	simm.s32 $0x11800  }
0x2e8: {  	[tilespmem:s22], [sflag:$0x5] =	stream.indirect_vreg.gather [hbm4b:s11+s0], $0x80, v4, vm0, $0xb8;
	[tilespmem:$0x1C100] =	vst v63  }
0x2e9: {  	_ = 	snop  }
0x2ea: {  	[tilespmem:s4], [sflag:$0x5] =	stream.indirect_vreg.gather [hbm4b:s1+s0], $0x80, v3, vm0, $0xb8;
	[tilespmem:$0x1C100] =	vst v63  }
0x2eb: {  	s7 =	simm.s32 $0x12800  }
0x2ec: {  	[tilespmem:s7], [sflag:$0x5] =	stream.indirect_vreg.gather [hbm4b:s9+s0], $0x80, v3, vm0, $0xb8;
	[tilespmem:$0x1C100] =	vst v63  }
0x2ed: {  	s14 =	simm.s32 $0x13000  }
0x2ee: {  	[tilespmem:s14], [sflag:$0x5] =	stream.indirect_vreg.gather [hbm4b:s10+s0], $0x80, v3, vm0, $0xb8;
	[tilespmem:$0x1C100] =	vst v63  }
0x2ef: {  	s18 =	simm.s32 $0x13800  }
0x2f0: {  	[tilespmem:s18], [sflag:$0x5] =	stream.indirect_vreg.gather [hbm4b:s11+s0], $0x80, v3, vm0, $0xb8;
	[tilespmem:$0x1C100] =	vst v63  }
0x2f1: {  	s22 =	sand.u32 $0x1C00, s0;
	s7 =	sand.u32 $0x380, s0;
	_ =	swait.ge [sflag:s15], $0x4000  }
0x2f2: {  	s6 =	sor.u32 s7, s22;
	s0 =	sand.u32 $0x40, s0;
	[sflag:s15] =	ssyncset.done $0x0  }
0x2f3: {  	s29 =	sor.u32 s0, s6;
	[sflag:s15] =	ssyncadd.s32 $0xFFFFC000  }
0x2f4: {  	v3 =	vld [tilespmem:s29+$0x4030]  }
0x2f5: {  	v4 =	vld [tilespmem:s29+$0x4000]  }
0x2f6: {  	v5 =	vld [tilespmem:s29+$0x18030]  }
0x2f7: {  	v6 =	vld [tilespmem:s29+$0x4010]  }
0x2f8: {  	s14 =	simm.s32 $0x8;
	s18 =	simm.s32 $0x200;
	v8 =	vld [tilespmem:s29+$0x4020]  }
0x2f9: {  	s22 =	simm.s32 $0x40;
	s6 =	sand.u32 $0x1C00, s18;
	s0 =	sand.u32 $0x380, s14;
	v9 =	vld [tilespmem:s29+$0x18000]  }
0x2fa: {  	s7 =	sand.u32 $0x40, s22;
	s0 =	sor.u32 s0, s6;
	v10 =	vld [tilespmem:s29+$0x18010]  }
0x2fb: {  	s30 =	sor.u32 s7, s0;
	v11 =	vld [tilespmem:s29+$0x18020];
	v3 =	vmul.f32 $3.200000000e+01, v3  }
0x2fc: {  	v7 =	vld [tilespmem:s30+$0x4030];
	v4 =	vmul.f32 $3.200000000e+01, v4  }
0x2fd: {  	v6 =	vmul.f32 $3.200000000e+01, v6;
	v5 =	vadd.f32 v5, v3;
	v3 =	vld [tilespmem:s30+$0x4000]  }
0x2fe: {  	v63 =	vmul.f32 $3.200000000e+01, v8;
	v9 =	vadd.f32 v9, v4;
	v4 =	vld [tilespmem:s30+$0x18030]  }
0x2ff: {  	s31 =	simm.s32 $0x4;
	v8 =	vadd.f32 v10, v6;
	[tilespmem:s29+$0x4030] =	vst v5;
	v5 =	vld [tilespmem:s30+$0x4010]  }
0x300: {  	s14 =	simm.s32 $0x80;
	s6 =	simm.s32 $0x400;
	s0 =	simm.s32 $0x10;
	v6 =	vld [tilespmem:s30+$0x4020];
	[tilespmem:s29+$0x4000] =	vst v9;
	v9 =	vadd.f32 v11, v63  }
.LBB2_26:
0x301: {  	s7 =	sand.u32 $0x1C00, s6;
	s18 =	sand.u32 $0x380, s0;
	s31 =	sadd.s32 $0x4, s31;
	v10 =	vld [tilespmem:s30+$0x18000];
	v7 =	vmul.f32 $3.200000000e+01, v7;
	[tilespmem:s29+$0x4010] =	vst v8  }
0x302: {  	s22 =	sand.u32 $0x40, s14;
	s7 =	sor.u32 s18, s7;
	p0 =	slt.u32 s31, $0x1FC;
	v8 =	vmul.f32 $3.200000000e+01, v3;
	v11 =	vld [tilespmem:s30+$0x18010];
	[tilespmem:s29+$0x4020] =	vst v9  }
0x303: {  	s29 =	smov.u32 s30;
	v9 =	vld [tilespmem:s30+$0x18020];
	v4 =	vadd.f32 v4, v7;
	s30 =	sor.u32 s22, s7  }
.Ltmp12:
0x304: {  	v7 =	vld [tilespmem:s30+$0x4030];
	v12 =	vmul.f32 $3.200000000e+01, v5;
	(pc) =	sbr.rel @p0 .LBB2_26-.Ltmp12, $4  }
0x305: {  	v3 =	vld [tilespmem:s30+$0x4000];
	v13 =	vmul.f32 $3.200000000e+01, v6;
	[tilespmem:s29+$0x4030] =	vst v4  }
0x306: {  	v4 =	vld [tilespmem:s30+$0x18030];
	v10 =	vadd.f32 v10, v8  }
0x307: {  	v5 =	vld [tilespmem:s30+$0x4010];
	v8 =	vadd.f32 v11, v12  }
0x308: {  	s0 =	sadd.s32 $0x8, s0;
	s6 =	sadd.s32 $0x200, s6;
	s14 =	sadd.s32 $0x40, s14;
	v6 =	vld [tilespmem:s30+$0x4020];
	[tilespmem:s29+$0x4000] =	vst v10;
	v9 =	vadd.f32 v9, v13  }
0x309: {  	v10 =	vld [tilespmem:s30+$0x18000]  }
0x30a: {  	v11 =	vld [tilespmem:s30+$0x18010]  }
0x30b: {  	v7 =	vmul.f32 $3.200000000e+01, v7;
	v12 =	vld [tilespmem:s30+$0x18020]  }
0x30c: {  	v3 =	vmul.f32 $3.200000000e+01, v3  }
0x30d: {  	[tilespmem:s29+$0x4010] =	vst v8;
	v4 =	vadd.f32 v4, v7;
	v5 =	vmul.f32 $3.200000000e+01, v5  }
0x30e: {  	[tilespmem:s29+$0x4020] =	vst v9;
	v6 =	vmul.f32 $3.200000000e+01, v6;
	v3 =	vadd.f32 v10, v3  }
0x30f: {  	[tilespmem:s30+$0x4030] =	vst v4;
	v4 =	vadd.f32 v11, v5  }
0x310: {  	[tilespmem:s30+$0x4000] =	vst v3;
	v3 =	vadd.f32 v12, v6  }
0x311: {  	[tilespmem:s30+$0x4010] =	vst v4  }
0x312: {  	s0 =	simm.s32 $0x0;
	s7 =	simm.s32 $0x4000;
	[tilespmem:s30+$0x4020] =	vst v3  }
0x313: {  	s18 =	sand.u32 $0x1C00, s0;
	s22 =	sand.u32 $0x380, s0;
	s6 =	rddreg [dreg:$0x1c]  }
0x314: {  	[hbm4b:s6+s0] =	stream.linear.scatter [tilespmem:s7], [sflag:$0x7], $0x2000, $0x38;
	[tilespmem:$0x1C100] =	vst v63  }
0x315: {  	s0 =	sand.u32 $0x40, s0;
	s6 =	sor.u32 s22, s18  }
0x316: {  	s29 =	sor.u32 s0, s6  }
0x317: {  	v3 =	vld [tilespmem:s29+$0x6030]  }
0x318: {  	v4 =	vld [tilespmem:s29+$0x6000]  }
0x319: {  	v5 =	vld [tilespmem:s29+$0x1A030]  }
0x31a: {  	v6 =	vld [tilespmem:s29+$0x6010]  }
0x31b: {  	s14 =	simm.s32 $0x200;
	s18 =	simm.s32 $0x8;
	v8 =	vld [tilespmem:s29+$0x6020]  }
0x31c: {  	s22 =	simm.s32 $0x40;
	s0 =	sand.u32 $0x1C00, s14;
	s6 =	sand.u32 $0x380, s18;
	v9 =	vld [tilespmem:s29+$0x1A000]  }
0x31d: {  	s7 =	sand.u32 $0x40, s22;
	s0 =	sor.u32 s6, s0;
	v10 =	vld [tilespmem:s29+$0x1A010]  }
0x31e: {  	v11 =	vld [tilespmem:s29+$0x1A020];
	s30 =	sor.u32 s7, s0;
	v3 =	vmul.f32 $3.200000000e+01, v3  }
0x31f: {  	v7 =	vld [tilespmem:s30+$0x6030];
	v4 =	vmul.f32 $3.200000000e+01, v4  }
0x320: {  	v6 =	vmul.f32 $3.200000000e+01, v6;
	v5 =	vadd.f32 v5, v3;
	v3 =	vld [tilespmem:s30+$0x6000]  }
0x321: {  	v63 =	vmul.f32 $3.200000000e+01, v8;
	v9 =	vadd.f32 v9, v4;
	v4 =	vld [tilespmem:s30+$0x1A030]  }
0x322: {  	s31 =	simm.s32 $0x4;
	v8 =	vadd.f32 v10, v6;
	[tilespmem:s29+$0x6030] =	vst v5;
	v5 =	vld [tilespmem:s30+$0x6010]  }
0x323: {  	s14 =	simm.s32 $0x10;
	s6 =	simm.s32 $0x80;
	s0 =	simm.s32 $0x400;
	v6 =	vld [tilespmem:s30+$0x6020];
	[tilespmem:s29+$0x6000] =	vst v9;
	v9 =	vadd.f32 v11, v63  }
.LBB2_28:
0x324: {  	s7 =	sand.u32 $0x1C00, s0;
	s18 =	sand.u32 $0x380, s14;
	s31 =	sadd.s32 $0x4, s31;
	v10 =	vld [tilespmem:s30+$0x1A000];
	v7 =	vmul.f32 $3.200000000e+01, v7;
	[tilespmem:s29+$0x6010] =	vst v8  }
0x325: {  	s22 =	sand.u32 $0x40, s6;
	s7 =	sor.u32 s18, s7;
	p0 =	slt.u32 s31, $0x1FC;
	v8 =	vmul.f32 $3.200000000e+01, v3;
	v11 =	vld [tilespmem:s30+$0x1A010];
	[tilespmem:s29+$0x6020] =	vst v9  }
0x326: {  	s29 =	smov.u32 s30;
	v9 =	vld [tilespmem:s30+$0x1A020];
	v4 =	vadd.f32 v4, v7;
	s30 =	sor.u32 s22, s7  }
.Ltmp13:
0x327: {  	v7 =	vld [tilespmem:s30+$0x6030];
	v12 =	vmul.f32 $3.200000000e+01, v5;
	(pc) =	sbr.rel @p0 .LBB2_28-.Ltmp13, $4  }
0x328: {  	v3 =	vld [tilespmem:s30+$0x6000];
	v13 =	vmul.f32 $3.200000000e+01, v6;
	[tilespmem:s29+$0x6030] =	vst v4  }
0x329: {  	v4 =	vld [tilespmem:s30+$0x1A030];
	v10 =	vadd.f32 v10, v8  }
0x32a: {  	v5 =	vld [tilespmem:s30+$0x6010];
	v8 =	vadd.f32 v11, v12  }
0x32b: {  	s0 =	sadd.s32 $0x200, s0;
	s6 =	sadd.s32 $0x40, s6;
	s14 =	sadd.s32 $0x8, s14;
	v6 =	vld [tilespmem:s30+$0x6020];
	[tilespmem:s29+$0x6000] =	vst v10;
	v9 =	vadd.f32 v9, v13  }
0x32c: {  	v10 =	vld [tilespmem:s30+$0x1A000]  }
0x32d: {  	v11 =	vld [tilespmem:s30+$0x1A010]  }
0x32e: {  	v7 =	vmul.f32 $3.200000000e+01, v7;
	v12 =	vld [tilespmem:s30+$0x1A020]  }
0x32f: {  	v3 =	vmul.f32 $3.200000000e+01, v3  }
0x330: {  	[tilespmem:s29+$0x6010] =	vst v8;
	v4 =	vadd.f32 v4, v7;
	v5 =	vmul.f32 $3.200000000e+01, v5  }
0x331: {  	[tilespmem:s29+$0x6020] =	vst v9;
	v6 =	vmul.f32 $3.200000000e+01, v6;
	v3 =	vadd.f32 v10, v3  }
0x332: {  	[tilespmem:s30+$0x6030] =	vst v4;
	v4 =	vadd.f32 v11, v5  }
0x333: {  	[tilespmem:s30+$0x6000] =	vst v3;
	v3 =	vadd.f32 v12, v6  }
0x334: {  	[tilespmem:s30+$0x6010] =	vst v4  }
0x335: {  	[tilespmem:s30+$0x6020] =	vst v3  }
0x336: {  	s0 =	simm.s32 $0x0;
	s7 =	simm.s32 $0x6000;
	s6 =	rddreg [dreg:$0x1d]  }
0x337: {  	[hbm4b:s6+s0] =	stream.linear.scatter [tilespmem:s7], [sflag:$0x7], $0x2000, $0x38;
	[tilespmem:$0x1C100] =	vst v63  }
0x338: {  	_ =	swait.ge [sflag:s20], $0x2000  }
0x339: {  	[sflag:s20] =	ssyncset.done $0x0  }
0x33a: {  	[sflag:s20] =	ssyncadd.s32 $0xFFFFE000  }
0x33b: {  	_ =	swait.ge [sflag:s20], $0x2000  }
0x33c: {  	[sflag:s20] =	ssyncset.done $0x0  }
0x33d: {  	[sflag:s20] =	ssyncadd.s32 $0xFFFFE000  }
0x33e: {  	v3 =	vld [tilespmem:$0x1C0A0];
	_ =	sdelay $0x4  }
0x33f: {  	v4 =	vshll.u32 v3, $0x3  }
0x340: {  	v3 =	vand.u32 $0x7, v3;
	v4 =	vand.u32 $0xFFFFFFC0, v4  }
0x341: {  	v3 =	vor.u32 v3, v4  }
0x342: {  	v4 =	vperm.xlane v3, v0;
	_ =	sdelay $0x1  }
0x343: {  	v4 =	vadd.s32 v1, v4;
	_ =	sdelay $0x4  }
0x344: {  	[tilespmem:s0], [sflag:$0x1] =	stream.indirect_vreg.gather [hbm4b:s1+s0], $0x80, v4, vm0, $0xb8;
	[tilespmem:$0x1C100] =	vst v63  }
0x345: {  	s7 =	simm.s32 $0x800;
	v3 =	vperm.xlane v3, v2  }
0x346: {  	[tilespmem:s7], [sflag:$0x1] =	stream.indirect_vreg.gather [hbm4b:s9+s0], $0x80, v4, vm0, $0xb8;
	[tilespmem:$0x1C100] =	vst v63  }
0x347: {  	s14 =	simm.s32 $0x1000;
	v3 =	vadd.s32 v1, v3  }
0x348: {  	[tilespmem:s14], [sflag:$0x1] =	stream.indirect_vreg.gather [hbm4b:s10+s0], $0x80, v4, vm0, $0xb8;
	[tilespmem:$0x1C100] =	vst v63  }
0x349: {  	s18 =	simm.s32 $0x1800  }
0x34a: {  	[tilespmem:s18], [sflag:$0x1] =	stream.indirect_vreg.gather [hbm4b:s11+s0], $0x80, v4, vm0, $0xb8;
	[tilespmem:$0x1C100] =	vst v63  }
0x34b: {  	_ = 	snop  }
0x34c: {  	[tilespmem:s28], [sflag:$0x1] =	stream.indirect_vreg.gather [hbm4b:s1+s0], $0x80, v3, vm0, $0xb8;
	[tilespmem:$0x1C100] =	vst v63  }
0x34d: {  	s22 =	simm.s32 $0x2800  }
0x34e: {  	[tilespmem:s22], [sflag:$0x1] =	stream.indirect_vreg.gather [hbm4b:s9+s0], $0x80, v3, vm0, $0xb8;
	[tilespmem:$0x1C100] =	vst v63  }
0x34f: {  	s7 =	simm.s32 $0x3000  }
0x350: {  	[tilespmem:s7], [sflag:$0x1] =	stream.indirect_vreg.gather [hbm4b:s10+s0], $0x80, v3, vm0, $0xb8;
	[tilespmem:$0x1C100] =	vst v63  }
0x351: {  	s14 =	simm.s32 $0x3800  }
0x352: {  	[tilespmem:s14], [sflag:$0x1] =	stream.indirect_vreg.gather [hbm4b:s11+s0], $0x80, v3, vm0, $0xb8;
	[tilespmem:$0x1C100] =	vst v63  }
0x353: {  	s18 =	sand.u32 $0x1C00, s0;
	s22 =	sand.u32 $0x380, s0;
	_ =	swait.ge [sflag:s21], $0x4000  }
0x354: {  	s6 =	sor.u32 s22, s18;
	s0 =	sand.u32 $0x40, s0;
	[sflag:s21] =	ssyncset.done $0x0  }
0x355: {  	s29 =	sor.u32 s0, s6;
	[sflag:s21] =	ssyncadd.s32 $0xFFFFC000  }
0x356: {  	v3 =	vld [tilespmem:s29+$0x8030]  }
0x357: {  	v4 =	vld [tilespmem:s29+$0x8000]  }
0x358: {  	v5 =	vld [tilespmem:s29+$0x18030]  }
0x359: {  	v6 =	vld [tilespmem:s29+$0x8010]  }
0x35a: {  	s18 =	simm.s32 $0x200;
	s14 =	simm.s32 $0x8;
	v8 =	vld [tilespmem:s29+$0x8020]  }
0x35b: {  	s22 =	simm.s32 $0x40;
	s6 =	sand.u32 $0x1C00, s18;
	s0 =	sand.u32 $0x380, s14;
	v9 =	vld [tilespmem:s29+$0x18000]  }
0x35c: {  	s7 =	sand.u32 $0x40, s22;
	s0 =	sor.u32 s0, s6;
	v10 =	vld [tilespmem:s29+$0x18010]  }
0x35d: {  	s30 =	sor.u32 s7, s0;
	v11 =	vld [tilespmem:s29+$0x18020];
	v3 =	vmul.f32 $3.200000000e+01, v3  }
0x35e: {  	v7 =	vld [tilespmem:s30+$0x8030];
	v4 =	vmul.f32 $3.200000000e+01, v4  }
0x35f: {  	v6 =	vmul.f32 $3.200000000e+01, v6;
	v5 =	vadd.f32 v5, v3;
	v3 =	vld [tilespmem:s30+$0x8000]  }
0x360: {  	v63 =	vmul.f32 $3.200000000e+01, v8;
	v9 =	vadd.f32 v9, v4;
	v4 =	vld [tilespmem:s30+$0x18030]  }
0x361: {  	s31 =	simm.s32 $0x4;
	v8 =	vadd.f32 v10, v6;
	[tilespmem:s29+$0x8030] =	vst v5;
	v5 =	vld [tilespmem:s30+$0x8010]  }
0x362: {  	s14 =	simm.s32 $0x80;
	s6 =	simm.s32 $0x400;
	s0 =	simm.s32 $0x10;
	v6 =	vld [tilespmem:s30+$0x8020];
	[tilespmem:s29+$0x8000] =	vst v9;
	v9 =	vadd.f32 v11, v63  }
.LBB2_30:
0x363: {  	s7 =	sand.u32 $0x1C00, s6;
	s18 =	sand.u32 $0x380, s0;
	s31 =	sadd.s32 $0x4, s31;
	v10 =	vld [tilespmem:s30+$0x18000];
	v7 =	vmul.f32 $3.200000000e+01, v7;
	[tilespmem:s29+$0x8010] =	vst v8  }
0x364: {  	s22 =	sand.u32 $0x40, s14;
	s7 =	sor.u32 s18, s7;
	p0 =	slt.u32 s31, $0x1FC;
	v8 =	vmul.f32 $3.200000000e+01, v3;
	v11 =	vld [tilespmem:s30+$0x18010];
	[tilespmem:s29+$0x8020] =	vst v9  }
0x365: {  	s29 =	smov.u32 s30;
	v9 =	vld [tilespmem:s30+$0x18020];
	v4 =	vadd.f32 v4, v7;
	s30 =	sor.u32 s22, s7  }
.Ltmp14:
0x366: {  	v7 =	vld [tilespmem:s30+$0x8030];
	v12 =	vmul.f32 $3.200000000e+01, v5;
	(pc) =	sbr.rel @p0 .LBB2_30-.Ltmp14, $4  }
0x367: {  	v3 =	vld [tilespmem:s30+$0x8000];
	v13 =	vmul.f32 $3.200000000e+01, v6;
	[tilespmem:s29+$0x8030] =	vst v4  }
0x368: {  	v4 =	vld [tilespmem:s30+$0x18030];
	v10 =	vadd.f32 v10, v8  }
0x369: {  	v5 =	vld [tilespmem:s30+$0x8010];
	v8 =	vadd.f32 v11, v12  }
0x36a: {  	s0 =	sadd.s32 $0x8, s0;
	s6 =	sadd.s32 $0x200, s6;
	s14 =	sadd.s32 $0x40, s14;
	v6 =	vld [tilespmem:s30+$0x8020];
	[tilespmem:s29+$0x8000] =	vst v10;
	v9 =	vadd.f32 v9, v13  }
0x36b: {  	v10 =	vld [tilespmem:s30+$0x18000]  }
0x36c: {  	v11 =	vld [tilespmem:s30+$0x18010]  }
0x36d: {  	v7 =	vmul.f32 $3.200000000e+01, v7;
	v12 =	vld [tilespmem:s30+$0x18020]  }
0x36e: {  	v3 =	vmul.f32 $3.200000000e+01, v3  }
0x36f: {  	[tilespmem:s29+$0x8010] =	vst v8;
	v4 =	vadd.f32 v4, v7;
	v5 =	vmul.f32 $3.200000000e+01, v5  }
0x370: {  	[tilespmem:s29+$0x8020] =	vst v9;
	v6 =	vmul.f32 $3.200000000e+01, v6;
	v3 =	vadd.f32 v10, v3  }
0x371: {  	[tilespmem:s30+$0x8030] =	vst v4;
	v4 =	vadd.f32 v11, v5  }
0x372: {  	[tilespmem:s30+$0x8000] =	vst v3;
	v3 =	vadd.f32 v12, v6  }
0x373: {  	[tilespmem:s30+$0x8010] =	vst v4  }
0x374: {  	s0 =	simm.s32 $0x0;
	s7 =	simm.s32 $0x8000;
	[tilespmem:s30+$0x8020] =	vst v3  }
0x375: {  	s18 =	sand.u32 $0x1C00, s0;
	s22 =	sand.u32 $0x380, s0;
	s6 =	rddreg [dreg:$0x1e]  }
0x376: {  	[hbm4b:s6+s0] =	stream.linear.scatter [tilespmem:s7], [sflag:$0x8], $0x2000, $0x38;
	[tilespmem:$0x1C100] =	vst v63  }
0x377: {  	s0 =	sand.u32 $0x40, s0;
	s6 =	sor.u32 s22, s18  }
0x378: {  	s29 =	sor.u32 s0, s6  }
0x379: {  	v3 =	vld [tilespmem:s29+$0xA030]  }
0x37a: {  	v4 =	vld [tilespmem:s29+$0xA000]  }
0x37b: {  	v5 =	vld [tilespmem:s29+$0x1A030]  }
0x37c: {  	v6 =	vld [tilespmem:s29+$0xA010]  }
0x37d: {  	s14 =	simm.s32 $0x200;
	s18 =	simm.s32 $0x8;
	v8 =	vld [tilespmem:s29+$0xA020]  }
0x37e: {  	s22 =	simm.s32 $0x40;
	s0 =	sand.u32 $0x1C00, s14;
	s6 =	sand.u32 $0x380, s18;
	v9 =	vld [tilespmem:s29+$0x1A000]  }
0x37f: {  	s7 =	sand.u32 $0x40, s22;
	s0 =	sor.u32 s6, s0;
	v10 =	vld [tilespmem:s29+$0x1A010]  }
0x380: {  	v11 =	vld [tilespmem:s29+$0x1A020];
	s30 =	sor.u32 s7, s0;
	v3 =	vmul.f32 $3.200000000e+01, v3  }
0x381: {  	v7 =	vld [tilespmem:s30+$0xA030];
	v4 =	vmul.f32 $3.200000000e+01, v4  }
0x382: {  	v6 =	vmul.f32 $3.200000000e+01, v6;
	v5 =	vadd.f32 v5, v3;
	v3 =	vld [tilespmem:s30+$0xA000]  }
0x383: {  	v63 =	vmul.f32 $3.200000000e+01, v8;
	v9 =	vadd.f32 v9, v4;
	v4 =	vld [tilespmem:s30+$0x1A030]  }
0x384: {  	s31 =	simm.s32 $0x4;
	v8 =	vadd.f32 v10, v6;
	[tilespmem:s29+$0xA030] =	vst v5;
	v5 =	vld [tilespmem:s30+$0xA010]  }
0x385: {  	s14 =	simm.s32 $0x10;
	s6 =	simm.s32 $0x80;
	s0 =	simm.s32 $0x400;
	v6 =	vld [tilespmem:s30+$0xA020];
	[tilespmem:s29+$0xA000] =	vst v9;
	v9 =	vadd.f32 v11, v63  }
.LBB2_32:
0x386: {  	s7 =	sand.u32 $0x1C00, s0;
	s18 =	sand.u32 $0x380, s14;
	s31 =	sadd.s32 $0x4, s31;
	v10 =	vld [tilespmem:s30+$0x1A000];
	v7 =	vmul.f32 $3.200000000e+01, v7;
	[tilespmem:s29+$0xA010] =	vst v8  }
0x387: {  	s22 =	sand.u32 $0x40, s6;
	s7 =	sor.u32 s18, s7;
	p0 =	slt.u32 s31, $0x1FC;
	v8 =	vmul.f32 $3.200000000e+01, v3;
	v11 =	vld [tilespmem:s30+$0x1A010];
	[tilespmem:s29+$0xA020] =	vst v9  }
0x388: {  	s29 =	smov.u32 s30;
	v9 =	vld [tilespmem:s30+$0x1A020];
	v4 =	vadd.f32 v4, v7;
	s30 =	sor.u32 s22, s7  }
.Ltmp15:
0x389: {  	v7 =	vld [tilespmem:s30+$0xA030];
	v12 =	vmul.f32 $3.200000000e+01, v5;
	(pc) =	sbr.rel @p0 .LBB2_32-.Ltmp15, $4  }
0x38a: {  	v3 =	vld [tilespmem:s30+$0xA000];
	v13 =	vmul.f32 $3.200000000e+01, v6;
	[tilespmem:s29+$0xA030] =	vst v4  }
0x38b: {  	v4 =	vld [tilespmem:s30+$0x1A030];
	v10 =	vadd.f32 v10, v8  }
0x38c: {  	v5 =	vld [tilespmem:s30+$0xA010];
	v8 =	vadd.f32 v11, v12  }
0x38d: {  	s0 =	sadd.s32 $0x200, s0;
	s6 =	sadd.s32 $0x40, s6;
	s14 =	sadd.s32 $0x8, s14;
	v6 =	vld [tilespmem:s30+$0xA020];
	[tilespmem:s29+$0xA000] =	vst v10;
	v9 =	vadd.f32 v9, v13  }
0x38e: {  	v10 =	vld [tilespmem:s30+$0x1A000]  }
0x38f: {  	v11 =	vld [tilespmem:s30+$0x1A010]  }
0x390: {  	v7 =	vmul.f32 $3.200000000e+01, v7;
	v12 =	vld [tilespmem:s30+$0x1A020]  }
0x391: {  	v3 =	vmul.f32 $3.200000000e+01, v3  }
0x392: {  	[tilespmem:s29+$0xA010] =	vst v8;
	v4 =	vadd.f32 v4, v7;
	v5 =	vmul.f32 $3.200000000e+01, v5  }
0x393: {  	[tilespmem:s29+$0xA020] =	vst v9;
	v6 =	vmul.f32 $3.200000000e+01, v6;
	v3 =	vadd.f32 v10, v3  }
0x394: {  	[tilespmem:s30+$0xA030] =	vst v4;
	v4 =	vadd.f32 v11, v5  }
0x395: {  	[tilespmem:s30+$0xA000] =	vst v3;
	v3 =	vadd.f32 v12, v6  }
0x396: {  	[tilespmem:s30+$0xA010] =	vst v4  }
0x397: {  	[tilespmem:s30+$0xA020] =	vst v3  }
0x398: {  	s0 =	simm.s32 $0x0;
	s7 =	simm.s32 $0xA000;
	s6 =	rddreg [dreg:$0x1f]  }
0x399: {  	[hbm4b:s6+s0] =	stream.linear.scatter [tilespmem:s7], [sflag:$0x8], $0x2000, $0x38;
	[tilespmem:$0x1C100] =	vst v63  }
0x39a: {  	s14 =	simm.s32 $0x18000;
	s7 =	rddreg [dreg:$0x13]  }
0x39b: {  	[tilespmem:s14], [sflag:$0xC] =	stream.linear.gather [hbm4b:s7+s0], $0x4000, $0x38;
	[tilespmem:$0x1C100] =	vst v63  }
0x39c: {  	_ =	swait.ge [sflag:s2], $0x2000  }
0x39d: {  	[sflag:s2] =	ssyncset.done $0x0  }
0x39e: {  	[sflag:s2] =	ssyncadd.s32 $0xFFFFE000  }
0x39f: {  	_ =	swait.ge [sflag:s2], $0x2000  }
0x3a0: {  	[sflag:s2] =	ssyncset.done $0x0  }
0x3a1: {  	[sflag:s2] =	ssyncadd.s32 $0xFFFFE000  }
0x3a2: {  	v3 =	vld [tilespmem:$0x1C0E0];
	_ =	sdelay $0x4  }
0x3a3: {  	v4 =	vshll.u32 v3, $0x3  }
0x3a4: {  	v3 =	vand.u32 $0x7, v3;
	v4 =	vand.u32 $0xFFFFFFC0, v4  }
0x3a5: {  	v3 =	vor.u32 v3, v4  }
0x3a6: {  	v4 =	vperm.xlane v3, v0;
	_ =	sdelay $0x1  }
0x3a7: {  	v4 =	vadd.s32 v1, v4;
	_ =	sdelay $0x3  }
0x3a8: {  	s18 =	simm.s32 $0x4000  }
0x3a9: {  	[tilespmem:s18], [sflag:$0x2] =	stream.indirect_vreg.gather [hbm4b:s1+s0], $0x80, v4, vm0, $0xb8;
	[tilespmem:$0x1C100] =	vst v63  }
0x3aa: {  	s22 =	simm.s32 $0x4800;
	v3 =	vperm.xlane v3, v2  }
0x3ab: {  	[tilespmem:s22], [sflag:$0x2] =	stream.indirect_vreg.gather [hbm4b:s9+s0], $0x80, v4, vm0, $0xb8;
	[tilespmem:$0x1C100] =	vst v63  }
0x3ac: {  	s7 =	simm.s32 $0x5000;
	v3 =	vadd.s32 v1, v3  }
0x3ad: {  	[tilespmem:s7], [sflag:$0x2] =	stream.indirect_vreg.gather [hbm4b:s10+s0], $0x80, v4, vm0, $0xb8;
	[tilespmem:$0x1C100] =	vst v63  }
0x3ae: {  	s14 =	simm.s32 $0x5800  }
0x3af: {  	[tilespmem:s14], [sflag:$0x2] =	stream.indirect_vreg.gather [hbm4b:s11+s0], $0x80, v4, vm0, $0xb8;
	[tilespmem:$0x1C100] =	vst v63  }
0x3b0: {  	s18 =	simm.s32 $0x6000  }
0x3b1: {  	[tilespmem:s18], [sflag:$0x2] =	stream.indirect_vreg.gather [hbm4b:s1+s0], $0x80, v3, vm0, $0xb8;
	[tilespmem:$0x1C100] =	vst v63  }
0x3b2: {  	s22 =	simm.s32 $0x6800  }
0x3b3: {  	[tilespmem:s22], [sflag:$0x2] =	stream.indirect_vreg.gather [hbm4b:s9+s0], $0x80, v3, vm0, $0xb8;
	[tilespmem:$0x1C100] =	vst v63  }
0x3b4: {  	s7 =	simm.s32 $0x7000  }
0x3b5: {  	[tilespmem:s7], [sflag:$0x2] =	stream.indirect_vreg.gather [hbm4b:s10+s0], $0x80, v3, vm0, $0xb8;
	[tilespmem:$0x1C100] =	vst v63  }
0x3b6: {  	s14 =	simm.s32 $0x7800  }
0x3b7: {  	[tilespmem:s14], [sflag:$0x2] =	stream.indirect_vreg.gather [hbm4b:s11+s0], $0x80, v3, vm0, $0xb8;
	[tilespmem:$0x1C100] =	vst v63  }
0x3b8: {  	_ =	swait.ge [sflag:s5], $0x4000  }
0x3b9: {  	[sflag:s5] =	ssyncset.done $0x0  }
0x3ba: {  	[sflag:s5] =	ssyncadd.s32 $0xFFFFC000  }
0x3bb: {  	s18 =	sand.u32 $0x1C00, s0;
	s22 =	sand.u32 $0x380, s0;
	_ =	swait.ge [sflag:s17], $0x4000  }
0x3bc: {  	s6 =	sor.u32 s22, s18;
	s0 =	sand.u32 $0x40, s0;
	[sflag:s17] =	ssyncset.done $0x0  }
0x3bd: {  	s29 =	sor.u32 s0, s6;
	[sflag:s17] =	ssyncadd.s32 $0xFFFFC000  }
0x3be: {  	v3 =	vld [tilespmem:s29+$0xC030]  }
0x3bf: {  	v4 =	vld [tilespmem:s29+$0xC000]  }
0x3c0: {  	v5 =	vld [tilespmem:s29+$0x14030]  }
0x3c1: {  	v6 =	vld [tilespmem:s29+$0xC010]  }
0x3c2: {  	s18 =	simm.s32 $0x200;
	s14 =	simm.s32 $0x8;
	v8 =	vld [tilespmem:s29+$0xC020]  }
0x3c3: {  	s22 =	simm.s32 $0x40;
	s6 =	sand.u32 $0x1C00, s18;
	s0 =	sand.u32 $0x380, s14;
	v9 =	vld [tilespmem:s29+$0x14000]  }
0x3c4: {  	s7 =	sand.u32 $0x40, s22;
	s0 =	sor.u32 s0, s6;
	v10 =	vld [tilespmem:s29+$0x14010]  }
0x3c5: {  	s30 =	sor.u32 s7, s0;
	v11 =	vld [tilespmem:s29+$0x14020];
	v3 =	vmul.f32 $3.200000000e+01, v3  }
0x3c6: {  	v7 =	vld [tilespmem:s30+$0xC030];
	v4 =	vmul.f32 $3.200000000e+01, v4  }
0x3c7: {  	v6 =	vmul.f32 $3.200000000e+01, v6;
	v5 =	vadd.f32 v5, v3;
	v3 =	vld [tilespmem:s30+$0xC000]  }
0x3c8: {  	v63 =	vmul.f32 $3.200000000e+01, v8;
	v9 =	vadd.f32 v9, v4;
	v4 =	vld [tilespmem:s30+$0x14030]  }
0x3c9: {  	s31 =	simm.s32 $0x4;
	v8 =	vadd.f32 v10, v6;
	[tilespmem:s29+$0xC030] =	vst v5;
	v5 =	vld [tilespmem:s30+$0xC010]  }
0x3ca: {  	s14 =	simm.s32 $0x80;
	s6 =	simm.s32 $0x400;
	s0 =	simm.s32 $0x10;
	v6 =	vld [tilespmem:s30+$0xC020];
	[tilespmem:s29+$0xC000] =	vst v9;
	v9 =	vadd.f32 v11, v63  }
.LBB2_34:
0x3cb: {  	s7 =	sand.u32 $0x1C00, s6;
	s18 =	sand.u32 $0x380, s0;
	s31 =	sadd.s32 $0x4, s31;
	v10 =	vld [tilespmem:s30+$0x14000];
	v7 =	vmul.f32 $3.200000000e+01, v7;
	[tilespmem:s29+$0xC010] =	vst v8  }
0x3cc: {  	s22 =	sand.u32 $0x40, s14;
	s7 =	sor.u32 s18, s7;
	p0 =	slt.u32 s31, $0x1FC;
	v8 =	vmul.f32 $3.200000000e+01, v3;
	v11 =	vld [tilespmem:s30+$0x14010];
	[tilespmem:s29+$0xC020] =	vst v9  }
0x3cd: {  	s29 =	smov.u32 s30;
	v9 =	vld [tilespmem:s30+$0x14020];
	v4 =	vadd.f32 v4, v7;
	s30 =	sor.u32 s22, s7  }
.Ltmp16:
0x3ce: {  	v7 =	vld [tilespmem:s30+$0xC030];
	v12 =	vmul.f32 $3.200000000e+01, v5;
	(pc) =	sbr.rel @p0 .LBB2_34-.Ltmp16, $4  }
0x3cf: {  	v3 =	vld [tilespmem:s30+$0xC000];
	v13 =	vmul.f32 $3.200000000e+01, v6;
	[tilespmem:s29+$0xC030] =	vst v4  }
0x3d0: {  	v4 =	vld [tilespmem:s30+$0x14030];
	v10 =	vadd.f32 v10, v8  }
0x3d1: {  	v5 =	vld [tilespmem:s30+$0xC010];
	v8 =	vadd.f32 v11, v12  }
0x3d2: {  	s0 =	sadd.s32 $0x8, s0;
	s6 =	sadd.s32 $0x200, s6;
	s14 =	sadd.s32 $0x40, s14;
	v6 =	vld [tilespmem:s30+$0xC020];
	[tilespmem:s29+$0xC000] =	vst v10;
	v9 =	vadd.f32 v9, v13  }
0x3d3: {  	v10 =	vld [tilespmem:s30+$0x14000]  }
0x3d4: {  	v11 =	vld [tilespmem:s30+$0x14010]  }
0x3d5: {  	v7 =	vmul.f32 $3.200000000e+01, v7;
	v12 =	vld [tilespmem:s30+$0x14020]  }
0x3d6: {  	v3 =	vmul.f32 $3.200000000e+01, v3  }
0x3d7: {  	[tilespmem:s29+$0xC010] =	vst v8;
	v4 =	vadd.f32 v4, v7;
	v5 =	vmul.f32 $3.200000000e+01, v5  }
0x3d8: {  	[tilespmem:s29+$0xC020] =	vst v9;
	v6 =	vmul.f32 $3.200000000e+01, v6;
	v3 =	vadd.f32 v10, v3  }
0x3d9: {  	[tilespmem:s30+$0xC030] =	vst v4;
	v4 =	vadd.f32 v11, v5  }
0x3da: {  	[tilespmem:s30+$0xC000] =	vst v3;
	v3 =	vadd.f32 v12, v6  }
0x3db: {  	[tilespmem:s30+$0xC010] =	vst v4  }
0x3dc: {  	s0 =	simm.s32 $0x0;
	s7 =	simm.s32 $0xC000;
	[tilespmem:s30+$0xC020] =	vst v3  }
0x3dd: {  	s18 =	sand.u32 $0x1C00, s0;
	s22 =	sand.u32 $0x380, s0;
	s6 =	rddreg [dreg:$0x14]  }
0x3de: {  	[hbm4b:s6+s0] =	stream.linear.scatter [tilespmem:s7], [sflag:$0x9], $0x2000, $0x38;
	[tilespmem:$0x1C100] =	vst v63  }
0x3df: {  	s0 =	sand.u32 $0x40, s0;
	s6 =	sor.u32 s22, s18  }
0x3e0: {  	s29 =	sor.u32 s0, s6  }
0x3e1: {  	v3 =	vld [tilespmem:s29+$0xE030]  }
0x3e2: {  	v4 =	vld [tilespmem:s29+$0xE000]  }
0x3e3: {  	v5 =	vld [tilespmem:s29+$0x16030]  }
0x3e4: {  	v6 =	vld [tilespmem:s29+$0xE010]  }
0x3e5: {  	s14 =	simm.s32 $0x200;
	s18 =	simm.s32 $0x8;
	v8 =	vld [tilespmem:s29+$0xE020]  }
0x3e6: {  	s22 =	simm.s32 $0x40;
	s0 =	sand.u32 $0x1C00, s14;
	s6 =	sand.u32 $0x380, s18;
	v9 =	vld [tilespmem:s29+$0x16000]  }
0x3e7: {  	s7 =	sand.u32 $0x40, s22;
	s0 =	sor.u32 s6, s0;
	v10 =	vld [tilespmem:s29+$0x16010]  }
0x3e8: {  	v11 =	vld [tilespmem:s29+$0x16020];
	s30 =	sor.u32 s7, s0;
	v3 =	vmul.f32 $3.200000000e+01, v3  }
0x3e9: {  	v7 =	vld [tilespmem:s30+$0xE030];
	v4 =	vmul.f32 $3.200000000e+01, v4  }
0x3ea: {  	v6 =	vmul.f32 $3.200000000e+01, v6;
	v5 =	vadd.f32 v5, v3;
	v3 =	vld [tilespmem:s30+$0xE000]  }
0x3eb: {  	v63 =	vmul.f32 $3.200000000e+01, v8;
	v9 =	vadd.f32 v9, v4;
	v4 =	vld [tilespmem:s30+$0x16030]  }
0x3ec: {  	s31 =	simm.s32 $0x4;
	v8 =	vadd.f32 v10, v6;
	[tilespmem:s29+$0xE030] =	vst v5;
	v5 =	vld [tilespmem:s30+$0xE010]  }
0x3ed: {  	s14 =	simm.s32 $0x10;
	s6 =	simm.s32 $0x80;
	s0 =	simm.s32 $0x400;
	v6 =	vld [tilespmem:s30+$0xE020];
	[tilespmem:s29+$0xE000] =	vst v9;
	v9 =	vadd.f32 v11, v63  }
.LBB2_36:
0x3ee: {  	s7 =	sand.u32 $0x1C00, s0;
	s18 =	sand.u32 $0x380, s14;
	s31 =	sadd.s32 $0x4, s31;
	v10 =	vld [tilespmem:s30+$0x16000];
	v7 =	vmul.f32 $3.200000000e+01, v7;
	[tilespmem:s29+$0xE010] =	vst v8  }
0x3ef: {  	s22 =	sand.u32 $0x40, s6;
	s7 =	sor.u32 s18, s7;
	p0 =	slt.u32 s31, $0x1FC;
	v8 =	vmul.f32 $3.200000000e+01, v3;
	v11 =	vld [tilespmem:s30+$0x16010];
	[tilespmem:s29+$0xE020] =	vst v9  }
0x3f0: {  	s29 =	smov.u32 s30;
	v9 =	vld [tilespmem:s30+$0x16020];
	v4 =	vadd.f32 v4, v7;
	s30 =	sor.u32 s22, s7  }
.Ltmp17:
0x3f1: {  	v7 =	vld [tilespmem:s30+$0xE030];
	v12 =	vmul.f32 $3.200000000e+01, v5;
	(pc) =	sbr.rel @p0 .LBB2_36-.Ltmp17, $4  }
0x3f2: {  	v3 =	vld [tilespmem:s30+$0xE000];
	v13 =	vmul.f32 $3.200000000e+01, v6;
	[tilespmem:s29+$0xE030] =	vst v4  }
0x3f3: {  	v4 =	vld [tilespmem:s30+$0x16030];
	v10 =	vadd.f32 v10, v8  }
0x3f4: {  	v5 =	vld [tilespmem:s30+$0xE010];
	v8 =	vadd.f32 v11, v12  }
0x3f5: {  	s0 =	sadd.s32 $0x200, s0;
	s6 =	sadd.s32 $0x40, s6;
	s14 =	sadd.s32 $0x8, s14;
	v6 =	vld [tilespmem:s30+$0xE020];
	[tilespmem:s29+$0xE000] =	vst v10;
	v9 =	vadd.f32 v9, v13  }
0x3f6: {  	v10 =	vld [tilespmem:s30+$0x16000]  }
0x3f7: {  	v11 =	vld [tilespmem:s30+$0x16010]  }
0x3f8: {  	v7 =	vmul.f32 $3.200000000e+01, v7;
	v12 =	vld [tilespmem:s30+$0x16020]  }
0x3f9: {  	v3 =	vmul.f32 $3.200000000e+01, v3  }
0x3fa: {  	[tilespmem:s29+$0xE010] =	vst v8;
	v4 =	vadd.f32 v4, v7;
	v5 =	vmul.f32 $3.200000000e+01, v5  }
0x3fb: {  	[tilespmem:s29+$0xE020] =	vst v9;
	v6 =	vmul.f32 $3.200000000e+01, v6;
	v3 =	vadd.f32 v10, v3  }
0x3fc: {  	[tilespmem:s30+$0xE030] =	vst v4;
	v4 =	vadd.f32 v11, v5  }
0x3fd: {  	[tilespmem:s30+$0xE000] =	vst v3;
	v3 =	vadd.f32 v12, v6  }
0x3fe: {  	[tilespmem:s30+$0xE010] =	vst v4  }
0x3ff: {  	[tilespmem:s30+$0xE020] =	vst v3  }
0x400: {  	s6 =	sld [smem:$0x7F0];
	_ =	sdelay $0x1  }
0x401: {  	s0 =	simm.s32 $0x0;
	s7 =	simm.s32 $0xE000  }
0x402: {  	[hbm4b:s6+s0] =	stream.linear.scatter [tilespmem:s7], [sflag:$0x9], $0x2000, $0x38;
	[tilespmem:$0x1C100] =	vst v63  }
0x403: {  	_ =	swait.ge [sflag:s8], $0x2000  }
0x404: {  	[sflag:s8] =	ssyncset.done $0x0  }
0x405: {  	[sflag:s8] =	ssyncadd.s32 $0xFFFFE000  }
0x406: {  	_ =	swait.ge [sflag:s8], $0x2000  }
0x407: {  	[sflag:s8] =	ssyncset.done $0x0  }
0x408: {  	[sflag:s8] =	ssyncadd.s32 $0xFFFFE000  }
0x409: {  	v3 =	vld [tilespmem:$0x1C030];
	_ =	sdelay $0x4  }
0x40a: {  	v4 =	vshll.u32 v3, $0x3  }
0x40b: {  	v3 =	vand.u32 $0x7, v3;
	v4 =	vand.u32 $0xFFFFFFC0, v4  }
0x40c: {  	v3 =	vor.u32 v3, v4  }
0x40d: {  	v4 =	vperm.xlane v3, v0;
	_ =	sdelay $0x1  }
0x40e: {  	v4 =	vadd.s32 v1, v4;
	_ =	sdelay $0x3  }
0x40f: {  	s18 =	simm.s32 $0x8000  }
0x410: {  	[tilespmem:s18], [sflag:$0x3] =	stream.indirect_vreg.gather [hbm4b:s1+s0], $0x80, v4, vm0, $0xb8;
	[tilespmem:$0x1C100] =	vst v63  }
0x411: {  	s22 =	simm.s32 $0x8800;
	v3 =	vperm.xlane v3, v2  }
0x412: {  	[tilespmem:s22], [sflag:$0x3] =	stream.indirect_vreg.gather [hbm4b:s9+s0], $0x80, v4, vm0, $0xb8;
	[tilespmem:$0x1C100] =	vst v63  }
0x413: {  	s7 =	simm.s32 $0x9000;
	v3 =	vadd.s32 v1, v3  }
0x414: {  	[tilespmem:s7], [sflag:$0x3] =	stream.indirect_vreg.gather [hbm4b:s10+s0], $0x80, v4, vm0, $0xb8;
	[tilespmem:$0x1C100] =	vst v63  }
0x415: {  	s14 =	simm.s32 $0x9800  }
0x416: {  	[tilespmem:s14], [sflag:$0x3] =	stream.indirect_vreg.gather [hbm4b:s11+s0], $0x80, v4, vm0, $0xb8;
	[tilespmem:$0x1C100] =	vst v63  }
0x417: {  	s18 =	simm.s32 $0xA000  }
0x418: {  	[tilespmem:s18], [sflag:$0x3] =	stream.indirect_vreg.gather [hbm4b:s1+s0], $0x80, v3, vm0, $0xb8;
	[tilespmem:$0x1C100] =	vst v63  }
0x419: {  	s22 =	simm.s32 $0xA800  }
0x41a: {  	[tilespmem:s22], [sflag:$0x3] =	stream.indirect_vreg.gather [hbm4b:s9+s0], $0x80, v3, vm0, $0xb8;
	[tilespmem:$0x1C100] =	vst v63  }
0x41b: {  	s7 =	simm.s32 $0xB000  }
0x41c: {  	[tilespmem:s7], [sflag:$0x3] =	stream.indirect_vreg.gather [hbm4b:s10+s0], $0x80, v3, vm0, $0xb8;
	[tilespmem:$0x1C100] =	vst v63  }
0x41d: {  	s14 =	simm.s32 $0xB800  }
0x41e: {  	[tilespmem:s14], [sflag:$0x3] =	stream.indirect_vreg.gather [hbm4b:s11+s0], $0x80, v3, vm0, $0xb8;
	[tilespmem:$0x1C100] =	vst v63  }
0x41f: {  	s18 =	sand.u32 $0x1C00, s0;
	s22 =	sand.u32 $0x380, s0;
	_ =	swait.ge [sflag:s13], $0x4000  }
0x420: {  	s6 =	sor.u32 s22, s18;
	s0 =	sand.u32 $0x40, s0;
	[sflag:s13] =	ssyncset.done $0x0  }
0x421: {  	s29 =	sor.u32 s0, s6;
	[sflag:s13] =	ssyncadd.s32 $0xFFFFC000  }
0x422: {  	v3 =	vld [tilespmem:s29+$0x10030]  }
0x423: {  	v4 =	vld [tilespmem:s29+$0x10000]  }
0x424: {  	v5 =	vld [tilespmem:s29+$0x14030]  }
0x425: {  	v6 =	vld [tilespmem:s29+$0x10010]  }
0x426: {  	s18 =	simm.s32 $0x200;
	s14 =	simm.s32 $0x8;
	v8 =	vld [tilespmem:s29+$0x10020]  }
0x427: {  	s22 =	simm.s32 $0x40;
	s6 =	sand.u32 $0x1C00, s18;
	s0 =	sand.u32 $0x380, s14;
	v9 =	vld [tilespmem:s29+$0x14000]  }
0x428: {  	s7 =	sand.u32 $0x40, s22;
	s0 =	sor.u32 s0, s6;
	v10 =	vld [tilespmem:s29+$0x14010]  }
0x429: {  	s30 =	sor.u32 s7, s0;
	v11 =	vld [tilespmem:s29+$0x14020];
	v3 =	vmul.f32 $3.200000000e+01, v3  }
0x42a: {  	v7 =	vld [tilespmem:s30+$0x10030];
	v4 =	vmul.f32 $3.200000000e+01, v4  }
0x42b: {  	v6 =	vmul.f32 $3.200000000e+01, v6;
	v5 =	vadd.f32 v5, v3;
	v3 =	vld [tilespmem:s30+$0x10000]  }
0x42c: {  	v63 =	vmul.f32 $3.200000000e+01, v8;
	v9 =	vadd.f32 v9, v4;
	v4 =	vld [tilespmem:s30+$0x14030]  }
0x42d: {  	s31 =	simm.s32 $0x4;
	v8 =	vadd.f32 v10, v6;
	[tilespmem:s29+$0x10030] =	vst v5;
	v5 =	vld [tilespmem:s30+$0x10010]  }
0x42e: {  	s14 =	simm.s32 $0x80;
	s6 =	simm.s32 $0x400;
	s0 =	simm.s32 $0x10;
	v6 =	vld [tilespmem:s30+$0x10020];
	[tilespmem:s29+$0x10000] =	vst v9;
	v9 =	vadd.f32 v11, v63  }
.LBB2_38:
0x42f: {  	s7 =	sand.u32 $0x1C00, s6;
	s18 =	sand.u32 $0x380, s0;
	s31 =	sadd.s32 $0x4, s31;
	v10 =	vld [tilespmem:s30+$0x14000];
	v7 =	vmul.f32 $3.200000000e+01, v7;
	[tilespmem:s29+$0x10010] =	vst v8  }
0x430: {  	s22 =	sand.u32 $0x40, s14;
	s7 =	sor.u32 s18, s7;
	p0 =	slt.u32 s31, $0x1FC;
	v8 =	vmul.f32 $3.200000000e+01, v3;
	v11 =	vld [tilespmem:s30+$0x14010];
	[tilespmem:s29+$0x10020] =	vst v9  }
0x431: {  	s29 =	smov.u32 s30;
	v9 =	vld [tilespmem:s30+$0x14020];
	v4 =	vadd.f32 v4, v7;
	s30 =	sor.u32 s22, s7  }
.Ltmp18:
0x432: {  	v7 =	vld [tilespmem:s30+$0x10030];
	v12 =	vmul.f32 $3.200000000e+01, v5;
	(pc) =	sbr.rel @p0 .LBB2_38-.Ltmp18, $4  }
0x433: {  	v3 =	vld [tilespmem:s30+$0x10000];
	v13 =	vmul.f32 $3.200000000e+01, v6;
	[tilespmem:s29+$0x10030] =	vst v4  }
0x434: {  	v4 =	vld [tilespmem:s30+$0x14030];
	v10 =	vadd.f32 v10, v8  }
0x435: {  	v5 =	vld [tilespmem:s30+$0x10010];
	v8 =	vadd.f32 v11, v12  }
0x436: {  	s0 =	sadd.s32 $0x8, s0;
	s6 =	sadd.s32 $0x200, s6;
	s14 =	sadd.s32 $0x40, s14;
	v6 =	vld [tilespmem:s30+$0x10020];
	[tilespmem:s29+$0x10000] =	vst v10;
	v9 =	vadd.f32 v9, v13  }
0x437: {  	v10 =	vld [tilespmem:s30+$0x14000]  }
0x438: {  	v11 =	vld [tilespmem:s30+$0x14010]  }
0x439: {  	v7 =	vmul.f32 $3.200000000e+01, v7;
	v12 =	vld [tilespmem:s30+$0x14020]  }
0x43a: {  	v3 =	vmul.f32 $3.200000000e+01, v3  }
0x43b: {  	[tilespmem:s29+$0x10010] =	vst v8;
	v4 =	vadd.f32 v4, v7;
	v5 =	vmul.f32 $3.200000000e+01, v5  }
0x43c: {  	[tilespmem:s29+$0x10020] =	vst v9;
	v6 =	vmul.f32 $3.200000000e+01, v6;
	v3 =	vadd.f32 v10, v3  }
0x43d: {  	[tilespmem:s30+$0x10030] =	vst v4;
	v4 =	vadd.f32 v11, v5  }
0x43e: {  	[tilespmem:s30+$0x10000] =	vst v3;
	v3 =	vadd.f32 v12, v6  }
0x43f: {  	[tilespmem:s30+$0x10010] =	vst v4  }
0x440: {  	[tilespmem:s30+$0x10020] =	vst v3  }
0x441: {  	s6 =	sld [smem:$0x7F1]  }
0x442: {  	s0 =	simm.s32 $0x0  }
0x443: {  	s22 =	sand.u32 $0x1C00, s0;
	s7 =	sand.u32 $0x380, s0  }
0x444: {  	[hbm4b:s6+s0] =	stream.linear.scatter [tilespmem:s19], [sflag:$0xA], $0x2000, $0x38;
	[tilespmem:$0x1C100] =	vst v63  }
0x445: {  	s0 =	sand.u32 $0x40, s0;
	s6 =	sor.u32 s7, s22  }
0x446: {  	s29 =	sor.u32 s0, s6  }
0x447: {  	v3 =	vld [tilespmem:s29+$0x12030]  }
0x448: {  	v4 =	vld [tilespmem:s29+$0x12000]  }
0x449: {  	v5 =	vld [tilespmem:s29+$0x16030]  }
0x44a: {  	v6 =	vld [tilespmem:s29+$0x12010]  }
0x44b: {  	s14 =	simm.s32 $0x200;
	s18 =	simm.s32 $0x8;
	v8 =	vld [tilespmem:s29+$0x12020]  }
0x44c: {  	s22 =	simm.s32 $0x40;
	s0 =	sand.u32 $0x1C00, s14;
	s6 =	sand.u32 $0x380, s18;
	v9 =	vld [tilespmem:s29+$0x16000]  }
0x44d: {  	s7 =	sand.u32 $0x40, s22;
	s0 =	sor.u32 s6, s0;
	v10 =	vld [tilespmem:s29+$0x16010]  }
0x44e: {  	v11 =	vld [tilespmem:s29+$0x16020];
	s30 =	sor.u32 s7, s0;
	v3 =	vmul.f32 $3.200000000e+01, v3  }
0x44f: {  	v7 =	vld [tilespmem:s30+$0x12030];
	v4 =	vmul.f32 $3.200000000e+01, v4  }
0x450: {  	v6 =	vmul.f32 $3.200000000e+01, v6;
	v5 =	vadd.f32 v5, v3;
	v3 =	vld [tilespmem:s30+$0x12000]  }
0x451: {  	v63 =	vmul.f32 $3.200000000e+01, v8;
	v9 =	vadd.f32 v9, v4;
	v4 =	vld [tilespmem:s30+$0x16030]  }
0x452: {  	s31 =	simm.s32 $0x4;
	v8 =	vadd.f32 v10, v6;
	[tilespmem:s29+$0x12030] =	vst v5;
	v5 =	vld [tilespmem:s30+$0x12010]  }
0x453: {  	s14 =	simm.s32 $0x10;
	s6 =	simm.s32 $0x80;
	s0 =	simm.s32 $0x400;
	v6 =	vld [tilespmem:s30+$0x12020];
	[tilespmem:s29+$0x12000] =	vst v9;
	v9 =	vadd.f32 v11, v63  }
.LBB2_40:
0x454: {  	s7 =	sand.u32 $0x1C00, s0;
	s18 =	sand.u32 $0x380, s14;
	s31 =	sadd.s32 $0x4, s31;
	v10 =	vld [tilespmem:s30+$0x16000];
	v7 =	vmul.f32 $3.200000000e+01, v7;
	[tilespmem:s29+$0x12010] =	vst v8  }
0x455: {  	s22 =	sand.u32 $0x40, s6;
	s7 =	sor.u32 s18, s7;
	p0 =	slt.u32 s31, $0x1FC;
	v8 =	vmul.f32 $3.200000000e+01, v3;
	v11 =	vld [tilespmem:s30+$0x16010];
	[tilespmem:s29+$0x12020] =	vst v9  }
0x456: {  	s29 =	smov.u32 s30;
	v9 =	vld [tilespmem:s30+$0x16020];
	v4 =	vadd.f32 v4, v7;
	s30 =	sor.u32 s22, s7  }
.Ltmp19:
0x457: {  	v7 =	vld [tilespmem:s30+$0x12030];
	v12 =	vmul.f32 $3.200000000e+01, v5;
	(pc) =	sbr.rel @p0 .LBB2_40-.Ltmp19, $4  }
0x458: {  	v3 =	vld [tilespmem:s30+$0x12000];
	v13 =	vmul.f32 $3.200000000e+01, v6;
	[tilespmem:s29+$0x12030] =	vst v4  }
0x459: {  	v4 =	vld [tilespmem:s30+$0x16030];
	v10 =	vadd.f32 v10, v8  }
0x45a: {  	v5 =	vld [tilespmem:s30+$0x12010];
	v8 =	vadd.f32 v11, v12  }
0x45b: {  	s0 =	sadd.s32 $0x200, s0;
	s6 =	sadd.s32 $0x40, s6;
	s14 =	sadd.s32 $0x8, s14;
	v6 =	vld [tilespmem:s30+$0x12020];
	[tilespmem:s29+$0x12000] =	vst v10;
	v9 =	vadd.f32 v9, v13  }
0x45c: {  	v10 =	vld [tilespmem:s30+$0x16000]  }
0x45d: {  	v11 =	vld [tilespmem:s30+$0x16010]  }
0x45e: {  	v7 =	vmul.f32 $3.200000000e+01, v7;
	v12 =	vld [tilespmem:s30+$0x16020]  }
0x45f: {  	v3 =	vmul.f32 $3.200000000e+01, v3  }
0x460: {  	[tilespmem:s29+$0x12010] =	vst v8;
	v4 =	vadd.f32 v4, v7;
	v5 =	vmul.f32 $3.200000000e+01, v5  }
0x461: {  	[tilespmem:s29+$0x12020] =	vst v9;
	v6 =	vmul.f32 $3.200000000e+01, v6;
	v3 =	vadd.f32 v10, v3  }
0x462: {  	[tilespmem:s30+$0x12030] =	vst v4;
	v4 =	vadd.f32 v11, v5  }
0x463: {  	[tilespmem:s30+$0x12000] =	vst v3;
	v3 =	vadd.f32 v12, v6  }
0x464: {  	[tilespmem:s30+$0x12010] =	vst v4  }
0x465: {  	[tilespmem:s30+$0x12020] =	vst v3  }
0x466: {  	s6 =	sld [smem:$0x7F2];
	_ =	sdelay $0x1  }
0x467: {  	s0 =	simm.s32 $0x0  }
0x468: {  	[hbm4b:s6+s0] =	stream.linear.scatter [tilespmem:s4], [sflag:$0xA], $0x2000, $0x38;
	[tilespmem:$0x1C100] =	vst v63  }
0x469: {  	_ =	swait.ge [sflag:s24], $0x2000  }
0x46a: {  	[sflag:s24] =	ssyncset.done $0x0  }
0x46b: {  	[sflag:s24] =	ssyncadd.s32 $0xFFFFE000  }
0x46c: {  	_ =	swait.ge [sflag:s24], $0x2000  }
0x46d: {  	[sflag:s24] =	ssyncset.done $0x0  }
0x46e: {  	[sflag:s24] =	ssyncadd.s32 $0xFFFFE000  }
0x46f: {  	v3 =	vld [tilespmem:$0x1C070];
	_ =	sdelay $0x4  }
0x470: {  	v4 =	vshll.u32 v3, $0x3  }
0x471: {  	v3 =	vand.u32 $0x7, v3;
	v4 =	vand.u32 $0xFFFFFFC0, v4  }
0x472: {  	v3 =	vor.u32 v3, v4  }
0x473: {  	v4 =	vperm.xlane v3, v0;
	_ =	sdelay $0x1  }
0x474: {  	v4 =	vadd.s32 v1, v4;
	_ =	sdelay $0x3  }
0x475: {  	s22 =	simm.s32 $0xC000  }
0x476: {  	[tilespmem:s22], [sflag:$0x4] =	stream.indirect_vreg.gather [hbm4b:s1+s0], $0x80, v4, vm0, $0xb8;
	[tilespmem:$0x1C100] =	vst v63  }
0x477: {  	s7 =	simm.s32 $0xC800;
	v3 =	vperm.xlane v3, v2  }
0x478: {  	[tilespmem:s7], [sflag:$0x4] =	stream.indirect_vreg.gather [hbm4b:s9+s0], $0x80, v4, vm0, $0xb8;
	[tilespmem:$0x1C100] =	vst v63  }
0x479: {  	s14 =	simm.s32 $0xD000;
	v3 =	vadd.s32 v1, v3  }
0x47a: {  	[tilespmem:s14], [sflag:$0x4] =	stream.indirect_vreg.gather [hbm4b:s10+s0], $0x80, v4, vm0, $0xb8;
	[tilespmem:$0x1C100] =	vst v63  }
0x47b: {  	s18 =	simm.s32 $0xD800  }
0x47c: {  	[tilespmem:s18], [sflag:$0x4] =	stream.indirect_vreg.gather [hbm4b:s11+s0], $0x80, v4, vm0, $0xb8;
	[tilespmem:$0x1C100] =	vst v63  }
0x47d: {  	s22 =	simm.s32 $0xE000  }
0x47e: {  	[tilespmem:s22], [sflag:$0x4] =	stream.indirect_vreg.gather [hbm4b:s1+s0], $0x80, v3, vm0, $0xb8;
	[tilespmem:$0x1C100] =	vst v63  }
0x47f: {  	s7 =	simm.s32 $0xE800  }
0x480: {  	[tilespmem:s7], [sflag:$0x4] =	stream.indirect_vreg.gather [hbm4b:s9+s0], $0x80, v3, vm0, $0xb8;
	[tilespmem:$0x1C100] =	vst v63  }
0x481: {  	s14 =	simm.s32 $0xF000  }
0x482: {  	[tilespmem:s14], [sflag:$0x4] =	stream.indirect_vreg.gather [hbm4b:s10+s0], $0x80, v3, vm0, $0xb8;
	[tilespmem:$0x1C100] =	vst v63  }
0x483: {  	s18 =	simm.s32 $0xF800  }
0x484: {  	[tilespmem:s18], [sflag:$0x4] =	stream.indirect_vreg.gather [hbm4b:s11+s0], $0x80, v3, vm0, $0xb8;
	[tilespmem:$0x1C100] =	vst v63  }
0x485: {  	s22 =	sand.u32 $0x1C00, s0;
	s7 =	sand.u32 $0x380, s0;
	_ =	swait.ge [sflag:s16], $0x4000  }
0x486: {  	s6 =	sor.u32 s7, s22;
	s0 =	sand.u32 $0x40, s0;
	[sflag:s16] =	ssyncset.done $0x0  }
0x487: {  	s29 =	sor.u32 s0, s6;
	[sflag:s16] =	ssyncadd.s32 $0xFFFFC000  }
0x488: {  	v3 =	vld [tilespmem:s29+$0x30]  }
0x489: {  	v4 =	vld [tilespmem:s29+$0x0]  }
0x48a: {  	v5 =	vld [tilespmem:s29+$0x14030]  }
0x48b: {  	v6 =	vld [tilespmem:s29+$0x10]  }
0x48c: {  	s14 =	simm.s32 $0x8;
	s18 =	simm.s32 $0x200;
	v8 =	vld [tilespmem:s29+$0x20]  }
0x48d: {  	s22 =	simm.s32 $0x40;
	s6 =	sand.u32 $0x1C00, s18;
	s0 =	sand.u32 $0x380, s14;
	v9 =	vld [tilespmem:s29+$0x14000]  }
0x48e: {  	s7 =	sand.u32 $0x40, s22;
	s0 =	sor.u32 s0, s6;
	v10 =	vld [tilespmem:s29+$0x14010]  }
0x48f: {  	s30 =	sor.u32 s7, s0;
	v11 =	vld [tilespmem:s29+$0x14020];
	v3 =	vmul.f32 $3.200000000e+01, v3  }
0x490: {  	v7 =	vld [tilespmem:s30+$0x30];
	v4 =	vmul.f32 $3.200000000e+01, v4  }
0x491: {  	v6 =	vmul.f32 $3.200000000e+01, v6;
	v5 =	vadd.f32 v5, v3;
	v3 =	vld [tilespmem:s30+$0x0]  }
0x492: {  	v63 =	vmul.f32 $3.200000000e+01, v8;
	v9 =	vadd.f32 v9, v4;
	v4 =	vld [tilespmem:s30+$0x14030]  }
0x493: {  	s31 =	simm.s32 $0x4;
	v8 =	vadd.f32 v10, v6;
	[tilespmem:s29+$0x30] =	vst v5;
	v5 =	vld [tilespmem:s30+$0x10]  }
0x494: {  	s14 =	simm.s32 $0x80;
	s6 =	simm.s32 $0x400;
	s0 =	simm.s32 $0x10;
	v6 =	vld [tilespmem:s30+$0x20];
	[tilespmem:s29+$0x0] =	vst v9;
	v9 =	vadd.f32 v11, v63  }
.LBB2_42:
0x495: {  	s7 =	sand.u32 $0x1C00, s6;
	s18 =	sand.u32 $0x380, s0;
	s31 =	sadd.s32 $0x4, s31;
	v10 =	vld [tilespmem:s30+$0x14000];
	v7 =	vmul.f32 $3.200000000e+01, v7;
	[tilespmem:s29+$0x10] =	vst v8  }
0x496: {  	s22 =	sand.u32 $0x40, s14;
	s7 =	sor.u32 s18, s7;
	p0 =	slt.u32 s31, $0x1FC;
	v8 =	vmul.f32 $3.200000000e+01, v3;
	v11 =	vld [tilespmem:s30+$0x14010];
	[tilespmem:s29+$0x20] =	vst v9  }
0x497: {  	s29 =	smov.u32 s30;
	v9 =	vld [tilespmem:s30+$0x14020];
	v4 =	vadd.f32 v4, v7;
	s30 =	sor.u32 s22, s7  }
.Ltmp20:
0x498: {  	v7 =	vld [tilespmem:s30+$0x30];
	v12 =	vmul.f32 $3.200000000e+01, v5;
	(pc) =	sbr.rel @p0 .LBB2_42-.Ltmp20, $4  }
0x499: {  	v3 =	vld [tilespmem:s30+$0x0];
	v13 =	vmul.f32 $3.200000000e+01, v6;
	[tilespmem:s29+$0x30] =	vst v4  }
0x49a: {  	v4 =	vld [tilespmem:s30+$0x14030];
	v10 =	vadd.f32 v10, v8  }
0x49b: {  	v5 =	vld [tilespmem:s30+$0x10];
	v8 =	vadd.f32 v11, v12  }
0x49c: {  	s0 =	sadd.s32 $0x8, s0;
	s6 =	sadd.s32 $0x200, s6;
	s14 =	sadd.s32 $0x40, s14;
	v6 =	vld [tilespmem:s30+$0x20];
	[tilespmem:s29+$0x0] =	vst v10;
	v9 =	vadd.f32 v9, v13  }
0x49d: {  	v10 =	vld [tilespmem:s30+$0x14000]  }
0x49e: {  	v11 =	vld [tilespmem:s30+$0x14010]  }
0x49f: {  	v7 =	vmul.f32 $3.200000000e+01, v7;
	v12 =	vld [tilespmem:s30+$0x14020]  }
0x4a0: {  	v3 =	vmul.f32 $3.200000000e+01, v3  }
0x4a1: {  	[tilespmem:s29+$0x10] =	vst v8;
	v4 =	vadd.f32 v4, v7;
	v5 =	vmul.f32 $3.200000000e+01, v5  }
0x4a2: {  	[tilespmem:s29+$0x20] =	vst v9;
	v6 =	vmul.f32 $3.200000000e+01, v6;
	v3 =	vadd.f32 v10, v3  }
0x4a3: {  	[tilespmem:s30+$0x30] =	vst v4;
	v4 =	vadd.f32 v11, v5  }
0x4a4: {  	[tilespmem:s30+$0x0] =	vst v3;
	v3 =	vadd.f32 v12, v6  }
0x4a5: {  	[tilespmem:s30+$0x10] =	vst v4  }
0x4a6: {  	[tilespmem:s30+$0x20] =	vst v3  }
0x4a7: {  	s6 =	sld [smem:$0x7F3]  }
0x4a8: {  	s0 =	simm.s32 $0x0  }
0x4a9: {  	s22 =	sand.u32 $0x1C00, s0;
	s7 =	sand.u32 $0x380, s0  }
0x4aa: {  	[hbm4b:s6+s0] =	stream.linear.scatter [tilespmem:s0], [sflag:$0x6], $0x2000, $0x38;
	[tilespmem:$0x1C100] =	vst v63  }
0x4ab: {  	s0 =	sand.u32 $0x40, s0;
	s6 =	sor.u32 s7, s22  }
0x4ac: {  	s29 =	sor.u32 s0, s6  }
0x4ad: {  	v3 =	vld [tilespmem:s29+$0x2030]  }
0x4ae: {  	v4 =	vld [tilespmem:s29+$0x2000]  }
0x4af: {  	v5 =	vld [tilespmem:s29+$0x16030]  }
0x4b0: {  	v6 =	vld [tilespmem:s29+$0x2010]  }
0x4b1: {  	s14 =	simm.s32 $0x200;
	s18 =	simm.s32 $0x8;
	v8 =	vld [tilespmem:s29+$0x2020]  }
0x4b2: {  	s22 =	simm.s32 $0x40;
	s0 =	sand.u32 $0x1C00, s14;
	s6 =	sand.u32 $0x380, s18;
	v9 =	vld [tilespmem:s29+$0x16000]  }
0x4b3: {  	s7 =	sand.u32 $0x40, s22;
	s0 =	sor.u32 s6, s0;
	v10 =	vld [tilespmem:s29+$0x16010]  }
0x4b4: {  	v11 =	vld [tilespmem:s29+$0x16020];
	s30 =	sor.u32 s7, s0;
	v3 =	vmul.f32 $3.200000000e+01, v3  }
0x4b5: {  	v7 =	vld [tilespmem:s30+$0x2030];
	v4 =	vmul.f32 $3.200000000e+01, v4  }
0x4b6: {  	v6 =	vmul.f32 $3.200000000e+01, v6;
	v5 =	vadd.f32 v5, v3;
	v3 =	vld [tilespmem:s30+$0x2000]  }
0x4b7: {  	v63 =	vmul.f32 $3.200000000e+01, v8;
	v9 =	vadd.f32 v9, v4;
	v4 =	vld [tilespmem:s30+$0x16030]  }
0x4b8: {  	s31 =	simm.s32 $0x4;
	v8 =	vadd.f32 v10, v6;
	[tilespmem:s29+$0x2030] =	vst v5;
	v5 =	vld [tilespmem:s30+$0x2010]  }
0x4b9: {  	s14 =	simm.s32 $0x10;
	s6 =	simm.s32 $0x80;
	s0 =	simm.s32 $0x400;
	v6 =	vld [tilespmem:s30+$0x2020];
	[tilespmem:s29+$0x2000] =	vst v9;
	v9 =	vadd.f32 v11, v63  }
.LBB2_44:
0x4ba: {  	s7 =	sand.u32 $0x1C00, s0;
	s18 =	sand.u32 $0x380, s14;
	s31 =	sadd.s32 $0x4, s31;
	v10 =	vld [tilespmem:s30+$0x16000];
	v7 =	vmul.f32 $3.200000000e+01, v7;
	[tilespmem:s29+$0x2010] =	vst v8  }
0x4bb: {  	s22 =	sand.u32 $0x40, s6;
	s7 =	sor.u32 s18, s7;
	p0 =	slt.u32 s31, $0x1FC;
	v8 =	vmul.f32 $3.200000000e+01, v3;
	v11 =	vld [tilespmem:s30+$0x16010];
	[tilespmem:s29+$0x2020] =	vst v9  }
0x4bc: {  	s29 =	smov.u32 s30;
	v9 =	vld [tilespmem:s30+$0x16020];
	v4 =	vadd.f32 v4, v7;
	s30 =	sor.u32 s22, s7  }
.Ltmp21:
0x4bd: {  	v7 =	vld [tilespmem:s30+$0x2030];
	v12 =	vmul.f32 $3.200000000e+01, v5;
	(pc) =	sbr.rel @p0 .LBB2_44-.Ltmp21, $4  }
0x4be: {  	v3 =	vld [tilespmem:s30+$0x2000];
	v13 =	vmul.f32 $3.200000000e+01, v6;
	[tilespmem:s29+$0x2030] =	vst v4  }
0x4bf: {  	v4 =	vld [tilespmem:s30+$0x16030];
	v10 =	vadd.f32 v10, v8  }
0x4c0: {  	v5 =	vld [tilespmem:s30+$0x2010];
	v8 =	vadd.f32 v11, v12  }
0x4c1: {  	s0 =	sadd.s32 $0x200, s0;
	s6 =	sadd.s32 $0x40, s6;
	s14 =	sadd.s32 $0x8, s14;
	v6 =	vld [tilespmem:s30+$0x2020];
	[tilespmem:s29+$0x2000] =	vst v10;
	v9 =	vadd.f32 v9, v13  }
0x4c2: {  	v10 =	vld [tilespmem:s30+$0x16000]  }
0x4c3: {  	v11 =	vld [tilespmem:s30+$0x16010]  }
0x4c4: {  	v7 =	vmul.f32 $3.200000000e+01, v7;
	v12 =	vld [tilespmem:s30+$0x16020]  }
0x4c5: {  	v3 =	vmul.f32 $3.200000000e+01, v3  }
0x4c6: {  	[tilespmem:s29+$0x2010] =	vst v8;
	v4 =	vadd.f32 v4, v7;
	v5 =	vmul.f32 $3.200000000e+01, v5  }
0x4c7: {  	[tilespmem:s29+$0x2020] =	vst v9;
	v6 =	vmul.f32 $3.200000000e+01, v6;
	v3 =	vadd.f32 v10, v3  }
0x4c8: {  	[tilespmem:s30+$0x2030] =	vst v4;
	v4 =	vadd.f32 v11, v5  }
0x4c9: {  	[tilespmem:s30+$0x2000] =	vst v3;
	v3 =	vadd.f32 v12, v6  }
0x4ca: {  	[tilespmem:s30+$0x2010] =	vst v4  }
0x4cb: {  	[tilespmem:s30+$0x2020] =	vst v3  }
0x4cc: {  	s6 =	sld [smem:$0x7F4];
	_ =	sdelay $0x1  }
0x4cd: {  	s0 =	simm.s32 $0x0  }
0x4ce: {  	[hbm4b:s6+s0] =	stream.linear.scatter [tilespmem:s28], [sflag:$0x6], $0x2000, $0x38;
	[tilespmem:$0x1C100] =	vst v63  }
0x4cf: {  	_ =	swait.ge [sflag:s25], $0x2000  }
0x4d0: {  	[sflag:s25] =	ssyncset.done $0x0  }
0x4d1: {  	[sflag:s25] =	ssyncadd.s32 $0xFFFFE000  }
0x4d2: {  	_ =	swait.ge [sflag:s25], $0x2000  }
0x4d3: {  	[sflag:s25] =	ssyncset.done $0x0  }
0x4d4: {  	[sflag:s25] =	ssyncadd.s32 $0xFFFFE000  }
0x4d5: {  	v3 =	vld [tilespmem:$0x1C0B0];
	_ =	sdelay $0x4  }
0x4d6: {  	v4 =	vshll.u32 v3, $0x3  }
0x4d7: {  	v3 =	vand.u32 $0x7, v3;
	v4 =	vand.u32 $0xFFFFFFC0, v4  }
0x4d8: {  	v3 =	vor.u32 v3, v4  }
0x4d9: {  	v4 =	vperm.xlane v3, v0;
	_ =	sdelay $0x1  }
0x4da: {  	v4 =	vadd.s32 v1, v4;
	_ =	sdelay $0x4  }
0x4db: {  	[tilespmem:s19], [sflag:$0x5] =	stream.indirect_vreg.gather [hbm4b:s1+s0], $0x80, v4, vm0, $0xb8;
	[tilespmem:$0x1C100] =	vst v63  }
0x4dc: {  	s14 =	simm.s32 $0x10800;
	v3 =	vperm.xlane v3, v2  }
0x4dd: {  	[tilespmem:s14], [sflag:$0x5] =	stream.indirect_vreg.gather [hbm4b:s9+s0], $0x80, v4, vm0, $0xb8;
	[tilespmem:$0x1C100] =	vst v63  }
0x4de: {  	s18 =	simm.s32 $0x11000;
	v3 =	vadd.s32 v1, v3  }
0x4df: {  	[tilespmem:s18], [sflag:$0x5] =	stream.indirect_vreg.gather [hbm4b:s10+s0], $0x80, v4, vm0, $0xb8;
	[tilespmem:$0x1C100] =	vst v63  }
0x4e0: {  	s22 =	simm.s32 $0x11800  }
0x4e1: {  	[tilespmem:s22], [sflag:$0x5] =	stream.indirect_vreg.gather [hbm4b:s11+s0], $0x80, v4, vm0, $0xb8;
	[tilespmem:$0x1C100] =	vst v63  }
0x4e2: {  	_ = 	snop  }
0x4e3: {  	[tilespmem:s4], [sflag:$0x5] =	stream.indirect_vreg.gather [hbm4b:s1+s0], $0x80, v3, vm0, $0xb8;
	[tilespmem:$0x1C100] =	vst v63  }
0x4e4: {  	s7 =	simm.s32 $0x12800  }
0x4e5: {  	[tilespmem:s7], [sflag:$0x5] =	stream.indirect_vreg.gather [hbm4b:s9+s0], $0x80, v3, vm0, $0xb8;
	[tilespmem:$0x1C100] =	vst v63  }
0x4e6: {  	s14 =	simm.s32 $0x13000  }
0x4e7: {  	[tilespmem:s14], [sflag:$0x5] =	stream.indirect_vreg.gather [hbm4b:s10+s0], $0x80, v3, vm0, $0xb8;
	[tilespmem:$0x1C100] =	vst v63  }
0x4e8: {  	s18 =	simm.s32 $0x13800  }
0x4e9: {  	[tilespmem:s18], [sflag:$0x5] =	stream.indirect_vreg.gather [hbm4b:s11+s0], $0x80, v3, vm0, $0xb8;
	[tilespmem:$0x1C100] =	vst v63  }
0x4ea: {  	s22 =	sand.u32 $0x1C00, s0;
	s7 =	sand.u32 $0x380, s0;
	_ =	swait.ge [sflag:s15], $0x4000  }
0x4eb: {  	s6 =	sor.u32 s7, s22;
	s0 =	sand.u32 $0x40, s0;
	[sflag:s15] =	ssyncset.done $0x0  }
0x4ec: {  	s29 =	sor.u32 s0, s6;
	[sflag:s15] =	ssyncadd.s32 $0xFFFFC000  }
0x4ed: {  	v3 =	vld [tilespmem:s29+$0x4030]  }
0x4ee: {  	v4 =	vld [tilespmem:s29+$0x4000]  }
0x4ef: {  	v5 =	vld [tilespmem:s29+$0x14030]  }
0x4f0: {  	v6 =	vld [tilespmem:s29+$0x4010]  }
0x4f1: {  	s14 =	simm.s32 $0x8;
	s18 =	simm.s32 $0x200;
	v8 =	vld [tilespmem:s29+$0x4020]  }
0x4f2: {  	s22 =	simm.s32 $0x40;
	s6 =	sand.u32 $0x1C00, s18;
	s0 =	sand.u32 $0x380, s14;
	v9 =	vld [tilespmem:s29+$0x14000]  }
0x4f3: {  	s7 =	sand.u32 $0x40, s22;
	s0 =	sor.u32 s0, s6;
	v10 =	vld [tilespmem:s29+$0x14010]  }
0x4f4: {  	s30 =	sor.u32 s7, s0;
	v11 =	vld [tilespmem:s29+$0x14020];
	v3 =	vmul.f32 $3.200000000e+01, v3  }
0x4f5: {  	v7 =	vld [tilespmem:s30+$0x4030];
	v4 =	vmul.f32 $3.200000000e+01, v4  }
0x4f6: {  	v6 =	vmul.f32 $3.200000000e+01, v6;
	v5 =	vadd.f32 v5, v3;
	v3 =	vld [tilespmem:s30+$0x4000]  }
0x4f7: {  	v63 =	vmul.f32 $3.200000000e+01, v8;
	v9 =	vadd.f32 v9, v4;
	v4 =	vld [tilespmem:s30+$0x14030]  }
0x4f8: {  	s31 =	simm.s32 $0x4;
	v8 =	vadd.f32 v10, v6;
	[tilespmem:s29+$0x4030] =	vst v5;
	v5 =	vld [tilespmem:s30+$0x4010]  }
0x4f9: {  	s14 =	simm.s32 $0x80;
	s6 =	simm.s32 $0x400;
	s0 =	simm.s32 $0x10;
	v6 =	vld [tilespmem:s30+$0x4020];
	[tilespmem:s29+$0x4000] =	vst v9;
	v9 =	vadd.f32 v11, v63  }
.LBB2_46:
0x4fa: {  	s7 =	sand.u32 $0x1C00, s6;
	s18 =	sand.u32 $0x380, s0;
	s31 =	sadd.s32 $0x4, s31;
	v10 =	vld [tilespmem:s30+$0x14000];
	v7 =	vmul.f32 $3.200000000e+01, v7;
	[tilespmem:s29+$0x4010] =	vst v8  }
0x4fb: {  	s22 =	sand.u32 $0x40, s14;
	s7 =	sor.u32 s18, s7;
	p0 =	slt.u32 s31, $0x1FC;
	v8 =	vmul.f32 $3.200000000e+01, v3;
	v11 =	vld [tilespmem:s30+$0x14010];
	[tilespmem:s29+$0x4020] =	vst v9  }
0x4fc: {  	s29 =	smov.u32 s30;
	v9 =	vld [tilespmem:s30+$0x14020];
	v4 =	vadd.f32 v4, v7;
	s30 =	sor.u32 s22, s7  }
.Ltmp22:
0x4fd: {  	v7 =	vld [tilespmem:s30+$0x4030];
	v12 =	vmul.f32 $3.200000000e+01, v5;
	(pc) =	sbr.rel @p0 .LBB2_46-.Ltmp22, $4  }
0x4fe: {  	v3 =	vld [tilespmem:s30+$0x4000];
	v13 =	vmul.f32 $3.200000000e+01, v6;
	[tilespmem:s29+$0x4030] =	vst v4  }
0x4ff: {  	v4 =	vld [tilespmem:s30+$0x14030];
	v10 =	vadd.f32 v10, v8  }
0x500: {  	v5 =	vld [tilespmem:s30+$0x4010];
	v8 =	vadd.f32 v11, v12  }
0x501: {  	s0 =	sadd.s32 $0x8, s0;
	s6 =	sadd.s32 $0x200, s6;
	s14 =	sadd.s32 $0x40, s14;
	v6 =	vld [tilespmem:s30+$0x4020];
	[tilespmem:s29+$0x4000] =	vst v10;
	v9 =	vadd.f32 v9, v13  }
0x502: {  	v10 =	vld [tilespmem:s30+$0x14000]  }
0x503: {  	v11 =	vld [tilespmem:s30+$0x14010]  }
0x504: {  	v7 =	vmul.f32 $3.200000000e+01, v7;
	v12 =	vld [tilespmem:s30+$0x14020]  }
0x505: {  	v3 =	vmul.f32 $3.200000000e+01, v3  }
0x506: {  	[tilespmem:s29+$0x4010] =	vst v8;
	v4 =	vadd.f32 v4, v7;
	v5 =	vmul.f32 $3.200000000e+01, v5  }
0x507: {  	[tilespmem:s29+$0x4020] =	vst v9;
	v6 =	vmul.f32 $3.200000000e+01, v6;
	v3 =	vadd.f32 v10, v3  }
0x508: {  	[tilespmem:s30+$0x4030] =	vst v4;
	v4 =	vadd.f32 v11, v5  }
0x509: {  	[tilespmem:s30+$0x4000] =	vst v3;
	v3 =	vadd.f32 v12, v6  }
0x50a: {  	[tilespmem:s30+$0x4010] =	vst v4  }
0x50b: {  	[tilespmem:s30+$0x4020] =	vst v3  }
0x50c: {  	s6 =	sld [smem:$0x7F5]  }
0x50d: {  	s0 =	simm.s32 $0x0  }
0x50e: {  	s7 =	simm.s32 $0x4000;
	s18 =	sand.u32 $0x1C00, s0;
	s22 =	sand.u32 $0x380, s0  }
0x50f: {  	[hbm4b:s6+s0] =	stream.linear.scatter [tilespmem:s7], [sflag:$0x7], $0x2000, $0x38;
	[tilespmem:$0x1C100] =	vst v63  }
0x510: {  	s0 =	sand.u32 $0x40, s0;
	s6 =	sor.u32 s22, s18  }
0x511: {  	s29 =	sor.u32 s0, s6  }
0x512: {  	v3 =	vld [tilespmem:s29+$0x6030]  }
0x513: {  	v4 =	vld [tilespmem:s29+$0x6000]  }
0x514: {  	v5 =	vld [tilespmem:s29+$0x16030]  }
0x515: {  	v6 =	vld [tilespmem:s29+$0x6010]  }
0x516: {  	s14 =	simm.s32 $0x200;
	s18 =	simm.s32 $0x8;
	v8 =	vld [tilespmem:s29+$0x6020]  }
0x517: {  	s22 =	simm.s32 $0x40;
	s0 =	sand.u32 $0x1C00, s14;
	s6 =	sand.u32 $0x380, s18;
	v9 =	vld [tilespmem:s29+$0x16000]  }
0x518: {  	s7 =	sand.u32 $0x40, s22;
	s0 =	sor.u32 s6, s0;
	v10 =	vld [tilespmem:s29+$0x16010]  }
0x519: {  	v11 =	vld [tilespmem:s29+$0x16020];
	s30 =	sor.u32 s7, s0;
	v3 =	vmul.f32 $3.200000000e+01, v3  }
0x51a: {  	v7 =	vld [tilespmem:s30+$0x6030];
	v4 =	vmul.f32 $3.200000000e+01, v4  }
0x51b: {  	v6 =	vmul.f32 $3.200000000e+01, v6;
	v5 =	vadd.f32 v5, v3;
	v3 =	vld [tilespmem:s30+$0x6000]  }
0x51c: {  	v63 =	vmul.f32 $3.200000000e+01, v8;
	v9 =	vadd.f32 v9, v4;
	v4 =	vld [tilespmem:s30+$0x16030]  }
0x51d: {  	s31 =	simm.s32 $0x4;
	v8 =	vadd.f32 v10, v6;
	[tilespmem:s29+$0x6030] =	vst v5;
	v5 =	vld [tilespmem:s30+$0x6010]  }
0x51e: {  	s14 =	simm.s32 $0x10;
	s6 =	simm.s32 $0x80;
	s0 =	simm.s32 $0x400;
	v6 =	vld [tilespmem:s30+$0x6020];
	[tilespmem:s29+$0x6000] =	vst v9;
	v9 =	vadd.f32 v11, v63  }
.LBB2_48:
0x51f: {  	s7 =	sand.u32 $0x1C00, s0;
	s18 =	sand.u32 $0x380, s14;
	s31 =	sadd.s32 $0x4, s31;
	v10 =	vld [tilespmem:s30+$0x16000];
	v7 =	vmul.f32 $3.200000000e+01, v7;
	[tilespmem:s29+$0x6010] =	vst v8  }
0x520: {  	s22 =	sand.u32 $0x40, s6;
	s7 =	sor.u32 s18, s7;
	p0 =	slt.u32 s31, $0x1FC;
	v8 =	vmul.f32 $3.200000000e+01, v3;
	v11 =	vld [tilespmem:s30+$0x16010];
	[tilespmem:s29+$0x6020] =	vst v9  }
0x521: {  	s29 =	smov.u32 s30;
	v9 =	vld [tilespmem:s30+$0x16020];
	v4 =	vadd.f32 v4, v7;
	s30 =	sor.u32 s22, s7  }
.Ltmp23:
0x522: {  	v7 =	vld [tilespmem:s30+$0x6030];
	v12 =	vmul.f32 $3.200000000e+01, v5;
	(pc) =	sbr.rel @p0 .LBB2_48-.Ltmp23, $4  }
0x523: {  	v3 =	vld [tilespmem:s30+$0x6000];
	v13 =	vmul.f32 $3.200000000e+01, v6;
	[tilespmem:s29+$0x6030] =	vst v4  }
0x524: {  	v4 =	vld [tilespmem:s30+$0x16030];
	v10 =	vadd.f32 v10, v8  }
0x525: {  	v5 =	vld [tilespmem:s30+$0x6010];
	v8 =	vadd.f32 v11, v12  }
0x526: {  	s0 =	sadd.s32 $0x200, s0;
	s6 =	sadd.s32 $0x40, s6;
	s14 =	sadd.s32 $0x8, s14;
	v6 =	vld [tilespmem:s30+$0x6020];
	[tilespmem:s29+$0x6000] =	vst v10;
	v9 =	vadd.f32 v9, v13  }
0x527: {  	v10 =	vld [tilespmem:s30+$0x16000]  }
0x528: {  	v11 =	vld [tilespmem:s30+$0x16010]  }
0x529: {  	v7 =	vmul.f32 $3.200000000e+01, v7;
	v12 =	vld [tilespmem:s30+$0x16020]  }
0x52a: {  	v3 =	vmul.f32 $3.200000000e+01, v3  }
0x52b: {  	[tilespmem:s29+$0x6010] =	vst v8;
	v4 =	vadd.f32 v4, v7;
	v5 =	vmul.f32 $3.200000000e+01, v5  }
0x52c: {  	[tilespmem:s29+$0x6020] =	vst v9;
	v6 =	vmul.f32 $3.200000000e+01, v6;
	v3 =	vadd.f32 v10, v3  }
0x52d: {  	[tilespmem:s30+$0x6030] =	vst v4;
	v4 =	vadd.f32 v11, v5  }
0x52e: {  	[tilespmem:s30+$0x6000] =	vst v3;
	v3 =	vadd.f32 v12, v6  }
0x52f: {  	[tilespmem:s30+$0x6010] =	vst v4  }
0x530: {  	[tilespmem:s30+$0x6020] =	vst v3  }
0x531: {  	s6 =	sld [smem:$0x7F6];
	_ =	sdelay $0x1  }
0x532: {  	s0 =	simm.s32 $0x0;
	s7 =	simm.s32 $0x6000  }
0x533: {  	[hbm4b:s6+s0] =	stream.linear.scatter [tilespmem:s7], [sflag:$0x7], $0x2000, $0x38;
	[tilespmem:$0x1C100] =	vst v63  }
0x534: {  	_ =	swait.ge [sflag:s20], $0x2000  }
0x535: {  	[sflag:s20] =	ssyncset.done $0x0  }
0x536: {  	[sflag:s20] =	ssyncadd.s32 $0xFFFFE000  }
0x537: {  	_ =	swait.ge [sflag:s20], $0x2000  }
0x538: {  	[sflag:s20] =	ssyncset.done $0x0  }
0x539: {  	[sflag:s20] =	ssyncadd.s32 $0xFFFFE000  }
0x53a: {  	v3 =	vld [tilespmem:$0x1C0F0];
	_ =	sdelay $0x4  }
0x53b: {  	v4 =	vshll.u32 v3, $0x3  }
0x53c: {  	v3 =	vand.u32 $0x7, v3;
	v4 =	vand.u32 $0xFFFFFFC0, v4  }
0x53d: {  	v3 =	vor.u32 v3, v4  }
0x53e: {  	v4 =	vperm.xlane v3, v0;
	_ =	sdelay $0x1  }
0x53f: {  	v4 =	vadd.s32 v1, v4;
	_ =	sdelay $0x4  }
0x540: {  	[tilespmem:s0], [sflag:$0x1] =	stream.indirect_vreg.gather [hbm4b:s1+s0], $0x80, v4, vm0, $0xb8;
	[tilespmem:$0x1C100] =	vst v63  }
0x541: {  	s7 =	simm.s32 $0x800;
	v3 =	vperm.xlane v3, v2  }
0x542: {  	[tilespmem:s7], [sflag:$0x1] =	stream.indirect_vreg.gather [hbm4b:s9+s0], $0x80, v4, vm0, $0xb8;
	[tilespmem:$0x1C100] =	vst v63  }
0x543: {  	s14 =	simm.s32 $0x1000;
	v3 =	vadd.s32 v1, v3  }
0x544: {  	[tilespmem:s14], [sflag:$0x1] =	stream.indirect_vreg.gather [hbm4b:s10+s0], $0x80, v4, vm0, $0xb8;
	[tilespmem:$0x1C100] =	vst v63  }
0x545: {  	s18 =	simm.s32 $0x1800  }
0x546: {  	[tilespmem:s18], [sflag:$0x1] =	stream.indirect_vreg.gather [hbm4b:s11+s0], $0x80, v4, vm0, $0xb8;
	[tilespmem:$0x1C100] =	vst v63  }
0x547: {  	_ = 	snop  }
0x548: {  	[tilespmem:s28], [sflag:$0x1] =	stream.indirect_vreg.gather [hbm4b:s1+s0], $0x80, v3, vm0, $0xb8;
	[tilespmem:$0x1C100] =	vst v63  }
0x549: {  	s22 =	simm.s32 $0x2800  }
0x54a: {  	[tilespmem:s22], [sflag:$0x1] =	stream.indirect_vreg.gather [hbm4b:s9+s0], $0x80, v3, vm0, $0xb8;
	[tilespmem:$0x1C100] =	vst v63  }
0x54b: {  	s7 =	simm.s32 $0x3000  }
0x54c: {  	[tilespmem:s7], [sflag:$0x1] =	stream.indirect_vreg.gather [hbm4b:s10+s0], $0x80, v3, vm0, $0xb8;
	[tilespmem:$0x1C100] =	vst v63  }
0x54d: {  	s14 =	simm.s32 $0x3800  }
0x54e: {  	[tilespmem:s14], [sflag:$0x1] =	stream.indirect_vreg.gather [hbm4b:s11+s0], $0x80, v3, vm0, $0xb8;
	[tilespmem:$0x1C100] =	vst v63  }
0x54f: {  	_ =	swait.ge [sflag:s21], $0x4000  }
0x550: {  	[sflag:s21] =	ssyncset.done $0x0  }
0x551: {  	[sflag:s21] =	ssyncadd.s32 $0xFFFFC000  }
0x552: {  	s18 =	sand.u32 $0x1C00, s0;
	s22 =	sand.u32 $0x380, s0;
	_ =	swait.ge [sflag:s12], $0x4000  }
0x553: {  	s6 =	sor.u32 s22, s18;
	s0 =	sand.u32 $0x40, s0;
	[sflag:s12] =	ssyncset.done $0x0  }
0x554: {  	s29 =	sor.u32 s0, s6;
	[sflag:s12] =	ssyncadd.s32 $0xFFFFC000  }
0x555: {  	v3 =	vld [tilespmem:s29+$0x8030]  }
0x556: {  	v4 =	vld [tilespmem:s29+$0x8000]  }
0x557: {  	v5 =	vld [tilespmem:s29+$0x18030]  }
0x558: {  	v6 =	vld [tilespmem:s29+$0x8010]  }
0x559: {  	s18 =	simm.s32 $0x200;
	s14 =	simm.s32 $0x8;
	v8 =	vld [tilespmem:s29+$0x8020]  }
0x55a: {  	s22 =	simm.s32 $0x40;
	s6 =	sand.u32 $0x1C00, s18;
	s0 =	sand.u32 $0x380, s14;
	v9 =	vld [tilespmem:s29+$0x18000]  }
0x55b: {  	s7 =	sand.u32 $0x40, s22;
	s0 =	sor.u32 s0, s6;
	v10 =	vld [tilespmem:s29+$0x18010]  }
0x55c: {  	s30 =	sor.u32 s7, s0;
	v11 =	vld [tilespmem:s29+$0x18020];
	v3 =	vmul.f32 $3.200000000e+01, v3  }
0x55d: {  	v7 =	vld [tilespmem:s30+$0x8030];
	v4 =	vmul.f32 $3.200000000e+01, v4  }
0x55e: {  	v6 =	vmul.f32 $3.200000000e+01, v6;
	v5 =	vadd.f32 v5, v3;
	v3 =	vld [tilespmem:s30+$0x8000]  }
0x55f: {  	v63 =	vmul.f32 $3.200000000e+01, v8;
	v9 =	vadd.f32 v9, v4;
	v4 =	vld [tilespmem:s30+$0x18030]  }
0x560: {  	s31 =	simm.s32 $0x4;
	v8 =	vadd.f32 v10, v6;
	[tilespmem:s29+$0x8030] =	vst v5;
	v5 =	vld [tilespmem:s30+$0x8010]  }
0x561: {  	s14 =	simm.s32 $0x80;
	s6 =	simm.s32 $0x400;
	s0 =	simm.s32 $0x10;
	v6 =	vld [tilespmem:s30+$0x8020];
	[tilespmem:s29+$0x8000] =	vst v9;
	v9 =	vadd.f32 v11, v63  }
.LBB2_50:
0x562: {  	s7 =	sand.u32 $0x1C00, s6;
	s18 =	sand.u32 $0x380, s0;
	s31 =	sadd.s32 $0x4, s31;
	v10 =	vld [tilespmem:s30+$0x18000];
	v7 =	vmul.f32 $3.200000000e+01, v7;
	[tilespmem:s29+$0x8010] =	vst v8  }
0x563: {  	s22 =	sand.u32 $0x40, s14;
	s7 =	sor.u32 s18, s7;
	p0 =	slt.u32 s31, $0x1FC;
	v8 =	vmul.f32 $3.200000000e+01, v3;
	v11 =	vld [tilespmem:s30+$0x18010];
	[tilespmem:s29+$0x8020] =	vst v9  }
0x564: {  	s29 =	smov.u32 s30;
	v9 =	vld [tilespmem:s30+$0x18020];
	v4 =	vadd.f32 v4, v7;
	s30 =	sor.u32 s22, s7  }
.Ltmp24:
0x565: {  	v7 =	vld [tilespmem:s30+$0x8030];
	v12 =	vmul.f32 $3.200000000e+01, v5;
	(pc) =	sbr.rel @p0 .LBB2_50-.Ltmp24, $4  }
0x566: {  	v3 =	vld [tilespmem:s30+$0x8000];
	v13 =	vmul.f32 $3.200000000e+01, v6;
	[tilespmem:s29+$0x8030] =	vst v4  }
0x567: {  	v4 =	vld [tilespmem:s30+$0x18030];
	v10 =	vadd.f32 v10, v8  }
0x568: {  	v5 =	vld [tilespmem:s30+$0x8010];
	v8 =	vadd.f32 v11, v12  }
0x569: {  	s0 =	sadd.s32 $0x8, s0;
	s6 =	sadd.s32 $0x200, s6;
	s14 =	sadd.s32 $0x40, s14;
	v6 =	vld [tilespmem:s30+$0x8020];
	[tilespmem:s29+$0x8000] =	vst v10;
	v9 =	vadd.f32 v9, v13  }
0x56a: {  	v10 =	vld [tilespmem:s30+$0x18000]  }
0x56b: {  	v11 =	vld [tilespmem:s30+$0x18010]  }
0x56c: {  	v7 =	vmul.f32 $3.200000000e+01, v7;
	v12 =	vld [tilespmem:s30+$0x18020]  }
0x56d: {  	v3 =	vmul.f32 $3.200000000e+01, v3  }
0x56e: {  	[tilespmem:s29+$0x8010] =	vst v8;
	v4 =	vadd.f32 v4, v7;
	v5 =	vmul.f32 $3.200000000e+01, v5  }
0x56f: {  	[tilespmem:s29+$0x8020] =	vst v9;
	v6 =	vmul.f32 $3.200000000e+01, v6;
	v3 =	vadd.f32 v10, v3  }
0x570: {  	[tilespmem:s30+$0x8030] =	vst v4;
	v4 =	vadd.f32 v11, v5  }
0x571: {  	[tilespmem:s30+$0x8000] =	vst v3;
	v3 =	vadd.f32 v12, v6  }
0x572: {  	[tilespmem:s30+$0x8010] =	vst v4  }
0x573: {  	s0 =	simm.s32 $0x0;
	s7 =	simm.s32 $0x8000;
	[tilespmem:s30+$0x8020] =	vst v3  }
0x574: {  	s18 =	sand.u32 $0x1C00, s0;
	s22 =	sand.u32 $0x380, s0;
	s6 =	rddreg [dreg:$0x15]  }
0x575: {  	[hbm4b:s6+s0] =	stream.linear.scatter [tilespmem:s7], [sflag:$0x8], $0x2000, $0x38;
	[tilespmem:$0x1C100] =	vst v63  }
0x576: {  	s0 =	sand.u32 $0x40, s0;
	s6 =	sor.u32 s22, s18  }
0x577: {  	s29 =	sor.u32 s0, s6  }
0x578: {  	v3 =	vld [tilespmem:s29+$0xA030]  }
0x579: {  	v4 =	vld [tilespmem:s29+$0xA000]  }
0x57a: {  	v5 =	vld [tilespmem:s29+$0x1A030]  }
0x57b: {  	v6 =	vld [tilespmem:s29+$0xA010]  }
0x57c: {  	s14 =	simm.s32 $0x200;
	s18 =	simm.s32 $0x8;
	v8 =	vld [tilespmem:s29+$0xA020]  }
0x57d: {  	s22 =	simm.s32 $0x40;
	s0 =	sand.u32 $0x1C00, s14;
	s6 =	sand.u32 $0x380, s18;
	v9 =	vld [tilespmem:s29+$0x1A000]  }
0x57e: {  	s7 =	sand.u32 $0x40, s22;
	s0 =	sor.u32 s6, s0;
	v10 =	vld [tilespmem:s29+$0x1A010]  }
0x57f: {  	v11 =	vld [tilespmem:s29+$0x1A020];
	s30 =	sor.u32 s7, s0;
	v3 =	vmul.f32 $3.200000000e+01, v3  }
0x580: {  	v7 =	vld [tilespmem:s30+$0xA030];
	v4 =	vmul.f32 $3.200000000e+01, v4  }
0x581: {  	v6 =	vmul.f32 $3.200000000e+01, v6;
	v5 =	vadd.f32 v5, v3;
	v3 =	vld [tilespmem:s30+$0xA000]  }
0x582: {  	v63 =	vmul.f32 $3.200000000e+01, v8;
	v9 =	vadd.f32 v9, v4;
	v4 =	vld [tilespmem:s30+$0x1A030]  }
0x583: {  	s31 =	simm.s32 $0x4;
	v8 =	vadd.f32 v10, v6;
	[tilespmem:s29+$0xA030] =	vst v5;
	v5 =	vld [tilespmem:s30+$0xA010]  }
0x584: {  	s14 =	simm.s32 $0x10;
	s6 =	simm.s32 $0x80;
	s0 =	simm.s32 $0x400;
	v6 =	vld [tilespmem:s30+$0xA020];
	[tilespmem:s29+$0xA000] =	vst v9;
	v9 =	vadd.f32 v11, v63  }
.LBB2_52:
0x585: {  	s7 =	sand.u32 $0x1C00, s0;
	s18 =	sand.u32 $0x380, s14;
	s31 =	sadd.s32 $0x4, s31;
	v10 =	vld [tilespmem:s30+$0x1A000];
	v7 =	vmul.f32 $3.200000000e+01, v7;
	[tilespmem:s29+$0xA010] =	vst v8  }
0x586: {  	s22 =	sand.u32 $0x40, s6;
	s7 =	sor.u32 s18, s7;
	p0 =	slt.u32 s31, $0x1FC;
	v8 =	vmul.f32 $3.200000000e+01, v3;
	v11 =	vld [tilespmem:s30+$0x1A010];
	[tilespmem:s29+$0xA020] =	vst v9  }
0x587: {  	s29 =	smov.u32 s30;
	v9 =	vld [tilespmem:s30+$0x1A020];
	v4 =	vadd.f32 v4, v7;
	s30 =	sor.u32 s22, s7  }
.Ltmp25:
0x588: {  	v7 =	vld [tilespmem:s30+$0xA030];
	v12 =	vmul.f32 $3.200000000e+01, v5;
	(pc) =	sbr.rel @p0 .LBB2_52-.Ltmp25, $4  }
0x589: {  	v3 =	vld [tilespmem:s30+$0xA000];
	v13 =	vmul.f32 $3.200000000e+01, v6;
	[tilespmem:s29+$0xA030] =	vst v4  }
0x58a: {  	v4 =	vld [tilespmem:s30+$0x1A030];
	v10 =	vadd.f32 v10, v8  }
0x58b: {  	v5 =	vld [tilespmem:s30+$0xA010];
	v8 =	vadd.f32 v11, v12  }
0x58c: {  	s0 =	sadd.s32 $0x200, s0;
	s6 =	sadd.s32 $0x40, s6;
	s14 =	sadd.s32 $0x8, s14;
	v6 =	vld [tilespmem:s30+$0xA020];
	[tilespmem:s29+$0xA000] =	vst v10;
	v9 =	vadd.f32 v9, v13  }
0x58d: {  	v10 =	vld [tilespmem:s30+$0x1A000]  }
0x58e: {  	v11 =	vld [tilespmem:s30+$0x1A010]  }
0x58f: {  	v7 =	vmul.f32 $3.200000000e+01, v7;
	v12 =	vld [tilespmem:s30+$0x1A020]  }
0x590: {  	v3 =	vmul.f32 $3.200000000e+01, v3  }
0x591: {  	[tilespmem:s29+$0xA010] =	vst v8;
	v4 =	vadd.f32 v4, v7;
	v5 =	vmul.f32 $3.200000000e+01, v5  }
0x592: {  	[tilespmem:s29+$0xA020] =	vst v9;
	v6 =	vmul.f32 $3.200000000e+01, v6;
	v3 =	vadd.f32 v10, v3  }
0x593: {  	[tilespmem:s30+$0xA030] =	vst v4;
	v4 =	vadd.f32 v11, v5  }
0x594: {  	[tilespmem:s30+$0xA000] =	vst v3;
	v3 =	vadd.f32 v12, v6  }
0x595: {  	[tilespmem:s30+$0xA010] =	vst v4  }
0x596: {  	[tilespmem:s30+$0xA020] =	vst v3  }
0x597: {  	s6 =	sld [smem:$0x7F7];
	_ =	sdelay $0x1  }
0x598: {  	s0 =	simm.s32 $0x0;
	s7 =	simm.s32 $0xA000  }
0x599: {  	[hbm4b:s6+s0] =	stream.linear.scatter [tilespmem:s7], [sflag:$0x8], $0x2000, $0x38;
	[tilespmem:$0x1C100] =	vst v63  }
0x59a: {  	s18 =	sand.u32 $0x1C00, s0;
	s22 =	sand.u32 $0x380, s0;
	_ =	swait.ge [sflag:s5], $0x4000  }
0x59b: {  	s0 =	sand.u32 $0x40, s0;
	s6 =	sor.u32 s22, s18;
	[sflag:s5] =	ssyncset.done $0x0  }
0x59c: {  	s29 =	sor.u32 s0, s6;
	[sflag:s5] =	ssyncadd.s32 $0xFFFFC000  }
0x59d: {  	v3 =	vld [tilespmem:s29+$0xC030]  }
0x59e: {  	v4 =	vld [tilespmem:s29+$0xC000]  }
0x59f: {  	v5 =	vld [tilespmem:s29+$0x18030]  }
0x5a0: {  	v6 =	vld [tilespmem:s29+$0xC010]  }
0x5a1: {  	s14 =	simm.s32 $0x8;
	s18 =	simm.s32 $0x200;
	v8 =	vld [tilespmem:s29+$0xC020]  }
0x5a2: {  	s22 =	simm.s32 $0x40;
	s6 =	sand.u32 $0x1C00, s18;
	s0 =	sand.u32 $0x380, s14;
	v9 =	vld [tilespmem:s29+$0x18000]  }
0x5a3: {  	s7 =	sand.u32 $0x40, s22;
	s0 =	sor.u32 s0, s6;
	v10 =	vld [tilespmem:s29+$0x18010]  }
0x5a4: {  	s30 =	sor.u32 s7, s0;
	v11 =	vld [tilespmem:s29+$0x18020];
	v3 =	vmul.f32 $3.200000000e+01, v3  }
0x5a5: {  	v7 =	vld [tilespmem:s30+$0xC030];
	v4 =	vmul.f32 $3.200000000e+01, v4  }
0x5a6: {  	v6 =	vmul.f32 $3.200000000e+01, v6;
	v5 =	vadd.f32 v5, v3;
	v3 =	vld [tilespmem:s30+$0xC000]  }
0x5a7: {  	v63 =	vmul.f32 $3.200000000e+01, v8;
	v9 =	vadd.f32 v9, v4;
	v4 =	vld [tilespmem:s30+$0x18030]  }
0x5a8: {  	s31 =	simm.s32 $0x4;
	v8 =	vadd.f32 v10, v6;
	[tilespmem:s29+$0xC030] =	vst v5;
	v5 =	vld [tilespmem:s30+$0xC010]  }
0x5a9: {  	s14 =	simm.s32 $0x80;
	s6 =	simm.s32 $0x400;
	s0 =	simm.s32 $0x10;
	v6 =	vld [tilespmem:s30+$0xC020];
	[tilespmem:s29+$0xC000] =	vst v9;
	v9 =	vadd.f32 v11, v63  }
.LBB2_54:
0x5aa: {  	s7 =	sand.u32 $0x1C00, s6;
	s18 =	sand.u32 $0x380, s0;
	s31 =	sadd.s32 $0x4, s31;
	v10 =	vld [tilespmem:s30+$0x18000];
	v7 =	vmul.f32 $3.200000000e+01, v7;
	[tilespmem:s29+$0xC010] =	vst v8  }
0x5ab: {  	s22 =	sand.u32 $0x40, s14;
	s7 =	sor.u32 s18, s7;
	p0 =	slt.u32 s31, $0x1FC;
	v8 =	vmul.f32 $3.200000000e+01, v3;
	v11 =	vld [tilespmem:s30+$0x18010];
	[tilespmem:s29+$0xC020] =	vst v9  }
0x5ac: {  	s29 =	smov.u32 s30;
	v9 =	vld [tilespmem:s30+$0x18020];
	v4 =	vadd.f32 v4, v7;
	s30 =	sor.u32 s22, s7  }
.Ltmp26:
0x5ad: {  	v7 =	vld [tilespmem:s30+$0xC030];
	v12 =	vmul.f32 $3.200000000e+01, v5;
	(pc) =	sbr.rel @p0 .LBB2_54-.Ltmp26, $4  }
0x5ae: {  	v3 =	vld [tilespmem:s30+$0xC000];
	v13 =	vmul.f32 $3.200000000e+01, v6;
	[tilespmem:s29+$0xC030] =	vst v4  }
0x5af: {  	v4 =	vld [tilespmem:s30+$0x18030];
	v10 =	vadd.f32 v10, v8  }
0x5b0: {  	v5 =	vld [tilespmem:s30+$0xC010];
	v8 =	vadd.f32 v11, v12  }
0x5b1: {  	s0 =	sadd.s32 $0x8, s0;
	s6 =	sadd.s32 $0x200, s6;
	s14 =	sadd.s32 $0x40, s14;
	v6 =	vld [tilespmem:s30+$0xC020];
	[tilespmem:s29+$0xC000] =	vst v10;
	v9 =	vadd.f32 v9, v13  }
0x5b2: {  	v10 =	vld [tilespmem:s30+$0x18000]  }
0x5b3: {  	v11 =	vld [tilespmem:s30+$0x18010]  }
0x5b4: {  	v7 =	vmul.f32 $3.200000000e+01, v7;
	v12 =	vld [tilespmem:s30+$0x18020]  }
0x5b5: {  	v3 =	vmul.f32 $3.200000000e+01, v3  }
0x5b6: {  	[tilespmem:s29+$0xC010] =	vst v8;
	v4 =	vadd.f32 v4, v7;
	v5 =	vmul.f32 $3.200000000e+01, v5  }
0x5b7: {  	[tilespmem:s29+$0xC020] =	vst v9;
	v6 =	vmul.f32 $3.200000000e+01, v6;
	v3 =	vadd.f32 v10, v3  }
0x5b8: {  	[tilespmem:s30+$0xC030] =	vst v4;
	v4 =	vadd.f32 v11, v5  }
0x5b9: {  	[tilespmem:s30+$0xC000] =	vst v3;
	v3 =	vadd.f32 v12, v6  }
0x5ba: {  	[tilespmem:s30+$0xC010] =	vst v4  }
0x5bb: {  	[tilespmem:s30+$0xC020] =	vst v3  }
0x5bc: {  	s6 =	sld [smem:$0x7F8]  }
0x5bd: {  	s0 =	simm.s32 $0x0  }
0x5be: {  	s7 =	simm.s32 $0xC000;
	s18 =	sand.u32 $0x1C00, s0;
	s22 =	sand.u32 $0x380, s0  }
0x5bf: {  	[hbm4b:s6+s0] =	stream.linear.scatter [tilespmem:s7], [sflag:$0x9], $0x2000, $0x38;
	[tilespmem:$0x1C100] =	vst v63  }
0x5c0: {  	s0 =	sand.u32 $0x40, s0;
	s6 =	sor.u32 s22, s18  }
0x5c1: {  	s29 =	sor.u32 s0, s6  }
0x5c2: {  	v3 =	vld [tilespmem:s29+$0xE030]  }
0x5c3: {  	v4 =	vld [tilespmem:s29+$0xE000]  }
0x5c4: {  	v5 =	vld [tilespmem:s29+$0x1A030]  }
0x5c5: {  	v6 =	vld [tilespmem:s29+$0xE010]  }
0x5c6: {  	s14 =	simm.s32 $0x200;
	s18 =	simm.s32 $0x8;
	v8 =	vld [tilespmem:s29+$0xE020]  }
0x5c7: {  	s22 =	simm.s32 $0x40;
	s0 =	sand.u32 $0x1C00, s14;
	s6 =	sand.u32 $0x380, s18;
	v9 =	vld [tilespmem:s29+$0x1A000]  }
0x5c8: {  	s7 =	sand.u32 $0x40, s22;
	s0 =	sor.u32 s6, s0;
	v10 =	vld [tilespmem:s29+$0x1A010]  }
0x5c9: {  	v11 =	vld [tilespmem:s29+$0x1A020];
	s30 =	sor.u32 s7, s0;
	v3 =	vmul.f32 $3.200000000e+01, v3  }
0x5ca: {  	v7 =	vld [tilespmem:s30+$0xE030];
	v4 =	vmul.f32 $3.200000000e+01, v4  }
0x5cb: {  	v6 =	vmul.f32 $3.200000000e+01, v6;
	v5 =	vadd.f32 v5, v3;
	v3 =	vld [tilespmem:s30+$0xE000]  }
0x5cc: {  	v63 =	vmul.f32 $3.200000000e+01, v8;
	v9 =	vadd.f32 v9, v4;
	v4 =	vld [tilespmem:s30+$0x1A030]  }
0x5cd: {  	s31 =	simm.s32 $0x4;
	v8 =	vadd.f32 v10, v6;
	[tilespmem:s29+$0xE030] =	vst v5;
	v5 =	vld [tilespmem:s30+$0xE010]  }
0x5ce: {  	s14 =	simm.s32 $0x10;
	s6 =	simm.s32 $0x80;
	s0 =	simm.s32 $0x400;
	v6 =	vld [tilespmem:s30+$0xE020];
	[tilespmem:s29+$0xE000] =	vst v9;
	v9 =	vadd.f32 v11, v63  }
.LBB2_56:
0x5cf: {  	s7 =	sand.u32 $0x1C00, s0;
	s18 =	sand.u32 $0x380, s14;
	s31 =	sadd.s32 $0x4, s31;
	v10 =	vld [tilespmem:s30+$0x1A000];
	v7 =	vmul.f32 $3.200000000e+01, v7;
	[tilespmem:s29+$0xE010] =	vst v8  }
0x5d0: {  	s22 =	sand.u32 $0x40, s6;
	s7 =	sor.u32 s18, s7;
	p0 =	slt.u32 s31, $0x1FC;
	v8 =	vmul.f32 $3.200000000e+01, v3;
	v11 =	vld [tilespmem:s30+$0x1A010];
	[tilespmem:s29+$0xE020] =	vst v9  }
0x5d1: {  	s29 =	smov.u32 s30;
	v9 =	vld [tilespmem:s30+$0x1A020];
	v4 =	vadd.f32 v4, v7;
	s30 =	sor.u32 s22, s7  }
.Ltmp27:
0x5d2: {  	v7 =	vld [tilespmem:s30+$0xE030];
	v12 =	vmul.f32 $3.200000000e+01, v5;
	(pc) =	sbr.rel @p0 .LBB2_56-.Ltmp27, $4  }
0x5d3: {  	v3 =	vld [tilespmem:s30+$0xE000];
	v13 =	vmul.f32 $3.200000000e+01, v6;
	[tilespmem:s29+$0xE030] =	vst v4  }
0x5d4: {  	v4 =	vld [tilespmem:s30+$0x1A030];
	v10 =	vadd.f32 v10, v8  }
0x5d5: {  	v5 =	vld [tilespmem:s30+$0xE010];
	v8 =	vadd.f32 v11, v12  }
0x5d6: {  	s0 =	sadd.s32 $0x200, s0;
	s6 =	sadd.s32 $0x40, s6;
	s14 =	sadd.s32 $0x8, s14;
	v6 =	vld [tilespmem:s30+$0xE020];
	[tilespmem:s29+$0xE000] =	vst v10;
	v9 =	vadd.f32 v9, v13  }
0x5d7: {  	v10 =	vld [tilespmem:s30+$0x1A000]  }
0x5d8: {  	v11 =	vld [tilespmem:s30+$0x1A010]  }
0x5d9: {  	v7 =	vmul.f32 $3.200000000e+01, v7;
	v12 =	vld [tilespmem:s30+$0x1A020]  }
0x5da: {  	v3 =	vmul.f32 $3.200000000e+01, v3  }
0x5db: {  	[tilespmem:s29+$0xE010] =	vst v8;
	v4 =	vadd.f32 v4, v7;
	v5 =	vmul.f32 $3.200000000e+01, v5  }
0x5dc: {  	[tilespmem:s29+$0xE020] =	vst v9;
	v6 =	vmul.f32 $3.200000000e+01, v6;
	v3 =	vadd.f32 v10, v3  }
0x5dd: {  	[tilespmem:s30+$0xE030] =	vst v4;
	v4 =	vadd.f32 v11, v5  }
0x5de: {  	[tilespmem:s30+$0xE000] =	vst v3;
	v3 =	vadd.f32 v12, v6  }
0x5df: {  	[tilespmem:s30+$0xE010] =	vst v4  }
0x5e0: {  	[tilespmem:s30+$0xE020] =	vst v3  }
0x5e1: {  	s6 =	sld [smem:$0x7F9];
	_ =	sdelay $0x1  }
0x5e2: {  	s0 =	simm.s32 $0x0;
	s7 =	simm.s32 $0xE000  }
0x5e3: {  	[hbm4b:s6+s0] =	stream.linear.scatter [tilespmem:s7], [sflag:$0x9], $0x2000, $0x38;
	[tilespmem:$0x1C100] =	vst v63  }
0x5e4: {  	s18 =	sand.u32 $0x1C00, s0;
	s22 =	sand.u32 $0x380, s0;
	_ =	swait.ge [sflag:s13], $0x4000  }
0x5e5: {  	s0 =	sand.u32 $0x40, s0;
	s6 =	sor.u32 s22, s18;
	[sflag:s13] =	ssyncset.done $0x0  }
0x5e6: {  	s29 =	sor.u32 s0, s6;
	[sflag:s13] =	ssyncadd.s32 $0xFFFFC000  }
0x5e7: {  	v3 =	vld [tilespmem:s29+$0x10030]  }
0x5e8: {  	v4 =	vld [tilespmem:s29+$0x10000]  }
0x5e9: {  	v5 =	vld [tilespmem:s29+$0x18030]  }
0x5ea: {  	v6 =	vld [tilespmem:s29+$0x10010]  }
0x5eb: {  	s14 =	simm.s32 $0x8;
	s18 =	simm.s32 $0x200;
	v8 =	vld [tilespmem:s29+$0x10020]  }
0x5ec: {  	s22 =	simm.s32 $0x40;
	s6 =	sand.u32 $0x1C00, s18;
	s0 =	sand.u32 $0x380, s14;
	v9 =	vld [tilespmem:s29+$0x18000]  }
0x5ed: {  	s7 =	sand.u32 $0x40, s22;
	s0 =	sor.u32 s0, s6;
	v10 =	vld [tilespmem:s29+$0x18010]  }
0x5ee: {  	s30 =	sor.u32 s7, s0;
	v11 =	vld [tilespmem:s29+$0x18020];
	v3 =	vmul.f32 $3.200000000e+01, v3  }
0x5ef: {  	v7 =	vld [tilespmem:s30+$0x10030];
	v4 =	vmul.f32 $3.200000000e+01, v4  }
0x5f0: {  	v6 =	vmul.f32 $3.200000000e+01, v6;
	v5 =	vadd.f32 v5, v3;
	v3 =	vld [tilespmem:s30+$0x10000]  }
0x5f1: {  	v63 =	vmul.f32 $3.200000000e+01, v8;
	v9 =	vadd.f32 v9, v4;
	v4 =	vld [tilespmem:s30+$0x18030]  }
0x5f2: {  	s31 =	simm.s32 $0x4;
	v8 =	vadd.f32 v10, v6;
	[tilespmem:s29+$0x10030] =	vst v5;
	v5 =	vld [tilespmem:s30+$0x10010]  }
0x5f3: {  	s14 =	simm.s32 $0x80;
	s6 =	simm.s32 $0x400;
	s0 =	simm.s32 $0x10;
	v6 =	vld [tilespmem:s30+$0x10020];
	[tilespmem:s29+$0x10000] =	vst v9;
	v9 =	vadd.f32 v11, v63  }
.LBB2_58:
0x5f4: {  	s7 =	sand.u32 $0x1C00, s6;
	s18 =	sand.u32 $0x380, s0;
	s31 =	sadd.s32 $0x4, s31;
	v10 =	vld [tilespmem:s30+$0x18000];
	v7 =	vmul.f32 $3.200000000e+01, v7;
	[tilespmem:s29+$0x10010] =	vst v8  }
0x5f5: {  	s22 =	sand.u32 $0x40, s14;
	s7 =	sor.u32 s18, s7;
	p0 =	slt.u32 s31, $0x1FC;
	v8 =	vmul.f32 $3.200000000e+01, v3;
	v11 =	vld [tilespmem:s30+$0x18010];
	[tilespmem:s29+$0x10020] =	vst v9  }
0x5f6: {  	s29 =	smov.u32 s30;
	v9 =	vld [tilespmem:s30+$0x18020];
	v4 =	vadd.f32 v4, v7;
	s30 =	sor.u32 s22, s7  }
.Ltmp28:
0x5f7: {  	v7 =	vld [tilespmem:s30+$0x10030];
	v12 =	vmul.f32 $3.200000000e+01, v5;
	(pc) =	sbr.rel @p0 .LBB2_58-.Ltmp28, $4  }
0x5f8: {  	v3 =	vld [tilespmem:s30+$0x10000];
	v13 =	vmul.f32 $3.200000000e+01, v6;
	[tilespmem:s29+$0x10030] =	vst v4  }
0x5f9: {  	v4 =	vld [tilespmem:s30+$0x18030];
	v10 =	vadd.f32 v10, v8  }
0x5fa: {  	v5 =	vld [tilespmem:s30+$0x10010];
	v8 =	vadd.f32 v11, v12  }
0x5fb: {  	s0 =	sadd.s32 $0x8, s0;
	s6 =	sadd.s32 $0x200, s6;
	s14 =	sadd.s32 $0x40, s14;
	v6 =	vld [tilespmem:s30+$0x10020];
	[tilespmem:s29+$0x10000] =	vst v10;
	v9 =	vadd.f32 v9, v13  }
0x5fc: {  	v10 =	vld [tilespmem:s30+$0x18000]  }
0x5fd: {  	v11 =	vld [tilespmem:s30+$0x18010]  }
0x5fe: {  	v7 =	vmul.f32 $3.200000000e+01, v7;
	v12 =	vld [tilespmem:s30+$0x18020]  }
0x5ff: {  	v3 =	vmul.f32 $3.200000000e+01, v3  }
0x600: {  	[tilespmem:s29+$0x10010] =	vst v8;
	v4 =	vadd.f32 v4, v7;
	v5 =	vmul.f32 $3.200000000e+01, v5  }
0x601: {  	[tilespmem:s29+$0x10020] =	vst v9;
	v6 =	vmul.f32 $3.200000000e+01, v6;
	v3 =	vadd.f32 v10, v3  }
0x602: {  	[tilespmem:s30+$0x10030] =	vst v4;
	v4 =	vadd.f32 v11, v5  }
0x603: {  	[tilespmem:s30+$0x10000] =	vst v3;
	v3 =	vadd.f32 v12, v6  }
0x604: {  	[tilespmem:s30+$0x10010] =	vst v4  }
0x605: {  	[tilespmem:s30+$0x10020] =	vst v3  }
0x606: {  	s6 =	sld [smem:$0x7FA]  }
0x607: {  	s0 =	simm.s32 $0x0  }
0x608: {  	s22 =	sand.u32 $0x1C00, s0;
	s7 =	sand.u32 $0x380, s0  }
0x609: {  	[hbm4b:s6+s0] =	stream.linear.scatter [tilespmem:s19], [sflag:$0xA], $0x2000, $0x38;
	[tilespmem:$0x1C100] =	vst v63  }
0x60a: {  	s0 =	sand.u32 $0x40, s0;
	s6 =	sor.u32 s7, s22  }
0x60b: {  	s29 =	sor.u32 s0, s6  }
0x60c: {  	v3 =	vld [tilespmem:s29+$0x12030]  }
0x60d: {  	v4 =	vld [tilespmem:s29+$0x12000]  }
0x60e: {  	v5 =	vld [tilespmem:s29+$0x1A030]  }
0x60f: {  	v6 =	vld [tilespmem:s29+$0x12010]  }
0x610: {  	s14 =	simm.s32 $0x200;
	s18 =	simm.s32 $0x8;
	v8 =	vld [tilespmem:s29+$0x12020]  }
0x611: {  	s22 =	simm.s32 $0x40;
	s0 =	sand.u32 $0x1C00, s14;
	s6 =	sand.u32 $0x380, s18;
	v9 =	vld [tilespmem:s29+$0x1A000]  }
0x612: {  	s7 =	sand.u32 $0x40, s22;
	s0 =	sor.u32 s6, s0;
	v10 =	vld [tilespmem:s29+$0x1A010]  }
0x613: {  	v11 =	vld [tilespmem:s29+$0x1A020];
	s30 =	sor.u32 s7, s0;
	v3 =	vmul.f32 $3.200000000e+01, v3  }
0x614: {  	v7 =	vld [tilespmem:s30+$0x12030];
	v4 =	vmul.f32 $3.200000000e+01, v4  }
0x615: {  	v6 =	vmul.f32 $3.200000000e+01, v6;
	v5 =	vadd.f32 v5, v3;
	v3 =	vld [tilespmem:s30+$0x12000]  }
0x616: {  	v63 =	vmul.f32 $3.200000000e+01, v8;
	v9 =	vadd.f32 v9, v4;
	v4 =	vld [tilespmem:s30+$0x1A030]  }
0x617: {  	s31 =	simm.s32 $0x4;
	v8 =	vadd.f32 v10, v6;
	[tilespmem:s29+$0x12030] =	vst v5;
	v5 =	vld [tilespmem:s30+$0x12010]  }
0x618: {  	s14 =	simm.s32 $0x10;
	s6 =	simm.s32 $0x80;
	s0 =	simm.s32 $0x400;
	v6 =	vld [tilespmem:s30+$0x12020];
	[tilespmem:s29+$0x12000] =	vst v9;
	v9 =	vadd.f32 v11, v63  }
.LBB2_60:
0x619: {  	s7 =	sand.u32 $0x1C00, s0;
	s18 =	sand.u32 $0x380, s14;
	s31 =	sadd.s32 $0x4, s31;
	v10 =	vld [tilespmem:s30+$0x1A000];
	v7 =	vmul.f32 $3.200000000e+01, v7;
	[tilespmem:s29+$0x12010] =	vst v8  }
0x61a: {  	s22 =	sand.u32 $0x40, s6;
	s7 =	sor.u32 s18, s7;
	p0 =	slt.u32 s31, $0x1FC;
	v8 =	vmul.f32 $3.200000000e+01, v3;
	v11 =	vld [tilespmem:s30+$0x1A010];
	[tilespmem:s29+$0x12020] =	vst v9  }
0x61b: {  	s29 =	smov.u32 s30;
	v9 =	vld [tilespmem:s30+$0x1A020];
	v4 =	vadd.f32 v4, v7;
	s30 =	sor.u32 s22, s7  }
.Ltmp29:
0x61c: {  	v7 =	vld [tilespmem:s30+$0x12030];
	v12 =	vmul.f32 $3.200000000e+01, v5;
	(pc) =	sbr.rel @p0 .LBB2_60-.Ltmp29, $4  }
0x61d: {  	v3 =	vld [tilespmem:s30+$0x12000];
	v13 =	vmul.f32 $3.200000000e+01, v6;
	[tilespmem:s29+$0x12030] =	vst v4  }
0x61e: {  	v4 =	vld [tilespmem:s30+$0x1A030];
	v10 =	vadd.f32 v10, v8  }
0x61f: {  	v5 =	vld [tilespmem:s30+$0x12010];
	v8 =	vadd.f32 v11, v12  }
0x620: {  	s0 =	sadd.s32 $0x200, s0;
	s6 =	sadd.s32 $0x40, s6;
	s14 =	sadd.s32 $0x8, s14;
	v6 =	vld [tilespmem:s30+$0x12020];
	[tilespmem:s29+$0x12000] =	vst v10;
	v9 =	vadd.f32 v9, v13  }
0x621: {  	v10 =	vld [tilespmem:s30+$0x1A000]  }
0x622: {  	v11 =	vld [tilespmem:s30+$0x1A010]  }
0x623: {  	v7 =	vmul.f32 $3.200000000e+01, v7;
	v12 =	vld [tilespmem:s30+$0x1A020]  }
0x624: {  	v3 =	vmul.f32 $3.200000000e+01, v3  }
0x625: {  	[tilespmem:s29+$0x12010] =	vst v8;
	v4 =	vadd.f32 v4, v7;
	v5 =	vmul.f32 $3.200000000e+01, v5  }
0x626: {  	[tilespmem:s29+$0x12020] =	vst v9;
	v6 =	vmul.f32 $3.200000000e+01, v6;
	v3 =	vadd.f32 v10, v3  }
0x627: {  	[tilespmem:s30+$0x12030] =	vst v4;
	v4 =	vadd.f32 v11, v5  }
0x628: {  	[tilespmem:s30+$0x12000] =	vst v3;
	v3 =	vadd.f32 v12, v6  }
0x629: {  	[tilespmem:s30+$0x12010] =	vst v4  }
0x62a: {  	[tilespmem:s30+$0x12020] =	vst v3  }
0x62b: {  	s6 =	sld [smem:$0x7FB];
	_ =	sdelay $0x1  }
0x62c: {  	s0 =	simm.s32 $0x0  }
0x62d: {  	[hbm4b:s6+s0] =	stream.linear.scatter [tilespmem:s4], [sflag:$0xA], $0x2000, $0x38;
	[tilespmem:$0x1C100] =	vst v63  }
0x62e: {  	s22 =	sand.u32 $0x1C00, s0;
	s7 =	sand.u32 $0x380, s0;
	_ =	swait.ge [sflag:s16], $0x4000  }
0x62f: {  	s0 =	sand.u32 $0x40, s0;
	s6 =	sor.u32 s7, s22;
	[sflag:s16] =	ssyncset.done $0x0  }
0x630: {  	s29 =	sor.u32 s0, s6;
	[sflag:s16] =	ssyncadd.s32 $0xFFFFC000  }
0x631: {  	v3 =	vld [tilespmem:s29+$0x30]  }
0x632: {  	v4 =	vld [tilespmem:s29+$0x0]  }
0x633: {  	v5 =	vld [tilespmem:s29+$0x18030]  }
0x634: {  	v6 =	vld [tilespmem:s29+$0x10]  }
0x635: {  	s14 =	simm.s32 $0x8;
	s18 =	simm.s32 $0x200;
	v8 =	vld [tilespmem:s29+$0x20]  }
0x636: {  	s22 =	simm.s32 $0x40;
	s6 =	sand.u32 $0x1C00, s18;
	s0 =	sand.u32 $0x380, s14;
	v9 =	vld [tilespmem:s29+$0x18000]  }
0x637: {  	s7 =	sand.u32 $0x40, s22;
	s0 =	sor.u32 s0, s6;
	v10 =	vld [tilespmem:s29+$0x18010]  }
0x638: {  	s30 =	sor.u32 s7, s0;
	v11 =	vld [tilespmem:s29+$0x18020];
	v3 =	vmul.f32 $3.200000000e+01, v3  }
0x639: {  	v7 =	vld [tilespmem:s30+$0x30];
	v4 =	vmul.f32 $3.200000000e+01, v4  }
0x63a: {  	v6 =	vmul.f32 $3.200000000e+01, v6;
	v5 =	vadd.f32 v5, v3;
	v3 =	vld [tilespmem:s30+$0x0]  }
0x63b: {  	v63 =	vmul.f32 $3.200000000e+01, v8;
	v9 =	vadd.f32 v9, v4;
	v4 =	vld [tilespmem:s30+$0x18030]  }
0x63c: {  	s31 =	simm.s32 $0x4;
	v8 =	vadd.f32 v10, v6;
	[tilespmem:s29+$0x30] =	vst v5;
	v5 =	vld [tilespmem:s30+$0x10]  }
0x63d: {  	s14 =	simm.s32 $0x80;
	s6 =	simm.s32 $0x400;
	s0 =	simm.s32 $0x10;
	v6 =	vld [tilespmem:s30+$0x20];
	[tilespmem:s29+$0x0] =	vst v9;
	v9 =	vadd.f32 v11, v63  }
.LBB2_62:
0x63e: {  	s7 =	sand.u32 $0x1C00, s6;
	s18 =	sand.u32 $0x380, s0;
	s31 =	sadd.s32 $0x4, s31;
	v10 =	vld [tilespmem:s30+$0x18000];
	v7 =	vmul.f32 $3.200000000e+01, v7;
	[tilespmem:s29+$0x10] =	vst v8  }
0x63f: {  	s22 =	sand.u32 $0x40, s14;
	s7 =	sor.u32 s18, s7;
	p0 =	slt.u32 s31, $0x1FC;
	v8 =	vmul.f32 $3.200000000e+01, v3;
	v11 =	vld [tilespmem:s30+$0x18010];
	[tilespmem:s29+$0x20] =	vst v9  }
0x640: {  	s29 =	smov.u32 s30;
	v9 =	vld [tilespmem:s30+$0x18020];
	v4 =	vadd.f32 v4, v7;
	s30 =	sor.u32 s22, s7  }
.Ltmp30:
0x641: {  	v7 =	vld [tilespmem:s30+$0x30];
	v12 =	vmul.f32 $3.200000000e+01, v5;
	(pc) =	sbr.rel @p0 .LBB2_62-.Ltmp30, $4  }
0x642: {  	v3 =	vld [tilespmem:s30+$0x0];
	v13 =	vmul.f32 $3.200000000e+01, v6;
	[tilespmem:s29+$0x30] =	vst v4  }
0x643: {  	v4 =	vld [tilespmem:s30+$0x18030];
	v10 =	vadd.f32 v10, v8  }
0x644: {  	v5 =	vld [tilespmem:s30+$0x10];
	v8 =	vadd.f32 v11, v12  }
0x645: {  	s0 =	sadd.s32 $0x8, s0;
	s6 =	sadd.s32 $0x200, s6;
	s14 =	sadd.s32 $0x40, s14;
	v6 =	vld [tilespmem:s30+$0x20];
	[tilespmem:s29+$0x0] =	vst v10;
	v9 =	vadd.f32 v9, v13  }
0x646: {  	v10 =	vld [tilespmem:s30+$0x18000]  }
0x647: {  	v11 =	vld [tilespmem:s30+$0x18010]  }
0x648: {  	v7 =	vmul.f32 $3.200000000e+01, v7;
	v12 =	vld [tilespmem:s30+$0x18020]  }
0x649: {  	v3 =	vmul.f32 $3.200000000e+01, v3  }
0x64a: {  	[tilespmem:s29+$0x10] =	vst v8;
	v4 =	vadd.f32 v4, v7;
	v5 =	vmul.f32 $3.200000000e+01, v5  }
0x64b: {  	[tilespmem:s29+$0x20] =	vst v9;
	v6 =	vmul.f32 $3.200000000e+01, v6;
	v3 =	vadd.f32 v10, v3  }
0x64c: {  	[tilespmem:s30+$0x30] =	vst v4;
	v4 =	vadd.f32 v11, v5  }
0x64d: {  	[tilespmem:s30+$0x0] =	vst v3;
	v3 =	vadd.f32 v12, v6  }
0x64e: {  	[tilespmem:s30+$0x10] =	vst v4  }
0x64f: {  	[tilespmem:s30+$0x20] =	vst v3  }
0x650: {  	s6 =	sld [smem:$0x7FC]  }
0x651: {  	s0 =	simm.s32 $0x0  }
0x652: {  	s22 =	sand.u32 $0x1C00, s0;
	s7 =	sand.u32 $0x380, s0  }
0x653: {  	[hbm4b:s6+s0] =	stream.linear.scatter [tilespmem:s0], [sflag:$0x6], $0x2000, $0x38;
	[tilespmem:$0x1C100] =	vst v63  }
0x654: {  	s0 =	sand.u32 $0x40, s0;
	s6 =	sor.u32 s7, s22  }
0x655: {  	s29 =	sor.u32 s0, s6  }
0x656: {  	v3 =	vld [tilespmem:s29+$0x2030]  }
0x657: {  	v4 =	vld [tilespmem:s29+$0x2000]  }
0x658: {  	v5 =	vld [tilespmem:s29+$0x1A030]  }
0x659: {  	v6 =	vld [tilespmem:s29+$0x2010]  }
0x65a: {  	s14 =	simm.s32 $0x200;
	s18 =	simm.s32 $0x8;
	v8 =	vld [tilespmem:s29+$0x2020]  }
0x65b: {  	s22 =	simm.s32 $0x40;
	s0 =	sand.u32 $0x1C00, s14;
	s6 =	sand.u32 $0x380, s18;
	v9 =	vld [tilespmem:s29+$0x1A000]  }
0x65c: {  	s7 =	sand.u32 $0x40, s22;
	s0 =	sor.u32 s6, s0;
	v10 =	vld [tilespmem:s29+$0x1A010]  }
0x65d: {  	v11 =	vld [tilespmem:s29+$0x1A020];
	s30 =	sor.u32 s7, s0;
	v3 =	vmul.f32 $3.200000000e+01, v3  }
0x65e: {  	v7 =	vld [tilespmem:s30+$0x2030];
	v4 =	vmul.f32 $3.200000000e+01, v4  }
0x65f: {  	v6 =	vmul.f32 $3.200000000e+01, v6;
	v5 =	vadd.f32 v5, v3;
	v3 =	vld [tilespmem:s30+$0x2000]  }
0x660: {  	v63 =	vmul.f32 $3.200000000e+01, v8;
	v9 =	vadd.f32 v9, v4;
	v4 =	vld [tilespmem:s30+$0x1A030]  }
0x661: {  	s31 =	simm.s32 $0x4;
	v8 =	vadd.f32 v10, v6;
	[tilespmem:s29+$0x2030] =	vst v5;
	v5 =	vld [tilespmem:s30+$0x2010]  }
0x662: {  	s14 =	simm.s32 $0x10;
	s6 =	simm.s32 $0x80;
	s0 =	simm.s32 $0x400;
	v6 =	vld [tilespmem:s30+$0x2020];
	[tilespmem:s29+$0x2000] =	vst v9;
	v9 =	vadd.f32 v11, v63  }
.LBB2_64:
0x663: {  	s7 =	sand.u32 $0x1C00, s0;
	s18 =	sand.u32 $0x380, s14;
	s31 =	sadd.s32 $0x4, s31;
	v10 =	vld [tilespmem:s30+$0x1A000];
	v7 =	vmul.f32 $3.200000000e+01, v7;
	[tilespmem:s29+$0x2010] =	vst v8  }
0x664: {  	s22 =	sand.u32 $0x40, s6;
	s7 =	sor.u32 s18, s7;
	p0 =	slt.u32 s31, $0x1FC;
	v8 =	vmul.f32 $3.200000000e+01, v3;
	v11 =	vld [tilespmem:s30+$0x1A010];
	[tilespmem:s29+$0x2020] =	vst v9  }
0x665: {  	s29 =	smov.u32 s30;
	v9 =	vld [tilespmem:s30+$0x1A020];
	v4 =	vadd.f32 v4, v7;
	s30 =	sor.u32 s22, s7  }
.Ltmp31:
0x666: {  	v7 =	vld [tilespmem:s30+$0x2030];
	v12 =	vmul.f32 $3.200000000e+01, v5;
	(pc) =	sbr.rel @p0 .LBB2_64-.Ltmp31, $4  }
0x667: {  	v3 =	vld [tilespmem:s30+$0x2000];
	v13 =	vmul.f32 $3.200000000e+01, v6;
	[tilespmem:s29+$0x2030] =	vst v4  }
0x668: {  	v4 =	vld [tilespmem:s30+$0x1A030];
	v10 =	vadd.f32 v10, v8  }
0x669: {  	v5 =	vld [tilespmem:s30+$0x2010];
	v8 =	vadd.f32 v11, v12  }
0x66a: {  	s0 =	sadd.s32 $0x200, s0;
	s6 =	sadd.s32 $0x40, s6;
	s14 =	sadd.s32 $0x8, s14;
	v6 =	vld [tilespmem:s30+$0x2020];
	[tilespmem:s29+$0x2000] =	vst v10;
	v9 =	vadd.f32 v9, v13  }
0x66b: {  	v10 =	vld [tilespmem:s30+$0x1A000]  }
0x66c: {  	v11 =	vld [tilespmem:s30+$0x1A010]  }
0x66d: {  	v7 =	vmul.f32 $3.200000000e+01, v7;
	v12 =	vld [tilespmem:s30+$0x1A020]  }
0x66e: {  	v3 =	vmul.f32 $3.200000000e+01, v3  }
0x66f: {  	[tilespmem:s29+$0x2010] =	vst v8;
	v4 =	vadd.f32 v4, v7;
	v5 =	vmul.f32 $3.200000000e+01, v5  }
0x670: {  	[tilespmem:s29+$0x2020] =	vst v9;
	v6 =	vmul.f32 $3.200000000e+01, v6;
	v3 =	vadd.f32 v10, v3  }
0x671: {  	[tilespmem:s30+$0x2030] =	vst v4;
	v63 =	vadd.f32 v11, v5  }
0x672: {  	[tilespmem:s30+$0x2000] =	vst v3;
	v3 =	vadd.f32 v12, v6  }
0x673: {  	[tilespmem:s30+$0x2010] =	vst v63  }
0x674: {  	[tilespmem:s30+$0x2020] =	vst v3  }
0x675: {  	s0 =	sld [smem:$0x7FD];
	_ =	sdelay $0x2  }
0x676: {  	[hbm4b:s0+s3] =	stream.linear.scatter [tilespmem:s28], [sflag:$0x6], $0x2000, $0x38;
	[tilespmem:$0x1C100] =	vst v63  }
0x677: {  	_ =	swait.ge [sflag:s2], $0x2000  }
0x678: {  	[sflag:s2] =	ssyncset.done $0x0  }
0x679: {  	[sflag:s2] =	ssyncadd.s32 $0xFFFFE000  }
0x67a: {  	_ =	swait.ge [sflag:s2], $0x2000  }
0x67b: {  	[sflag:s2] =	ssyncset.done $0x0  }
0x67c: {  	[sflag:s2] =	ssyncadd.s32 $0xFFFFE000  }
0x67d: {  	_ =	swait.ge [sflag:s8], $0x2000  }
0x67e: {  	[sflag:s8] =	ssyncset.done $0x0  }
0x67f: {  	[sflag:s8] =	ssyncadd.s32 $0xFFFFE000  }
0x680: {  	_ =	swait.ge [sflag:s8], $0x2000  }
0x681: {  	[sflag:s8] =	ssyncset.done $0x0  }
0x682: {  	[sflag:s8] =	ssyncadd.s32 $0xFFFFE000  }
0x683: {  	_ =	swait.ge [sflag:s24], $0x2000  }
0x684: {  	[sflag:s24] =	ssyncset.done $0x0  }
0x685: {  	[sflag:s24] =	ssyncadd.s32 $0xFFFFE000  }
0x686: {  	_ =	swait.ge [sflag:s24], $0x2000  }
0x687: {  	[sflag:s24] =	ssyncset.done $0x0  }
0x688: {  	[sflag:s24] =	ssyncadd.s32 $0xFFFFE000  }
0x689: {  	_ =	swait.ge [sflag:s25], $0x2000  }
0x68a: {  	[sflag:s25] =	ssyncset.done $0x0  }
0x68b: {  	[sflag:s25] =	ssyncadd.s32 $0xFFFFE000  }
0x68c: {  	_ =	swait.ge [sflag:s25], $0x2000  }
0x68d: {  	[sflag:s25] =	ssyncset.done $0x0  }
0x68e: {  	[sflag:s25] =	ssyncadd.s32 $0xFFFFE000  }
0x68f: {  	_ =	swait.ge [sflag:s20], $0x2000  }
0x690: {  	[sflag:s20] =	ssyncset.done $0x0  }
0x691: {  	[sflag:s20] =	ssyncadd.s32 $0xFFFFE000  }
0x692: {  	_ =	swait.ge [sflag:s20], $0x2000  }
0x693: {  	s26 =	sadd.s32 $0x1, s26;
	s31 =	rddreg [dreg:$0x17]  }
0x694: {  	p0 =	sne.s32 s26, s31  }
.Ltmp32:
0x695: {  	_ = 	snop;
	(pc) =	sbr.rel @p0 .LBB2_1-.Ltmp32, $3  }
0x696: {  	_ =	sdelay $0x1  }
0x697: {  	[sflag:s20] =	ssyncset.done $0x0  }
0x698: {  	[sflag:s20] =	ssyncadd.s32 $0xFFFFE000  }
0x699: {  	_ =	sfence.sel $0x180000  }
0x69a: {  	[bflag:$0x0] =	sbarrier.arrive $0xFFFF  }
0x69b: {  	_ =	strace $0x90000047  }
0x69c: {  	s0 =	stileid.u32;
	[bflag:$0x2] =	sbarrier.arrive $0xFFFF  }
0x69d: {  	p0 =	sne.s32 s0, $0x0;
	s0 =	rddreg [dreg:$0x4]  }
0x69e: {  	s0 =	sadd.s32 @!p0 $0x100000, s0  }
0x69f: {  	[sflag:s0] =	ssyncadd.tile.s32 @!p0 $0x1;
	_ =	shalt  }
.Lfunc_end2:
_tile_overlayer_lowered:
.L_overlay_start_2:
0x6a0: {  	(tag) =	ssettag $0x2  }
0x6a1: {  	s0 =	rddreg [dreg:$0x0];
	s2 =	stileid.u32  }
0x6a2: {  	s1 =	rddreg [dreg:$0x1];
	p0 =	sne.s32 s2, $0x0  }
0x6a3: {  	s3 =	rddreg [dreg:$0x2];
	[bflag:$0x3] =	sbarrier.arrive $0xFFFF;
	s2 =	simm.s32 @!p0 $0x1C0D  }
0x6a4: {  	[timem:s3], [sflag:s2] =	dma.local @!p0 [hbm:s0], s1  }
0x6a5: {  	s0 =	simm.s32 @!p0 $0xD  }
0x6a6: {  	_ =	swait.ge @!p0 [sflag:s0], s1  }
0x6a7: {  	s1 =	ssub.s32 @!p0 $0x0, s1;
	[sflag:s0] =	ssyncset.done @!p0 $0x0  }
0x6a8: {  	[sflag:s0] =	ssyncadd.s32 @!p0 s1  }
0x6a9: {  	[bflag:$0x3] =	sbarrier.arrive $0xFFFF  }
0x6aa: {  	_ =	shalt  }

</sc_bundles>
